<compile_context>
chip_gen: v7x
topology: tpu7x:2x2x1
jax: 0.10.2.dev20260603
libtpu: 0.0.44.dev20260713+nightly
codegen_flags: <defaults>
</compile_context>

<pallas_src>
import jax
import jax.numpy as jnp
from jax import lax
from jax.experimental import pallas as pl
from jax.experimental.pallas import tpu as pltpu
from jax.experimental.pallas import tpu_sc as plsc

N = 10000
D_IN = 128
D_HID = 128
D_OUT = 64
E = 320000

NC = 2
NS = 16
CH = 125
EPS = E // NS
CPS = EPS // CH
RNG = 2560
ACC_R = RNG + 256
ZPT = ACC_R // NS
ZR = 88
WPT = RNG // NS

_SC_MESH = plsc.VectorSubcoreMesh(
    core_axis_name="c", subcore_axis_name="s", num_cores=NC, num_subcores=NS
)


def _sc_degree_body(dst_hbm, deg_hbm, dstbuf, ones_buf, zdeg, deg_acc):
    c = lax.axis_index("c")
    s = lax.axis_index("s")
    w = c * NS + s

    def fill_ones(k, carry):
        ones_buf[pl.ds(k * 16, 16)] = jnp.ones((16,), jnp.float32)
        return carry

    lax.fori_loop(0, 8, fill_ones, 0)

    @pl.when(s == 0)
    def _zero_acc():
        def zero(i, carry):
            zdeg[pl.ds(i * 16, 16)] = jnp.zeros((16,), jnp.float32)
            return carry

        lax.fori_loop(0, N // 16, zero, 0)
        pltpu.sync_copy(zdeg, deg_acc)

    plsc.subcore_barrier()
    pltpu.sync_copy(dst_hbm.at[pl.ds(w * (CPS // NC), CPS // NC)], dstbuf)

    def chunk(j, carry):
        pltpu.sync_copy(ones_buf.at[pl.ds(0, CH)], deg_acc.at[dstbuf.at[j]], add=True)
        return carry

    lax.fori_loop(0, CPS // NC, chunk, 0)
    plsc.subcore_barrier()

    @pl.when(s == 0)
    def _writeback():
        pltpu.sync_copy(deg_acc, zdeg)
        pltpu.sync_copy(zdeg, deg_hbm.at[pl.ds(c * N, N)])


def _sc_degree(dst2d):
    return pl.kernel(
        _sc_degree_body,
        out_type=jax.ShapeDtypeStruct((NC * N,), jnp.float32),
        mesh=_SC_MESH,
        scratch_types=[
            pltpu.VMEM((CPS // NC, CH), jnp.int32),
            pltpu.VMEM((128,), jnp.float32),
            pltpu.VMEM((N,), jnp.float32),
            pltpu.VMEM_SHARED((N,), jnp.float32),
        ],
    )(dst2d)


def _make_agg_body(base0):
    def _sc_agg_body(src_hbm, dst_hbm, g_hbm, out_hbm,
                     srcbuf, dstbuf, rows_a, rows_b, rows_c, rows_d,
                     acc, gsa, gsb, gsc, gsd, ssa, ssb, ssc, ssd):
        c = lax.axis_index("c")
        s = lax.axis_index("s")
        base = base0 + c * RNG
        trash = RNG + 16 * s + lax.iota(jnp.int32, 16)

        def zero_row(r, carry):
            for k in range(D_HID // 16):
                rows_a[r, pl.ds(k * 16, 16)] = jnp.zeros((16,), jnp.float32)
            return carry

        lax.fori_loop(0, ZR, zero_row, 0)
        for i in range(ZPT // ZR):
            pltpu.sync_copy(rows_a.at[pl.ds(0, ZR)],
                            acc.at[pl.ds(s * ZPT + i * ZR, ZR)])

        pltpu.sync_copy(src_hbm.at[pl.ds(s * CPS, CPS)], srcbuf)
        pltpu.sync_copy(dst_hbm.at[pl.ds(s * CPS, CPS)], dstbuf)

        lanes = lax.iota(jnp.int32, 16)

        def remap_row(r, carry):
            for k in range(8):
                off = 109 if k == 7 else k * 16
                v = dstbuf[r, pl.ds(off, 16)]
                t = v - base
                ok = (t >= 0) & (t < RNG)
                rem = jnp.where(ok, t, trash)
                if k == 7:
                    rem = jnp.where(lanes >= 3, rem, v)
                dstbuf[r, pl.ds(off, 16)] = rem
            return carry

        lax.fori_loop(0, CPS, remap_row, 0)
        plsc.subcore_barrier()

        def gather(j, buf, sem):
            return pltpu.async_copy(g_hbm.at[srcbuf.at[j]], buf, sem)

        def scatter(j, buf, sem):
            return pltpu.async_copy(buf, acc.at[dstbuf.at[j]], sem, add=True)

        def wait_gather(buf, sem):
            pltpu.make_async_copy(g_hbm.at[srcbuf.at[0]], buf, sem).wait()

        def wait_scatter(buf, sem):
            pltpu.make_async_copy(buf, acc.at[dstbuf.at[0]], sem).wait()

        last = CPS - 1

        gather(0, rows_a, gsa)
        gather(1, rows_b, gsb)
        wait_gather(rows_a, gsa)
        scatter(0, rows_a, ssa)
        wait_gather(rows_b, gsb)
        scatter(1, rows_b, ssb)
        gather(2, rows_c, gsc)
        gather(3, rows_d, gsd)
        wait_gather(rows_c, gsc)
        scatter(2, rows_c, ssc)
        wait_gather(rows_d, gsd)
        scatter(3, rows_d, ssd)
        wait_scatter(rows_a, ssa)
        gather(4, rows_a, gsa)
        wait_scatter(rows_b, ssb)
        gather(5, rows_b, gsb)

        def pipe(j2, carry):
            c0 = 4 * j2
            wait_gather(rows_a, gsa)
            scatter(c0, rows_a, ssa)
            wait_gather(rows_b, gsb)
            scatter(c0 + 1, rows_b, ssb)
            wait_scatter(rows_c, ssc)
            gather(c0 + 2, rows_c, gsc)
            wait_scatter(rows_d, ssd)
            gather(c0 + 3, rows_d, gsd)
            wait_gather(rows_c, gsc)
            scatter(c0 + 2, rows_c, ssc)
            wait_gather(rows_d, gsd)
            scatter(c0 + 3, rows_d, ssd)
            wait_scatter(rows_a, ssa)
            gather(jnp.minimum(c0 + 4, last), rows_a, gsa)
            wait_scatter(rows_b, ssb)
            gather(jnp.minimum(c0 + 5, last), rows_b, gsb)
            return carry

        lax.fori_loop(1, CPS // 4, pipe, 0)
        wait_gather(rows_a, gsa)
        wait_gather(rows_b, gsb)
        wait_scatter(rows_c, ssc)
        wait_scatter(rows_d, ssd)

        plsc.subcore_barrier()
        pltpu.sync_copy(acc.at[pl.ds(s * WPT, WPT)],
                        out_hbm.at[c].at[pl.ds(s * WPT, WPT)])

    return _sc_agg_body


def _sc_aggregate(src2d, dst2d, g, base0):
    return pl.kernel(
        _make_agg_body(base0),
        out_type=jax.ShapeDtypeStruct((NC, RNG, D_HID), jnp.float32),
        mesh=_SC_MESH,
        scratch_types=[
            pltpu.VMEM((CPS, CH), jnp.int32),
            pltpu.VMEM((CPS, CH), jnp.int32),
            pltpu.VMEM((CH, D_HID), jnp.float32),
            pltpu.VMEM((CH, D_HID), jnp.float32),
            pltpu.VMEM((CH, D_HID), jnp.float32),
            pltpu.VMEM((CH, D_HID), jnp.float32),
            pltpu.VMEM_SHARED((ACC_R, D_HID), jnp.float32),
            pltpu.SemaphoreType.DMA,
            pltpu.SemaphoreType.DMA,
            pltpu.SemaphoreType.DMA,
            pltpu.SemaphoreType.DMA,
            pltpu.SemaphoreType.DMA,
            pltpu.SemaphoreType.DMA,
            pltpu.SemaphoreType.DMA,
            pltpu.SemaphoreType.DMA,
        ],
    )(src2d, dst2d, g)


def _aggregate(src2d, dst2d, g):
    parts = [
        _sc_aggregate(src2d, dst2d, g, k * NC * RNG).reshape(NC * RNG, D_HID)
        for k in range(2)
    ]
    return jnp.concatenate(parts, axis=0)


_RB = 2000


def _tc_in_body(d0, d1, x, w, o):
    dinv = lax.rsqrt(d0[...] + d1[...] + 1.0)
    o[...] = dinv * jnp.dot(x[...], w[...], preferred_element_type=jnp.float32)


def _tc_in(x, W1, d0, d1):
    return pl.pallas_call(
        _tc_in_body,
        grid=(N // _RB,),
        in_specs=[
            pl.BlockSpec((_RB, 1), lambda i: (i, 0)),
            pl.BlockSpec((_RB, 1), lambda i: (i, 0)),
            pl.BlockSpec((_RB, D_IN), lambda i: (i, 0)),
            pl.BlockSpec((D_IN, D_HID), lambda i: (0, 0)),
        ],
        out_specs=pl.BlockSpec((_RB, D_HID), lambda i: (i, 0)),
        out_shape=jax.ShapeDtypeStruct((N, D_HID), jnp.float32),
    )(d0, d1, x, W1)


def _tc_mid_body(d0, d1, p, g1, b1, w2, o):
    dinv = lax.rsqrt(d0[...] + d1[...] + 1.0)
    h = jnp.maximum(dinv * (p[...] + g1[...]) + b1[...], 0.0)
    o[...] = dinv * jnp.dot(h, w2[...], preferred_element_type=jnp.float32)


def _tc_mid(p, g1, d0, d1, b1, W2):
    return pl.pallas_call(
        _tc_mid_body,
        grid=(N // _RB,),
        in_specs=[
            pl.BlockSpec((_RB, 1), lambda i: (i, 0)),
            pl.BlockSpec((_RB, 1), lambda i: (i, 0)),
            pl.BlockSpec((_RB, D_HID), lambda i: (i, 0)),
            pl.BlockSpec((_RB, D_HID), lambda i: (i, 0)),
            pl.BlockSpec((1, D_HID), lambda i: (0, 0)),
            pl.BlockSpec((D_HID, D_HID), lambda i: (0, 0)),
        ],
        out_specs=pl.BlockSpec((_RB, D_HID), lambda i: (i, 0)),
        out_shape=jax.ShapeDtypeStruct((N, D_HID), jnp.float32),
    )(d0, d1, p, g1, b1, W2)


def _tc_out_body(d0, d1, q, g2, b2, o):
    dinv = lax.rsqrt(d0[...] + d1[...] + 1.0)
    o[...] = dinv * (q[...] + g2[...]) + b2[...]


def _tc_out(q, g2, d0, d1, b2):
    return pl.pallas_call(
        _tc_out_body,
        grid=(N // _RB,),
        in_specs=[
            pl.BlockSpec((_RB, 1), lambda i: (i, 0)),
            pl.BlockSpec((_RB, 1), lambda i: (i, 0)),
            pl.BlockSpec((_RB, D_HID), lambda i: (i, 0)),
            pl.BlockSpec((_RB, D_HID), lambda i: (i, 0)),
            pl.BlockSpec((1, D_HID), lambda i: (0, 0)),
        ],
        out_specs=pl.BlockSpec((_RB, D_HID), lambda i: (i, 0)),
        out_shape=jax.ShapeDtypeStruct((N, D_HID), jnp.float32),
    )(d0, d1, q, g2, b2)


def kernel(x, edge_index, W1, b1, Wmu, bmu, Wlv, blv):
    src = edge_index[0].astype(jnp.int32).reshape(E // CH, CH)
    dst = edge_index[1].astype(jnp.int32).reshape(E // CH, CH)

    degf = _sc_degree(dst)
    d0 = degf[:N].reshape(N, 1)
    d1 = degf[N:].reshape(N, 1)

    g1 = _tc_in(x, W1, d0, d1)
    p = _aggregate(src, dst, g1)

    W2 = jnp.concatenate([Wmu, Wlv], axis=1)
    b2 = jnp.concatenate([bmu, blv]).reshape(1, D_HID)
    g2 = _tc_mid(p, g1, d0, d1, b1.reshape(1, D_HID), W2)

    q = _aggregate(src, dst, g2)
    out = _tc_out(q, g2, d0, d1, b2)
    return out[:, :D_OUT], out[:, D_OUT:]

# --- scband reference (transcript-rebuilt; emitter-appended) ---
"""Pipeline reference for scband-gcnencoder-48361331753030 (READ-ONLY COPY).

The authoritative reference and input builder live on the scoring server;
editing this copy changes nothing except your own understanding.
"""

import jax, jax.numpy as jnp
import numpy as np

N = 10000
D_IN = 128
D_HID = 128
D_OUT = 64
E = 320000


def gcn_conv(x, edge_index, W, b, num_nodes):
    # Faithful PyG GCNConv: add self-loops, symmetric normalization, linear, scatter-add, bias
    src = edge_index[0]
    dst = edge_index[1]
    loop = jnp.arange(num_nodes, dtype=src.dtype)
    src = jnp.concatenate([src, loop])
    dst = jnp.concatenate([dst, loop])
    ew = jnp.ones(src.shape[0], dtype=x.dtype)
    deg = jnp.zeros(num_nodes, dtype=x.dtype).at[dst].add(ew)
    deg_inv_sqrt = jnp.where(deg > 0, deg ** -0.5, 0.0)
    norm = deg_inv_sqrt[src] * ew * deg_inv_sqrt[dst]
    h = x @ W
    msg = norm[:, None] * h[src]
    out = jnp.zeros((num_nodes, W.shape[1]), dtype=x.dtype).at[dst].add(msg)
    return out + b


def setup_inputs(seed: int = 0) -> dict:
    key = jax.random.key(seed)
    k_x, k_e, k1, k2, k3 = jax.random.split(key, 5)
    x = jax.random.normal(k_x, (N, D_IN), dtype=jnp.float32)
    edge_index = jax.random.randint(k_e, (2, E), 0, N, dtype=jnp.int64 if jax.config.jax_enable_x64 else jnp.int32)
    s1 = 1.0 / np.sqrt(D_IN)
    s2 = 1.0 / np.sqrt(D_HID)
    W1 = jax.random.uniform(k1, (D_IN, D_HID), dtype=jnp.float32, minval=-s1, maxval=s1)
    b1 = jnp.zeros((D_HID,), dtype=jnp.float32)
    Wmu = jax.random.uniform(k2, (D_HID, D_OUT), dtype=jnp.float32, minval=-s2, maxval=s2)
    bmu = jnp.zeros((D_OUT,), dtype=jnp.float32)
    Wlv = jax.random.uniform(k3, (D_HID, D_OUT), dtype=jnp.float32, minval=-s2, maxval=s2)
    blv = jnp.zeros((D_OUT,), dtype=jnp.float32)
    return {"x": x, "edge_index": edge_index, "W1": W1, "b1": b1, "Wmu": Wmu, "bmu": bmu, "Wlv": Wlv, "blv": blv}


def reference(x, edge_index, W1, b1, Wmu, bmu, Wlv, blv):
    num_nodes = x.shape[0]
    h = jax.nn.relu(gcn_conv(x, edge_index, W1, b1, num_nodes))
    mu = gcn_conv(h, edge_index, Wmu, bmu, num_nodes)
    logvar = gcn_conv(h, edge_index, Wlv, blv, num_nodes)
    return (mu, logvar)

if __name__ == "__main__":
    import jax
    _d = setup_inputs()
    print(jax.jit(kernel)(*tuple(_d.values())))

</pallas_src>

<mosaic_0001>
#map = affine_map<(d0, d1) -> (0, 0)>
#map1 = affine_map<(d0, d1) -> (0, 0, 0)>
module attributes {stable_mosaic.version = 14 : i64} {
  func.func @_sc_agg_body(%arg0: i32, %arg1: i32, %arg2: memref<2560x125xi32, #tpu.memory_space<hbm>>, %arg3: memref<2560x125xi32, #tpu.memory_space<hbm>>, %arg4: memref<10000x128xf32, #tpu.memory_space<hbm>>, %arg5: memref<2x2560x128xf32, #tpu.memory_space<hbm>>, %arg6: memref<160x125xi32, #tpu.memory_space<vmem>>, %arg7: memref<160x125xi32, #tpu.memory_space<vmem>>, %arg8: memref<125x128xf32, #tpu.memory_space<vmem>>, %arg9: memref<125x128xf32, #tpu.memory_space<vmem>>, %arg10: memref<125x128xf32, #tpu.memory_space<vmem>>, %arg11: memref<125x128xf32, #tpu.memory_space<vmem>>, %arg12: memref<2816x128xf32, #tpu.memory_space<vmem_shared>>, %arg13: memref<!tpu.dma_semaphore, #tpu.memory_space<semaphore_mem>>, %arg14: memref<!tpu.dma_semaphore, #tpu.memory_space<semaphore_mem>>, %arg15: memref<!tpu.dma_semaphore, #tpu.memory_space<semaphore_mem>>, %arg16: memref<!tpu.dma_semaphore, #tpu.memory_space<semaphore_mem>>, %arg17: memref<!tpu.dma_semaphore, #tpu.memory_space<semaphore_mem>>, %arg18: memref<!tpu.dma_semaphore, #tpu.memory_space<semaphore_mem>>, %arg19: memref<!tpu.dma_semaphore, #tpu.memory_space<semaphore_mem>>, %arg20: memref<!tpu.dma_semaphore, #tpu.memory_space<semaphore_mem>>) attributes {dimension_semantics = [#tpu.dimension_semantics<core_parallel>, #tpu.dimension_semantics<subcore_parallel>], iteration_bounds = array<i64: 2, 16>, scalar_prefetch = 0 : i64, scratch_operands = 15 : i64, tpu.core_type = #tpu.core_type<sc_vector_subcore>, window_params = [{transform_indices = #map}, {transform_indices = #map}, {transform_indices = #map}, {transform_indices = #map1}]} {
    %mul3A = arith.constant 2560 : i32
    %mul3A_0 = arith.muli %arg0, %mul3A : i32
    %add3A = arith.constant 0 : i32
    %add3A_1 = arith.addi %add3A, %mul3A_0 : i32
    %mul3A_2 = arith.constant 16 : i32
    %mul3A_3 = arith.muli %mul3A_2, %arg1 : i32
    %add3A_4 = arith.constant 2560 : i32
    %add3A_5 = arith.addi %add3A_4, %mul3A_3 : i32
    %iota3A = tpu.iota {dimensions = array<i32: 0>} : vector<16xi32>
    %add3A_6 = vector.broadcast %add3A_5 : i32 to vector<16xi32>
    %add3A_7 = arith.addi %add3A_6, %iota3A : vector<16xi32>
    %scan3A = arith.constant 0 : i32
    %scan3A_8 = arith.constant 0 : i32
    %scan3A_9 = arith.constant 88 : i32
    %scan3A_10 = arith.addi %scan3A_8, %scan3A_9 : i32
    %scan3A_11 = arith.constant 1 : i32
    scf.for %scan3A_181 = %scan3A_8 to %scan3A_10 step %scan3A_11  : i32 {
      %broadcast_in_dim3A = arith.constant 0.000000e+00 : f32
      %broadcast_in_dim3A_182 = vector.broadcast %broadcast_in_dim3A : f32 to vector<16xf32>
      %swap3A = arith.index_cast %scan3A_181 : i32 to index
      %swap3A_183 = arith.constant 0 : index
      %swap3A_184 = tpu.vector_load %arg8[%swap3A, %swap3A_183] {strides = array<i32>} : memref<125x128xf32, #tpu.memory_space<vmem>>, vector<1x16xf32>,
      %swap3A_185 = vector.shape_cast %swap3A_184 : vector<1x16xf32> to vector<16xf32>
      %swap3A_186 = vector.shape_cast %broadcast_in_dim3A_182 : vector<16xf32> to vector<1x16xf32>
      tpu.vector_store %arg8[%swap3A, %swap3A_183], %swap3A_186 {strides = array<i32>} : memref<125x128xf32, #tpu.memory_space<vmem>>, vector<1x16xf32>,
      %broadcast_in_dim3A_187 = arith.constant 0.000000e+00 : f32
      %broadcast_in_dim3A_188 = vector.broadcast %broadcast_in_dim3A_187 : f32 to vector<16xf32>
      %swap3A_189 = arith.index_cast %scan3A_181 : i32 to index
      %swap3A_190 = arith.constant 16 : index
      %swap3A_191 = tpu.vector_load %arg8[%swap3A_189, %swap3A_190] {strides = array<i32>} : memref<125x128xf32, #tpu.memory_space<vmem>>, vector<1x16xf32>,
      %swap3A_192 = vector.shape_cast %swap3A_191 : vector<1x16xf32> to vector<16xf32>
      %swap3A_193 = vector.shape_cast %broadcast_in_dim3A_188 : vector<16xf32> to vector<1x16xf32>
      tpu.vector_store %arg8[%swap3A_189, %swap3A_190], %swap3A_193 {strides = array<i32>} : memref<125x128xf32, #tpu.memory_space<vmem>>, vector<1x16xf32>,
      %broadcast_in_dim3A_194 = arith.constant 0.000000e+00 : f32
      %broadcast_in_dim3A_195 = vector.broadcast %broadcast_in_dim3A_194 : f32 to vector<16xf32>
      %swap3A_196 = arith.index_cast %scan3A_181 : i32 to index
      %swap3A_197 = arith.constant 32 : index
      %swap3A_198 = tpu.vector_load %arg8[%swap3A_196, %swap3A_197] {strides = array<i32>} : memref<125x128xf32, #tpu.memory_space<vmem>>, vector<1x16xf32>,
      %swap3A_199 = vector.shape_cast %swap3A_198 : vector<1x16xf32> to vector<16xf32>
      %swap3A_200 = vector.shape_cast %broadcast_in_dim3A_195 : vector<16xf32> to vector<1x16xf32>
      tpu.vector_store %arg8[%swap3A_196, %swap3A_197], %swap3A_200 {strides = array<i32>} : memref<125x128xf32, #tpu.memory_space<vmem>>, vector<1x16xf32>,
      %broadcast_in_dim3A_201 = arith.constant 0.000000e+00 : f32
      %broadcast_in_dim3A_202 = vector.broadcast %broadcast_in_dim3A_201 : f32 to vector<16xf32>
      %swap3A_203 = arith.index_cast %scan3A_181 : i32 to index
      %swap3A_204 = arith.constant 48 : index
      %swap3A_205 = tpu.vector_load %arg8[%swap3A_203, %swap3A_204] {strides = array<i32>} : memref<125x128xf32, #tpu.memory_space<vmem>>, vector<1x16xf32>,
      %swap3A_206 = vector.shape_cast %swap3A_205 : vector<1x16xf32> to vector<16xf32>
      %swap3A_207 = vector.shape_cast %broadcast_in_dim3A_202 : vector<16xf32> to vector<1x16xf32>
      tpu.vector_store %arg8[%swap3A_203, %swap3A_204], %swap3A_207 {strides = array<i32>} : memref<125x128xf32, #tpu.memory_space<vmem>>, vector<1x16xf32>,
      %broadcast_in_dim3A_208 = arith.constant 0.000000e+00 : f32
      %broadcast_in_dim3A_209 = vector.broadcast %broadcast_in_dim3A_208 : f32 to vector<16xf32>
      %swap3A_210 = arith.index_cast %scan3A_181 : i32 to index
      %swap3A_211 = arith.constant 64 : index
      %swap3A_212 = tpu.vector_load %arg8[%swap3A_210, %swap3A_211] {strides = array<i32>} : memref<125x128xf32, #tpu.memory_space<vmem>>, vector<1x16xf32>,
      %swap3A_213 = vector.shape_cast %swap3A_212 : vector<1x16xf32> to vector<16xf32>
      %swap3A_214 = vector.shape_cast %broadcast_in_dim3A_209 : vector<16xf32> to vector<1x16xf32>
      tpu.vector_store %arg8[%swap3A_210, %swap3A_211], %swap3A_214 {strides = array<i32>} : memref<125x128xf32, #tpu.memory_space<vmem>>, vector<1x16xf32>,
      %broadcast_in_dim3A_215 = arith.constant 0.000000e+00 : f32
      %broadcast_in_dim3A_216 = vector.broadcast %broadcast_in_dim3A_215 : f32 to vector<16xf32>
      %swap3A_217 = arith.index_cast %scan3A_181 : i32 to index
      %swap3A_218 = arith.constant 80 : index
      %swap3A_219 = tpu.vector_load %arg8[%swap3A_217, %swap3A_218] {strides = array<i32>} : memref<125x128xf32, #tpu.memory_space<vmem>>, vector<1x16xf32>,
      %swap3A_220 = vector.shape_cast %swap3A_219 : vector<1x16xf32> to vector<16xf32>
      %swap3A_221 = vector.shape_cast %broadcast_in_dim3A_216 : vector<16xf32> to vector<1x16xf32>
      tpu.vector_store %arg8[%swap3A_217, %swap3A_218], %swap3A_221 {strides = array<i32>} : memref<125x128xf32, #tpu.memory_space<vmem>>, vector<1x16xf32>,
      %broadcast_in_dim3A_222 = arith.constant 0.000000e+00 : f32
      %broadcast_in_dim3A_223 = vector.broadcast %broadcast_in_dim3A_222 : f32 to vector<16xf32>
      %swap3A_224 = arith.index_cast %scan3A_181 : i32 to index
      %swap3A_225 = arith.constant 96 : index
      %swap3A_226 = tpu.vector_load %arg8[%swap3A_224, %swap3A_225] {strides = array<i32>} : memref<125x128xf32, #tpu.memory_space<vmem>>, vector<1x16xf32>,
      %swap3A_227 = vector.shape_cast %swap3A_226 : vector<1x16xf32> to vector<16xf32>
      %swap3A_228 = vector.shape_cast %broadcast_in_dim3A_223 : vector<16xf32> to vector<1x16xf32>
      tpu.vector_store %arg8[%swap3A_224, %swap3A_225], %swap3A_228 {strides = array<i32>} : memref<125x128xf32, #tpu.memory_space<vmem>>, vector<1x16xf32>,
      %broadcast_in_dim3A_229 = arith.constant 0.000000e+00 : f32
      %broadcast_in_dim3A_230 = vector.broadcast %broadcast_in_dim3A_229 : f32 to vector<16xf32>
      %swap3A_231 = arith.index_cast %scan3A_181 : i32 to index
      %swap3A_232 = arith.constant 112 : index
      %swap3A_233 = tpu.vector_load %arg8[%swap3A_231, %swap3A_232] {strides = array<i32>} : memref<125x128xf32, #tpu.memory_space<vmem>>, vector<1x16xf32>,
      %swap3A_234 = vector.shape_cast %swap3A_233 : vector<1x16xf32> to vector<16xf32>
      %swap3A_235 = vector.shape_cast %broadcast_in_dim3A_230 : vector<16xf32> to vector<1x16xf32>
      tpu.vector_store %arg8[%swap3A_231, %swap3A_232], %swap3A_235 {strides = array<i32>} : memref<125x128xf32, #tpu.memory_space<vmem>>, vector<1x16xf32>,
    }
    %scan3A_12 = arith.constant 88 : i32
    %mul3A_13 = arith.constant 176 : i32
    %mul3A_14 = arith.muli %arg1, %mul3A_13 : i32
    %add3A_15 = arith.constant 0 : i32
    %add3A_16 = arith.addi %mul3A_14, %add3A_15 : i32
    "tpu.region"() ({
      %run_scoped3A = tpu.sem_alloc : memref<!tpu.dma_semaphore, #tpu.memory_space<semaphore_mem>>
      %dma_start3A_181 = arith.constant 0 : i32
      %dma_start3A_182 = arith.constant 0 : i32
      %dma_start3A_183 = tpu.memref_slice %arg8[%dma_start3A_181, %dma_start3A_182] : memref<125x128xf32, #tpu.memory_space<vmem>> -> memref<88x128xf32, #tpu.memory_space<vmem>>
      %dma_start3A_184 = arith.constant 0 : i32
      %dma_start3A_185 = tpu.memref_slice %arg12[%add3A_16, %dma_start3A_184] : memref<2816x128xf32, #tpu.memory_space<vmem_shared>> -> memref<88x128xf32, #tpu.memory_space<vmem_shared>>
      %dma_start3A_186 = arith.constant 0 : i32
      %dma_start3A_187 = tpu.memref_slice %arg12[%add3A_16, %dma_start3A_186] : memref<2816x128xf32, #tpu.memory_space<vmem_shared>> -> memref<88x128xf32, #tpu.memory_space<vmem_shared>>
      %dma_start3A_188 = arith.constant 0 : i32
      %dma_start3A_189 = arith.constant 0 : i32
      %dma_start3A_190 = tpu.memref_slice %arg8[%dma_start3A_188, %dma_start3A_189] : memref<125x128xf32, #tpu.memory_space<vmem>> -> memref<88x128xf32, #tpu.memory_space<vmem>>
      tpu.enqueue_dma source(%dma_start3A_190 : memref<88x128xf32, #tpu.memory_space<vmem>>) target(%dma_start3A_187 : memref<88x128xf32, #tpu.memory_space<vmem_shared>>) target_semaphore(%run_scoped3A : memref<!tpu.dma_semaphore, #tpu.memory_space<semaphore_mem>>)
      %dma_wait3A_191 = arith.constant 0 : i32
      %dma_wait3A_192 = arith.constant 0 : i32
      %dma_wait3A_193 = tpu.memref_slice %arg8[%dma_wait3A_191, %dma_wait3A_192] : memref<125x128xf32, #tpu.memory_space<vmem>> -> memref<88x128xf32, #tpu.memory_space<vmem>>
      %dma_wait3A_194 = arith.constant 0 : i32
      %dma_wait3A_195 = tpu.memref_slice %arg12[%add3A_16, %dma_wait3A_194] : memref<2816x128xf32, #tpu.memory_space<vmem_shared>> -> memref<88x128xf32, #tpu.memory_space<vmem_shared>>
      %dma_wait3A_196 = arith.constant 0 : i32
      %dma_wait3A_197 = tpu.memref_slice %arg12[%add3A_16, %dma_wait3A_196] : memref<2816x128xf32, #tpu.memory_space<vmem_shared>> -> memref<88x128xf32, #tpu.memory_space<vmem_shared>>
      %dma_wait3A_198 = arith.constant 0 : i32
      %dma_wait3A_199 = arith.constant 0 : i32
      %dma_wait3A_200 = tpu.memref_slice %arg8[%dma_wait3A_198, %dma_wait3A_199] : memref<125x128xf32, #tpu.memory_space<vmem>> -> memref<88x128xf32, #tpu.memory_space<vmem>>
      tpu.wait_dma2 semaphore(%run_scoped3A : memref<!tpu.dma_semaphore, #tpu.memory_space<semaphore_mem>>) src(%dma_wait3A_200 : memref<88x128xf32, #tpu.memory_space<vmem>>) dst(%dma_wait3A_197 : memref<88x128xf32, #tpu.memory_space<vmem_shared>>)
      tpu.yield
    }) : () -> ()
    %mul3A_17 = arith.constant 176 : i32
    %mul3A_18 = arith.muli %arg1, %mul3A_17 : i32
    %add3A_19 = arith.constant 88 : i32
    %add3A_20 = arith.addi %mul3A_18, %add3A_19 : i32
    "tpu.region"() ({
      %run_scoped3A = tpu.sem_alloc : memref<!tpu.dma_semaphore, #tpu.memory_space<semaphore_mem>>
      %dma_start3A_181 = arith.constant 0 : i32
      %dma_start3A_182 = arith.constant 0 : i32
      %dma_start3A_183 = tpu.memref_slice %arg8[%dma_start3A_181, %dma_start3A_182] : memref<125x128xf32, #tpu.memory_space<vmem>> -> memref<88x128xf32, #tpu.memory_space<vmem>>
      %dma_start3A_184 = arith.constant 0 : i32
      %dma_start3A_185 = tpu.memref_slice %arg12[%add3A_20, %dma_start3A_184] : memref<2816x128xf32, #tpu.memory_space<vmem_shared>> -> memref<88x128xf32, #tpu.memory_space<vmem_shared>>
      %dma_start3A_186 = arith.constant 0 : i32
      %dma_start3A_187 = tpu.memref_slice %arg12[%add3A_20, %dma_start3A_186] : memref<2816x128xf32, #tpu.memory_space<vmem_shared>> -> memref<88x128xf32, #tpu.memory_space<vmem_shared>>
      %dma_start3A_188 = arith.constant 0 : i32
      %dma_start3A_189 = arith.constant 0 : i32
      %dma_start3A_190 = tpu.memref_slice %arg8[%dma_start3A_188, %dma_start3A_189] : memref<125x128xf32, #tpu.memory_space<vmem>> -> memref<88x128xf32, #tpu.memory_space<vmem>>
      tpu.enqueue_dma source(%dma_start3A_190 : memref<88x128xf32, #tpu.memory_space<vmem>>) target(%dma_start3A_187 : memref<88x128xf32, #tpu.memory_space<vmem_shared>>) target_semaphore(%run_scoped3A : memref<!tpu.dma_semaphore, #tpu.memory_space<semaphore_mem>>)
      %dma_wait3A_191 = arith.constant 0 : i32
      %dma_wait3A_192 = arith.constant 0 : i32
      %dma_wait3A_193 = tpu.memref_slice %arg8[%dma_wait3A_191, %dma_wait3A_192] : memref<125x128xf32, #tpu.memory_space<vmem>> -> memref<88x128xf32, #tpu.memory_space<vmem>>
      %dma_wait3A_194 = arith.constant 0 : i32
      %dma_wait3A_195 = tpu.memref_slice %arg12[%add3A_20, %dma_wait3A_194] : memref<2816x128xf32, #tpu.memory_space<vmem_shared>> -> memref<88x128xf32, #tpu.memory_space<vmem_shared>>
      %dma_wait3A_196 = arith.constant 0 : i32
      %dma_wait3A_197 = tpu.memref_slice %arg12[%add3A_20, %dma_wait3A_196] : memref<2816x128xf32, #tpu.memory_space<vmem_shared>> -> memref<88x128xf32, #tpu.memory_space<vmem_shared>>
      %dma_wait3A_198 = arith.constant 0 : i32
      %dma_wait3A_199 = arith.constant 0 : i32
      %dma_wait3A_200 = tpu.memref_slice %arg8[%dma_wait3A_198, %dma_wait3A_199] : memref<125x128xf32, #tpu.memory_space<vmem>> -> memref<88x128xf32, #tpu.memory_space<vmem>>
      tpu.wait_dma2 semaphore(%run_scoped3A : memref<!tpu.dma_semaphore, #tpu.memory_space<semaphore_mem>>) src(%dma_wait3A_200 : memref<88x128xf32, #tpu.memory_space<vmem>>) dst(%dma_wait3A_197 : memref<88x128xf32, #tpu.memory_space<vmem_shared>>)
      tpu.yield
    }) : () -> ()
    %mul3A_21 = arith.constant 160 : i32
    %mul3A_22 = arith.muli %arg1, %mul3A_21 : i32
    "tpu.region"() ({
      %run_scoped3A = tpu.sem_alloc : memref<!tpu.dma_semaphore, #tpu.memory_space<semaphore_mem>>
      %dma_start3A_181 = arith.constant 0 : i32
      %dma_start3A_182 = tpu.memref_slice %arg2[%mul3A_22, %dma_start3A_181] : memref<2560x125xi32, #tpu.memory_space<hbm>> -> memref<160x125xi32, #tpu.memory_space<hbm>>
      %dma_start3A_183 = arith.constant 0 : i32
      %dma_start3A_184 = tpu.memref_slice %arg2[%mul3A_22, %dma_start3A_183] : memref<2560x125xi32, #tpu.memory_space<hbm>> -> memref<160x125xi32, #tpu.memory_space<hbm>>
      tpu.enqueue_dma source(%dma_start3A_184 : memref<160x125xi32, #tpu.memory_space<hbm>>) target(%arg6 : memref<160x125xi32, #tpu.memory_space<vmem>>) target_semaphore(%run_scoped3A : memref<!tpu.dma_semaphore, #tpu.memory_space<semaphore_mem>>)
      %dma_wait3A_185 = arith.constant 0 : i32
      %dma_wait3A_186 = tpu.memref_slice %arg2[%mul3A_22, %dma_wait3A_185] : memref<2560x125xi32, #tpu.memory_space<hbm>> -> memref<160x125xi32, #tpu.memory_space<hbm>>
      %dma_wait3A_187 = arith.constant 0 : i32
      %dma_wait3A_188 = tpu.memref_slice %arg2[%mul3A_22, %dma_wait3A_187] : memref<2560x125xi32, #tpu.memory_space<hbm>> -> memref<160x125xi32, #tpu.memory_space<hbm>>
      tpu.wait_dma2 semaphore(%run_scoped3A : memref<!tpu.dma_semaphore, #tpu.memory_space<semaphore_mem>>) src(%dma_wait3A_188 : memref<160x125xi32, #tpu.memory_space<hbm>>) dst(%arg6 : memref<160x125xi32, #tpu.memory_space<vmem>>)
      tpu.yield
    }) : () -> ()
    %mul3A_23 = arith.constant 160 : i32
    %mul3A_24 = arith.muli %arg1, %mul3A_23 : i32
    "tpu.region"() ({
      %run_scoped3A = tpu.sem_alloc : memref<!tpu.dma_semaphore, #tpu.memory_space<semaphore_mem>>
      %dma_start3A_181 = arith.constant 0 : i32
      %dma_start3A_182 = tpu.memref_slice %arg3[%mul3A_24, %dma_start3A_181] : memref<2560x125xi32, #tpu.memory_space<hbm>> -> memref<160x125xi32, #tpu.memory_space<hbm>>
      %dma_start3A_183 = arith.constant 0 : i32
      %dma_start3A_184 = tpu.memref_slice %arg3[%mul3A_24, %dma_start3A_183] : memref<2560x125xi32, #tpu.memory_space<hbm>> -> memref<160x125xi32, #tpu.memory_space<hbm>>
      tpu.enqueue_dma source(%dma_start3A_184 : memref<160x125xi32, #tpu.memory_space<hbm>>) target(%arg7 : memref<160x125xi32, #tpu.memory_space<vmem>>) target_semaphore(%run_scoped3A : memref<!tpu.dma_semaphore, #tpu.memory_space<semaphore_mem>>)
      %dma_wait3A_185 = arith.constant 0 : i32
      %dma_wait3A_186 = tpu.memref_slice %arg3[%mul3A_24, %dma_wait3A_185] : memref<2560x125xi32, #tpu.memory_space<hbm>> -> memref<160x125xi32, #tpu.memory_space<hbm>>
      %dma_wait3A_187 = arith.constant 0 : i32
      %dma_wait3A_188 = tpu.memref_slice %arg3[%mul3A_24, %dma_wait3A_187] : memref<2560x125xi32, #tpu.memory_space<hbm>> -> memref<160x125xi32, #tpu.memory_space<hbm>>
      tpu.wait_dma2 semaphore(%run_scoped3A : memref<!tpu.dma_semaphore, #tpu.memory_space<semaphore_mem>>) src(%dma_wait3A_188 : memref<160x125xi32, #tpu.memory_space<hbm>>) dst(%arg7 : memref<160x125xi32, #tpu.memory_space<vmem>>)
      tpu.yield
    }) : () -> ()
    %iota3A_25 = tpu.iota {dimensions = array<i32: 0>} : vector<16xi32>
    %scan3A_26 = arith.constant 0 : i32
    %scan3A_27 = arith.constant 0 : i32
    %scan3A_28 = arith.constant 160 : i32
    %scan3A_29 = arith.addi %scan3A_27, %scan3A_28 : i32
    %scan3A_30 = arith.constant 1 : i32
    scf.for %scan3A_181 = %scan3A_27 to %scan3A_29 step %scan3A_30  : i32 {
      %get3A = arith.index_cast %scan3A_181 : i32 to index
      %get3A_182 = arith.constant 0 : index
      %get3A_183 = tpu.vector_load %arg7[%get3A, %get3A_182] {strides = array<i32>} : memref<160x125xi32, #tpu.memory_space<vmem>>, vector<1x16xi32>,
      %get3A_184 = vector.shape_cast %get3A_183 : vector<1x16xi32> to vector<16xi32>
      %sub3A = vector.broadcast %add3A_1 : i32 to vector<16xi32>
      %sub3A_185 = arith.subi %get3A_184, %sub3A : vector<16xi32>
      %ge3A = arith.constant 0 : i32
      %ge3A_186 = vector.broadcast %ge3A : i32 to vector<16xi32>
      %ge3A_187 = arith.cmpi sge, %sub3A_185, %ge3A_186 : vector<16xi32>
      %lt3A = arith.constant 2560 : i32
      %lt3A_188 = vector.broadcast %lt3A : i32 to vector<16xi32>
      %lt3A_189 = arith.cmpi slt, %sub3A_185, %lt3A_188 : vector<16xi32>
      %and3A = arith.andi %ge3A_187, %lt3A_189 : vector<16xi1>
      %select_n3A = arith.select %and3A, %sub3A_185, %add3A_7 : vector<16xi1>, vector<16xi32>
      %swap3A = arith.index_cast %scan3A_181 : i32 to index
      %swap3A_190 = arith.constant 0 : index
      %swap3A_191 = tpu.vector_load %arg7[%swap3A, %swap3A_190] {strides = array<i32>} : memref<160x125xi32, #tpu.memory_space<vmem>>, vector<1x16xi32>,
      %swap3A_192 = vector.shape_cast %swap3A_191 : vector<1x16xi32> to vector<16xi32>
      %swap3A_193 = vector.shape_cast %select_n3A : vector<16xi32> to vector<1x16xi32>
      tpu.vector_store %arg7[%swap3A, %swap3A_190], %swap3A_193 {strides = array<i32>} : memref<160x125xi32, #tpu.memory_space<vmem>>, vector<1x16xi32>,
      %get3A_194 = arith.index_cast %scan3A_181 : i32 to index
      %get3A_195 = arith.constant 16 : index
      %get3A_196 = tpu.vector_load %arg7[%get3A_194, %get3A_195] {strides = array<i32>} : memref<160x125xi32, #tpu.memory_space<vmem>>, vector<1x16xi32>,
      %get3A_197 = vector.shape_cast %get3A_196 : vector<1x16xi32> to vector<16xi32>
      %sub3A_198 = vector.broadcast %add3A_1 : i32 to vector<16xi32>
      %sub3A_199 = arith.subi %get3A_197, %sub3A_198 : vector<16xi32>
      %ge3A_200 = arith.constant 0 : i32
      %ge3A_201 = vector.broadcast %ge3A_200 : i32 to vector<16xi32>
      %ge3A_202 = arith.cmpi sge, %sub3A_199, %ge3A_201 : vector<16xi32>
      %lt3A_203 = arith.constant 2560 : i32
      %lt3A_204 = vector.broadcast %lt3A_203 : i32 to vector<16xi32>
      %lt3A_205 = arith.cmpi slt, %sub3A_199, %lt3A_204 : vector<16xi32>
      %and3A_206 = arith.andi %ge3A_202, %lt3A_205 : vector<16xi1>
      %select_n3A_207 = arith.select %and3A_206, %sub3A_199, %add3A_7 : vector<16xi1>, vector<16xi32>
      %swap3A_208 = arith.index_cast %scan3A_181 : i32 to index
      %swap3A_209 = arith.constant 16 : index
      %swap3A_210 = tpu.vector_load %arg7[%swap3A_208, %swap3A_209] {strides = array<i32>} : memref<160x125xi32, #tpu.memory_space<vmem>>, vector<1x16xi32>,
      %swap3A_211 = vector.shape_cast %swap3A_210 : vector<1x16xi32> to vector<16xi32>
      %swap3A_212 = vector.shape_cast %select_n3A_207 : vector<16xi32> to vector<1x16xi32>
      tpu.vector_store %arg7[%swap3A_208, %swap3A_209], %swap3A_212 {strides = array<i32>} : memref<160x125xi32, #tpu.memory_space<vmem>>, vector<1x16xi32>,
      %get3A_213 = arith.index_cast %scan3A_181 : i32 to index
      %get3A_214 = arith.constant 32 : index
      %get3A_215 = tpu.vector_load %arg7[%get3A_213, %get3A_214] {strides = array<i32>} : memref<160x125xi32, #tpu.memory_space<vmem>>, vector<1x16xi32>,
      %get3A_216 = vector.shape_cast %get3A_215 : vector<1x16xi32> to vector<16xi32>
      %sub3A_217 = vector.broadcast %add3A_1 : i32 to vector<16xi32>
      %sub3A_218 = arith.subi %get3A_216, %sub3A_217 : vector<16xi32>
      %ge3A_219 = arith.constant 0 : i32
      %ge3A_220 = vector.broadcast %ge3A_219 : i32 to vector<16xi32>
      %ge3A_221 = arith.cmpi sge, %sub3A_218, %ge3A_220 : vector<16xi32>
      %lt3A_222 = arith.constant 2560 : i32
      %lt3A_223 = vector.broadcast %lt3A_222 : i32 to vector<16xi32>
      %lt3A_224 = arith.cmpi slt, %sub3A_218, %lt3A_223 : vector<16xi32>
      %and3A_225 = arith.andi %ge3A_221, %lt3A_224 : vector<16xi1>
      %select_n3A_226 = arith.select %and3A_225, %sub3A_218, %add3A_7 : vector<16xi1>, vector<16xi32>
      %swap3A_227 = arith.index_cast %scan3A_181 : i32 to index
      %swap3A_228 = arith.constant 32 : index
      %swap3A_229 = tpu.vector_load %arg7[%swap3A_227, %swap3A_228] {strides = array<i32>} : memref<160x125xi32, #tpu.memory_space<vmem>>, vector<1x16xi32>,
      %swap3A_230 = vector.shape_cast %swap3A_229 : vector<1x16xi32> to vector<16xi32>
      %swap3A_231 = vector.shape_cast %select_n3A_226 : vector<16xi32> to vector<1x16xi32>
      tpu.vector_store %arg7[%swap3A_227, %swap3A_228], %swap3A_231 {strides = array<i32>} : memref<160x125xi32, #tpu.memory_space<vmem>>, vector<1x16xi32>,
      %get3A_232 = arith.index_cast %scan3A_181 : i32 to index
      %get3A_233 = arith.constant 48 : index
      %get3A_234 = tpu.vector_load %arg7[%get3A_232, %get3A_233] {strides = array<i32>} : memref<160x125xi32, #tpu.memory_space<vmem>>, vector<1x16xi32>,
      %get3A_235 = vector.shape_cast %get3A_234 : vector<1x16xi32> to vector<16xi32>
      %sub3A_236 = vector.broadcast %add3A_1 : i32 to vector<16xi32>
      %sub3A_237 = arith.subi %get3A_235, %sub3A_236 : vector<16xi32>
      %ge3A_238 = arith.constant 0 : i32
      %ge3A_239 = vector.broadcast %ge3A_238 : i32 to vector<16xi32>
      %ge3A_240 = arith.cmpi sge, %sub3A_237, %ge3A_239 : vector<16xi32>
      %lt3A_241 = arith.constant 2560 : i32
      %lt3A_242 = vector.broadcast %lt3A_241 : i32 to vector<16xi32>
      %lt3A_243 = arith.cmpi slt, %sub3A_237, %lt3A_242 : vector<16xi32>
      %and3A_244 = arith.andi %ge3A_240, %lt3A_243 : vector<16xi1>
      %select_n3A_245 = arith.select %and3A_244, %sub3A_237, %add3A_7 : vector<16xi1>, vector<16xi32>
      %swap3A_246 = arith.index_cast %scan3A_181 : i32 to index
      %swap3A_247 = arith.constant 48 : index
      %swap3A_248 = tpu.vector_load %arg7[%swap3A_246, %swap3A_247] {strides = array<i32>} : memref<160x125xi32, #tpu.memory_space<vmem>>, vector<1x16xi32>,
      %swap3A_249 = vector.shape_cast %swap3A_248 : vector<1x16xi32> to vector<16xi32>
      %swap3A_250 = vector.shape_cast %select_n3A_245 : vector<16xi32> to vector<1x16xi32>
      tpu.vector_store %arg7[%swap3A_246, %swap3A_247], %swap3A_250 {strides = array<i32>} : memref<160x125xi32, #tpu.memory_space<vmem>>, vector<1x16xi32>,
      %get3A_251 = arith.index_cast %scan3A_181 : i32 to index
      %get3A_252 = arith.constant 64 : index
      %get3A_253 = tpu.vector_load %arg7[%get3A_251, %get3A_252] {strides = array<i32>} : memref<160x125xi32, #tpu.memory_space<vmem>>, vector<1x16xi32>,
      %get3A_254 = vector.shape_cast %get3A_253 : vector<1x16xi32> to vector<16xi32>
      %sub3A_255 = vector.broadcast %add3A_1 : i32 to vector<16xi32>
      %sub3A_256 = arith.subi %get3A_254, %sub3A_255 : vector<16xi32>
      %ge3A_257 = arith.constant 0 : i32
      %ge3A_258 = vector.broadcast %ge3A_257 : i32 to vector<16xi32>
      %ge3A_259 = arith.cmpi sge, %sub3A_256, %ge3A_258 : vector<16xi32>
      %lt3A_260 = arith.constant 2560 : i32
      %lt3A_261 = vector.broadcast %lt3A_260 : i32 to vector<16xi32>
      %lt3A_262 = arith.cmpi slt, %sub3A_256, %lt3A_261 : vector<16xi32>
      %and3A_263 = arith.andi %ge3A_259, %lt3A_262 : vector<16xi1>
      %select_n3A_264 = arith.select %and3A_263, %sub3A_256, %add3A_7 : vector<16xi1>, vector<16xi32>
      %swap3A_265 = arith.index_cast %scan3A_181 : i32 to index
      %swap3A_266 = arith.constant 64 : index
      %swap3A_267 = tpu.vector_load %arg7[%swap3A_265, %swap3A_266] {strides = array<i32>} : memref<160x125xi32, #tpu.memory_space<vmem>>, vector<1x16xi32>,
      %swap3A_268 = vector.shape_cast %swap3A_267 : vector<1x16xi32> to vector<16xi32>
      %swap3A_269 = vector.shape_cast %select_n3A_264 : vector<16xi32> to vector<1x16xi32>
      tpu.vector_store %arg7[%swap3A_265, %swap3A_266], %swap3A_269 {strides = array<i32>} : memref<160x125xi32, #tpu.memory_space<vmem>>, vector<1x16xi32>,
      %get3A_270 = arith.index_cast %scan3A_181 : i32 to index
      %get3A_271 = arith.constant 80 : index
      %get3A_272 = tpu.vector_load %arg7[%get3A_270, %get3A_271] {strides = array<i32>} : memref<160x125xi32, #tpu.memory_space<vmem>>, vector<1x16xi32>,
      %get3A_273 = vector.shape_cast %get3A_272 : vector<1x16xi32> to vector<16xi32>
      %sub3A_274 = vector.broadcast %add3A_1 : i32 to vector<16xi32>
      %sub3A_275 = arith.subi %get3A_273, %sub3A_274 : vector<16xi32>
      %ge3A_276 = arith.constant 0 : i32
      %ge3A_277 = vector.broadcast %ge3A_276 : i32 to vector<16xi32>
      %ge3A_278 = arith.cmpi sge, %sub3A_275, %ge3A_277 : vector<16xi32>
      %lt3A_279 = arith.constant 2560 : i32
      %lt3A_280 = vector.broadcast %lt3A_279 : i32 to vector<16xi32>
      %lt3A_281 = arith.cmpi slt, %sub3A_275, %lt3A_280 : vector<16xi32>
      %and3A_282 = arith.andi %ge3A_278, %lt3A_281 : vector<16xi1>
      %select_n3A_283 = arith.select %and3A_282, %sub3A_275, %add3A_7 : vector<16xi1>, vector<16xi32>
      %swap3A_284 = arith.index_cast %scan3A_181 : i32 to index
      %swap3A_285 = arith.constant 80 : index
      %swap3A_286 = tpu.vector_load %arg7[%swap3A_284, %swap3A_285] {strides = array<i32>} : memref<160x125xi32, #tpu.memory_space<vmem>>, vector<1x16xi32>,
      %swap3A_287 = vector.shape_cast %swap3A_286 : vector<1x16xi32> to vector<16xi32>
      %swap3A_288 = vector.shape_cast %select_n3A_283 : vector<16xi32> to vector<1x16xi32>
      tpu.vector_store %arg7[%swap3A_284, %swap3A_285], %swap3A_288 {strides = array<i32>} : memref<160x125xi32, #tpu.memory_space<vmem>>, vector<1x16xi32>,
      %get3A_289 = arith.index_cast %scan3A_181 : i32 to index
      %get3A_290 = arith.constant 96 : index
      %get3A_291 = tpu.vector_load %arg7[%get3A_289, %get3A_290] {strides = array<i32>} : memref<160x125xi32, #tpu.memory_space<vmem>>, vector<1x16xi32>,
      %get3A_292 = vector.shape_cast %get3A_291 : vector<1x16xi32> to vector<16xi32>
      %sub3A_293 = vector.broadcast %add3A_1 : i32 to vector<16xi32>
      %sub3A_294 = arith.subi %get3A_292, %sub3A_293 : vector<16xi32>
      %ge3A_295 = arith.constant 0 : i32
      %ge3A_296 = vector.broadcast %ge3A_295 : i32 to vector<16xi32>
      %ge3A_297 = arith.cmpi sge, %sub3A_294, %ge3A_296 : vector<16xi32>
      %lt3A_298 = arith.constant 2560 : i32
      %lt3A_299 = vector.broadcast %lt3A_298 : i32 to vector<16xi32>
      %lt3A_300 = arith.cmpi slt, %sub3A_294, %lt3A_299 : vector<16xi32>
      %and3A_301 = arith.andi %ge3A_297, %lt3A_300 : vector<16xi1>
      %select_n3A_302 = arith.select %and3A_301, %sub3A_294, %add3A_7 : vector<16xi1>, vector<16xi32>
      %swap3A_303 = arith.index_cast %scan3A_181 : i32 to index
      %swap3A_304 = arith.constant 96 : index
      %swap3A_305 = tpu.vector_load %arg7[%swap3A_303, %swap3A_304] {strides = array<i32>} : memref<160x125xi32, #tpu.memory_space<vmem>>, vector<1x16xi32>,
      %swap3A_306 = vector.shape_cast %swap3A_305 : vector<1x16xi32> to vector<16xi32>
      %swap3A_307 = vector.shape_cast %select_n3A_302 : vector<16xi32> to vector<1x16xi32>
      tpu.vector_store %arg7[%swap3A_303, %swap3A_304], %swap3A_307 {strides = array<i32>} : memref<160x125xi32, #tpu.memory_space<vmem>>, vector<1x16xi32>,
      %get3A_308 = arith.index_cast %scan3A_181 : i32 to index
      %get3A_309 = arith.constant 109 : index
      %get3A_310 = tpu.vector_load %arg7[%get3A_308, %get3A_309] {strides = array<i32>} : memref<160x125xi32, #tpu.memory_space<vmem>>, vector<1x16xi32>,
      %get3A_311 = vector.shape_cast %get3A_310 : vector<1x16xi32> to vector<16xi32>
      %sub3A_312 = vector.broadcast %add3A_1 : i32 to vector<16xi32>
      %sub3A_313 = arith.subi %get3A_311, %sub3A_312 : vector<16xi32>
      %ge3A_314 = arith.constant 0 : i32
      %ge3A_315 = vector.broadcast %ge3A_314 : i32 to vector<16xi32>
      %ge3A_316 = arith.cmpi sge, %sub3A_313, %ge3A_315 : vector<16xi32>
      %lt3A_317 = arith.constant 2560 : i32
      %lt3A_318 = vector.broadcast %lt3A_317 : i32 to vector<16xi32>
      %lt3A_319 = arith.cmpi slt, %sub3A_313, %lt3A_318 : vector<16xi32>
      %and3A_320 = arith.andi %ge3A_316, %lt3A_319 : vector<16xi1>
      %select_n3A_321 = arith.select %and3A_320, %sub3A_313, %add3A_7 : vector<16xi1>, vector<16xi32>
      %ge3A_322 = arith.constant 3 : i32
      %ge3A_323 = vector.broadcast %ge3A_322 : i32 to vector<16xi32>
      %ge3A_324 = arith.cmpi sge, %iota3A_25, %ge3A_323 : vector<16xi32>
      %select_n3A_325 = arith.select %ge3A_324, %select_n3A_321, %get3A_311 : vector<16xi1>, vector<16xi32>
      %swap3A_326 = arith.index_cast %scan3A_181 : i32 to index
      %swap3A_327 = arith.constant 109 : index
      %swap3A_328 = tpu.vector_load %arg7[%swap3A_326, %swap3A_327] {strides = array<i32>} : memref<160x125xi32, #tpu.memory_space<vmem>>, vector<1x16xi32>,
      %swap3A_329 = vector.shape_cast %swap3A_328 : vector<1x16xi32> to vector<16xi32>
      %swap3A_330 = vector.shape_cast %select_n3A_325 : vector<16xi32> to vector<1x16xi32>
      tpu.vector_store %arg7[%swap3A_326, %swap3A_327], %swap3A_330 {strides = array<i32>} : memref<160x125xi32, #tpu.memory_space<vmem>>, vector<1x16xi32>,
    }
    %scan3A_31 = arith.constant 160 : i32
    %barrier3A = arith.constant 0 : index
    tpu.barrier barrier_id(%barrier3A)
    %dma_start3A = arith.constant 0 : i32
    %dma_start3A_32 = arith.constant 0 : i32
    %dma_start3A_33 = tpu.memref_slice %arg6[%dma_start3A, %dma_start3A_32] : memref<160x125xi32, #tpu.memory_space<vmem>> -> memref<1x125xi32, #tpu.memory_space<vmem>>
    %dma_start3A_34 = tpu.memref_squeeze %dma_start3A_33 : memref<1x125xi32, #tpu.memory_space<vmem>> -> memref<125xi32, #tpu.memory_space<vmem>>
    %dma_start3A_35 = arith.constant 0 : i32
    %dma_start3A_36 = arith.constant 0 : i32
    %dma_start3A_37 = tpu.memref_slice %arg4[%dma_start3A_35, %dma_start3A_36] : memref<10000x128xf32, #tpu.memory_space<hbm>> -> memref<10000x128xf32, #tpu.memory_space<hbm>>
    tpu.enqueue_indirect_dma source(%dma_start3A_37 : memref<10000x128xf32, #tpu.memory_space<hbm>>) target(%arg8 : memref<125x128xf32, #tpu.memory_space<vmem>>) offsets(%dma_start3A_34 : memref<125xi32, #tpu.memory_space<vmem>>) semaphore(%arg13 : memref<!tpu.dma_semaphore, #tpu.memory_space<semaphore_mem>>)
    %dma_start3A_38 = arith.constant 1 : i32
    %dma_start3A_39 = arith.constant 0 : i32
    %dma_start3A_40 = tpu.memref_slice %arg6[%dma_start3A_38, %dma_start3A_39] : memref<160x125xi32, #tpu.memory_space<vmem>> -> memref<1x125xi32, #tpu.memory_space<vmem>>
    %dma_start3A_41 = tpu.memref_squeeze %dma_start3A_40 : memref<1x125xi32, #tpu.memory_space<vmem>> -> memref<125xi32, #tpu.memory_space<vmem>>
    %dma_start3A_42 = arith.constant 0 : i32
    %dma_start3A_43 = arith.constant 0 : i32
    %dma_start3A_44 = tpu.memref_slice %arg4[%dma_start3A_42, %dma_start3A_43] : memref<10000x128xf32, #tpu.memory_space<hbm>> -> memref<10000x128xf32, #tpu.memory_space<hbm>>
    tpu.enqueue_indirect_dma source(%dma_start3A_44 : memref<10000x128xf32, #tpu.memory_space<hbm>>) target(%arg9 : memref<125x128xf32, #tpu.memory_space<vmem>>) offsets(%dma_start3A_41 : memref<125xi32, #tpu.memory_space<vmem>>) semaphore(%arg14 : memref<!tpu.dma_semaphore, #tpu.memory_space<semaphore_mem>>)
    %dma_wait3A = arith.constant 0 : i32
    %dma_wait3A_45 = arith.constant 0 : i32
    %dma_wait3A_46 = tpu.memref_slice %arg6[%dma_wait3A, %dma_wait3A_45] : memref<160x125xi32, #tpu.memory_space<vmem>> -> memref<1x125xi32, #tpu.memory_space<vmem>>
    %dma_wait3A_47 = tpu.memref_squeeze %dma_wait3A_46 : memref<1x125xi32, #tpu.memory_space<vmem>> -> memref<125xi32, #tpu.memory_space<vmem>>
    %dma_wait3A_48 = arith.constant 0 : i32
    %dma_wait3A_49 = arith.constant 0 : i32
    %dma_wait3A_50 = tpu.memref_slice %arg4[%dma_wait3A_48, %dma_wait3A_49] : memref<10000x128xf32, #tpu.memory_space<hbm>> -> memref<10000x128xf32, #tpu.memory_space<hbm>>
    tpu.wait_indirect_dma semaphore(%arg13 : memref<!tpu.dma_semaphore, #tpu.memory_space<semaphore_mem>>) src(%dma_wait3A_50 : memref<10000x128xf32, #tpu.memory_space<hbm>>) dst(%arg8 : memref<125x128xf32, #tpu.memory_space<vmem>>)
    %dma_start3A_51 = arith.constant 0 : i32
    %dma_start3A_52 = arith.constant 0 : i32
    %dma_start3A_53 = tpu.memref_slice %arg7[%dma_start3A_51, %dma_start3A_52] : memref<160x125xi32, #tpu.memory_space<vmem>> -> memref<1x125xi32, #tpu.memory_space<vmem>>
    %dma_start3A_54 = tpu.memref_squeeze %dma_start3A_53 : memref<1x125xi32, #tpu.memory_space<vmem>> -> memref<125xi32, #tpu.memory_space<vmem>>
    %dma_start3A_55 = arith.constant 0 : i32
    %dma_start3A_56 = arith.constant 0 : i32
    %dma_start3A_57 = tpu.memref_slice %arg12[%dma_start3A_55, %dma_start3A_56] : memref<2816x128xf32, #tpu.memory_space<vmem_shared>> -> memref<2816x128xf32, #tpu.memory_space<vmem_shared>>
    tpu.enqueue_indirect_dma source(%arg8 : memref<125x128xf32, #tpu.memory_space<vmem>>) target(%dma_start3A_57 : memref<2816x128xf32, #tpu.memory_space<vmem_shared>>) offsets(%dma_start3A_54 : memref<125xi32, #tpu.memory_space<vmem>>) semaphore(%arg17 : memref<!tpu.dma_semaphore, #tpu.memory_space<semaphore_mem>>) {add = true}
    %dma_wait3A_58 = arith.constant 0 : i32
    %dma_wait3A_59 = arith.constant 0 : i32
    %dma_wait3A_60 = tpu.memref_slice %arg6[%dma_wait3A_58, %dma_wait3A_59] : memref<160x125xi32, #tpu.memory_space<vmem>> -> memref<1x125xi32, #tpu.memory_space<vmem>>
    %dma_wait3A_61 = tpu.memref_squeeze %dma_wait3A_60 : memref<1x125xi32, #tpu.memory_space<vmem>> -> memref<125xi32, #tpu.memory_space<vmem>>
    %dma_wait3A_62 = arith.constant 0 : i32
    %dma_wait3A_63 = arith.constant 0 : i32
    %dma_wait3A_64 = tpu.memref_slice %arg4[%dma_wait3A_62, %dma_wait3A_63] : memref<10000x128xf32, #tpu.memory_space<hbm>> -> memref<10000x128xf32, #tpu.memory_space<hbm>>
    tpu.wait_indirect_dma semaphore(%arg14 : memref<!tpu.dma_semaphore, #tpu.memory_space<semaphore_mem>>) src(%dma_wait3A_64 : memref<10000x128xf32, #tpu.memory_space<hbm>>) dst(%arg9 : memref<125x128xf32, #tpu.memory_space<vmem>>)
    %dma_start3A_65 = arith.constant 1 : i32
    %dma_start3A_66 = arith.constant 0 : i32
    %dma_start3A_67 = tpu.memref_slice %arg7[%dma_start3A_65, %dma_start3A_66] : memref<160x125xi32, #tpu.memory_space<vmem>> -> memref<1x125xi32, #tpu.memory_space<vmem>>
    %dma_start3A_68 = tpu.memref_squeeze %dma_start3A_67 : memref<1x125xi32, #tpu.memory_space<vmem>> -> memref<125xi32, #tpu.memory_space<vmem>>
    %dma_start3A_69 = arith.constant 0 : i32
    %dma_start3A_70 = arith.constant 0 : i32
    %dma_start3A_71 = tpu.memref_slice %arg12[%dma_start3A_69, %dma_start3A_70] : memref<2816x128xf32, #tpu.memory_space<vmem_shared>> -> memref<2816x128xf32, #tpu.memory_space<vmem_shared>>
    tpu.enqueue_indirect_dma source(%arg9 : memref<125x128xf32, #tpu.memory_space<vmem>>) target(%dma_start3A_71 : memref<2816x128xf32, #tpu.memory_space<vmem_shared>>) offsets(%dma_start3A_68 : memref<125xi32, #tpu.memory_space<vmem>>) semaphore(%arg18 : memref<!tpu.dma_semaphore, #tpu.memory_space<semaphore_mem>>) {add = true}
    %dma_start3A_72 = arith.constant 2 : i32
    %dma_start3A_73 = arith.constant 0 : i32
    %dma_start3A_74 = tpu.memref_slice %arg6[%dma_start3A_72, %dma_start3A_73] : memref<160x125xi32, #tpu.memory_space<vmem>> -> memref<1x125xi32, #tpu.memory_space<vmem>>
    %dma_start3A_75 = tpu.memref_squeeze %dma_start3A_74 : memref<1x125xi32, #tpu.memory_space<vmem>> -> memref<125xi32, #tpu.memory_space<vmem>>
    %dma_start3A_76 = arith.constant 0 : i32
    %dma_start3A_77 = arith.constant 0 : i32
    %dma_start3A_78 = tpu.memref_slice %arg4[%dma_start3A_76, %dma_start3A_77] : memref<10000x128xf32, #tpu.memory_space<hbm>> -> memref<10000x128xf32, #tpu.memory_space<hbm>>
    tpu.enqueue_indirect_dma source(%dma_start3A_78 : memref<10000x128xf32, #tpu.memory_space<hbm>>) target(%arg10 : memref<125x128xf32, #tpu.memory_space<vmem>>) offsets(%dma_start3A_75 : memref<125xi32, #tpu.memory_space<vmem>>) semaphore(%arg15 : memref<!tpu.dma_semaphore, #tpu.memory_space<semaphore_mem>>)
    %dma_start3A_79 = arith.constant 3 : i32
    %dma_start3A_80 = arith.constant 0 : i32
    %dma_start3A_81 = tpu.memref_slice %arg6[%dma_start3A_79, %dma_start3A_80] : memref<160x125xi32, #tpu.memory_space<vmem>> -> memref<1x125xi32, #tpu.memory_space<vmem>>
    %dma_start3A_82 = tpu.memref_squeeze %dma_start3A_81 : memref<1x125xi32, #tpu.memory_space<vmem>> -> memref<125xi32, #tpu.memory_space<vmem>>
    %dma_start3A_83 = arith.constant 0 : i32
    %dma_start3A_84 = arith.constant 0 : i32
    %dma_start3A_85 = tpu.memref_slice %arg4[%dma_start3A_83, %dma_start3A_84] : memref<10000x128xf32, #tpu.memory_space<hbm>> -> memref<10000x128xf32, #tpu.memory_space<hbm>>
    tpu.enqueue_indirect_dma source(%dma_start3A_85 : memref<10000x128xf32, #tpu.memory_space<hbm>>) target(%arg11 : memref<125x128xf32, #tpu.memory_space<vmem>>) offsets(%dma_start3A_82 : memref<125xi32, #tpu.memory_space<vmem>>) semaphore(%arg16 : memref<!tpu.dma_semaphore, #tpu.memory_space<semaphore_mem>>)
    %dma_wait3A_86 = arith.constant 0 : i32
    %dma_wait3A_87 = arith.constant 0 : i32
    %dma_wait3A_88 = tpu.memref_slice %arg6[%dma_wait3A_86, %dma_wait3A_87] : memref<160x125xi32, #tpu.memory_space<vmem>> -> memref<1x125xi32, #tpu.memory_space<vmem>>
    %dma_wait3A_89 = tpu.memref_squeeze %dma_wait3A_88 : memref<1x125xi32, #tpu.memory_space<vmem>> -> memref<125xi32, #tpu.memory_space<vmem>>
    %dma_wait3A_90 = arith.constant 0 : i32
    %dma_wait3A_91 = arith.constant 0 : i32
    %dma_wait3A_92 = tpu.memref_slice %arg4[%dma_wait3A_90, %dma_wait3A_91] : memref<10000x128xf32, #tpu.memory_space<hbm>> -> memref<10000x128xf32, #tpu.memory_space<hbm>>
    tpu.wait_indirect_dma semaphore(%arg15 : memref<!tpu.dma_semaphore, #tpu.memory_space<semaphore_mem>>) src(%dma_wait3A_92 : memref<10000x128xf32, #tpu.memory_space<hbm>>) dst(%arg10 : memref<125x128xf32, #tpu.memory_space<vmem>>)
    %dma_start3A_93 = arith.constant 2 : i32
    %dma_start3A_94 = arith.constant 0 : i32
    %dma_start3A_95 = tpu.memref_slice %arg7[%dma_start3A_93, %dma_start3A_94] : memref<160x125xi32, #tpu.memory_space<vmem>> -> memref<1x125xi32, #tpu.memory_space<vmem>>
    %dma_start3A_96 = tpu.memref_squeeze %dma_start3A_95 : memref<1x125xi32, #tpu.memory_space<vmem>> -> memref<125xi32, #tpu.memory_space<vmem>>
    %dma_start3A_97 = arith.constant 0 : i32
    %dma_start3A_98 = arith.constant 0 : i32
    %dma_start3A_99 = tpu.memref_slice %arg12[%dma_start3A_97, %dma_start3A_98] : memref<2816x128xf32, #tpu.memory_space<vmem_shared>> -> memref<2816x128xf32, #tpu.memory_space<vmem_shared>>
    tpu.enqueue_indirect_dma source(%arg10 : memref<125x128xf32, #tpu.memory_space<vmem>>) target(%dma_start3A_99 : memref<2816x128xf32, #tpu.memory_space<vmem_shared>>) offsets(%dma_start3A_96 : memref<125xi32, #tpu.memory_space<vmem>>) semaphore(%arg19 : memref<!tpu.dma_semaphore, #tpu.memory_space<semaphore_mem>>) {add = true}
    %dma_wait3A_100 = arith.constant 0 : i32
    %dma_wait3A_101 = arith.constant 0 : i32
    %dma_wait3A_102 = tpu.memref_slice %arg6[%dma_wait3A_100, %dma_wait3A_101] : memref<160x125xi32, #tpu.memory_space<vmem>> -> memref<1x125xi32, #tpu.memory_space<vmem>>
    %dma_wait3A_103 = tpu.memref_squeeze %dma_wait3A_102 : memref<1x125xi32, #tpu.memory_space<vmem>> -> memref<125xi32, #tpu.memory_space<vmem>>
    %dma_wait3A_104 = arith.constant 0 : i32
    %dma_wait3A_105 = arith.constant 0 : i32
    %dma_wait3A_106 = tpu.memref_slice %arg4[%dma_wait3A_104, %dma_wait3A_105] : memref<10000x128xf32, #tpu.memory_space<hbm>> -> memref<10000x128xf32, #tpu.memory_space<hbm>>
    tpu.wait_indirect_dma semaphore(%arg16 : memref<!tpu.dma_semaphore, #tpu.memory_space<semaphore_mem>>) src(%dma_wait3A_106 : memref<10000x128xf32, #tpu.memory_space<hbm>>) dst(%arg11 : memref<125x128xf32, #tpu.memory_space<vmem>>)
    %dma_start3A_107 = arith.constant 3 : i32
    %dma_start3A_108 = arith.constant 0 : i32
    %dma_start3A_109 = tpu.memref_slice %arg7[%dma_start3A_107, %dma_start3A_108] : memref<160x125xi32, #tpu.memory_space<vmem>> -> memref<1x125xi32, #tpu.memory_space<vmem>>
    %dma_start3A_110 = tpu.memref_squeeze %dma_start3A_109 : memref<1x125xi32, #tpu.memory_space<vmem>> -> memref<125xi32, #tpu.memory_space<vmem>>
    %dma_start3A_111 = arith.constant 0 : i32
    %dma_start3A_112 = arith.constant 0 : i32
    %dma_start3A_113 = tpu.memref_slice %arg12[%dma_start3A_111, %dma_start3A_112] : memref<2816x128xf32, #tpu.memory_space<vmem_shared>> -> memref<2816x128xf32, #tpu.memory_space<vmem_shared>>
    tpu.enqueue_indirect_dma source(%arg11 : memref<125x128xf32, #tpu.memory_space<vmem>>) target(%dma_start3A_113 : memref<2816x128xf32, #tpu.memory_space<vmem_shared>>) offsets(%dma_start3A_110 : memref<125xi32, #tpu.memory_space<vmem>>) semaphore(%arg20 : memref<!tpu.dma_semaphore, #tpu.memory_space<semaphore_mem>>) {add = true}
    %dma_wait3A_114 = arith.constant 0 : i32
    %dma_wait3A_115 = arith.constant 0 : i32
    %dma_wait3A_116 = tpu.memref_slice %arg7[%dma_wait3A_114, %dma_wait3A_115] : memref<160x125xi32, #tpu.memory_space<vmem>> -> memref<1x125xi32, #tpu.memory_space<vmem>>
    %dma_wait3A_117 = tpu.memref_squeeze %dma_wait3A_116 : memref<1x125xi32, #tpu.memory_space<vmem>> -> memref<125xi32, #tpu.memory_space<vmem>>
    %dma_wait3A_118 = arith.constant 0 : i32
    %dma_wait3A_119 = arith.constant 0 : i32
    %dma_wait3A_120 = tpu.memref_slice %arg12[%dma_wait3A_118, %dma_wait3A_119] : memref<2816x128xf32, #tpu.memory_space<vmem_shared>> -> memref<2816x128xf32, #tpu.memory_space<vmem_shared>>
    tpu.wait_indirect_dma semaphore(%arg17 : memref<!tpu.dma_semaphore, #tpu.memory_space<semaphore_mem>>) src(%arg8 : memref<125x128xf32, #tpu.memory_space<vmem>>) dst(%dma_wait3A_120 : memref<2816x128xf32, #tpu.memory_space<vmem_shared>>)
    %dma_start3A_121 = arith.constant 4 : i32
    %dma_start3A_122 = arith.constant 0 : i32
    %dma_start3A_123 = tpu.memref_slice %arg6[%dma_start3A_121, %dma_start3A_122] : memref<160x125xi32, #tpu.memory_space<vmem>> -> memref<1x125xi32, #tpu.memory_space<vmem>>
    %dma_start3A_124 = tpu.memref_squeeze %dma_start3A_123 : memref<1x125xi32, #tpu.memory_space<vmem>> -> memref<125xi32, #tpu.memory_space<vmem>>
    %dma_start3A_125 = arith.constant 0 : i32
    %dma_start3A_126 = arith.constant 0 : i32
    %dma_start3A_127 = tpu.memref_slice %arg4[%dma_start3A_125, %dma_start3A_126] : memref<10000x128xf32, #tpu.memory_space<hbm>> -> memref<10000x128xf32, #tpu.memory_space<hbm>>
    tpu.enqueue_indirect_dma source(%dma_start3A_127 : memref<10000x128xf32, #tpu.memory_space<hbm>>) target(%arg8 : memref<125x128xf32, #tpu.memory_space<vmem>>) offsets(%dma_start3A_124 : memref<125xi32, #tpu.memory_space<vmem>>) semaphore(%arg13 : memref<!tpu.dma_semaphore, #tpu.memory_space<semaphore_mem>>)
    %dma_wait3A_128 = arith.constant 0 : i32
    %dma_wait3A_129 = arith.constant 0 : i32
    %dma_wait3A_130 = tpu.memref_slice %arg7[%dma_wait3A_128, %dma_wait3A_129] : memref<160x125xi32, #tpu.memory_space<vmem>> -> memref<1x125xi32, #tpu.memory_space<vmem>>
    %dma_wait3A_131 = tpu.memref_squeeze %dma_wait3A_130 : memref<1x125xi32, #tpu.memory_space<vmem>> -> memref<125xi32, #tpu.memory_space<vmem>>
    %dma_wait3A_132 = arith.constant 0 : i32
    %dma_wait3A_133 = arith.constant 0 : i32
    %dma_wait3A_134 = tpu.memref_slice %arg12[%dma_wait3A_132, %dma_wait3A_133] : memref<2816x128xf32, #tpu.memory_space<vmem_shared>> -> memref<2816x128xf32, #tpu.memory_space<vmem_shared>>
    tpu.wait_indirect_dma semaphore(%arg18 : memref<!tpu.dma_semaphore, #tpu.memory_space<semaphore_mem>>) src(%arg9 : memref<125x128xf32, #tpu.memory_space<vmem>>) dst(%dma_wait3A_134 : memref<2816x128xf32, #tpu.memory_space<vmem_shared>>)
    %dma_start3A_135 = arith.constant 5 : i32
    %dma_start3A_136 = arith.constant 0 : i32
    %dma_start3A_137 = tpu.memref_slice %arg6[%dma_start3A_135, %dma_start3A_136] : memref<160x125xi32, #tpu.memory_space<vmem>> -> memref<1x125xi32, #tpu.memory_space<vmem>>
    %dma_start3A_138 = tpu.memref_squeeze %dma_start3A_137 : memref<1x125xi32, #tpu.memory_space<vmem>> -> memref<125xi32, #tpu.memory_space<vmem>>
    %dma_start3A_139 = arith.constant 0 : i32
    %dma_start3A_140 = arith.constant 0 : i32
    %dma_start3A_141 = tpu.memref_slice %arg4[%dma_start3A_139, %dma_start3A_140] : memref<10000x128xf32, #tpu.memory_space<hbm>> -> memref<10000x128xf32, #tpu.memory_space<hbm>>
    tpu.enqueue_indirect_dma source(%dma_start3A_141 : memref<10000x128xf32, #tpu.memory_space<hbm>>) target(%arg9 : memref<125x128xf32, #tpu.memory_space<vmem>>) offsets(%dma_start3A_138 : memref<125xi32, #tpu.memory_space<vmem>>) semaphore(%arg14 : memref<!tpu.dma_semaphore, #tpu.memory_space<semaphore_mem>>)
    %scan3A_142 = arith.constant 0 : i32
    %scan3A_143 = arith.constant 1 : i32
    %scan3A_144 = arith.constant 39 : i32
    %scan3A_145 = arith.addi %scan3A_143, %scan3A_144 : i32
    %scan3A_146 = arith.constant 1 : i32
    scf.for %scan3A_181 = %scan3A_143 to %scan3A_145 step %scan3A_146  : i32 {
      %mul3A_182 = arith.constant 4 : i32
      %mul3A_183 = arith.muli %mul3A_182, %scan3A_181 : i32
      %dma_wait3A_184 = arith.constant 0 : i32
      %dma_wait3A_185 = arith.constant 0 : i32
      %dma_wait3A_186 = tpu.memref_slice %arg6[%dma_wait3A_184, %dma_wait3A_185] : memref<160x125xi32, #tpu.memory_space<vmem>> -> memref<1x125xi32, #tpu.memory_space<vmem>>
      %dma_wait3A_187 = tpu.memref_squeeze %dma_wait3A_186 : memref<1x125xi32, #tpu.memory_space<vmem>> -> memref<125xi32, #tpu.memory_space<vmem>>
      %dma_wait3A_188 = arith.constant 0 : i32
      %dma_wait3A_189 = arith.constant 0 : i32
      %dma_wait3A_190 = tpu.memref_slice %arg4[%dma_wait3A_188, %dma_wait3A_189] : memref<10000x128xf32, #tpu.memory_space<hbm>> -> memref<10000x128xf32, #tpu.memory_space<hbm>>
      tpu.wait_indirect_dma semaphore(%arg13 : memref<!tpu.dma_semaphore, #tpu.memory_space<semaphore_mem>>) src(%dma_wait3A_190 : memref<10000x128xf32, #tpu.memory_space<hbm>>) dst(%arg8 : memref<125x128xf32, #tpu.memory_space<vmem>>)
      %dma_start3A_191 = arith.constant 0 : i32
      %dma_start3A_192 = tpu.memref_slice %arg7[%mul3A_183, %dma_start3A_191] : memref<160x125xi32, #tpu.memory_space<vmem>> -> memref<1x125xi32, #tpu.memory_space<vmem>>
      %dma_start3A_193 = tpu.memref_squeeze %dma_start3A_192 : memref<1x125xi32, #tpu.memory_space<vmem>> -> memref<125xi32, #tpu.memory_space<vmem>>
      %dma_start3A_194 = arith.constant 0 : i32
      %dma_start3A_195 = arith.constant 0 : i32
      %dma_start3A_196 = tpu.memref_slice %arg12[%dma_start3A_194, %dma_start3A_195] : memref<2816x128xf32, #tpu.memory_space<vmem_shared>> -> memref<2816x128xf32, #tpu.memory_space<vmem_shared>>
      tpu.enqueue_indirect_dma source(%arg8 : memref<125x128xf32, #tpu.memory_space<vmem>>) target(%dma_start3A_196 : memref<2816x128xf32, #tpu.memory_space<vmem_shared>>) offsets(%dma_start3A_193 : memref<125xi32, #tpu.memory_space<vmem>>) semaphore(%arg17 : memref<!tpu.dma_semaphore, #tpu.memory_space<semaphore_mem>>) {add = true}
      %dma_wait3A_197 = arith.constant 0 : i32
      %dma_wait3A_198 = arith.constant 0 : i32
      %dma_wait3A_199 = tpu.memref_slice %arg6[%dma_wait3A_197, %dma_wait3A_198] : memref<160x125xi32, #tpu.memory_space<vmem>> -> memref<1x125xi32, #tpu.memory_space<vmem>>
      %dma_wait3A_200 = tpu.memref_squeeze %dma_wait3A_199 : memref<1x125xi32, #tpu.memory_space<vmem>> -> memref<125xi32, #tpu.memory_space<vmem>>
      %dma_wait3A_201 = arith.constant 0 : i32
      %dma_wait3A_202 = arith.constant 0 : i32
      %dma_wait3A_203 = tpu.memref_slice %arg4[%dma_wait3A_201, %dma_wait3A_202] : memref<10000x128xf32, #tpu.memory_space<hbm>> -> memref<10000x128xf32, #tpu.memory_space<hbm>>
      tpu.wait_indirect_dma semaphore(%arg14 : memref<!tpu.dma_semaphore, #tpu.memory_space<semaphore_mem>>) src(%dma_wait3A_203 : memref<10000x128xf32, #tpu.memory_space<hbm>>) dst(%arg9 : memref<125x128xf32, #tpu.memory_space<vmem>>)
      %add3A_204 = arith.constant 1 : i32
      %add3A_205 = arith.addi %mul3A_183, %add3A_204 : i32
      %dma_start3A_206 = arith.constant 0 : i32
      %dma_start3A_207 = tpu.memref_slice %arg7[%add3A_205, %dma_start3A_206] : memref<160x125xi32, #tpu.memory_space<vmem>> -> memref<1x125xi32, #tpu.memory_space<vmem>>
      %dma_start3A_208 = tpu.memref_squeeze %dma_start3A_207 : memref<1x125xi32, #tpu.memory_space<vmem>> -> memref<125xi32, #tpu.memory_space<vmem>>
      %dma_start3A_209 = arith.constant 0 : i32
      %dma_start3A_210 = arith.constant 0 : i32
      %dma_start3A_211 = tpu.memref_slice %arg12[%dma_start3A_209, %dma_start3A_210] : memref<2816x128xf32, #tpu.memory_space<vmem_shared>> -> memref<2816x128xf32, #tpu.memory_space<vmem_shared>>
      tpu.enqueue_indirect_dma source(%arg9 : memref<125x128xf32, #tpu.memory_space<vmem>>) target(%dma_start3A_211 : memref<2816x128xf32, #tpu.memory_space<vmem_shared>>) offsets(%dma_start3A_208 : memref<125xi32, #tpu.memory_space<vmem>>) semaphore(%arg18 : memref<!tpu.dma_semaphore, #tpu.memory_space<semaphore_mem>>) {add = true}
      %dma_wait3A_212 = arith.constant 0 : i32
      %dma_wait3A_213 = arith.constant 0 : i32
      %dma_wait3A_214 = tpu.memref_slice %arg7[%dma_wait3A_212, %dma_wait3A_213] : memref<160x125xi32, #tpu.memory_space<vmem>> -> memref<1x125xi32, #tpu.memory_space<vmem>>
      %dma_wait3A_215 = tpu.memref_squeeze %dma_wait3A_214 : memref<1x125xi32, #tpu.memory_space<vmem>> -> memref<125xi32, #tpu.memory_space<vmem>>
      %dma_wait3A_216 = arith.constant 0 : i32
      %dma_wait3A_217 = arith.constant 0 : i32
      %dma_wait3A_218 = tpu.memref_slice %arg12[%dma_wait3A_216, %dma_wait3A_217] : memref<2816x128xf32, #tpu.memory_space<vmem_shared>> -> memref<2816x128xf32, #tpu.memory_space<vmem_shared>>
      tpu.wait_indirect_dma semaphore(%arg19 : memref<!tpu.dma_semaphore, #tpu.memory_space<semaphore_mem>>) src(%arg10 : memref<125x128xf32, #tpu.memory_space<vmem>>) dst(%dma_wait3A_218 : memref<2816x128xf32, #tpu.memory_space<vmem_shared>>)
      %add3A_219 = arith.constant 2 : i32
      %add3A_220 = arith.addi %mul3A_183, %add3A_219 : i32
      %dma_start3A_221 = arith.constant 0 : i32
      %dma_start3A_222 = tpu.memref_slice %arg6[%add3A_220, %dma_start3A_221] : memref<160x125xi32, #tpu.memory_space<vmem>> -> memref<1x125xi32, #tpu.memory_space<vmem>>
      %dma_start3A_223 = tpu.memref_squeeze %dma_start3A_222 : memref<1x125xi32, #tpu.memory_space<vmem>> -> memref<125xi32, #tpu.memory_space<vmem>>
      %dma_start3A_224 = arith.constant 0 : i32
      %dma_start3A_225 = arith.constant 0 : i32
      %dma_start3A_226 = tpu.memref_slice %arg4[%dma_start3A_224, %dma_start3A_225] : memref<10000x128xf32, #tpu.memory_space<hbm>> -> memref<10000x128xf32, #tpu.memory_space<hbm>>
      tpu.enqueue_indirect_dma source(%dma_start3A_226 : memref<10000x128xf32, #tpu.memory_space<hbm>>) target(%arg10 : memref<125x128xf32, #tpu.memory_space<vmem>>) offsets(%dma_start3A_223 : memref<125xi32, #tpu.memory_space<vmem>>) semaphore(%arg15 : memref<!tpu.dma_semaphore, #tpu.memory_space<semaphore_mem>>)
      %dma_wait3A_227 = arith.constant 0 : i32
      %dma_wait3A_228 = arith.constant 0 : i32
      %dma_wait3A_229 = tpu.memref_slice %arg7[%dma_wait3A_227, %dma_wait3A_228] : memref<160x125xi32, #tpu.memory_space<vmem>> -> memref<1x125xi32, #tpu.memory_space<vmem>>
      %dma_wait3A_230 = tpu.memref_squeeze %dma_wait3A_229 : memref<1x125xi32, #tpu.memory_space<vmem>> -> memref<125xi32, #tpu.memory_space<vmem>>
      %dma_wait3A_231 = arith.constant 0 : i32
      %dma_wait3A_232 = arith.constant 0 : i32
      %dma_wait3A_233 = tpu.memref_slice %arg12[%dma_wait3A_231, %dma_wait3A_232] : memref<2816x128xf32, #tpu.memory_space<vmem_shared>> -> memref<2816x128xf32, #tpu.memory_space<vmem_shared>>
      tpu.wait_indirect_dma semaphore(%arg20 : memref<!tpu.dma_semaphore, #tpu.memory_space<semaphore_mem>>) src(%arg11 : memref<125x128xf32, #tpu.memory_space<vmem>>) dst(%dma_wait3A_233 : memref<2816x128xf32, #tpu.memory_space<vmem_shared>>)
      %add3A_234 = arith.constant 3 : i32
      %add3A_235 = arith.addi %mul3A_183, %add3A_234 : i32
      %dma_start3A_236 = arith.constant 0 : i32
      %dma_start3A_237 = tpu.memref_slice %arg6[%add3A_235, %dma_start3A_236] : memref<160x125xi32, #tpu.memory_space<vmem>> -> memref<1x125xi32, #tpu.memory_space<vmem>>
      %dma_start3A_238 = tpu.memref_squeeze %dma_start3A_237 : memref<1x125xi32, #tpu.memory_space<vmem>> -> memref<125xi32, #tpu.memory_space<vmem>>
      %dma_start3A_239 = arith.constant 0 : i32
      %dma_start3A_240 = arith.constant 0 : i32
      %dma_start3A_241 = tpu.memref_slice %arg4[%dma_start3A_239, %dma_start3A_240] : memref<10000x128xf32, #tpu.memory_space<hbm>> -> memref<10000x128xf32, #tpu.memory_space<hbm>>
      tpu.enqueue_indirect_dma source(%dma_start3A_241 : memref<10000x128xf32, #tpu.memory_space<hbm>>) target(%arg11 : memref<125x128xf32, #tpu.memory_space<vmem>>) offsets(%dma_start3A_238 : memref<125xi32, #tpu.memory_space<vmem>>) semaphore(%arg16 : memref<!tpu.dma_semaphore, #tpu.memory_space<semaphore_mem>>)
      %dma_wait3A_242 = arith.constant 0 : i32
      %dma_wait3A_243 = arith.constant 0 : i32
      %dma_wait3A_244 = tpu.memref_slice %arg6[%dma_wait3A_242, %dma_wait3A_243] : memref<160x125xi32, #tpu.memory_space<vmem>> -> memref<1x125xi32, #tpu.memory_space<vmem>>
      %dma_wait3A_245 = tpu.memref_squeeze %dma_wait3A_244 : memref<1x125xi32, #tpu.memory_space<vmem>> -> memref<125xi32, #tpu.memory_space<vmem>>
      %dma_wait3A_246 = arith.constant 0 : i32
      %dma_wait3A_247 = arith.constant 0 : i32
      %dma_wait3A_248 = tpu.memref_slice %arg4[%dma_wait3A_246, %dma_wait3A_247] : memref<10000x128xf32, #tpu.memory_space<hbm>> -> memref<10000x128xf32, #tpu.memory_space<hbm>>
      tpu.wait_indirect_dma semaphore(%arg15 : memref<!tpu.dma_semaphore, #tpu.memory_space<semaphore_mem>>) src(%dma_wait3A_248 : memref<10000x128xf32, #tpu.memory_space<hbm>>) dst(%arg10 : memref<125x128xf32, #tpu.memory_space<vmem>>)
      %add3A_249 = arith.constant 2 : i32
      %add3A_250 = arith.addi %mul3A_183, %add3A_249 : i32
      %dma_start3A_251 = arith.constant 0 : i32
      %dma_start3A_252 = tpu.memref_slice %arg7[%add3A_250, %dma_start3A_251] : memref<160x125xi32, #tpu.memory_space<vmem>> -> memref<1x125xi32, #tpu.memory_space<vmem>>
      %dma_start3A_253 = tpu.memref_squeeze %dma_start3A_252 : memref<1x125xi32, #tpu.memory_space<vmem>> -> memref<125xi32, #tpu.memory_space<vmem>>
      %dma_start3A_254 = arith.constant 0 : i32
      %dma_start3A_255 = arith.constant 0 : i32
      %dma_start3A_256 = tpu.memref_slice %arg12[%dma_start3A_254, %dma_start3A_255] : memref<2816x128xf32, #tpu.memory_space<vmem_shared>> -> memref<2816x128xf32, #tpu.memory_space<vmem_shared>>
      tpu.enqueue_indirect_dma source(%arg10 : memref<125x128xf32, #tpu.memory_space<vmem>>) target(%dma_start3A_256 : memref<2816x128xf32, #tpu.memory_space<vmem_shared>>) offsets(%dma_start3A_253 : memref<125xi32, #tpu.memory_space<vmem>>) semaphore(%arg19 : memref<!tpu.dma_semaphore, #tpu.memory_space<semaphore_mem>>) {add = true}
      %dma_wait3A_257 = arith.constant 0 : i32
      %dma_wait3A_258 = arith.constant 0 : i32
      %dma_wait3A_259 = tpu.memref_slice %arg6[%dma_wait3A_257, %dma_wait3A_258] : memref<160x125xi32, #tpu.memory_space<vmem>> -> memref<1x125xi32, #tpu.memory_space<vmem>>
      %dma_wait3A_260 = tpu.memref_squeeze %dma_wait3A_259 : memref<1x125xi32, #tpu.memory_space<vmem>> -> memref<125xi32, #tpu.memory_space<vmem>>
      %dma_wait3A_261 = arith.constant 0 : i32
      %dma_wait3A_262 = arith.constant 0 : i32
      %dma_wait3A_263 = tpu.memref_slice %arg4[%dma_wait3A_261, %dma_wait3A_262] : memref<10000x128xf32, #tpu.memory_space<hbm>> -> memref<10000x128xf32, #tpu.memory_space<hbm>>
      tpu.wait_indirect_dma semaphore(%arg16 : memref<!tpu.dma_semaphore, #tpu.memory_space<semaphore_mem>>) src(%dma_wait3A_263 : memref<10000x128xf32, #tpu.memory_space<hbm>>) dst(%arg11 : memref<125x128xf32, #tpu.memory_space<vmem>>)
      %add3A_264 = arith.constant 3 : i32
      %add3A_265 = arith.addi %mul3A_183, %add3A_264 : i32
      %dma_start3A_266 = arith.constant 0 : i32
      %dma_start3A_267 = tpu.memref_slice %arg7[%add3A_265, %dma_start3A_266] : memref<160x125xi32, #tpu.memory_space<vmem>> -> memref<1x125xi32, #tpu.memory_space<vmem>>
      %dma_start3A_268 = tpu.memref_squeeze %dma_start3A_267 : memref<1x125xi32, #tpu.memory_space<vmem>> -> memref<125xi32, #tpu.memory_space<vmem>>
      %dma_start3A_269 = arith.constant 0 : i32
      %dma_start3A_270 = arith.constant 0 : i32
      %dma_start3A_271 = tpu.memref_slice %arg12[%dma_start3A_269, %dma_start3A_270] : memref<2816x128xf32, #tpu.memory_space<vmem_shared>> -> memref<2816x128xf32, #tpu.memory_space<vmem_shared>>
      tpu.enqueue_indirect_dma source(%arg11 : memref<125x128xf32, #tpu.memory_space<vmem>>) target(%dma_start3A_271 : memref<2816x128xf32, #tpu.memory_space<vmem_shared>>) offsets(%dma_start3A_268 : memref<125xi32, #tpu.memory_space<vmem>>) semaphore(%arg20 : memref<!tpu.dma_semaphore, #tpu.memory_space<semaphore_mem>>) {add = true}
      %dma_wait3A_272 = arith.constant 0 : i32
      %dma_wait3A_273 = arith.constant 0 : i32
      %dma_wait3A_274 = tpu.memref_slice %arg7[%dma_wait3A_272, %dma_wait3A_273] : memref<160x125xi32, #tpu.memory_space<vmem>> -> memref<1x125xi32, #tpu.memory_space<vmem>>
      %dma_wait3A_275 = tpu.memref_squeeze %dma_wait3A_274 : memref<1x125xi32, #tpu.memory_space<vmem>> -> memref<125xi32, #tpu.memory_space<vmem>>
      %dma_wait3A_276 = arith.constant 0 : i32
      %dma_wait3A_277 = arith.constant 0 : i32
      %dma_wait3A_278 = tpu.memref_slice %arg12[%dma_wait3A_276, %dma_wait3A_277] : memref<2816x128xf32, #tpu.memory_space<vmem_shared>> -> memref<2816x128xf32, #tpu.memory_space<vmem_shared>>
      tpu.wait_indirect_dma semaphore(%arg17 : memref<!tpu.dma_semaphore, #tpu.memory_space<semaphore_mem>>) src(%arg8 : memref<125x128xf32, #tpu.memory_space<vmem>>) dst(%dma_wait3A_278 : memref<2816x128xf32, #tpu.memory_space<vmem_shared>>)
      %add3A_279 = arith.constant 4 : i32
      %add3A_280 = arith.addi %mul3A_183, %add3A_279 : i32
      %min3A = arith.constant 159 : i32
      %min3A_281 = arith.minsi %add3A_280, %min3A : i32
      %dma_start3A_282 = arith.constant 0 : i32
      %dma_start3A_283 = tpu.memref_slice %arg6[%min3A_281, %dma_start3A_282] : memref<160x125xi32, #tpu.memory_space<vmem>> -> memref<1x125xi32, #tpu.memory_space<vmem>>
      %dma_start3A_284 = tpu.memref_squeeze %dma_start3A_283 : memref<1x125xi32, #tpu.memory_space<vmem>> -> memref<125xi32, #tpu.memory_space<vmem>>
      %dma_start3A_285 = arith.constant 0 : i32
      %dma_start3A_286 = arith.constant 0 : i32
      %dma_start3A_287 = tpu.memref_slice %arg4[%dma_start3A_285, %dma_start3A_286] : memref<10000x128xf32, #tpu.memory_space<hbm>> -> memref<10000x128xf32, #tpu.memory_space<hbm>>
      tpu.enqueue_indirect_dma source(%dma_start3A_287 : memref<10000x128xf32, #tpu.memory_space<hbm>>) target(%arg8 : memref<125x128xf32, #tpu.memory_space<vmem>>) offsets(%dma_start3A_284 : memref<125xi32, #tpu.memory_space<vmem>>) semaphore(%arg13 : memref<!tpu.dma_semaphore, #tpu.memory_space<semaphore_mem>>)
      %dma_wait3A_288 = arith.constant 0 : i32
      %dma_wait3A_289 = arith.constant 0 : i32
      %dma_wait3A_290 = tpu.memref_slice %arg7[%dma_wait3A_288, %dma_wait3A_289] : memref<160x125xi32, #tpu.memory_space<vmem>> -> memref<1x125xi32, #tpu.memory_space<vmem>>
      %dma_wait3A_291 = tpu.memref_squeeze %dma_wait3A_290 : memref<1x125xi32, #tpu.memory_space<vmem>> -> memref<125xi32, #tpu.memory_space<vmem>>
      %dma_wait3A_292 = arith.constant 0 : i32
      %dma_wait3A_293 = arith.constant 0 : i32
      %dma_wait3A_294 = tpu.memref_slice %arg12[%dma_wait3A_292, %dma_wait3A_293] : memref<2816x128xf32, #tpu.memory_space<vmem_shared>> -> memref<2816x128xf32, #tpu.memory_space<vmem_shared>>
      tpu.wait_indirect_dma semaphore(%arg18 : memref<!tpu.dma_semaphore, #tpu.memory_space<semaphore_mem>>) src(%arg9 : memref<125x128xf32, #tpu.memory_space<vmem>>) dst(%dma_wait3A_294 : memref<2816x128xf32, #tpu.memory_space<vmem_shared>>)
      %add3A_295 = arith.constant 5 : i32
      %add3A_296 = arith.addi %mul3A_183, %add3A_295 : i32
      %min3A_297 = arith.constant 159 : i32
      %min3A_298 = arith.minsi %add3A_296, %min3A_297 : i32
      %dma_start3A_299 = arith.constant 0 : i32
      %dma_start3A_300 = tpu.memref_slice %arg6[%min3A_298, %dma_start3A_299] : memref<160x125xi32, #tpu.memory_space<vmem>> -> memref<1x125xi32, #tpu.memory_space<vmem>>
      %dma_start3A_301 = tpu.memref_squeeze %dma_start3A_300 : memref<1x125xi32, #tpu.memory_space<vmem>> -> memref<125xi32, #tpu.memory_space<vmem>>
      %dma_start3A_302 = arith.constant 0 : i32
      %dma_start3A_303 = arith.constant 0 : i32
      %dma_start3A_304 = tpu.memref_slice %arg4[%dma_start3A_302, %dma_start3A_303] : memref<10000x128xf32, #tpu.memory_space<hbm>> -> memref<10000x128xf32, #tpu.memory_space<hbm>>
      tpu.enqueue_indirect_dma source(%dma_start3A_304 : memref<10000x128xf32, #tpu.memory_space<hbm>>) target(%arg9 : memref<125x128xf32, #tpu.memory_space<vmem>>) offsets(%dma_start3A_301 : memref<125xi32, #tpu.memory_space<vmem>>) semaphore(%arg14 : memref<!tpu.dma_semaphore, #tpu.memory_space<semaphore_mem>>)
    }
    %scan3A_147 = arith.constant 39 : i32
    %dma_wait3A_148 = arith.constant 0 : i32
    %dma_wait3A_149 = arith.constant 0 : i32
    %dma_wait3A_150 = tpu.memref_slice %arg6[%dma_wait3A_148, %dma_wait3A_149] : memref<160x125xi32, #tpu.memory_space<vmem>> -> memref<1x125xi32, #tpu.memory_space<vmem>>
    %dma_wait3A_151 = tpu.memref_squeeze %dma_wait3A_150 : memref<1x125xi32, #tpu.memory_space<vmem>> -> memref<125xi32, #tpu.memory_space<vmem>>
    %dma_wait3A_152 = arith.constant 0 : i32
    %dma_wait3A_153 = arith.constant 0 : i32
    %dma_wait3A_154 = tpu.memref_slice %arg4[%dma_wait3A_152, %dma_wait3A_153] : memref<10000x128xf32, #tpu.memory_space<hbm>> -> memref<10000x128xf32, #tpu.memory_space<hbm>>
    tpu.wait_indirect_dma semaphore(%arg13 : memref<!tpu.dma_semaphore, #tpu.memory_space<semaphore_mem>>) src(%dma_wait3A_154 : memref<10000x128xf32, #tpu.memory_space<hbm>>) dst(%arg8 : memref<125x128xf32, #tpu.memory_space<vmem>>)
    %dma_wait3A_155 = arith.constant 0 : i32
    %dma_wait3A_156 = arith.constant 0 : i32
    %dma_wait3A_157 = tpu.memref_slice %arg6[%dma_wait3A_155, %dma_wait3A_156] : memref<160x125xi32, #tpu.memory_space<vmem>> -> memref<1x125xi32, #tpu.memory_space<vmem>>
    %dma_wait3A_158 = tpu.memref_squeeze %dma_wait3A_157 : memref<1x125xi32, #tpu.memory_space<vmem>> -> memref<125xi32, #tpu.memory_space<vmem>>
    %dma_wait3A_159 = arith.constant 0 : i32
    %dma_wait3A_160 = arith.constant 0 : i32
    %dma_wait3A_161 = tpu.memref_slice %arg4[%dma_wait3A_159, %dma_wait3A_160] : memref<10000x128xf32, #tpu.memory_space<hbm>> -> memref<10000x128xf32, #tpu.memory_space<hbm>>
    tpu.wait_indirect_dma semaphore(%arg14 : memref<!tpu.dma_semaphore, #tpu.memory_space<semaphore_mem>>) src(%dma_wait3A_161 : memref<10000x128xf32, #tpu.memory_space<hbm>>) dst(%arg9 : memref<125x128xf32, #tpu.memory_space<vmem>>)
    %dma_wait3A_162 = arith.constant 0 : i32
    %dma_wait3A_163 = arith.constant 0 : i32
    %dma_wait3A_164 = tpu.memref_slice %arg7[%dma_wait3A_162, %dma_wait3A_163] : memref<160x125xi32, #tpu.memory_space<vmem>> -> memref<1x125xi32, #tpu.memory_space<vmem>>
    %dma_wait3A_165 = tpu.memref_squeeze %dma_wait3A_164 : memref<1x125xi32, #tpu.memory_space<vmem>> -> memref<125xi32, #tpu.memory_space<vmem>>
    %dma_wait3A_166 = arith.constant 0 : i32
    %dma_wait3A_167 = arith.constant 0 : i32
    %dma_wait3A_168 = tpu.memref_slice %arg12[%dma_wait3A_166, %dma_wait3A_167] : memref<2816x128xf32, #tpu.memory_space<vmem_shared>> -> memref<2816x128xf32, #tpu.memory_space<vmem_shared>>
    tpu.wait_indirect_dma semaphore(%arg19 : memref<!tpu.dma_semaphore, #tpu.memory_space<semaphore_mem>>) src(%arg10 : memref<125x128xf32, #tpu.memory_space<vmem>>) dst(%dma_wait3A_168 : memref<2816x128xf32, #tpu.memory_space<vmem_shared>>)
    %dma_wait3A_169 = arith.constant 0 : i32
    %dma_wait3A_170 = arith.constant 0 : i32
    %dma_wait3A_171 = tpu.memref_slice %arg7[%dma_wait3A_169, %dma_wait3A_170] : memref<160x125xi32, #tpu.memory_space<vmem>> -> memref<1x125xi32, #tpu.memory_space<vmem>>
    %dma_wait3A_172 = tpu.memref_squeeze %dma_wait3A_171 : memref<1x125xi32, #tpu.memory_space<vmem>> -> memref<125xi32, #tpu.memory_space<vmem>>
    %dma_wait3A_173 = arith.constant 0 : i32
    %dma_wait3A_174 = arith.constant 0 : i32
    %dma_wait3A_175 = tpu.memref_slice %arg12[%dma_wait3A_173, %dma_wait3A_174] : memref<2816x128xf32, #tpu.memory_space<vmem_shared>> -> memref<2816x128xf32, #tpu.memory_space<vmem_shared>>
    tpu.wait_indirect_dma semaphore(%arg20 : memref<!tpu.dma_semaphore, #tpu.memory_space<semaphore_mem>>) src(%arg11 : memref<125x128xf32, #tpu.memory_space<vmem>>) dst(%dma_wait3A_175 : memref<2816x128xf32, #tpu.memory_space<vmem_shared>>)
    %barrier3A_176 = arith.constant 0 : index
    tpu.barrier barrier_id(%barrier3A_176)
    %mul3A_177 = arith.constant 160 : i32
    %mul3A_178 = arith.muli %arg1, %mul3A_177 : i32
    %mul3A_179 = arith.constant 160 : i32
    %mul3A_180 = arith.muli %arg1, %mul3A_179 : i32
    "tpu.region"() ({
      %run_scoped3A = tpu.sem_alloc : memref<!tpu.dma_semaphore, #tpu.memory_space<semaphore_mem>>
      %dma_start3A_181 = arith.constant 0 : i32
      %dma_start3A_182 = arith.constant 0 : i32
      %dma_start3A_183 = tpu.memref_slice %arg5[%arg0, %dma_start3A_181, %dma_start3A_182] : memref<2x2560x128xf32, #tpu.memory_space<hbm>> -> memref<1x2560x128xf32, #tpu.memory_space<hbm>>
      %dma_start3A_184 = tpu.memref_squeeze %dma_start3A_183 : memref<1x2560x128xf32, #tpu.memory_space<hbm>> -> memref<2560x128xf32, #tpu.memory_space<hbm>>
      %dma_start3A_185 = arith.constant 0 : i32
      %dma_start3A_186 = tpu.memref_slice %dma_start3A_184[%mul3A_180, %dma_start3A_185] : memref<2560x128xf32, #tpu.memory_space<hbm>> -> memref<160x128xf32, #tpu.memory_space<hbm>>
      %dma_start3A_187 = arith.constant 0 : i32
      %dma_start3A_188 = tpu.memref_slice %arg12[%mul3A_178, %dma_start3A_187] : memref<2816x128xf32, #tpu.memory_space<vmem_shared>> -> memref<160x128xf32, #tpu.memory_space<vmem_shared>>
      tpu.enqueue_dma source(%dma_start3A_188 : memref<160x128xf32, #tpu.memory_space<vmem_shared>>) target(%dma_start3A_186 : memref<160x128xf32, #tpu.memory_space<hbm>>) target_semaphore(%run_scoped3A : memref<!tpu.dma_semaphore, #tpu.memory_space<semaphore_mem>>)
      %dma_wait3A_189 = arith.constant 0 : i32
      %dma_wait3A_190 = arith.constant 0 : i32
      %dma_wait3A_191 = tpu.memref_slice %arg5[%arg0, %dma_wait3A_189, %dma_wait3A_190] : memref<2x2560x128xf32, #tpu.memory_space<hbm>> -> memref<1x2560x128xf32, #tpu.memory_space<hbm>>
      %dma_wait3A_192 = tpu.memref_squeeze %dma_wait3A_191 : memref<1x2560x128xf32, #tpu.memory_space<hbm>> -> memref<2560x128xf32, #tpu.memory_space<hbm>>
      %dma_wait3A_193 = arith.constant 0 : i32
      %dma_wait3A_194 = tpu.memref_slice %dma_wait3A_192[%mul3A_180, %dma_wait3A_193] : memref<2560x128xf32, #tpu.memory_space<hbm>> -> memref<160x128xf32, #tpu.memory_space<hbm>>
      %dma_wait3A_195 = arith.constant 0 : i32
      %dma_wait3A_196 = tpu.memref_slice %arg12[%mul3A_178, %dma_wait3A_195] : memref<2816x128xf32, #tpu.memory_space<vmem_shared>> -> memref<160x128xf32, #tpu.memory_space<vmem_shared>>
      tpu.wait_dma2 semaphore(%run_scoped3A : memref<!tpu.dma_semaphore, #tpu.memory_space<semaphore_mem>>) src(%dma_wait3A_196 : memref<160x128xf32, #tpu.memory_space<vmem_shared>>) dst(%dma_wait3A_194 : memref<160x128xf32, #tpu.memory_space<hbm>>)
      tpu.yield
    }) : () -> ()
    return
  }
}

#map = affine_map<(d0, d1) -> (0, 0)>
#map1 = affine_map<(d0, d1) -> (0)>
module attributes {stable_mosaic.version = 14 : i64} {
  func.func @_sc_degree_body(%arg0: i32, %arg1: i32, %arg2: memref<2560x125xi32, #tpu.memory_space<hbm>>, %arg3: memref<20000xf32, #tpu.memory_space<hbm>>, %arg4: memref<80x125xi32, #tpu.memory_space<vmem>>, %arg5: memref<128xf32, #tpu.memory_space<vmem>>, %arg6: memref<10000xf32, #tpu.memory_space<vmem>>, %arg7: memref<10000xf32, #tpu.memory_space<vmem_shared>>) attributes {dimension_semantics = [#tpu.dimension_semantics<core_parallel>, #tpu.dimension_semantics<subcore_parallel>], iteration_bounds = array<i64: 2, 16>, scalar_prefetch = 0 : i64, scratch_operands = 4 : i64, tpu.core_type = #tpu.core_type<sc_vector_subcore>, window_params = [{transform_indices = #map}, {transform_indices = #map1}]} {
    %mul3A = arith.constant 16 : i32
    %mul3A_0 = arith.muli %arg0, %mul3A : i32
    %add3A = arith.addi %mul3A_0, %arg1 : i32
    %scan3A = arith.constant 0 : i32
    %scan3A_1 = arith.constant 0 : i32
    %scan3A_2 = arith.constant 8 : i32
    %scan3A_3 = arith.addi %scan3A_1, %scan3A_2 : i32
    %scan3A_4 = arith.constant 1 : i32
    scf.for %scan3A_22 = %scan3A_1 to %scan3A_3 step %scan3A_4  : i32 {
      %broadcast_in_dim3A = arith.constant 1.000000e+00 : f32
      %broadcast_in_dim3A_23 = vector.broadcast %broadcast_in_dim3A : f32 to vector<16xf32>
      %mul3A_24 = arith.constant 16 : i32
      %mul3A_25 = arith.muli %scan3A_22, %mul3A_24 : i32
      %swap3A = arith.index_cast %mul3A_25 : i32 to index
      %swap3A_26 = tpu.vector_load %arg5[%swap3A] {strides = array<i32>} : memref<128xf32, #tpu.memory_space<vmem>>, vector<16xf32>,
      %swap3A_27 = vector.shape_cast %swap3A_26 : vector<16xf32> to vector<16xf32>
      %swap3A_28 = vector.shape_cast %broadcast_in_dim3A_23 : vector<16xf32> to vector<16xf32>
      tpu.vector_store %arg5[%swap3A], %swap3A_28 {strides = array<i32>} : memref<128xf32, #tpu.memory_space<vmem>>, vector<16xf32>,
    }
    %scan3A_5 = arith.constant 8 : i32
    %eq3A = arith.constant 0 : i32
    %eq3A_6 = arith.cmpi eq, %arg1, %eq3A : i32
    %convert_element_type3A = arith.extui %eq3A_6 : i1 to i32
    %cond3A = arith.constant 0 : i32
    %cond3A_7 = arith.cmpi ne, %convert_element_type3A, %cond3A : i32
    scf.if %cond3A_7 {
      %scan3A_22 = arith.constant 0 : i32
      %scan3A_23 = arith.constant 0 : i32
      %scan3A_24 = arith.constant 625 : i32
      %scan3A_25 = arith.addi %scan3A_23, %scan3A_24 : i32
      %scan3A_26 = arith.constant 1 : i32
      scf.for %scan3A_28 = %scan3A_23 to %scan3A_25 step %scan3A_26  : i32 {
        %broadcast_in_dim3A = arith.constant 0.000000e+00 : f32
        %broadcast_in_dim3A_29 = vector.broadcast %broadcast_in_dim3A : f32 to vector<16xf32>
        %mul3A_30 = arith.constant 16 : i32
        %mul3A_31 = arith.muli %scan3A_28, %mul3A_30 : i32
        %swap3A = arith.index_cast %mul3A_31 : i32 to index
        %swap3A_32 = tpu.vector_load %arg6[%swap3A] {strides = array<i32>} : memref<10000xf32, #tpu.memory_space<vmem>>, vector<16xf32>,
        %swap3A_33 = vector.shape_cast %swap3A_32 : vector<16xf32> to vector<16xf32>
        %swap3A_34 = vector.shape_cast %broadcast_in_dim3A_29 : vector<16xf32> to vector<16xf32>
        tpu.vector_store %arg6[%swap3A], %swap3A_34 {strides = array<i32>} : memref<10000xf32, #tpu.memory_space<vmem>>, vector<16xf32>,
      }
      %scan3A_27 = arith.constant 625 : i32
      "tpu.region"() ({
        %run_scoped3A = tpu.sem_alloc : memref<!tpu.dma_semaphore, #tpu.memory_space<semaphore_mem>>
        tpu.enqueue_dma source(%arg6 : memref<10000xf32, #tpu.memory_space<vmem>>) target(%arg7 : memref<10000xf32, #tpu.memory_space<vmem_shared>>) target_semaphore(%run_scoped3A : memref<!tpu.dma_semaphore, #tpu.memory_space<semaphore_mem>>)
        tpu.wait_dma2 semaphore(%run_scoped3A : memref<!tpu.dma_semaphore, #tpu.memory_space<semaphore_mem>>) src(%arg6 : memref<10000xf32, #tpu.memory_space<vmem>>) dst(%arg7 : memref<10000xf32, #tpu.memory_space<vmem_shared>>)
        tpu.yield
      }) : () -> ()
    } else {
    }
    %barrier3A = arith.constant 0 : index
    tpu.barrier barrier_id(%barrier3A)
    %mul3A_8 = arith.constant 80 : i32
    %mul3A_9 = arith.muli %add3A, %mul3A_8 : i32
    "tpu.region"() ({
      %run_scoped3A = tpu.sem_alloc : memref<!tpu.dma_semaphore, #tpu.memory_space<semaphore_mem>>
      %dma_start3A = arith.constant 0 : i32
      %dma_start3A_22 = tpu.memref_slice %arg2[%mul3A_9, %dma_start3A] : memref<2560x125xi32, #tpu.memory_space<hbm>> -> memref<80x125xi32, #tpu.memory_space<hbm>>
      %dma_start3A_23 = arith.constant 0 : i32
      %dma_start3A_24 = tpu.memref_slice %arg2[%mul3A_9, %dma_start3A_23] : memref<2560x125xi32, #tpu.memory_space<hbm>> -> memref<80x125xi32, #tpu.memory_space<hbm>>
      tpu.enqueue_dma source(%dma_start3A_24 : memref<80x125xi32, #tpu.memory_space<hbm>>) target(%arg4 : memref<80x125xi32, #tpu.memory_space<vmem>>) target_semaphore(%run_scoped3A : memref<!tpu.dma_semaphore, #tpu.memory_space<semaphore_mem>>)
      %dma_wait3A = arith.constant 0 : i32
      %dma_wait3A_25 = tpu.memref_slice %arg2[%mul3A_9, %dma_wait3A] : memref<2560x125xi32, #tpu.memory_space<hbm>> -> memref<80x125xi32, #tpu.memory_space<hbm>>
      %dma_wait3A_26 = arith.constant 0 : i32
      %dma_wait3A_27 = tpu.memref_slice %arg2[%mul3A_9, %dma_wait3A_26] : memref<2560x125xi32, #tpu.memory_space<hbm>> -> memref<80x125xi32, #tpu.memory_space<hbm>>
      tpu.wait_dma2 semaphore(%run_scoped3A : memref<!tpu.dma_semaphore, #tpu.memory_space<semaphore_mem>>) src(%dma_wait3A_27 : memref<80x125xi32, #tpu.memory_space<hbm>>) dst(%arg4 : memref<80x125xi32, #tpu.memory_space<vmem>>)
      tpu.yield
    }) : () -> ()
    %scan3A_10 = arith.constant 0 : i32
    %scan3A_11 = arith.constant 0 : i32
    %scan3A_12 = arith.constant 80 : i32
    %scan3A_13 = arith.addi %scan3A_11, %scan3A_12 : i32
    %scan3A_14 = arith.constant 1 : i32
    scf.for %scan3A_22 = %scan3A_11 to %scan3A_13 step %scan3A_14  : i32 {
      "tpu.region"() ({
        %run_scoped3A = tpu.sem_alloc : memref<!tpu.dma_semaphore, #tpu.memory_space<semaphore_mem>>
        %dma_start3A = arith.constant 0 : i32
        %dma_start3A_23 = tpu.memref_slice %arg5[%dma_start3A] : memref<128xf32, #tpu.memory_space<vmem>> -> memref<125xf32, #tpu.memory_space<vmem>>
        %dma_start3A_24 = arith.constant 0 : i32
        %dma_start3A_25 = tpu.memref_slice %arg4[%scan3A_22, %dma_start3A_24] : memref<80x125xi32, #tpu.memory_space<vmem>> -> memref<1x125xi32, #tpu.memory_space<vmem>>
        %dma_start3A_26 = tpu.memref_squeeze %dma_start3A_25 : memref<1x125xi32, #tpu.memory_space<vmem>> -> memref<125xi32, #tpu.memory_space<vmem>>
        %dma_start3A_27 = arith.constant 0 : i32
        %dma_start3A_28 = tpu.memref_slice %arg7[%dma_start3A_27] : memref<10000xf32, #tpu.memory_space<vmem_shared>> -> memref<10000xf32, #tpu.memory_space<vmem_shared>>
        tpu.enqueue_indirect_dma source(%dma_start3A_23 : memref<125xf32, #tpu.memory_space<vmem>>) target(%dma_start3A_28 : memref<10000xf32, #tpu.memory_space<vmem_shared>>) offsets(%dma_start3A_26 : memref<125xi32, #tpu.memory_space<vmem>>) semaphore(%run_scoped3A : memref<!tpu.dma_semaphore, #tpu.memory_space<semaphore_mem>>) {add = true}
        %dma_wait3A = arith.constant 0 : i32
        %dma_wait3A_29 = tpu.memref_slice %arg5[%dma_wait3A] : memref<128xf32, #tpu.memory_space<vmem>> -> memref<125xf32, #tpu.memory_space<vmem>>
        %dma_wait3A_30 = arith.constant 0 : i32
        %dma_wait3A_31 = tpu.memref_slice %arg4[%scan3A_22, %dma_wait3A_30] : memref<80x125xi32, #tpu.memory_space<vmem>> -> memref<1x125xi32, #tpu.memory_space<vmem>>
        %dma_wait3A_32 = tpu.memref_squeeze %dma_wait3A_31 : memref<1x125xi32, #tpu.memory_space<vmem>> -> memref<125xi32, #tpu.memory_space<vmem>>
        %dma_wait3A_33 = arith.constant 0 : i32
        %dma_wait3A_34 = tpu.memref_slice %arg7[%dma_wait3A_33] : memref<10000xf32, #tpu.memory_space<vmem_shared>> -> memref<10000xf32, #tpu.memory_space<vmem_shared>>
        tpu.wait_indirect_dma semaphore(%run_scoped3A : memref<!tpu.dma_semaphore, #tpu.memory_space<semaphore_mem>>) src(%dma_wait3A_29 : memref<125xf32, #tpu.memory_space<vmem>>) dst(%dma_wait3A_34 : memref<10000xf32, #tpu.memory_space<vmem_shared>>)
        tpu.yield
      }) : () -> ()
    }
    %scan3A_15 = arith.constant 80 : i32
    %barrier3A_16 = arith.constant 0 : index
    tpu.barrier barrier_id(%barrier3A_16)
    %eq3A_17 = arith.constant 0 : i32
    %eq3A_18 = arith.cmpi eq, %arg1, %eq3A_17 : i32
    %convert_element_type3A_19 = arith.extui %eq3A_18 : i1 to i32
    %cond3A_20 = arith.constant 0 : i32
    %cond3A_21 = arith.cmpi ne, %convert_element_type3A_19, %cond3A_20 : i32
    scf.if %cond3A_21 {
      "tpu.region"() ({
        %run_scoped3A = tpu.sem_alloc : memref<!tpu.dma_semaphore, #tpu.memory_space<semaphore_mem>>
        tpu.enqueue_dma source(%arg7 : memref<10000xf32, #tpu.memory_space<vmem_shared>>) target(%arg6 : memref<10000xf32, #tpu.memory_space<vmem>>) target_semaphore(%run_scoped3A : memref<!tpu.dma_semaphore, #tpu.memory_space<semaphore_mem>>)
        tpu.wait_dma2 semaphore(%run_scoped3A : memref<!tpu.dma_semaphore, #tpu.memory_space<semaphore_mem>>) src(%arg7 : memref<10000xf32, #tpu.memory_space<vmem_shared>>) dst(%arg6 : memref<10000xf32, #tpu.memory_space<vmem>>)
        tpu.yield
      }) : () -> ()
      %mul3A_22 = arith.constant 10000 : i32
      %mul3A_23 = arith.muli %arg0, %mul3A_22 : i32
      "tpu.region"() ({
        %run_scoped3A = tpu.sem_alloc : memref<!tpu.dma_semaphore, #tpu.memory_space<semaphore_mem>>
        %dma_start3A = tpu.memref_slice %arg3[%mul3A_23] : memref<20000xf32, #tpu.memory_space<hbm>> -> memref<10000xf32, #tpu.memory_space<hbm>>
        %dma_start3A_24 = tpu.memref_slice %arg3[%mul3A_23] : memref<20000xf32, #tpu.memory_space<hbm>> -> memref<10000xf32, #tpu.memory_space<hbm>>
        tpu.enqueue_dma source(%arg6 : memref<10000xf32, #tpu.memory_space<vmem>>) target(%dma_start3A_24 : memref<10000xf32, #tpu.memory_space<hbm>>) target_semaphore(%run_scoped3A : memref<!tpu.dma_semaphore, #tpu.memory_space<semaphore_mem>>)
        %dma_wait3A = tpu.memref_slice %arg3[%mul3A_23] : memref<20000xf32, #tpu.memory_space<hbm>> -> memref<10000xf32, #tpu.memory_space<hbm>>
        %dma_wait3A_25 = tpu.memref_slice %arg3[%mul3A_23] : memref<20000xf32, #tpu.memory_space<hbm>> -> memref<10000xf32, #tpu.memory_space<hbm>>
        tpu.wait_dma2 semaphore(%run_scoped3A : memref<!tpu.dma_semaphore, #tpu.memory_space<semaphore_mem>>) src(%arg6 : memref<10000xf32, #tpu.memory_space<vmem>>) dst(%dma_wait3A_25 : memref<10000xf32, #tpu.memory_space<hbm>>)
        tpu.yield
      }) : () -> ()
    } else {
    }
    return
  }
}

#map = affine_map<(d0, d1) -> (0, 0)>
#map1 = affine_map<(d0, d1) -> (0, 0, 0)>
module attributes {stable_mosaic.version = 14 : i64} {
  func.func @_sc_agg_body(%arg0: i32, %arg1: i32, %arg2: memref<2560x125xi32, #tpu.memory_space<hbm>>, %arg3: memref<2560x125xi32, #tpu.memory_space<hbm>>, %arg4: memref<10000x128xf32, #tpu.memory_space<hbm>>, %arg5: memref<2x2560x128xf32, #tpu.memory_space<hbm>>, %arg6: memref<160x125xi32, #tpu.memory_space<vmem>>, %arg7: memref<160x125xi32, #tpu.memory_space<vmem>>, %arg8: memref<125x128xf32, #tpu.memory_space<vmem>>, %arg9: memref<125x128xf32, #tpu.memory_space<vmem>>, %arg10: memref<125x128xf32, #tpu.memory_space<vmem>>, %arg11: memref<125x128xf32, #tpu.memory_space<vmem>>, %arg12: memref<2816x128xf32, #tpu.memory_space<vmem_shared>>, %arg13: memref<!tpu.dma_semaphore, #tpu.memory_space<semaphore_mem>>, %arg14: memref<!tpu.dma_semaphore, #tpu.memory_space<semaphore_mem>>, %arg15: memref<!tpu.dma_semaphore, #tpu.memory_space<semaphore_mem>>, %arg16: memref<!tpu.dma_semaphore, #tpu.memory_space<semaphore_mem>>, %arg17: memref<!tpu.dma_semaphore, #tpu.memory_space<semaphore_mem>>, %arg18: memref<!tpu.dma_semaphore, #tpu.memory_space<semaphore_mem>>, %arg19: memref<!tpu.dma_semaphore, #tpu.memory_space<semaphore_mem>>, %arg20: memref<!tpu.dma_semaphore, #tpu.memory_space<semaphore_mem>>) attributes {dimension_semantics = [#tpu.dimension_semantics<core_parallel>, #tpu.dimension_semantics<subcore_parallel>], iteration_bounds = array<i64: 2, 16>, scalar_prefetch = 0 : i64, scratch_operands = 15 : i64, tpu.core_type = #tpu.core_type<sc_vector_subcore>, window_params = [{transform_indices = #map}, {transform_indices = #map}, {transform_indices = #map}, {transform_indices = #map1}]} {
    %mul3A = arith.constant 2560 : i32
    %mul3A_0 = arith.muli %arg0, %mul3A : i32
    %add3A = arith.constant 5120 : i32
    %add3A_1 = arith.addi %add3A, %mul3A_0 : i32
    %mul3A_2 = arith.constant 16 : i32
    %mul3A_3 = arith.muli %mul3A_2, %arg1 : i32
    %add3A_4 = arith.constant 2560 : i32
    %add3A_5 = arith.addi %add3A_4, %mul3A_3 : i32
    %iota3A = tpu.iota {dimensions = array<i32: 0>} : vector<16xi32>
    %add3A_6 = vector.broadcast %add3A_5 : i32 to vector<16xi32>
    %add3A_7 = arith.addi %add3A_6, %iota3A : vector<16xi32>
    %scan3A = arith.constant 0 : i32
    %scan3A_8 = arith.constant 0 : i32
    %scan3A_9 = arith.constant 88 : i32
    %scan3A_10 = arith.addi %scan3A_8, %scan3A_9 : i32
    %scan3A_11 = arith.constant 1 : i32
    scf.for %scan3A_181 = %scan3A_8 to %scan3A_10 step %scan3A_11  : i32 {
      %broadcast_in_dim3A = arith.constant 0.000000e+00 : f32
      %broadcast_in_dim3A_182 = vector.broadcast %broadcast_in_dim3A : f32 to vector<16xf32>
      %swap3A = arith.index_cast %scan3A_181 : i32 to index
      %swap3A_183 = arith.constant 0 : index
      %swap3A_184 = tpu.vector_load %arg8[%swap3A, %swap3A_183] {strides = array<i32>} : memref<125x128xf32, #tpu.memory_space<vmem>>, vector<1x16xf32>,
      %swap3A_185 = vector.shape_cast %swap3A_184 : vector<1x16xf32> to vector<16xf32>
      %swap3A_186 = vector.shape_cast %broadcast_in_dim3A_182 : vector<16xf32> to vector<1x16xf32>
      tpu.vector_store %arg8[%swap3A, %swap3A_183], %swap3A_186 {strides = array<i32>} : memref<125x128xf32, #tpu.memory_space<vmem>>, vector<1x16xf32>,
      %broadcast_in_dim3A_187 = arith.constant 0.000000e+00 : f32
      %broadcast_in_dim3A_188 = vector.broadcast %broadcast_in_dim3A_187 : f32 to vector<16xf32>
      %swap3A_189 = arith.index_cast %scan3A_181 : i32 to index
      %swap3A_190 = arith.constant 16 : index
      %swap3A_191 = tpu.vector_load %arg8[%swap3A_189, %swap3A_190] {strides = array<i32>} : memref<125x128xf32, #tpu.memory_space<vmem>>, vector<1x16xf32>,
      %swap3A_192 = vector.shape_cast %swap3A_191 : vector<1x16xf32> to vector<16xf32>
      %swap3A_193 = vector.shape_cast %broadcast_in_dim3A_188 : vector<16xf32> to vector<1x16xf32>
      tpu.vector_store %arg8[%swap3A_189, %swap3A_190], %swap3A_193 {strides = array<i32>} : memref<125x128xf32, #tpu.memory_space<vmem>>, vector<1x16xf32>,
      %broadcast_in_dim3A_194 = arith.constant 0.000000e+00 : f32
      %broadcast_in_dim3A_195 = vector.broadcast %broadcast_in_dim3A_194 : f32 to vector<16xf32>
      %swap3A_196 = arith.index_cast %scan3A_181 : i32 to index
      %swap3A_197 = arith.constant 32 : index
      %swap3A_198 = tpu.vector_load %arg8[%swap3A_196, %swap3A_197] {strides = array<i32>} : memref<125x128xf32, #tpu.memory_space<vmem>>, vector<1x16xf32>,
      %swap3A_199 = vector.shape_cast %swap3A_198 : vector<1x16xf32> to vector<16xf32>
      %swap3A_200 = vector.shape_cast %broadcast_in_dim3A_195 : vector<16xf32> to vector<1x16xf32>
      tpu.vector_store %arg8[%swap3A_196, %swap3A_197], %swap3A_200 {strides = array<i32>} : memref<125x128xf32, #tpu.memory_space<vmem>>, vector<1x16xf32>,
      %broadcast_in_dim3A_201 = arith.constant 0.000000e+00 : f32
      %broadcast_in_dim3A_202 = vector.broadcast %broadcast_in_dim3A_201 : f32 to vector<16xf32>
      %swap3A_203 = arith.index_cast %scan3A_181 : i32 to index
      %swap3A_204 = arith.constant 48 : index
      %swap3A_205 = tpu.vector_load %arg8[%swap3A_203, %swap3A_204] {strides = array<i32>} : memref<125x128xf32, #tpu.memory_space<vmem>>, vector<1x16xf32>,
      %swap3A_206 = vector.shape_cast %swap3A_205 : vector<1x16xf32> to vector<16xf32>
      %swap3A_207 = vector.shape_cast %broadcast_in_dim3A_202 : vector<16xf32> to vector<1x16xf32>
      tpu.vector_store %arg8[%swap3A_203, %swap3A_204], %swap3A_207 {strides = array<i32>} : memref<125x128xf32, #tpu.memory_space<vmem>>, vector<1x16xf32>,
      %broadcast_in_dim3A_208 = arith.constant 0.000000e+00 : f32
      %broadcast_in_dim3A_209 = vector.broadcast %broadcast_in_dim3A_208 : f32 to vector<16xf32>
      %swap3A_210 = arith.index_cast %scan3A_181 : i32 to index
      %swap3A_211 = arith.constant 64 : index
      %swap3A_212 = tpu.vector_load %arg8[%swap3A_210, %swap3A_211] {strides = array<i32>} : memref<125x128xf32, #tpu.memory_space<vmem>>, vector<1x16xf32>,
      %swap3A_213 = vector.shape_cast %swap3A_212 : vector<1x16xf32> to vector<16xf32>
      %swap3A_214 = vector.shape_cast %broadcast_in_dim3A_209 : vector<16xf32> to vector<1x16xf32>
      tpu.vector_store %arg8[%swap3A_210, %swap3A_211], %swap3A_214 {strides = array<i32>} : memref<125x128xf32, #tpu.memory_space<vmem>>, vector<1x16xf32>,
      %broadcast_in_dim3A_215 = arith.constant 0.000000e+00 : f32
      %broadcast_in_dim3A_216 = vector.broadcast %broadcast_in_dim3A_215 : f32 to vector<16xf32>
      %swap3A_217 = arith.index_cast %scan3A_181 : i32 to index
      %swap3A_218 = arith.constant 80 : index
      %swap3A_219 = tpu.vector_load %arg8[%swap3A_217, %swap3A_218] {strides = array<i32>} : memref<125x128xf32, #tpu.memory_space<vmem>>, vector<1x16xf32>,
      %swap3A_220 = vector.shape_cast %swap3A_219 : vector<1x16xf32> to vector<16xf32>
      %swap3A_221 = vector.shape_cast %broadcast_in_dim3A_216 : vector<16xf32> to vector<1x16xf32>
      tpu.vector_store %arg8[%swap3A_217, %swap3A_218], %swap3A_221 {strides = array<i32>} : memref<125x128xf32, #tpu.memory_space<vmem>>, vector<1x16xf32>,
      %broadcast_in_dim3A_222 = arith.constant 0.000000e+00 : f32
      %broadcast_in_dim3A_223 = vector.broadcast %broadcast_in_dim3A_222 : f32 to vector<16xf32>
      %swap3A_224 = arith.index_cast %scan3A_181 : i32 to index
      %swap3A_225 = arith.constant 96 : index
      %swap3A_226 = tpu.vector_load %arg8[%swap3A_224, %swap3A_225] {strides = array<i32>} : memref<125x128xf32, #tpu.memory_space<vmem>>, vector<1x16xf32>,
      %swap3A_227 = vector.shape_cast %swap3A_226 : vector<1x16xf32> to vector<16xf32>
      %swap3A_228 = vector.shape_cast %broadcast_in_dim3A_223 : vector<16xf32> to vector<1x16xf32>
      tpu.vector_store %arg8[%swap3A_224, %swap3A_225], %swap3A_228 {strides = array<i32>} : memref<125x128xf32, #tpu.memory_space<vmem>>, vector<1x16xf32>,
      %broadcast_in_dim3A_229 = arith.constant 0.000000e+00 : f32
      %broadcast_in_dim3A_230 = vector.broadcast %broadcast_in_dim3A_229 : f32 to vector<16xf32>
      %swap3A_231 = arith.index_cast %scan3A_181 : i32 to index
      %swap3A_232 = arith.constant 112 : index
      %swap3A_233 = tpu.vector_load %arg8[%swap3A_231, %swap3A_232] {strides = array<i32>} : memref<125x128xf32, #tpu.memory_space<vmem>>, vector<1x16xf32>,
      %swap3A_234 = vector.shape_cast %swap3A_233 : vector<1x16xf32> to vector<16xf32>
      %swap3A_235 = vector.shape_cast %broadcast_in_dim3A_230 : vector<16xf32> to vector<1x16xf32>
      tpu.vector_store %arg8[%swap3A_231, %swap3A_232], %swap3A_235 {strides = array<i32>} : memref<125x128xf32, #tpu.memory_space<vmem>>, vector<1x16xf32>,
    }
    %scan3A_12 = arith.constant 88 : i32
    %mul3A_13 = arith.constant 176 : i32
    %mul3A_14 = arith.muli %arg1, %mul3A_13 : i32
    %add3A_15 = arith.constant 0 : i32
    %add3A_16 = arith.addi %mul3A_14, %add3A_15 : i32
    "tpu.region"() ({
      %run_scoped3A = tpu.sem_alloc : memref<!tpu.dma_semaphore, #tpu.memory_space<semaphore_mem>>
      %dma_start3A_181 = arith.constant 0 : i32
      %dma_start3A_182 = arith.constant 0 : i32
      %dma_start3A_183 = tpu.memref_slice %arg8[%dma_start3A_181, %dma_start3A_182] : memref<125x128xf32, #tpu.memory_space<vmem>> -> memref<88x128xf32, #tpu.memory_space<vmem>>
      %dma_start3A_184 = arith.constant 0 : i32
      %dma_start3A_185 = tpu.memref_slice %arg12[%add3A_16, %dma_start3A_184] : memref<2816x128xf32, #tpu.memory_space<vmem_shared>> -> memref<88x128xf32, #tpu.memory_space<vmem_shared>>
      %dma_start3A_186 = arith.constant 0 : i32
      %dma_start3A_187 = tpu.memref_slice %arg12[%add3A_16, %dma_start3A_186] : memref<2816x128xf32, #tpu.memory_space<vmem_shared>> -> memref<88x128xf32, #tpu.memory_space<vmem_shared>>
      %dma_start3A_188 = arith.constant 0 : i32
      %dma_start3A_189 = arith.constant 0 : i32
      %dma_start3A_190 = tpu.memref_slice %arg8[%dma_start3A_188, %dma_start3A_189] : memref<125x128xf32, #tpu.memory_space<vmem>> -> memref<88x128xf32, #tpu.memory_space<vmem>>
      tpu.enqueue_dma source(%dma_start3A_190 : memref<88x128xf32, #tpu.memory_space<vmem>>) target(%dma_start3A_187 : memref<88x128xf32, #tpu.memory_space<vmem_shared>>) target_semaphore(%run_scoped3A : memref<!tpu.dma_semaphore, #tpu.memory_space<semaphore_mem>>)
      %dma_wait3A_191 = arith.constant 0 : i32
      %dma_wait3A_192 = arith.constant 0 : i32
      %dma_wait3A_193 = tpu.memref_slice %arg8[%dma_wait3A_191, %dma_wait3A_192] : memref<125x128xf32, #tpu.memory_space<vmem>> -> memref<88x128xf32, #tpu.memory_space<vmem>>
      %dma_wait3A_194 = arith.constant 0 : i32
      %dma_wait3A_195 = tpu.memref_slice %arg12[%add3A_16, %dma_wait3A_194] : memref<2816x128xf32, #tpu.memory_space<vmem_shared>> -> memref<88x128xf32, #tpu.memory_space<vmem_shared>>
      %dma_wait3A_196 = arith.constant 0 : i32
      %dma_wait3A_197 = tpu.memref_slice %arg12[%add3A_16, %dma_wait3A_196] : memref<2816x128xf32, #tpu.memory_space<vmem_shared>> -> memref<88x128xf32, #tpu.memory_space<vmem_shared>>
      %dma_wait3A_198 = arith.constant 0 : i32
      %dma_wait3A_199 = arith.constant 0 : i32
      %dma_wait3A_200 = tpu.memref_slice %arg8[%dma_wait3A_198, %dma_wait3A_199] : memref<125x128xf32, #tpu.memory_space<vmem>> -> memref<88x128xf32, #tpu.memory_space<vmem>>
      tpu.wait_dma2 semaphore(%run_scoped3A : memref<!tpu.dma_semaphore, #tpu.memory_space<semaphore_mem>>) src(%dma_wait3A_200 : memref<88x128xf32, #tpu.memory_space<vmem>>) dst(%dma_wait3A_197 : memref<88x128xf32, #tpu.memory_space<vmem_shared>>)
      tpu.yield
    }) : () -> ()
    %mul3A_17 = arith.constant 176 : i32
    %mul3A_18 = arith.muli %arg1, %mul3A_17 : i32
    %add3A_19 = arith.constant 88 : i32
    %add3A_20 = arith.addi %mul3A_18, %add3A_19 : i32
    "tpu.region"() ({
      %run_scoped3A = tpu.sem_alloc : memref<!tpu.dma_semaphore, #tpu.memory_space<semaphore_mem>>
      %dma_start3A_181 = arith.constant 0 : i32
      %dma_start3A_182 = arith.constant 0 : i32
      %dma_start3A_183 = tpu.memref_slice %arg8[%dma_start3A_181, %dma_start3A_182] : memref<125x128xf32, #tpu.memory_space<vmem>> -> memref<88x128xf32, #tpu.memory_space<vmem>>
      %dma_start3A_184 = arith.constant 0 : i32
      %dma_start3A_185 = tpu.memref_slice %arg12[%add3A_20, %dma_start3A_184] : memref<2816x128xf32, #tpu.memory_space<vmem_shared>> -> memref<88x128xf32, #tpu.memory_space<vmem_shared>>
      %dma_start3A_186 = arith.constant 0 : i32
      %dma_start3A_187 = tpu.memref_slice %arg12[%add3A_20, %dma_start3A_186] : memref<2816x128xf32, #tpu.memory_space<vmem_shared>> -> memref<88x128xf32, #tpu.memory_space<vmem_shared>>
      %dma_start3A_188 = arith.constant 0 : i32
      %dma_start3A_189 = arith.constant 0 : i32
      %dma_start3A_190 = tpu.memref_slice %arg8[%dma_start3A_188, %dma_start3A_189] : memref<125x128xf32, #tpu.memory_space<vmem>> -> memref<88x128xf32, #tpu.memory_space<vmem>>
      tpu.enqueue_dma source(%dma_start3A_190 : memref<88x128xf32, #tpu.memory_space<vmem>>) target(%dma_start3A_187 : memref<88x128xf32, #tpu.memory_space<vmem_shared>>) target_semaphore(%run_scoped3A : memref<!tpu.dma_semaphore, #tpu.memory_space<semaphore_mem>>)
      %dma_wait3A_191 = arith.constant 0 : i32
      %dma_wait3A_192 = arith.constant 0 : i32
      %dma_wait3A_193 = tpu.memref_slice %arg8[%dma_wait3A_191, %dma_wait3A_192] : memref<125x128xf32, #tpu.memory_space<vmem>> -> memref<88x128xf32, #tpu.memory_space<vmem>>
      %dma_wait3A_194 = arith.constant 0 : i32
      %dma_wait3A_195 = tpu.memref_slice %arg12[%add3A_20, %dma_wait3A_194] : memref<2816x128xf32, #tpu.memory_space<vmem_shared>> -> memref<88x128xf32, #tpu.memory_space<vmem_shared>>
      %dma_wait3A_196 = arith.constant 0 : i32
      %dma_wait3A_197 = tpu.memref_slice %arg12[%add3A_20, %dma_wait3A_196] : memref<2816x128xf32, #tpu.memory_space<vmem_shared>> -> memref<88x128xf32, #tpu.memory_space<vmem_shared>>
      %dma_wait3A_198 = arith.constant 0 : i32
      %dma_wait3A_199 = arith.constant 0 : i32
      %dma_wait3A_200 = tpu.memref_slice %arg8[%dma_wait3A_198, %dma_wait3A_199] : memref<125x128xf32, #tpu.memory_space<vmem>> -> memref<88x128xf32, #tpu.memory_space<vmem>>
      tpu.wait_dma2 semaphore(%run_scoped3A : memref<!tpu.dma_semaphore, #tpu.memory_space<semaphore_mem>>) src(%dma_wait3A_200 : memref<88x128xf32, #tpu.memory_space<vmem>>) dst(%dma_wait3A_197 : memref<88x128xf32, #tpu.memory_space<vmem_shared>>)
      tpu.yield
    }) : () -> ()
    %mul3A_21 = arith.constant 160 : i32
    %mul3A_22 = arith.muli %arg1, %mul3A_21 : i32
    "tpu.region"() ({
      %run_scoped3A = tpu.sem_alloc : memref<!tpu.dma_semaphore, #tpu.memory_space<semaphore_mem>>
      %dma_start3A_181 = arith.constant 0 : i32
      %dma_start3A_182 = tpu.memref_slice %arg2[%mul3A_22, %dma_start3A_181] : memref<2560x125xi32, #tpu.memory_space<hbm>> -> memref<160x125xi32, #tpu.memory_space<hbm>>
      %dma_start3A_183 = arith.constant 0 : i32
      %dma_start3A_184 = tpu.memref_slice %arg2[%mul3A_22, %dma_start3A_183] : memref<2560x125xi32, #tpu.memory_space<hbm>> -> memref<160x125xi32, #tpu.memory_space<hbm>>
      tpu.enqueue_dma source(%dma_start3A_184 : memref<160x125xi32, #tpu.memory_space<hbm>>) target(%arg6 : memref<160x125xi32, #tpu.memory_space<vmem>>) target_semaphore(%run_scoped3A : memref<!tpu.dma_semaphore, #tpu.memory_space<semaphore_mem>>)
      %dma_wait3A_185 = arith.constant 0 : i32
      %dma_wait3A_186 = tpu.memref_slice %arg2[%mul3A_22, %dma_wait3A_185] : memref<2560x125xi32, #tpu.memory_space<hbm>> -> memref<160x125xi32, #tpu.memory_space<hbm>>
      %dma_wait3A_187 = arith.constant 0 : i32
      %dma_wait3A_188 = tpu.memref_slice %arg2[%mul3A_22, %dma_wait3A_187] : memref<2560x125xi32, #tpu.memory_space<hbm>> -> memref<160x125xi32, #tpu.memory_space<hbm>>
      tpu.wait_dma2 semaphore(%run_scoped3A : memref<!tpu.dma_semaphore, #tpu.memory_space<semaphore_mem>>) src(%dma_wait3A_188 : memref<160x125xi32, #tpu.memory_space<hbm>>) dst(%arg6 : memref<160x125xi32, #tpu.memory_space<vmem>>)
      tpu.yield
    }) : () -> ()
    %mul3A_23 = arith.constant 160 : i32
    %mul3A_24 = arith.muli %arg1, %mul3A_23 : i32
    "tpu.region"() ({
      %run_scoped3A = tpu.sem_alloc : memref<!tpu.dma_semaphore, #tpu.memory_space<semaphore_mem>>
      %dma_start3A_181 = arith.constant 0 : i32
      %dma_start3A_182 = tpu.memref_slice %arg3[%mul3A_24, %dma_start3A_181] : memref<2560x125xi32, #tpu.memory_space<hbm>> -> memref<160x125xi32, #tpu.memory_space<hbm>>
      %dma_start3A_183 = arith.constant 0 : i32
      %dma_start3A_184 = tpu.memref_slice %arg3[%mul3A_24, %dma_start3A_183] : memref<2560x125xi32, #tpu.memory_space<hbm>> -> memref<160x125xi32, #tpu.memory_space<hbm>>
      tpu.enqueue_dma source(%dma_start3A_184 : memref<160x125xi32, #tpu.memory_space<hbm>>) target(%arg7 : memref<160x125xi32, #tpu.memory_space<vmem>>) target_semaphore(%run_scoped3A : memref<!tpu.dma_semaphore, #tpu.memory_space<semaphore_mem>>)
      %dma_wait3A_185 = arith.constant 0 : i32
      %dma_wait3A_186 = tpu.memref_slice %arg3[%mul3A_24, %dma_wait3A_185] : memref<2560x125xi32, #tpu.memory_space<hbm>> -> memref<160x125xi32, #tpu.memory_space<hbm>>
      %dma_wait3A_187 = arith.constant 0 : i32
      %dma_wait3A_188 = tpu.memref_slice %arg3[%mul3A_24, %dma_wait3A_187] : memref<2560x125xi32, #tpu.memory_space<hbm>> -> memref<160x125xi32, #tpu.memory_space<hbm>>
      tpu.wait_dma2 semaphore(%run_scoped3A : memref<!tpu.dma_semaphore, #tpu.memory_space<semaphore_mem>>) src(%dma_wait3A_188 : memref<160x125xi32, #tpu.memory_space<hbm>>) dst(%arg7 : memref<160x125xi32, #tpu.memory_space<vmem>>)
      tpu.yield
    }) : () -> ()
    %iota3A_25 = tpu.iota {dimensions = array<i32: 0>} : vector<16xi32>
    %scan3A_26 = arith.constant 0 : i32
    %scan3A_27 = arith.constant 0 : i32
    %scan3A_28 = arith.constant 160 : i32
    %scan3A_29 = arith.addi %scan3A_27, %scan3A_28 : i32
    %scan3A_30 = arith.constant 1 : i32
    scf.for %scan3A_181 = %scan3A_27 to %scan3A_29 step %scan3A_30  : i32 {
      %get3A = arith.index_cast %scan3A_181 : i32 to index
      %get3A_182 = arith.constant 0 : index
      %get3A_183 = tpu.vector_load %arg7[%get3A, %get3A_182] {strides = array<i32>} : memref<160x125xi32, #tpu.memory_space<vmem>>, vector<1x16xi32>,
      %get3A_184 = vector.shape_cast %get3A_183 : vector<1x16xi32> to vector<16xi32>
      %sub3A = vector.broadcast %add3A_1 : i32 to vector<16xi32>
      %sub3A_185 = arith.subi %get3A_184, %sub3A : vector<16xi32>
      %ge3A = arith.constant 0 : i32
      %ge3A_186 = vector.broadcast %ge3A : i32 to vector<16xi32>
      %ge3A_187 = arith.cmpi sge, %sub3A_185, %ge3A_186 : vector<16xi32>
      %lt3A = arith.constant 2560 : i32
      %lt3A_188 = vector.broadcast %lt3A : i32 to vector<16xi32>
      %lt3A_189 = arith.cmpi slt, %sub3A_185, %lt3A_188 : vector<16xi32>
      %and3A = arith.andi %ge3A_187, %lt3A_189 : vector<16xi1>
      %select_n3A = arith.select %and3A, %sub3A_185, %add3A_7 : vector<16xi1>, vector<16xi32>
      %swap3A = arith.index_cast %scan3A_181 : i32 to index
      %swap3A_190 = arith.constant 0 : index
      %swap3A_191 = tpu.vector_load %arg7[%swap3A, %swap3A_190] {strides = array<i32>} : memref<160x125xi32, #tpu.memory_space<vmem>>, vector<1x16xi32>,
      %swap3A_192 = vector.shape_cast %swap3A_191 : vector<1x16xi32> to vector<16xi32>
      %swap3A_193 = vector.shape_cast %select_n3A : vector<16xi32> to vector<1x16xi32>
      tpu.vector_store %arg7[%swap3A, %swap3A_190], %swap3A_193 {strides = array<i32>} : memref<160x125xi32, #tpu.memory_space<vmem>>, vector<1x16xi32>,
      %get3A_194 = arith.index_cast %scan3A_181 : i32 to index
      %get3A_195 = arith.constant 16 : index
      %get3A_196 = tpu.vector_load %arg7[%get3A_194, %get3A_195] {strides = array<i32>} : memref<160x125xi32, #tpu.memory_space<vmem>>, vector<1x16xi32>,
      %get3A_197 = vector.shape_cast %get3A_196 : vector<1x16xi32> to vector<16xi32>
      %sub3A_198 = vector.broadcast %add3A_1 : i32 to vector<16xi32>
      %sub3A_199 = arith.subi %get3A_197, %sub3A_198 : vector<16xi32>
      %ge3A_200 = arith.constant 0 : i32
      %ge3A_201 = vector.broadcast %ge3A_200 : i32 to vector<16xi32>
      %ge3A_202 = arith.cmpi sge, %sub3A_199, %ge3A_201 : vector<16xi32>
      %lt3A_203 = arith.constant 2560 : i32
      %lt3A_204 = vector.broadcast %lt3A_203 : i32 to vector<16xi32>
      %lt3A_205 = arith.cmpi slt, %sub3A_199, %lt3A_204 : vector<16xi32>
      %and3A_206 = arith.andi %ge3A_202, %lt3A_205 : vector<16xi1>
      %select_n3A_207 = arith.select %and3A_206, %sub3A_199, %add3A_7 : vector<16xi1>, vector<16xi32>
      %swap3A_208 = arith.index_cast %scan3A_181 : i32 to index
      %swap3A_209 = arith.constant 16 : index
      %swap3A_210 = tpu.vector_load %arg7[%swap3A_208, %swap3A_209] {strides = array<i32>} : memref<160x125xi32, #tpu.memory_space<vmem>>, vector<1x16xi32>,
      %swap3A_211 = vector.shape_cast %swap3A_210 : vector<1x16xi32> to vector<16xi32>
      %swap3A_212 = vector.shape_cast %select_n3A_207 : vector<16xi32> to vector<1x16xi32>
      tpu.vector_store %arg7[%swap3A_208, %swap3A_209], %swap3A_212 {strides = array<i32>} : memref<160x125xi32, #tpu.memory_space<vmem>>, vector<1x16xi32>,
      %get3A_213 = arith.index_cast %scan3A_181 : i32 to index
      %get3A_214 = arith.constant 32 : index
      %get3A_215 = tpu.vector_load %arg7[%get3A_213, %get3A_214] {strides = array<i32>} : memref<160x125xi32, #tpu.memory_space<vmem>>, vector<1x16xi32>,
      %get3A_216 = vector.shape_cast %get3A_215 : vector<1x16xi32> to vector<16xi32>
      %sub3A_217 = vector.broadcast %add3A_1 : i32 to vector<16xi32>
      %sub3A_218 = arith.subi %get3A_216, %sub3A_217 : vector<16xi32>
      %ge3A_219 = arith.constant 0 : i32
      %ge3A_220 = vector.broadcast %ge3A_219 : i32 to vector<16xi32>
      %ge3A_221 = arith.cmpi sge, %sub3A_218, %ge3A_220 : vector<16xi32>
      %lt3A_222 = arith.constant 2560 : i32
      %lt3A_223 = vector.broadcast %lt3A_222 : i32 to vector<16xi32>
      %lt3A_224 = arith.cmpi slt, %sub3A_218, %lt3A_223 : vector<16xi32>
      %and3A_225 = arith.andi %ge3A_221, %lt3A_224 : vector<16xi1>
      %select_n3A_226 = arith.select %and3A_225, %sub3A_218, %add3A_7 : vector<16xi1>, vector<16xi32>
      %swap3A_227 = arith.index_cast %scan3A_181 : i32 to index
      %swap3A_228 = arith.constant 32 : index
      %swap3A_229 = tpu.vector_load %arg7[%swap3A_227, %swap3A_228] {strides = array<i32>} : memref<160x125xi32, #tpu.memory_space<vmem>>, vector<1x16xi32>,
      %swap3A_230 = vector.shape_cast %swap3A_229 : vector<1x16xi32> to vector<16xi32>
      %swap3A_231 = vector.shape_cast %select_n3A_226 : vector<16xi32> to vector<1x16xi32>
      tpu.vector_store %arg7[%swap3A_227, %swap3A_228], %swap3A_231 {strides = array<i32>} : memref<160x125xi32, #tpu.memory_space<vmem>>, vector<1x16xi32>,
      %get3A_232 = arith.index_cast %scan3A_181 : i32 to index
      %get3A_233 = arith.constant 48 : index
      %get3A_234 = tpu.vector_load %arg7[%get3A_232, %get3A_233] {strides = array<i32>} : memref<160x125xi32, #tpu.memory_space<vmem>>, vector<1x16xi32>,
      %get3A_235 = vector.shape_cast %get3A_234 : vector<1x16xi32> to vector<16xi32>
      %sub3A_236 = vector.broadcast %add3A_1 : i32 to vector<16xi32>
      %sub3A_237 = arith.subi %get3A_235, %sub3A_236 : vector<16xi32>
      %ge3A_238 = arith.constant 0 : i32
      %ge3A_239 = vector.broadcast %ge3A_238 : i32 to vector<16xi32>
      %ge3A_240 = arith.cmpi sge, %sub3A_237, %ge3A_239 : vector<16xi32>
      %lt3A_241 = arith.constant 2560 : i32
      %lt3A_242 = vector.broadcast %lt3A_241 : i32 to vector<16xi32>
      %lt3A_243 = arith.cmpi slt, %sub3A_237, %lt3A_242 : vector<16xi32>
      %and3A_244 = arith.andi %ge3A_240, %lt3A_243 : vector<16xi1>
      %select_n3A_245 = arith.select %and3A_244, %sub3A_237, %add3A_7 : vector<16xi1>, vector<16xi32>
      %swap3A_246 = arith.index_cast %scan3A_181 : i32 to index
      %swap3A_247 = arith.constant 48 : index
      %swap3A_248 = tpu.vector_load %arg7[%swap3A_246, %swap3A_247] {strides = array<i32>} : memref<160x125xi32, #tpu.memory_space<vmem>>, vector<1x16xi32>,
      %swap3A_249 = vector.shape_cast %swap3A_248 : vector<1x16xi32> to vector<16xi32>
      %swap3A_250 = vector.shape_cast %select_n3A_245 : vector<16xi32> to vector<1x16xi32>
      tpu.vector_store %arg7[%swap3A_246, %swap3A_247], %swap3A_250 {strides = array<i32>} : memref<160x125xi32, #tpu.memory_space<vmem>>, vector<1x16xi32>,
      %get3A_251 = arith.index_cast %scan3A_181 : i32 to index
      %get3A_252 = arith.constant 64 : index
      %get3A_253 = tpu.vector_load %arg7[%get3A_251, %get3A_252] {strides = array<i32>} : memref<160x125xi32, #tpu.memory_space<vmem>>, vector<1x16xi32>,
      %get3A_254 = vector.shape_cast %get3A_253 : vector<1x16xi32> to vector<16xi32>
      %sub3A_255 = vector.broadcast %add3A_1 : i32 to vector<16xi32>
      %sub3A_256 = arith.subi %get3A_254, %sub3A_255 : vector<16xi32>
      %ge3A_257 = arith.constant 0 : i32
      %ge3A_258 = vector.broadcast %ge3A_257 : i32 to vector<16xi32>
      %ge3A_259 = arith.cmpi sge, %sub3A_256, %ge3A_258 : vector<16xi32>
      %lt3A_260 = arith.constant 2560 : i32
      %lt3A_261 = vector.broadcast %lt3A_260 : i32 to vector<16xi32>
      %lt3A_262 = arith.cmpi slt, %sub3A_256, %lt3A_261 : vector<16xi32>
      %and3A_263 = arith.andi %ge3A_259, %lt3A_262 : vector<16xi1>
      %select_n3A_264 = arith.select %and3A_263, %sub3A_256, %add3A_7 : vector<16xi1>, vector<16xi32>
      %swap3A_265 = arith.index_cast %scan3A_181 : i32 to index
      %swap3A_266 = arith.constant 64 : index
      %swap3A_267 = tpu.vector_load %arg7[%swap3A_265, %swap3A_266] {strides = array<i32>} : memref<160x125xi32, #tpu.memory_space<vmem>>, vector<1x16xi32>,
      %swap3A_268 = vector.shape_cast %swap3A_267 : vector<1x16xi32> to vector<16xi32>
      %swap3A_269 = vector.shape_cast %select_n3A_264 : vector<16xi32> to vector<1x16xi32>
      tpu.vector_store %arg7[%swap3A_265, %swap3A_266], %swap3A_269 {strides = array<i32>} : memref<160x125xi32, #tpu.memory_space<vmem>>, vector<1x16xi32>,
      %get3A_270 = arith.index_cast %scan3A_181 : i32 to index
      %get3A_271 = arith.constant 80 : index
      %get3A_272 = tpu.vector_load %arg7[%get3A_270, %get3A_271] {strides = array<i32>} : memref<160x125xi32, #tpu.memory_space<vmem>>, vector<1x16xi32>,
      %get3A_273 = vector.shape_cast %get3A_272 : vector<1x16xi32> to vector<16xi32>
      %sub3A_274 = vector.broadcast %add3A_1 : i32 to vector<16xi32>
      %sub3A_275 = arith.subi %get3A_273, %sub3A_274 : vector<16xi32>
      %ge3A_276 = arith.constant 0 : i32
      %ge3A_277 = vector.broadcast %ge3A_276 : i32 to vector<16xi32>
      %ge3A_278 = arith.cmpi sge, %sub3A_275, %ge3A_277 : vector<16xi32>
      %lt3A_279 = arith.constant 2560 : i32
      %lt3A_280 = vector.broadcast %lt3A_279 : i32 to vector<16xi32>
      %lt3A_281 = arith.cmpi slt, %sub3A_275, %lt3A_280 : vector<16xi32>
      %and3A_282 = arith.andi %ge3A_278, %lt3A_281 : vector<16xi1>
      %select_n3A_283 = arith.select %and3A_282, %sub3A_275, %add3A_7 : vector<16xi1>, vector<16xi32>
      %swap3A_284 = arith.index_cast %scan3A_181 : i32 to index
      %swap3A_285 = arith.constant 80 : index
      %swap3A_286 = tpu.vector_load %arg7[%swap3A_284, %swap3A_285] {strides = array<i32>} : memref<160x125xi32, #tpu.memory_space<vmem>>, vector<1x16xi32>,
      %swap3A_287 = vector.shape_cast %swap3A_286 : vector<1x16xi32> to vector<16xi32>
      %swap3A_288 = vector.shape_cast %select_n3A_283 : vector<16xi32> to vector<1x16xi32>
      tpu.vector_store %arg7[%swap3A_284, %swap3A_285], %swap3A_288 {strides = array<i32>} : memref<160x125xi32, #tpu.memory_space<vmem>>, vector<1x16xi32>,
      %get3A_289 = arith.index_cast %scan3A_181 : i32 to index
      %get3A_290 = arith.constant 96 : index
      %get3A_291 = tpu.vector_load %arg7[%get3A_289, %get3A_290] {strides = array<i32>} : memref<160x125xi32, #tpu.memory_space<vmem>>, vector<1x16xi32>,
      %get3A_292 = vector.shape_cast %get3A_291 : vector<1x16xi32> to vector<16xi32>
      %sub3A_293 = vector.broadcast %add3A_1 : i32 to vector<16xi32>
      %sub3A_294 = arith.subi %get3A_292, %sub3A_293 : vector<16xi32>
      %ge3A_295 = arith.constant 0 : i32
      %ge3A_296 = vector.broadcast %ge3A_295 : i32 to vector<16xi32>
      %ge3A_297 = arith.cmpi sge, %sub3A_294, %ge3A_296 : vector<16xi32>
      %lt3A_298 = arith.constant 2560 : i32
      %lt3A_299 = vector.broadcast %lt3A_298 : i32 to vector<16xi32>
      %lt3A_300 = arith.cmpi slt, %sub3A_294, %lt3A_299 : vector<16xi32>
      %and3A_301 = arith.andi %ge3A_297, %lt3A_300 : vector<16xi1>
      %select_n3A_302 = arith.select %and3A_301, %sub3A_294, %add3A_7 : vector<16xi1>, vector<16xi32>
      %swap3A_303 = arith.index_cast %scan3A_181 : i32 to index
      %swap3A_304 = arith.constant 96 : index
      %swap3A_305 = tpu.vector_load %arg7[%swap3A_303, %swap3A_304] {strides = array<i32>} : memref<160x125xi32, #tpu.memory_space<vmem>>, vector<1x16xi32>,
      %swap3A_306 = vector.shape_cast %swap3A_305 : vector<1x16xi32> to vector<16xi32>
      %swap3A_307 = vector.shape_cast %select_n3A_302 : vector<16xi32> to vector<1x16xi32>
      tpu.vector_store %arg7[%swap3A_303, %swap3A_304], %swap3A_307 {strides = array<i32>} : memref<160x125xi32, #tpu.memory_space<vmem>>, vector<1x16xi32>,
      %get3A_308 = arith.index_cast %scan3A_181 : i32 to index
      %get3A_309 = arith.constant 109 : index
      %get3A_310 = tpu.vector_load %arg7[%get3A_308, %get3A_309] {strides = array<i32>} : memref<160x125xi32, #tpu.memory_space<vmem>>, vector<1x16xi32>,
      %get3A_311 = vector.shape_cast %get3A_310 : vector<1x16xi32> to vector<16xi32>
      %sub3A_312 = vector.broadcast %add3A_1 : i32 to vector<16xi32>
      %sub3A_313 = arith.subi %get3A_311, %sub3A_312 : vector<16xi32>
      %ge3A_314 = arith.constant 0 : i32
      %ge3A_315 = vector.broadcast %ge3A_314 : i32 to vector<16xi32>
      %ge3A_316 = arith.cmpi sge, %sub3A_313, %ge3A_315 : vector<16xi32>
      %lt3A_317 = arith.constant 2560 : i32
      %lt3A_318 = vector.broadcast %lt3A_317 : i32 to vector<16xi32>
      %lt3A_319 = arith.cmpi slt, %sub3A_313, %lt3A_318 : vector<16xi32>
      %and3A_320 = arith.andi %ge3A_316, %lt3A_319 : vector<16xi1>
      %select_n3A_321 = arith.select %and3A_320, %sub3A_313, %add3A_7 : vector<16xi1>, vector<16xi32>
      %ge3A_322 = arith.constant 3 : i32
      %ge3A_323 = vector.broadcast %ge3A_322 : i32 to vector<16xi32>
      %ge3A_324 = arith.cmpi sge, %iota3A_25, %ge3A_323 : vector<16xi32>
      %select_n3A_325 = arith.select %ge3A_324, %select_n3A_321, %get3A_311 : vector<16xi1>, vector<16xi32>
      %swap3A_326 = arith.index_cast %scan3A_181 : i32 to index
      %swap3A_327 = arith.constant 109 : index
      %swap3A_328 = tpu.vector_load %arg7[%swap3A_326, %swap3A_327] {strides = array<i32>} : memref<160x125xi32, #tpu.memory_space<vmem>>, vector<1x16xi32>,
      %swap3A_329 = vector.shape_cast %swap3A_328 : vector<1x16xi32> to vector<16xi32>
      %swap3A_330 = vector.shape_cast %select_n3A_325 : vector<16xi32> to vector<1x16xi32>
      tpu.vector_store %arg7[%swap3A_326, %swap3A_327], %swap3A_330 {strides = array<i32>} : memref<160x125xi32, #tpu.memory_space<vmem>>, vector<1x16xi32>,
    }
    %scan3A_31 = arith.constant 160 : i32
    %barrier3A = arith.constant 0 : index
    tpu.barrier barrier_id(%barrier3A)
    %dma_start3A = arith.constant 0 : i32
    %dma_start3A_32 = arith.constant 0 : i32
    %dma_start3A_33 = tpu.memref_slice %arg6[%dma_start3A, %dma_start3A_32] : memref<160x125xi32, #tpu.memory_space<vmem>> -> memref<1x125xi32, #tpu.memory_space<vmem>>
    %dma_start3A_34 = tpu.memref_squeeze %dma_start3A_33 : memref<1x125xi32, #tpu.memory_space<vmem>> -> memref<125xi32, #tpu.memory_space<vmem>>
    %dma_start3A_35 = arith.constant 0 : i32
    %dma_start3A_36 = arith.constant 0 : i32
    %dma_start3A_37 = tpu.memref_slice %arg4[%dma_start3A_35, %dma_start3A_36] : memref<10000x128xf32, #tpu.memory_space<hbm>> -> memref<10000x128xf32, #tpu.memory_space<hbm>>
    tpu.enqueue_indirect_dma source(%dma_start3A_37 : memref<10000x128xf32, #tpu.memory_space<hbm>>) target(%arg8 : memref<125x128xf32, #tpu.memory_space<vmem>>) offsets(%dma_start3A_34 : memref<125xi32, #tpu.memory_space<vmem>>) semaphore(%arg13 : memref<!tpu.dma_semaphore, #tpu.memory_space<semaphore_mem>>)
    %dma_start3A_38 = arith.constant 1 : i32
    %dma_start3A_39 = arith.constant 0 : i32
    %dma_start3A_40 = tpu.memref_slice %arg6[%dma_start3A_38, %dma_start3A_39] : memref<160x125xi32, #tpu.memory_space<vmem>> -> memref<1x125xi32, #tpu.memory_space<vmem>>
    %dma_start3A_41 = tpu.memref_squeeze %dma_start3A_40 : memref<1x125xi32, #tpu.memory_space<vmem>> -> memref<125xi32, #tpu.memory_space<vmem>>
    %dma_start3A_42 = arith.constant 0 : i32
    %dma_start3A_43 = arith.constant 0 : i32
    %dma_start3A_44 = tpu.memref_slice %arg4[%dma_start3A_42, %dma_start3A_43] : memref<10000x128xf32, #tpu.memory_space<hbm>> -> memref<10000x128xf32, #tpu.memory_space<hbm>>
    tpu.enqueue_indirect_dma source(%dma_start3A_44 : memref<10000x128xf32, #tpu.memory_space<hbm>>) target(%arg9 : memref<125x128xf32, #tpu.memory_space<vmem>>) offsets(%dma_start3A_41 : memref<125xi32, #tpu.memory_space<vmem>>) semaphore(%arg14 : memref<!tpu.dma_semaphore, #tpu.memory_space<semaphore_mem>>)
    %dma_wait3A = arith.constant 0 : i32
    %dma_wait3A_45 = arith.constant 0 : i32
    %dma_wait3A_46 = tpu.memref_slice %arg6[%dma_wait3A, %dma_wait3A_45] : memref<160x125xi32, #tpu.memory_space<vmem>> -> memref<1x125xi32, #tpu.memory_space<vmem>>
    %dma_wait3A_47 = tpu.memref_squeeze %dma_wait3A_46 : memref<1x125xi32, #tpu.memory_space<vmem>> -> memref<125xi32, #tpu.memory_space<vmem>>
    %dma_wait3A_48 = arith.constant 0 : i32
    %dma_wait3A_49 = arith.constant 0 : i32
    %dma_wait3A_50 = tpu.memref_slice %arg4[%dma_wait3A_48, %dma_wait3A_49] : memref<10000x128xf32, #tpu.memory_space<hbm>> -> memref<10000x128xf32, #tpu.memory_space<hbm>>
    tpu.wait_indirect_dma semaphore(%arg13 : memref<!tpu.dma_semaphore, #tpu.memory_space<semaphore_mem>>) src(%dma_wait3A_50 : memref<10000x128xf32, #tpu.memory_space<hbm>>) dst(%arg8 : memref<125x128xf32, #tpu.memory_space<vmem>>)
    %dma_start3A_51 = arith.constant 0 : i32
    %dma_start3A_52 = arith.constant 0 : i32
    %dma_start3A_53 = tpu.memref_slice %arg7[%dma_start3A_51, %dma_start3A_52] : memref<160x125xi32, #tpu.memory_space<vmem>> -> memref<1x125xi32, #tpu.memory_space<vmem>>
    %dma_start3A_54 = tpu.memref_squeeze %dma_start3A_53 : memref<1x125xi32, #tpu.memory_space<vmem>> -> memref<125xi32, #tpu.memory_space<vmem>>
    %dma_start3A_55 = arith.constant 0 : i32
    %dma_start3A_56 = arith.constant 0 : i32
    %dma_start3A_57 = tpu.memref_slice %arg12[%dma_start3A_55, %dma_start3A_56] : memref<2816x128xf32, #tpu.memory_space<vmem_shared>> -> memref<2816x128xf32, #tpu.memory_space<vmem_shared>>
    tpu.enqueue_indirect_dma source(%arg8 : memref<125x128xf32, #tpu.memory_space<vmem>>) target(%dma_start3A_57 : memref<2816x128xf32, #tpu.memory_space<vmem_shared>>) offsets(%dma_start3A_54 : memref<125xi32, #tpu.memory_space<vmem>>) semaphore(%arg17 : memref<!tpu.dma_semaphore, #tpu.memory_space<semaphore_mem>>) {add = true}
    %dma_wait3A_58 = arith.constant 0 : i32
    %dma_wait3A_59 = arith.constant 0 : i32
    %dma_wait3A_60 = tpu.memref_slice %arg6[%dma_wait3A_58, %dma_wait3A_59] : memref<160x125xi32, #tpu.memory_space<vmem>> -> memref<1x125xi32, #tpu.memory_space<vmem>>
    %dma_wait3A_61 = tpu.memref_squeeze %dma_wait3A_60 : memref<1x125xi32, #tpu.memory_space<vmem>> -> memref<125xi32, #tpu.memory_space<vmem>>
    %dma_wait3A_62 = arith.constant 0 : i32
    %dma_wait3A_63 = arith.constant 0 : i32
    %dma_wait3A_64 = tpu.memref_slice %arg4[%dma_wait3A_62, %dma_wait3A_63] : memref<10000x128xf32, #tpu.memory_space<hbm>> -> memref<10000x128xf32, #tpu.memory_space<hbm>>
    tpu.wait_indirect_dma semaphore(%arg14 : memref<!tpu.dma_semaphore, #tpu.memory_space<semaphore_mem>>) src(%dma_wait3A_64 : memref<10000x128xf32, #tpu.memory_space<hbm>>) dst(%arg9 : memref<125x128xf32, #tpu.memory_space<vmem>>)
    %dma_start3A_65 = arith.constant 1 : i32
    %dma_start3A_66 = arith.constant 0 : i32
    %dma_start3A_67 = tpu.memref_slice %arg7[%dma_start3A_65, %dma_start3A_66] : memref<160x125xi32, #tpu.memory_space<vmem>> -> memref<1x125xi32, #tpu.memory_space<vmem>>
    %dma_start3A_68 = tpu.memref_squeeze %dma_start3A_67 : memref<1x125xi32, #tpu.memory_space<vmem>> -> memref<125xi32, #tpu.memory_space<vmem>>
    %dma_start3A_69 = arith.constant 0 : i32
    %dma_start3A_70 = arith.constant 0 : i32
    %dma_start3A_71 = tpu.memref_slice %arg12[%dma_start3A_69, %dma_start3A_70] : memref<2816x128xf32, #tpu.memory_space<vmem_shared>> -> memref<2816x128xf32, #tpu.memory_space<vmem_shared>>
    tpu.enqueue_indirect_dma source(%arg9 : memref<125x128xf32, #tpu.memory_space<vmem>>) target(%dma_start3A_71 : memref<2816x128xf32, #tpu.memory_space<vmem_shared>>) offsets(%dma_start3A_68 : memref<125xi32, #tpu.memory_space<vmem>>) semaphore(%arg18 : memref<!tpu.dma_semaphore, #tpu.memory_space<semaphore_mem>>) {add = true}
    %dma_start3A_72 = arith.constant 2 : i32
    %dma_start3A_73 = arith.constant 0 : i32
    %dma_start3A_74 = tpu.memref_slice %arg6[%dma_start3A_72, %dma_start3A_73] : memref<160x125xi32, #tpu.memory_space<vmem>> -> memref<1x125xi32, #tpu.memory_space<vmem>>
    %dma_start3A_75 = tpu.memref_squeeze %dma_start3A_74 : memref<1x125xi32, #tpu.memory_space<vmem>> -> memref<125xi32, #tpu.memory_space<vmem>>
    %dma_start3A_76 = arith.constant 0 : i32
    %dma_start3A_77 = arith.constant 0 : i32
    %dma_start3A_78 = tpu.memref_slice %arg4[%dma_start3A_76, %dma_start3A_77] : memref<10000x128xf32, #tpu.memory_space<hbm>> -> memref<10000x128xf32, #tpu.memory_space<hbm>>
    tpu.enqueue_indirect_dma source(%dma_start3A_78 : memref<10000x128xf32, #tpu.memory_space<hbm>>) target(%arg10 : memref<125x128xf32, #tpu.memory_space<vmem>>) offsets(%dma_start3A_75 : memref<125xi32, #tpu.memory_space<vmem>>) semaphore(%arg15 : memref<!tpu.dma_semaphore, #tpu.memory_space<semaphore_mem>>)
    %dma_start3A_79 = arith.constant 3 : i32
    %dma_start3A_80 = arith.constant 0 : i32
    %dma_start3A_81 = tpu.memref_slice %arg6[%dma_start3A_79, %dma_start3A_80] : memref<160x125xi32, #tpu.memory_space<vmem>> -> memref<1x125xi32, #tpu.memory_space<vmem>>
    %dma_start3A_82 = tpu.memref_squeeze %dma_start3A_81 : memref<1x125xi32, #tpu.memory_space<vmem>> -> memref<125xi32, #tpu.memory_space<vmem>>
    %dma_start3A_83 = arith.constant 0 : i32
    %dma_start3A_84 = arith.constant 0 : i32
    %dma_start3A_85 = tpu.memref_slice %arg4[%dma_start3A_83, %dma_start3A_84] : memref<10000x128xf32, #tpu.memory_space<hbm>> -> memref<10000x128xf32, #tpu.memory_space<hbm>>
    tpu.enqueue_indirect_dma source(%dma_start3A_85 : memref<10000x128xf32, #tpu.memory_space<hbm>>) target(%arg11 : memref<125x128xf32, #tpu.memory_space<vmem>>) offsets(%dma_start3A_82 : memref<125xi32, #tpu.memory_space<vmem>>) semaphore(%arg16 : memref<!tpu.dma_semaphore, #tpu.memory_space<semaphore_mem>>)
    %dma_wait3A_86 = arith.constant 0 : i32
    %dma_wait3A_87 = arith.constant 0 : i32
    %dma_wait3A_88 = tpu.memref_slice %arg6[%dma_wait3A_86, %dma_wait3A_87] : memref<160x125xi32, #tpu.memory_space<vmem>> -> memref<1x125xi32, #tpu.memory_space<vmem>>
    %dma_wait3A_89 = tpu.memref_squeeze %dma_wait3A_88 : memref<1x125xi32, #tpu.memory_space<vmem>> -> memref<125xi32, #tpu.memory_space<vmem>>
    %dma_wait3A_90 = arith.constant 0 : i32
    %dma_wait3A_91 = arith.constant 0 : i32
    %dma_wait3A_92 = tpu.memref_slice %arg4[%dma_wait3A_90, %dma_wait3A_91] : memref<10000x128xf32, #tpu.memory_space<hbm>> -> memref<10000x128xf32, #tpu.memory_space<hbm>>
    tpu.wait_indirect_dma semaphore(%arg15 : memref<!tpu.dma_semaphore, #tpu.memory_space<semaphore_mem>>) src(%dma_wait3A_92 : memref<10000x128xf32, #tpu.memory_space<hbm>>) dst(%arg10 : memref<125x128xf32, #tpu.memory_space<vmem>>)
    %dma_start3A_93 = arith.constant 2 : i32
    %dma_start3A_94 = arith.constant 0 : i32
    %dma_start3A_95 = tpu.memref_slice %arg7[%dma_start3A_93, %dma_start3A_94] : memref<160x125xi32, #tpu.memory_space<vmem>> -> memref<1x125xi32, #tpu.memory_space<vmem>>
    %dma_start3A_96 = tpu.memref_squeeze %dma_start3A_95 : memref<1x125xi32, #tpu.memory_space<vmem>> -> memref<125xi32, #tpu.memory_space<vmem>>
    %dma_start3A_97 = arith.constant 0 : i32
    %dma_start3A_98 = arith.constant 0 : i32
    %dma_start3A_99 = tpu.memref_slice %arg12[%dma_start3A_97, %dma_start3A_98] : memref<2816x128xf32, #tpu.memory_space<vmem_shared>> -> memref<2816x128xf32, #tpu.memory_space<vmem_shared>>
    tpu.enqueue_indirect_dma source(%arg10 : memref<125x128xf32, #tpu.memory_space<vmem>>) target(%dma_start3A_99 : memref<2816x128xf32, #tpu.memory_space<vmem_shared>>) offsets(%dma_start3A_96 : memref<125xi32, #tpu.memory_space<vmem>>) semaphore(%arg19 : memref<!tpu.dma_semaphore, #tpu.memory_space<semaphore_mem>>) {add = true}
    %dma_wait3A_100 = arith.constant 0 : i32
    %dma_wait3A_101 = arith.constant 0 : i32
    %dma_wait3A_102 = tpu.memref_slice %arg6[%dma_wait3A_100, %dma_wait3A_101] : memref<160x125xi32, #tpu.memory_space<vmem>> -> memref<1x125xi32, #tpu.memory_space<vmem>>
    %dma_wait3A_103 = tpu.memref_squeeze %dma_wait3A_102 : memref<1x125xi32, #tpu.memory_space<vmem>> -> memref<125xi32, #tpu.memory_space<vmem>>
    %dma_wait3A_104 = arith.constant 0 : i32
    %dma_wait3A_105 = arith.constant 0 : i32
    %dma_wait3A_106 = tpu.memref_slice %arg4[%dma_wait3A_104, %dma_wait3A_105] : memref<10000x128xf32, #tpu.memory_space<hbm>> -> memref<10000x128xf32, #tpu.memory_space<hbm>>
    tpu.wait_indirect_dma semaphore(%arg16 : memref<!tpu.dma_semaphore, #tpu.memory_space<semaphore_mem>>) src(%dma_wait3A_106 : memref<10000x128xf32, #tpu.memory_space<hbm>>) dst(%arg11 : memref<125x128xf32, #tpu.memory_space<vmem>>)
    %dma_start3A_107 = arith.constant 3 : i32
    %dma_start3A_108 = arith.constant 0 : i32
    %dma_start3A_109 = tpu.memref_slice %arg7[%dma_start3A_107, %dma_start3A_108] : memref<160x125xi32, #tpu.memory_space<vmem>> -> memref<1x125xi32, #tpu.memory_space<vmem>>
    %dma_start3A_110 = tpu.memref_squeeze %dma_start3A_109 : memref<1x125xi32, #tpu.memory_space<vmem>> -> memref<125xi32, #tpu.memory_space<vmem>>
    %dma_start3A_111 = arith.constant 0 : i32
    %dma_start3A_112 = arith.constant 0 : i32
    %dma_start3A_113 = tpu.memref_slice %arg12[%dma_start3A_111, %dma_start3A_112] : memref<2816x128xf32, #tpu.memory_space<vmem_shared>> -> memref<2816x128xf32, #tpu.memory_space<vmem_shared>>
    tpu.enqueue_indirect_dma source(%arg11 : memref<125x128xf32, #tpu.memory_space<vmem>>) target(%dma_start3A_113 : memref<2816x128xf32, #tpu.memory_space<vmem_shared>>) offsets(%dma_start3A_110 : memref<125xi32, #tpu.memory_space<vmem>>) semaphore(%arg20 : memref<!tpu.dma_semaphore, #tpu.memory_space<semaphore_mem>>) {add = true}
    %dma_wait3A_114 = arith.constant 0 : i32
    %dma_wait3A_115 = arith.constant 0 : i32
    %dma_wait3A_116 = tpu.memref_slice %arg7[%dma_wait3A_114, %dma_wait3A_115] : memref<160x125xi32, #tpu.memory_space<vmem>> -> memref<1x125xi32, #tpu.memory_space<vmem>>
    %dma_wait3A_117 = tpu.memref_squeeze %dma_wait3A_116 : memref<1x125xi32, #tpu.memory_space<vmem>> -> memref<125xi32, #tpu.memory_space<vmem>>
    %dma_wait3A_118 = arith.constant 0 : i32
    %dma_wait3A_119 = arith.constant 0 : i32
    %dma_wait3A_120 = tpu.memref_slice %arg12[%dma_wait3A_118, %dma_wait3A_119] : memref<2816x128xf32, #tpu.memory_space<vmem_shared>> -> memref<2816x128xf32, #tpu.memory_space<vmem_shared>>
    tpu.wait_indirect_dma semaphore(%arg17 : memref<!tpu.dma_semaphore, #tpu.memory_space<semaphore_mem>>) src(%arg8 : memref<125x128xf32, #tpu.memory_space<vmem>>) dst(%dma_wait3A_120 : memref<2816x128xf32, #tpu.memory_space<vmem_shared>>)
    %dma_start3A_121 = arith.constant 4 : i32
    %dma_start3A_122 = arith.constant 0 : i32
    %dma_start3A_123 = tpu.memref_slice %arg6[%dma_start3A_121, %dma_start3A_122] : memref<160x125xi32, #tpu.memory_space<vmem>> -> memref<1x125xi32, #tpu.memory_space<vmem>>
    %dma_start3A_124 = tpu.memref_squeeze %dma_start3A_123 : memref<1x125xi32, #tpu.memory_space<vmem>> -> memref<125xi32, #tpu.memory_space<vmem>>
    %dma_start3A_125 = arith.constant 0 : i32
    %dma_start3A_126 = arith.constant 0 : i32
    %dma_start3A_127 = tpu.memref_slice %arg4[%dma_start3A_125, %dma_start3A_126] : memref<10000x128xf32, #tpu.memory_space<hbm>> -> memref<10000x128xf32, #tpu.memory_space<hbm>>
    tpu.enqueue_indirect_dma source(%dma_start3A_127 : memref<10000x128xf32, #tpu.memory_space<hbm>>) target(%arg8 : memref<125x128xf32, #tpu.memory_space<vmem>>) offsets(%dma_start3A_124 : memref<125xi32, #tpu.memory_space<vmem>>) semaphore(%arg13 : memref<!tpu.dma_semaphore, #tpu.memory_space<semaphore_mem>>)
    %dma_wait3A_128 = arith.constant 0 : i32
    %dma_wait3A_129 = arith.constant 0 : i32
    %dma_wait3A_130 = tpu.memref_slice %arg7[%dma_wait3A_128, %dma_wait3A_129] : memref<160x125xi32, #tpu.memory_space<vmem>> -> memref<1x125xi32, #tpu.memory_space<vmem>>
    %dma_wait3A_131 = tpu.memref_squeeze %dma_wait3A_130 : memref<1x125xi32, #tpu.memory_space<vmem>> -> memref<125xi32, #tpu.memory_space<vmem>>
    %dma_wait3A_132 = arith.constant 0 : i32
    %dma_wait3A_133 = arith.constant 0 : i32
    %dma_wait3A_134 = tpu.memref_slice %arg12[%dma_wait3A_132, %dma_wait3A_133] : memref<2816x128xf32, #tpu.memory_space<vmem_shared>> -> memref<2816x128xf32, #tpu.memory_space<vmem_shared>>
    tpu.wait_indirect_dma semaphore(%arg18 : memref<!tpu.dma_semaphore, #tpu.memory_space<semaphore_mem>>) src(%arg9 : memref<125x128xf32, #tpu.memory_space<vmem>>) dst(%dma_wait3A_134 : memref<2816x128xf32, #tpu.memory_space<vmem_shared>>)
    %dma_start3A_135 = arith.constant 5 : i32
    %dma_start3A_136 = arith.constant 0 : i32
    %dma_start3A_137 = tpu.memref_slice %arg6[%dma_start3A_135, %dma_start3A_136] : memref<160x125xi32, #tpu.memory_space<vmem>> -> memref<1x125xi32, #tpu.memory_space<vmem>>
    %dma_start3A_138 = tpu.memref_squeeze %dma_start3A_137 : memref<1x125xi32, #tpu.memory_space<vmem>> -> memref<125xi32, #tpu.memory_space<vmem>>
    %dma_start3A_139 = arith.constant 0 : i32
    %dma_start3A_140 = arith.constant 0 : i32
    %dma_start3A_141 = tpu.memref_slice %arg4[%dma_start3A_139, %dma_start3A_140] : memref<10000x128xf32, #tpu.memory_space<hbm>> -> memref<10000x128xf32, #tpu.memory_space<hbm>>
    tpu.enqueue_indirect_dma source(%dma_start3A_141 : memref<10000x128xf32, #tpu.memory_space<hbm>>) target(%arg9 : memref<125x128xf32, #tpu.memory_space<vmem>>) offsets(%dma_start3A_138 : memref<125xi32, #tpu.memory_space<vmem>>) semaphore(%arg14 : memref<!tpu.dma_semaphore, #tpu.memory_space<semaphore_mem>>)
    %scan3A_142 = arith.constant 0 : i32
    %scan3A_143 = arith.constant 1 : i32
    %scan3A_144 = arith.constant 39 : i32
    %scan3A_145 = arith.addi %scan3A_143, %scan3A_144 : i32
    %scan3A_146 = arith.constant 1 : i32
    scf.for %scan3A_181 = %scan3A_143 to %scan3A_145 step %scan3A_146  : i32 {
      %mul3A_182 = arith.constant 4 : i32
      %mul3A_183 = arith.muli %mul3A_182, %scan3A_181 : i32
      %dma_wait3A_184 = arith.constant 0 : i32
      %dma_wait3A_185 = arith.constant 0 : i32
      %dma_wait3A_186 = tpu.memref_slice %arg6[%dma_wait3A_184, %dma_wait3A_185] : memref<160x125xi32, #tpu.memory_space<vmem>> -> memref<1x125xi32, #tpu.memory_space<vmem>>
      %dma_wait3A_187 = tpu.memref_squeeze %dma_wait3A_186 : memref<1x125xi32, #tpu.memory_space<vmem>> -> memref<125xi32, #tpu.memory_space<vmem>>
      %dma_wait3A_188 = arith.constant 0 : i32
      %dma_wait3A_189 = arith.constant 0 : i32
      %dma_wait3A_190 = tpu.memref_slice %arg4[%dma_wait3A_188, %dma_wait3A_189] : memref<10000x128xf32, #tpu.memory_space<hbm>> -> memref<10000x128xf32, #tpu.memory_space<hbm>>
      tpu.wait_indirect_dma semaphore(%arg13 : memref<!tpu.dma_semaphore, #tpu.memory_space<semaphore_mem>>) src(%dma_wait3A_190 : memref<10000x128xf32, #tpu.memory_space<hbm>>) dst(%arg8 : memref<125x128xf32, #tpu.memory_space<vmem>>)
      %dma_start3A_191 = arith.constant 0 : i32
      %dma_start3A_192 = tpu.memref_slice %arg7[%mul3A_183, %dma_start3A_191] : memref<160x125xi32, #tpu.memory_space<vmem>> -> memref<1x125xi32, #tpu.memory_space<vmem>>
      %dma_start3A_193 = tpu.memref_squeeze %dma_start3A_192 : memref<1x125xi32, #tpu.memory_space<vmem>> -> memref<125xi32, #tpu.memory_space<vmem>>
      %dma_start3A_194 = arith.constant 0 : i32
      %dma_start3A_195 = arith.constant 0 : i32
      %dma_start3A_196 = tpu.memref_slice %arg12[%dma_start3A_194, %dma_start3A_195] : memref<2816x128xf32, #tpu.memory_space<vmem_shared>> -> memref<2816x128xf32, #tpu.memory_space<vmem_shared>>
      tpu.enqueue_indirect_dma source(%arg8 : memref<125x128xf32, #tpu.memory_space<vmem>>) target(%dma_start3A_196 : memref<2816x128xf32, #tpu.memory_space<vmem_shared>>) offsets(%dma_start3A_193 : memref<125xi32, #tpu.memory_space<vmem>>) semaphore(%arg17 : memref<!tpu.dma_semaphore, #tpu.memory_space<semaphore_mem>>) {add = true}
      %dma_wait3A_197 = arith.constant 0 : i32
      %dma_wait3A_198 = arith.constant 0 : i32
      %dma_wait3A_199 = tpu.memref_slice %arg6[%dma_wait3A_197, %dma_wait3A_198] : memref<160x125xi32, #tpu.memory_space<vmem>> -> memref<1x125xi32, #tpu.memory_space<vmem>>
      %dma_wait3A_200 = tpu.memref_squeeze %dma_wait3A_199 : memref<1x125xi32, #tpu.memory_space<vmem>> -> memref<125xi32, #tpu.memory_space<vmem>>
      %dma_wait3A_201 = arith.constant 0 : i32
      %dma_wait3A_202 = arith.constant 0 : i32
      %dma_wait3A_203 = tpu.memref_slice %arg4[%dma_wait3A_201, %dma_wait3A_202] : memref<10000x128xf32, #tpu.memory_space<hbm>> -> memref<10000x128xf32, #tpu.memory_space<hbm>>
      tpu.wait_indirect_dma semaphore(%arg14 : memref<!tpu.dma_semaphore, #tpu.memory_space<semaphore_mem>>) src(%dma_wait3A_203 : memref<10000x128xf32, #tpu.memory_space<hbm>>) dst(%arg9 : memref<125x128xf32, #tpu.memory_space<vmem>>)
      %add3A_204 = arith.constant 1 : i32
      %add3A_205 = arith.addi %mul3A_183, %add3A_204 : i32
      %dma_start3A_206 = arith.constant 0 : i32
      %dma_start3A_207 = tpu.memref_slice %arg7[%add3A_205, %dma_start3A_206] : memref<160x125xi32, #tpu.memory_space<vmem>> -> memref<1x125xi32, #tpu.memory_space<vmem>>
      %dma_start3A_208 = tpu.memref_squeeze %dma_start3A_207 : memref<1x125xi32, #tpu.memory_space<vmem>> -> memref<125xi32, #tpu.memory_space<vmem>>
      %dma_start3A_209 = arith.constant 0 : i32
      %dma_start3A_210 = arith.constant 0 : i32
      %dma_start3A_211 = tpu.memref_slice %arg12[%dma_start3A_209, %dma_start3A_210] : memref<2816x128xf32, #tpu.memory_space<vmem_shared>> -> memref<2816x128xf32, #tpu.memory_space<vmem_shared>>
      tpu.enqueue_indirect_dma source(%arg9 : memref<125x128xf32, #tpu.memory_space<vmem>>) target(%dma_start3A_211 : memref<2816x128xf32, #tpu.memory_space<vmem_shared>>) offsets(%dma_start3A_208 : memref<125xi32, #tpu.memory_space<vmem>>) semaphore(%arg18 : memref<!tpu.dma_semaphore, #tpu.memory_space<semaphore_mem>>) {add = true}
      %dma_wait3A_212 = arith.constant 0 : i32
      %dma_wait3A_213 = arith.constant 0 : i32
      %dma_wait3A_214 = tpu.memref_slice %arg7[%dma_wait3A_212, %dma_wait3A_213] : memref<160x125xi32, #tpu.memory_space<vmem>> -> memref<1x125xi32, #tpu.memory_space<vmem>>
      %dma_wait3A_215 = tpu.memref_squeeze %dma_wait3A_214 : memref<1x125xi32, #tpu.memory_space<vmem>> -> memref<125xi32, #tpu.memory_space<vmem>>
      %dma_wait3A_216 = arith.constant 0 : i32
      %dma_wait3A_217 = arith.constant 0 : i32
      %dma_wait3A_218 = tpu.memref_slice %arg12[%dma_wait3A_216, %dma_wait3A_217] : memref<2816x128xf32, #tpu.memory_space<vmem_shared>> -> memref<2816x128xf32, #tpu.memory_space<vmem_shared>>
      tpu.wait_indirect_dma semaphore(%arg19 : memref<!tpu.dma_semaphore, #tpu.memory_space<semaphore_mem>>) src(%arg10 : memref<125x128xf32, #tpu.memory_space<vmem>>) dst(%dma_wait3A_218 : memref<2816x128xf32, #tpu.memory_space<vmem_shared>>)
      %add3A_219 = arith.constant 2 : i32
      %add3A_220 = arith.addi %mul3A_183, %add3A_219 : i32
      %dma_start3A_221 = arith.constant 0 : i32
      %dma_start3A_222 = tpu.memref_slice %arg6[%add3A_220, %dma_start3A_221] : memref<160x125xi32, #tpu.memory_space<vmem>> -> memref<1x125xi32, #tpu.memory_space<vmem>>
      %dma_start3A_223 = tpu.memref_squeeze %dma_start3A_222 : memref<1x125xi32, #tpu.memory_space<vmem>> -> memref<125xi32, #tpu.memory_space<vmem>>
      %dma_start3A_224 = arith.constant 0 : i32
      %dma_start3A_225 = arith.constant 0 : i32
      %dma_start3A_226 = tpu.memref_slice %arg4[%dma_start3A_224, %dma_start3A_225] : memref<10000x128xf32, #tpu.memory_space<hbm>> -> memref<10000x128xf32, #tpu.memory_space<hbm>>
      tpu.enqueue_indirect_dma source(%dma_start3A_226 : memref<10000x128xf32, #tpu.memory_space<hbm>>) target(%arg10 : memref<125x128xf32, #tpu.memory_space<vmem>>) offsets(%dma_start3A_223 : memref<125xi32, #tpu.memory_space<vmem>>) semaphore(%arg15 : memref<!tpu.dma_semaphore, #tpu.memory_space<semaphore_mem>>)
      %dma_wait3A_227 = arith.constant 0 : i32
      %dma_wait3A_228 = arith.constant 0 : i32
      %dma_wait3A_229 = tpu.memref_slice %arg7[%dma_wait3A_227, %dma_wait3A_228] : memref<160x125xi32, #tpu.memory_space<vmem>> -> memref<1x125xi32, #tpu.memory_space<vmem>>
      %dma_wait3A_230 = tpu.memref_squeeze %dma_wait3A_229 : memref<1x125xi32, #tpu.memory_space<vmem>> -> memref<125xi32, #tpu.memory_space<vmem>>
      %dma_wait3A_231 = arith.constant 0 : i32
      %dma_wait3A_232 = arith.constant 0 : i32
      %dma_wait3A_233 = tpu.memref_slice %arg12[%dma_wait3A_231, %dma_wait3A_232] : memref<2816x128xf32, #tpu.memory_space<vmem_shared>> -> memref<2816x128xf32, #tpu.memory_space<vmem_shared>>
      tpu.wait_indirect_dma semaphore(%arg20 : memref<!tpu.dma_semaphore, #tpu.memory_space<semaphore_mem>>) src(%arg11 : memref<125x128xf32, #tpu.memory_space<vmem>>) dst(%dma_wait3A_233 : memref<2816x128xf32, #tpu.memory_space<vmem_shared>>)
      %add3A_234 = arith.constant 3 : i32
      %add3A_235 = arith.addi %mul3A_183, %add3A_234 : i32
      %dma_start3A_236 = arith.constant 0 : i32
      %dma_start3A_237 = tpu.memref_slice %arg6[%add3A_235, %dma_start3A_236] : memref<160x125xi32, #tpu.memory_space<vmem>> -> memref<1x125xi32, #tpu.memory_space<vmem>>
      %dma_start3A_238 = tpu.memref_squeeze %dma_start3A_237 : memref<1x125xi32, #tpu.memory_space<vmem>> -> memref<125xi32, #tpu.memory_space<vmem>>
      %dma_start3A_239 = arith.constant 0 : i32
      %dma_start3A_240 = arith.constant 0 : i32
      %dma_start3A_241 = tpu.memref_slice %arg4[%dma_start3A_239, %dma_start3A_240] : memref<10000x128xf32, #tpu.memory_space<hbm>> -> memref<10000x128xf32, #tpu.memory_space<hbm>>
      tpu.enqueue_indirect_dma source(%dma_start3A_241 : memref<10000x128xf32, #tpu.memory_space<hbm>>) target(%arg11 : memref<125x128xf32, #tpu.memory_space<vmem>>) offsets(%dma_start3A_238 : memref<125xi32, #tpu.memory_space<vmem>>) semaphore(%arg16 : memref<!tpu.dma_semaphore, #tpu.memory_space<semaphore_mem>>)
      %dma_wait3A_242 = arith.constant 0 : i32
      %dma_wait3A_243 = arith.constant 0 : i32
      %dma_wait3A_244 = tpu.memref_slice %arg6[%dma_wait3A_242, %dma_wait3A_243] : memref<160x125xi32, #tpu.memory_space<vmem>> -> memref<1x125xi32, #tpu.memory_space<vmem>>
      %dma_wait3A_245 = tpu.memref_squeeze %dma_wait3A_244 : memref<1x125xi32, #tpu.memory_space<vmem>> -> memref<125xi32, #tpu.memory_space<vmem>>
      %dma_wait3A_246 = arith.constant 0 : i32
      %dma_wait3A_247 = arith.constant 0 : i32
      %dma_wait3A_248 = tpu.memref_slice %arg4[%dma_wait3A_246, %dma_wait3A_247] : memref<10000x128xf32, #tpu.memory_space<hbm>> -> memref<10000x128xf32, #tpu.memory_space<hbm>>
      tpu.wait_indirect_dma semaphore(%arg15 : memref<!tpu.dma_semaphore, #tpu.memory_space<semaphore_mem>>) src(%dma_wait3A_248 : memref<10000x128xf32, #tpu.memory_space<hbm>>) dst(%arg10 : memref<125x128xf32, #tpu.memory_space<vmem>>)
      %add3A_249 = arith.constant 2 : i32
      %add3A_250 = arith.addi %mul3A_183, %add3A_249 : i32
      %dma_start3A_251 = arith.constant 0 : i32
      %dma_start3A_252 = tpu.memref_slice %arg7[%add3A_250, %dma_start3A_251] : memref<160x125xi32, #tpu.memory_space<vmem>> -> memref<1x125xi32, #tpu.memory_space<vmem>>
      %dma_start3A_253 = tpu.memref_squeeze %dma_start3A_252 : memref<1x125xi32, #tpu.memory_space<vmem>> -> memref<125xi32, #tpu.memory_space<vmem>>
      %dma_start3A_254 = arith.constant 0 : i32
      %dma_start3A_255 = arith.constant 0 : i32
      %dma_start3A_256 = tpu.memref_slice %arg12[%dma_start3A_254, %dma_start3A_255] : memref<2816x128xf32, #tpu.memory_space<vmem_shared>> -> memref<2816x128xf32, #tpu.memory_space<vmem_shared>>
      tpu.enqueue_indirect_dma source(%arg10 : memref<125x128xf32, #tpu.memory_space<vmem>>) target(%dma_start3A_256 : memref<2816x128xf32, #tpu.memory_space<vmem_shared>>) offsets(%dma_start3A_253 : memref<125xi32, #tpu.memory_space<vmem>>) semaphore(%arg19 : memref<!tpu.dma_semaphore, #tpu.memory_space<semaphore_mem>>) {add = true}
      %dma_wait3A_257 = arith.constant 0 : i32
      %dma_wait3A_258 = arith.constant 0 : i32
      %dma_wait3A_259 = tpu.memref_slice %arg6[%dma_wait3A_257, %dma_wait3A_258] : memref<160x125xi32, #tpu.memory_space<vmem>> -> memref<1x125xi32, #tpu.memory_space<vmem>>
      %dma_wait3A_260 = tpu.memref_squeeze %dma_wait3A_259 : memref<1x125xi32, #tpu.memory_space<vmem>> -> memref<125xi32, #tpu.memory_space<vmem>>
      %dma_wait3A_261 = arith.constant 0 : i32
      %dma_wait3A_262 = arith.constant 0 : i32
      %dma_wait3A_263 = tpu.memref_slice %arg4[%dma_wait3A_261, %dma_wait3A_262] : memref<10000x128xf32, #tpu.memory_space<hbm>> -> memref<10000x128xf32, #tpu.memory_space<hbm>>
      tpu.wait_indirect_dma semaphore(%arg16 : memref<!tpu.dma_semaphore, #tpu.memory_space<semaphore_mem>>) src(%dma_wait3A_263 : memref<10000x128xf32, #tpu.memory_space<hbm>>) dst(%arg11 : memref<125x128xf32, #tpu.memory_space<vmem>>)
      %add3A_264 = arith.constant 3 : i32
      %add3A_265 = arith.addi %mul3A_183, %add3A_264 : i32
      %dma_start3A_266 = arith.constant 0 : i32
      %dma_start3A_267 = tpu.memref_slice %arg7[%add3A_265, %dma_start3A_266] : memref<160x125xi32, #tpu.memory_space<vmem>> -> memref<1x125xi32, #tpu.memory_space<vmem>>
      %dma_start3A_268 = tpu.memref_squeeze %dma_start3A_267 : memref<1x125xi32, #tpu.memory_space<vmem>> -> memref<125xi32, #tpu.memory_space<vmem>>
      %dma_start3A_269 = arith.constant 0 : i32
      %dma_start3A_270 = arith.constant 0 : i32
      %dma_start3A_271 = tpu.memref_slice %arg12[%dma_start3A_269, %dma_start3A_270] : memref<2816x128xf32, #tpu.memory_space<vmem_shared>> -> memref<2816x128xf32, #tpu.memory_space<vmem_shared>>
      tpu.enqueue_indirect_dma source(%arg11 : memref<125x128xf32, #tpu.memory_space<vmem>>) target(%dma_start3A_271 : memref<2816x128xf32, #tpu.memory_space<vmem_shared>>) offsets(%dma_start3A_268 : memref<125xi32, #tpu.memory_space<vmem>>) semaphore(%arg20 : memref<!tpu.dma_semaphore, #tpu.memory_space<semaphore_mem>>) {add = true}
      %dma_wait3A_272 = arith.constant 0 : i32
      %dma_wait3A_273 = arith.constant 0 : i32
      %dma_wait3A_274 = tpu.memref_slice %arg7[%dma_wait3A_272, %dma_wait3A_273] : memref<160x125xi32, #tpu.memory_space<vmem>> -> memref<1x125xi32, #tpu.memory_space<vmem>>
      %dma_wait3A_275 = tpu.memref_squeeze %dma_wait3A_274 : memref<1x125xi32, #tpu.memory_space<vmem>> -> memref<125xi32, #tpu.memory_space<vmem>>
      %dma_wait3A_276 = arith.constant 0 : i32
      %dma_wait3A_277 = arith.constant 0 : i32
      %dma_wait3A_278 = tpu.memref_slice %arg12[%dma_wait3A_276, %dma_wait3A_277] : memref<2816x128xf32, #tpu.memory_space<vmem_shared>> -> memref<2816x128xf32, #tpu.memory_space<vmem_shared>>
      tpu.wait_indirect_dma semaphore(%arg17 : memref<!tpu.dma_semaphore, #tpu.memory_space<semaphore_mem>>) src(%arg8 : memref<125x128xf32, #tpu.memory_space<vmem>>) dst(%dma_wait3A_278 : memref<2816x128xf32, #tpu.memory_space<vmem_shared>>)
      %add3A_279 = arith.constant 4 : i32
      %add3A_280 = arith.addi %mul3A_183, %add3A_279 : i32
      %min3A = arith.constant 159 : i32
      %min3A_281 = arith.minsi %add3A_280, %min3A : i32
      %dma_start3A_282 = arith.constant 0 : i32
      %dma_start3A_283 = tpu.memref_slice %arg6[%min3A_281, %dma_start3A_282] : memref<160x125xi32, #tpu.memory_space<vmem>> -> memref<1x125xi32, #tpu.memory_space<vmem>>
      %dma_start3A_284 = tpu.memref_squeeze %dma_start3A_283 : memref<1x125xi32, #tpu.memory_space<vmem>> -> memref<125xi32, #tpu.memory_space<vmem>>
      %dma_start3A_285 = arith.constant 0 : i32
      %dma_start3A_286 = arith.constant 0 : i32
      %dma_start3A_287 = tpu.memref_slice %arg4[%dma_start3A_285, %dma_start3A_286] : memref<10000x128xf32, #tpu.memory_space<hbm>> -> memref<10000x128xf32, #tpu.memory_space<hbm>>
      tpu.enqueue_indirect_dma source(%dma_start3A_287 : memref<10000x128xf32, #tpu.memory_space<hbm>>) target(%arg8 : memref<125x128xf32, #tpu.memory_space<vmem>>) offsets(%dma_start3A_284 : memref<125xi32, #tpu.memory_space<vmem>>) semaphore(%arg13 : memref<!tpu.dma_semaphore, #tpu.memory_space<semaphore_mem>>)
      %dma_wait3A_288 = arith.constant 0 : i32
      %dma_wait3A_289 = arith.constant 0 : i32
      %dma_wait3A_290 = tpu.memref_slice %arg7[%dma_wait3A_288, %dma_wait3A_289] : memref<160x125xi32, #tpu.memory_space<vmem>> -> memref<1x125xi32, #tpu.memory_space<vmem>>
      %dma_wait3A_291 = tpu.memref_squeeze %dma_wait3A_290 : memref<1x125xi32, #tpu.memory_space<vmem>> -> memref<125xi32, #tpu.memory_space<vmem>>
      %dma_wait3A_292 = arith.constant 0 : i32
      %dma_wait3A_293 = arith.constant 0 : i32
      %dma_wait3A_294 = tpu.memref_slice %arg12[%dma_wait3A_292, %dma_wait3A_293] : memref<2816x128xf32, #tpu.memory_space<vmem_shared>> -> memref<2816x128xf32, #tpu.memory_space<vmem_shared>>
      tpu.wait_indirect_dma semaphore(%arg18 : memref<!tpu.dma_semaphore, #tpu.memory_space<semaphore_mem>>) src(%arg9 : memref<125x128xf32, #tpu.memory_space<vmem>>) dst(%dma_wait3A_294 : memref<2816x128xf32, #tpu.memory_space<vmem_shared>>)
      %add3A_295 = arith.constant 5 : i32
      %add3A_296 = arith.addi %mul3A_183, %add3A_295 : i32
      %min3A_297 = arith.constant 159 : i32
      %min3A_298 = arith.minsi %add3A_296, %min3A_297 : i32
      %dma_start3A_299 = arith.constant 0 : i32
      %dma_start3A_300 = tpu.memref_slice %arg6[%min3A_298, %dma_start3A_299] : memref<160x125xi32, #tpu.memory_space<vmem>> -> memref<1x125xi32, #tpu.memory_space<vmem>>
      %dma_start3A_301 = tpu.memref_squeeze %dma_start3A_300 : memref<1x125xi32, #tpu.memory_space<vmem>> -> memref<125xi32, #tpu.memory_space<vmem>>
      %dma_start3A_302 = arith.constant 0 : i32
      %dma_start3A_303 = arith.constant 0 : i32
      %dma_start3A_304 = tpu.memref_slice %arg4[%dma_start3A_302, %dma_start3A_303] : memref<10000x128xf32, #tpu.memory_space<hbm>> -> memref<10000x128xf32, #tpu.memory_space<hbm>>
      tpu.enqueue_indirect_dma source(%dma_start3A_304 : memref<10000x128xf32, #tpu.memory_space<hbm>>) target(%arg9 : memref<125x128xf32, #tpu.memory_space<vmem>>) offsets(%dma_start3A_301 : memref<125xi32, #tpu.memory_space<vmem>>) semaphore(%arg14 : memref<!tpu.dma_semaphore, #tpu.memory_space<semaphore_mem>>)
    }
    %scan3A_147 = arith.constant 39 : i32
    %dma_wait3A_148 = arith.constant 0 : i32
    %dma_wait3A_149 = arith.constant 0 : i32
    %dma_wait3A_150 = tpu.memref_slice %arg6[%dma_wait3A_148, %dma_wait3A_149] : memref<160x125xi32, #tpu.memory_space<vmem>> -> memref<1x125xi32, #tpu.memory_space<vmem>>
    %dma_wait3A_151 = tpu.memref_squeeze %dma_wait3A_150 : memref<1x125xi32, #tpu.memory_space<vmem>> -> memref<125xi32, #tpu.memory_space<vmem>>
    %dma_wait3A_152 = arith.constant 0 : i32
    %dma_wait3A_153 = arith.constant 0 : i32
    %dma_wait3A_154 = tpu.memref_slice %arg4[%dma_wait3A_152, %dma_wait3A_153] : memref<10000x128xf32, #tpu.memory_space<hbm>> -> memref<10000x128xf32, #tpu.memory_space<hbm>>
    tpu.wait_indirect_dma semaphore(%arg13 : memref<!tpu.dma_semaphore, #tpu.memory_space<semaphore_mem>>) src(%dma_wait3A_154 : memref<10000x128xf32, #tpu.memory_space<hbm>>) dst(%arg8 : memref<125x128xf32, #tpu.memory_space<vmem>>)
    %dma_wait3A_155 = arith.constant 0 : i32
    %dma_wait3A_156 = arith.constant 0 : i32
    %dma_wait3A_157 = tpu.memref_slice %arg6[%dma_wait3A_155, %dma_wait3A_156] : memref<160x125xi32, #tpu.memory_space<vmem>> -> memref<1x125xi32, #tpu.memory_space<vmem>>
    %dma_wait3A_158 = tpu.memref_squeeze %dma_wait3A_157 : memref<1x125xi32, #tpu.memory_space<vmem>> -> memref<125xi32, #tpu.memory_space<vmem>>
    %dma_wait3A_159 = arith.constant 0 : i32
    %dma_wait3A_160 = arith.constant 0 : i32
    %dma_wait3A_161 = tpu.memref_slice %arg4[%dma_wait3A_159, %dma_wait3A_160] : memref<10000x128xf32, #tpu.memory_space<hbm>> -> memref<10000x128xf32, #tpu.memory_space<hbm>>
    tpu.wait_indirect_dma semaphore(%arg14 : memref<!tpu.dma_semaphore, #tpu.memory_space<semaphore_mem>>) src(%dma_wait3A_161 : memref<10000x128xf32, #tpu.memory_space<hbm>>) dst(%arg9 : memref<125x128xf32, #tpu.memory_space<vmem>>)
    %dma_wait3A_162 = arith.constant 0 : i32
    %dma_wait3A_163 = arith.constant 0 : i32
    %dma_wait3A_164 = tpu.memref_slice %arg7[%dma_wait3A_162, %dma_wait3A_163] : memref<160x125xi32, #tpu.memory_space<vmem>> -> memref<1x125xi32, #tpu.memory_space<vmem>>
    %dma_wait3A_165 = tpu.memref_squeeze %dma_wait3A_164 : memref<1x125xi32, #tpu.memory_space<vmem>> -> memref<125xi32, #tpu.memory_space<vmem>>
    %dma_wait3A_166 = arith.constant 0 : i32
    %dma_wait3A_167 = arith.constant 0 : i32
    %dma_wait3A_168 = tpu.memref_slice %arg12[%dma_wait3A_166, %dma_wait3A_167] : memref<2816x128xf32, #tpu.memory_space<vmem_shared>> -> memref<2816x128xf32, #tpu.memory_space<vmem_shared>>
    tpu.wait_indirect_dma semaphore(%arg19 : memref<!tpu.dma_semaphore, #tpu.memory_space<semaphore_mem>>) src(%arg10 : memref<125x128xf32, #tpu.memory_space<vmem>>) dst(%dma_wait3A_168 : memref<2816x128xf32, #tpu.memory_space<vmem_shared>>)
    %dma_wait3A_169 = arith.constant 0 : i32
    %dma_wait3A_170 = arith.constant 0 : i32
    %dma_wait3A_171 = tpu.memref_slice %arg7[%dma_wait3A_169, %dma_wait3A_170] : memref<160x125xi32, #tpu.memory_space<vmem>> -> memref<1x125xi32, #tpu.memory_space<vmem>>
    %dma_wait3A_172 = tpu.memref_squeeze %dma_wait3A_171 : memref<1x125xi32, #tpu.memory_space<vmem>> -> memref<125xi32, #tpu.memory_space<vmem>>
    %dma_wait3A_173 = arith.constant 0 : i32
    %dma_wait3A_174 = arith.constant 0 : i32
    %dma_wait3A_175 = tpu.memref_slice %arg12[%dma_wait3A_173, %dma_wait3A_174] : memref<2816x128xf32, #tpu.memory_space<vmem_shared>> -> memref<2816x128xf32, #tpu.memory_space<vmem_shared>>
    tpu.wait_indirect_dma semaphore(%arg20 : memref<!tpu.dma_semaphore, #tpu.memory_space<semaphore_mem>>) src(%arg11 : memref<125x128xf32, #tpu.memory_space<vmem>>) dst(%dma_wait3A_175 : memref<2816x128xf32, #tpu.memory_space<vmem_shared>>)
    %barrier3A_176 = arith.constant 0 : index
    tpu.barrier barrier_id(%barrier3A_176)
    %mul3A_177 = arith.constant 160 : i32
    %mul3A_178 = arith.muli %arg1, %mul3A_177 : i32
    %mul3A_179 = arith.constant 160 : i32
    %mul3A_180 = arith.muli %arg1, %mul3A_179 : i32
    "tpu.region"() ({
      %run_scoped3A = tpu.sem_alloc : memref<!tpu.dma_semaphore, #tpu.memory_space<semaphore_mem>>
      %dma_start3A_181 = arith.constant 0 : i32
      %dma_start3A_182 = arith.constant 0 : i32
      %dma_start3A_183 = tpu.memref_slice %arg5[%arg0, %dma_start3A_181, %dma_start3A_182] : memref<2x2560x128xf32, #tpu.memory_space<hbm>> -> memref<1x2560x128xf32, #tpu.memory_space<hbm>>
      %dma_start3A_184 = tpu.memref_squeeze %dma_start3A_183 : memref<1x2560x128xf32, #tpu.memory_space<hbm>> -> memref<2560x128xf32, #tpu.memory_space<hbm>>
      %dma_start3A_185 = arith.constant 0 : i32
      %dma_start3A_186 = tpu.memref_slice %dma_start3A_184[%mul3A_180, %dma_start3A_185] : memref<2560x128xf32, #tpu.memory_space<hbm>> -> memref<160x128xf32, #tpu.memory_space<hbm>>
      %dma_start3A_187 = arith.constant 0 : i32
      %dma_start3A_188 = tpu.memref_slice %arg12[%mul3A_178, %dma_start3A_187] : memref<2816x128xf32, #tpu.memory_space<vmem_shared>> -> memref<160x128xf32, #tpu.memory_space<vmem_shared>>
      tpu.enqueue_dma source(%dma_start3A_188 : memref<160x128xf32, #tpu.memory_space<vmem_shared>>) target(%dma_start3A_186 : memref<160x128xf32, #tpu.memory_space<hbm>>) target_semaphore(%run_scoped3A : memref<!tpu.dma_semaphore, #tpu.memory_space<semaphore_mem>>)
      %dma_wait3A_189 = arith.constant 0 : i32
      %dma_wait3A_190 = arith.constant 0 : i32
      %dma_wait3A_191 = tpu.memref_slice %arg5[%arg0, %dma_wait3A_189, %dma_wait3A_190] : memref<2x2560x128xf32, #tpu.memory_space<hbm>> -> memref<1x2560x128xf32, #tpu.memory_space<hbm>>
      %dma_wait3A_192 = tpu.memref_squeeze %dma_wait3A_191 : memref<1x2560x128xf32, #tpu.memory_space<hbm>> -> memref<2560x128xf32, #tpu.memory_space<hbm>>
      %dma_wait3A_193 = arith.constant 0 : i32
      %dma_wait3A_194 = tpu.memref_slice %dma_wait3A_192[%mul3A_180, %dma_wait3A_193] : memref<2560x128xf32, #tpu.memory_space<hbm>> -> memref<160x128xf32, #tpu.memory_space<hbm>>
      %dma_wait3A_195 = arith.constant 0 : i32
      %dma_wait3A_196 = tpu.memref_slice %arg12[%mul3A_178, %dma_wait3A_195] : memref<2816x128xf32, #tpu.memory_space<vmem_shared>> -> memref<160x128xf32, #tpu.memory_space<vmem_shared>>
      tpu.wait_dma2 semaphore(%run_scoped3A : memref<!tpu.dma_semaphore, #tpu.memory_space<semaphore_mem>>) src(%dma_wait3A_196 : memref<160x128xf32, #tpu.memory_space<vmem_shared>>) dst(%dma_wait3A_194 : memref<160x128xf32, #tpu.memory_space<hbm>>)
      tpu.yield
    }) : () -> ()
    return
  }
}

#map = affine_map<(d0, d1) -> (0, 0)>
#map1 = affine_map<(d0, d1) -> (0, 0, 0)>
module attributes {stable_mosaic.version = 14 : i64} {
  func.func @_sc_agg_body(%arg0: i32, %arg1: i32, %arg2: memref<2560x125xi32, #tpu.memory_space<hbm>>, %arg3: memref<2560x125xi32, #tpu.memory_space<hbm>>, %arg4: memref<10000x128xf32, #tpu.memory_space<hbm>>, %arg5: memref<2x2560x128xf32, #tpu.memory_space<hbm>>, %arg6: memref<160x125xi32, #tpu.memory_space<vmem>>, %arg7: memref<160x125xi32, #tpu.memory_space<vmem>>, %arg8: memref<125x128xf32, #tpu.memory_space<vmem>>, %arg9: memref<125x128xf32, #tpu.memory_space<vmem>>, %arg10: memref<125x128xf32, #tpu.memory_space<vmem>>, %arg11: memref<125x128xf32, #tpu.memory_space<vmem>>, %arg12: memref<2816x128xf32, #tpu.memory_space<vmem_shared>>, %arg13: memref<!tpu.dma_semaphore, #tpu.memory_space<semaphore_mem>>, %arg14: memref<!tpu.dma_semaphore, #tpu.memory_space<semaphore_mem>>, %arg15: memref<!tpu.dma_semaphore, #tpu.memory_space<semaphore_mem>>, %arg16: memref<!tpu.dma_semaphore, #tpu.memory_space<semaphore_mem>>, %arg17: memref<!tpu.dma_semaphore, #tpu.memory_space<semaphore_mem>>, %arg18: memref<!tpu.dma_semaphore, #tpu.memory_space<semaphore_mem>>, %arg19: memref<!tpu.dma_semaphore, #tpu.memory_space<semaphore_mem>>, %arg20: memref<!tpu.dma_semaphore, #tpu.memory_space<semaphore_mem>>) attributes {dimension_semantics = [#tpu.dimension_semantics<core_parallel>, #tpu.dimension_semantics<subcore_parallel>], iteration_bounds = array<i64: 2, 16>, scalar_prefetch = 0 : i64, scratch_operands = 15 : i64, tpu.core_type = #tpu.core_type<sc_vector_subcore>, window_params = [{transform_indices = #map}, {transform_indices = #map}, {transform_indices = #map}, {transform_indices = #map1}]} {
    %mul3A = arith.constant 2560 : i32
    %mul3A_0 = arith.muli %arg0, %mul3A : i32
    %add3A = arith.constant 0 : i32
    %add3A_1 = arith.addi %add3A, %mul3A_0 : i32
    %mul3A_2 = arith.constant 16 : i32
    %mul3A_3 = arith.muli %mul3A_2, %arg1 : i32
    %add3A_4 = arith.constant 2560 : i32
    %add3A_5 = arith.addi %add3A_4, %mul3A_3 : i32
    %iota3A = tpu.iota {dimensions = array<i32: 0>} : vector<16xi32>
    %add3A_6 = vector.broadcast %add3A_5 : i32 to vector<16xi32>
    %add3A_7 = arith.addi %add3A_6, %iota3A : vector<16xi32>
    %scan3A = arith.constant 0 : i32
    %scan3A_8 = arith.constant 0 : i32
    %scan3A_9 = arith.constant 88 : i32
    %scan3A_10 = arith.addi %scan3A_8, %scan3A_9 : i32
    %scan3A_11 = arith.constant 1 : i32
    scf.for %scan3A_181 = %scan3A_8 to %scan3A_10 step %scan3A_11  : i32 {
      %broadcast_in_dim3A = arith.constant 0.000000e+00 : f32
      %broadcast_in_dim3A_182 = vector.broadcast %broadcast_in_dim3A : f32 to vector<16xf32>
      %swap3A = arith.index_cast %scan3A_181 : i32 to index
      %swap3A_183 = arith.constant 0 : index
      %swap3A_184 = tpu.vector_load %arg8[%swap3A, %swap3A_183] {strides = array<i32>} : memref<125x128xf32, #tpu.memory_space<vmem>>, vector<1x16xf32>,
      %swap3A_185 = vector.shape_cast %swap3A_184 : vector<1x16xf32> to vector<16xf32>
      %swap3A_186 = vector.shape_cast %broadcast_in_dim3A_182 : vector<16xf32> to vector<1x16xf32>
      tpu.vector_store %arg8[%swap3A, %swap3A_183], %swap3A_186 {strides = array<i32>} : memref<125x128xf32, #tpu.memory_space<vmem>>, vector<1x16xf32>,
      %broadcast_in_dim3A_187 = arith.constant 0.000000e+00 : f32
      %broadcast_in_dim3A_188 = vector.broadcast %broadcast_in_dim3A_187 : f32 to vector<16xf32>
      %swap3A_189 = arith.index_cast %scan3A_181 : i32 to index
      %swap3A_190 = arith.constant 16 : index
      %swap3A_191 = tpu.vector_load %arg8[%swap3A_189, %swap3A_190] {strides = array<i32>} : memref<125x128xf32, #tpu.memory_space<vmem>>, vector<1x16xf32>,
      %swap3A_192 = vector.shape_cast %swap3A_191 : vector<1x16xf32> to vector<16xf32>
      %swap3A_193 = vector.shape_cast %broadcast_in_dim3A_188 : vector<16xf32> to vector<1x16xf32>
      tpu.vector_store %arg8[%swap3A_189, %swap3A_190], %swap3A_193 {strides = array<i32>} : memref<125x128xf32, #tpu.memory_space<vmem>>, vector<1x16xf32>,
      %broadcast_in_dim3A_194 = arith.constant 0.000000e+00 : f32
      %broadcast_in_dim3A_195 = vector.broadcast %broadcast_in_dim3A_194 : f32 to vector<16xf32>
      %swap3A_196 = arith.index_cast %scan3A_181 : i32 to index
      %swap3A_197 = arith.constant 32 : index
      %swap3A_198 = tpu.vector_load %arg8[%swap3A_196, %swap3A_197] {strides = array<i32>} : memref<125x128xf32, #tpu.memory_space<vmem>>, vector<1x16xf32>,
      %swap3A_199 = vector.shape_cast %swap3A_198 : vector<1x16xf32> to vector<16xf32>
      %swap3A_200 = vector.shape_cast %broadcast_in_dim3A_195 : vector<16xf32> to vector<1x16xf32>
      tpu.vector_store %arg8[%swap3A_196, %swap3A_197], %swap3A_200 {strides = array<i32>} : memref<125x128xf32, #tpu.memory_space<vmem>>, vector<1x16xf32>,
      %broadcast_in_dim3A_201 = arith.constant 0.000000e+00 : f32
      %broadcast_in_dim3A_202 = vector.broadcast %broadcast_in_dim3A_201 : f32 to vector<16xf32>
      %swap3A_203 = arith.index_cast %scan3A_181 : i32 to index
      %swap3A_204 = arith.constant 48 : index
      %swap3A_205 = tpu.vector_load %arg8[%swap3A_203, %swap3A_204] {strides = array<i32>} : memref<125x128xf32, #tpu.memory_space<vmem>>, vector<1x16xf32>,
      %swap3A_206 = vector.shape_cast %swap3A_205 : vector<1x16xf32> to vector<16xf32>
      %swap3A_207 = vector.shape_cast %broadcast_in_dim3A_202 : vector<16xf32> to vector<1x16xf32>
      tpu.vector_store %arg8[%swap3A_203, %swap3A_204], %swap3A_207 {strides = array<i32>} : memref<125x128xf32, #tpu.memory_space<vmem>>, vector<1x16xf32>,
      %broadcast_in_dim3A_208 = arith.constant 0.000000e+00 : f32
      %broadcast_in_dim3A_209 = vector.broadcast %broadcast_in_dim3A_208 : f32 to vector<16xf32>
      %swap3A_210 = arith.index_cast %scan3A_181 : i32 to index
      %swap3A_211 = arith.constant 64 : index
      %swap3A_212 = tpu.vector_load %arg8[%swap3A_210, %swap3A_211] {strides = array<i32>} : memref<125x128xf32, #tpu.memory_space<vmem>>, vector<1x16xf32>,
      %swap3A_213 = vector.shape_cast %swap3A_212 : vector<1x16xf32> to vector<16xf32>
      %swap3A_214 = vector.shape_cast %broadcast_in_dim3A_209 : vector<16xf32> to vector<1x16xf32>
      tpu.vector_store %arg8[%swap3A_210, %swap3A_211], %swap3A_214 {strides = array<i32>} : memref<125x128xf32, #tpu.memory_space<vmem>>, vector<1x16xf32>,
      %broadcast_in_dim3A_215 = arith.constant 0.000000e+00 : f32
      %broadcast_in_dim3A_216 = vector.broadcast %broadcast_in_dim3A_215 : f32 to vector<16xf32>
      %swap3A_217 = arith.index_cast %scan3A_181 : i32 to index
      %swap3A_218 = arith.constant 80 : index
      %swap3A_219 = tpu.vector_load %arg8[%swap3A_217, %swap3A_218] {strides = array<i32>} : memref<125x128xf32, #tpu.memory_space<vmem>>, vector<1x16xf32>,
      %swap3A_220 = vector.shape_cast %swap3A_219 : vector<1x16xf32> to vector<16xf32>
      %swap3A_221 = vector.shape_cast %broadcast_in_dim3A_216 : vector<16xf32> to vector<1x16xf32>
      tpu.vector_store %arg8[%swap3A_217, %swap3A_218], %swap3A_221 {strides = array<i32>} : memref<125x128xf32, #tpu.memory_space<vmem>>, vector<1x16xf32>,
      %broadcast_in_dim3A_222 = arith.constant 0.000000e+00 : f32
      %broadcast_in_dim3A_223 = vector.broadcast %broadcast_in_dim3A_222 : f32 to vector<16xf32>
      %swap3A_224 = arith.index_cast %scan3A_181 : i32 to index
      %swap3A_225 = arith.constant 96 : index
      %swap3A_226 = tpu.vector_load %arg8[%swap3A_224, %swap3A_225] {strides = array<i32>} : memref<125x128xf32, #tpu.memory_space<vmem>>, vector<1x16xf32>,
      %swap3A_227 = vector.shape_cast %swap3A_226 : vector<1x16xf32> to vector<16xf32>
      %swap3A_228 = vector.shape_cast %broadcast_in_dim3A_223 : vector<16xf32> to vector<1x16xf32>
      tpu.vector_store %arg8[%swap3A_224, %swap3A_225], %swap3A_228 {strides = array<i32>} : memref<125x128xf32, #tpu.memory_space<vmem>>, vector<1x16xf32>,
      %broadcast_in_dim3A_229 = arith.constant 0.000000e+00 : f32
      %broadcast_in_dim3A_230 = vector.broadcast %broadcast_in_dim3A_229 : f32 to vector<16xf32>
      %swap3A_231 = arith.index_cast %scan3A_181 : i32 to index
      %swap3A_232 = arith.constant 112 : index
      %swap3A_233 = tpu.vector_load %arg8[%swap3A_231, %swap3A_232] {strides = array<i32>} : memref<125x128xf32, #tpu.memory_space<vmem>>, vector<1x16xf32>,
      %swap3A_234 = vector.shape_cast %swap3A_233 : vector<1x16xf32> to vector<16xf32>
      %swap3A_235 = vector.shape_cast %broadcast_in_dim3A_230 : vector<16xf32> to vector<1x16xf32>
      tpu.vector_store %arg8[%swap3A_231, %swap3A_232], %swap3A_235 {strides = array<i32>} : memref<125x128xf32, #tpu.memory_space<vmem>>, vector<1x16xf32>,
    }
    %scan3A_12 = arith.constant 88 : i32
    %mul3A_13 = arith.constant 176 : i32
    %mul3A_14 = arith.muli %arg1, %mul3A_13 : i32
    %add3A_15 = arith.constant 0 : i32
    %add3A_16 = arith.addi %mul3A_14, %add3A_15 : i32
    "tpu.region"() ({
      %run_scoped3A = tpu.sem_alloc : memref<!tpu.dma_semaphore, #tpu.memory_space<semaphore_mem>>
      %dma_start3A_181 = arith.constant 0 : i32
      %dma_start3A_182 = arith.constant 0 : i32
      %dma_start3A_183 = tpu.memref_slice %arg8[%dma_start3A_181, %dma_start3A_182] : memref<125x128xf32, #tpu.memory_space<vmem>> -> memref<88x128xf32, #tpu.memory_space<vmem>>
      %dma_start3A_184 = arith.constant 0 : i32
      %dma_start3A_185 = tpu.memref_slice %arg12[%add3A_16, %dma_start3A_184] : memref<2816x128xf32, #tpu.memory_space<vmem_shared>> -> memref<88x128xf32, #tpu.memory_space<vmem_shared>>
      %dma_start3A_186 = arith.constant 0 : i32
      %dma_start3A_187 = tpu.memref_slice %arg12[%add3A_16, %dma_start3A_186] : memref<2816x128xf32, #tpu.memory_space<vmem_shared>> -> memref<88x128xf32, #tpu.memory_space<vmem_shared>>
      %dma_start3A_188 = arith.constant 0 : i32
      %dma_start3A_189 = arith.constant 0 : i32
      %dma_start3A_190 = tpu.memref_slice %arg8[%dma_start3A_188, %dma_start3A_189] : memref<125x128xf32, #tpu.memory_space<vmem>> -> memref<88x128xf32, #tpu.memory_space<vmem>>
      tpu.enqueue_dma source(%dma_start3A_190 : memref<88x128xf32, #tpu.memory_space<vmem>>) target(%dma_start3A_187 : memref<88x128xf32, #tpu.memory_space<vmem_shared>>) target_semaphore(%run_scoped3A : memref<!tpu.dma_semaphore, #tpu.memory_space<semaphore_mem>>)
      %dma_wait3A_191 = arith.constant 0 : i32
      %dma_wait3A_192 = arith.constant 0 : i32
      %dma_wait3A_193 = tpu.memref_slice %arg8[%dma_wait3A_191, %dma_wait3A_192] : memref<125x128xf32, #tpu.memory_space<vmem>> -> memref<88x128xf32, #tpu.memory_space<vmem>>
      %dma_wait3A_194 = arith.constant 0 : i32
      %dma_wait3A_195 = tpu.memref_slice %arg12[%add3A_16, %dma_wait3A_194] : memref<2816x128xf32, #tpu.memory_space<vmem_shared>> -> memref<88x128xf32, #tpu.memory_space<vmem_shared>>
      %dma_wait3A_196 = arith.constant 0 : i32
      %dma_wait3A_197 = tpu.memref_slice %arg12[%add3A_16, %dma_wait3A_196] : memref<2816x128xf32, #tpu.memory_space<vmem_shared>> -> memref<88x128xf32, #tpu.memory_space<vmem_shared>>
      %dma_wait3A_198 = arith.constant 0 : i32
      %dma_wait3A_199 = arith.constant 0 : i32
      %dma_wait3A_200 = tpu.memref_slice %arg8[%dma_wait3A_198, %dma_wait3A_199] : memref<125x128xf32, #tpu.memory_space<vmem>> -> memref<88x128xf32, #tpu.memory_space<vmem>>
      tpu.wait_dma2 semaphore(%run_scoped3A : memref<!tpu.dma_semaphore, #tpu.memory_space<semaphore_mem>>) src(%dma_wait3A_200 : memref<88x128xf32, #tpu.memory_space<vmem>>) dst(%dma_wait3A_197 : memref<88x128xf32, #tpu.memory_space<vmem_shared>>)
      tpu.yield
    }) : () -> ()
    %mul3A_17 = arith.constant 176 : i32
    %mul3A_18 = arith.muli %arg1, %mul3A_17 : i32
    %add3A_19 = arith.constant 88 : i32
    %add3A_20 = arith.addi %mul3A_18, %add3A_19 : i32
    "tpu.region"() ({
      %run_scoped3A = tpu.sem_alloc : memref<!tpu.dma_semaphore, #tpu.memory_space<semaphore_mem>>
      %dma_start3A_181 = arith.constant 0 : i32
      %dma_start3A_182 = arith.constant 0 : i32
      %dma_start3A_183 = tpu.memref_slice %arg8[%dma_start3A_181, %dma_start3A_182] : memref<125x128xf32, #tpu.memory_space<vmem>> -> memref<88x128xf32, #tpu.memory_space<vmem>>
      %dma_start3A_184 = arith.constant 0 : i32
      %dma_start3A_185 = tpu.memref_slice %arg12[%add3A_20, %dma_start3A_184] : memref<2816x128xf32, #tpu.memory_space<vmem_shared>> -> memref<88x128xf32, #tpu.memory_space<vmem_shared>>
      %dma_start3A_186 = arith.constant 0 : i32
      %dma_start3A_187 = tpu.memref_slice %arg12[%add3A_20, %dma_start3A_186] : memref<2816x128xf32, #tpu.memory_space<vmem_shared>> -> memref<88x128xf32, #tpu.memory_space<vmem_shared>>
      %dma_start3A_188 = arith.constant 0 : i32
      %dma_start3A_189 = arith.constant 0 : i32
      %dma_start3A_190 = tpu.memref_slice %arg8[%dma_start3A_188, %dma_start3A_189] : memref<125x128xf32, #tpu.memory_space<vmem>> -> memref<88x128xf32, #tpu.memory_space<vmem>>
      tpu.enqueue_dma source(%dma_start3A_190 : memref<88x128xf32, #tpu.memory_space<vmem>>) target(%dma_start3A_187 : memref<88x128xf32, #tpu.memory_space<vmem_shared>>) target_semaphore(%run_scoped3A : memref<!tpu.dma_semaphore, #tpu.memory_space<semaphore_mem>>)
      %dma_wait3A_191 = arith.constant 0 : i32
      %dma_wait3A_192 = arith.constant 0 : i32
      %dma_wait3A_193 = tpu.memref_slice %arg8[%dma_wait3A_191, %dma_wait3A_192] : memref<125x128xf32, #tpu.memory_space<vmem>> -> memref<88x128xf32, #tpu.memory_space<vmem>>
      %dma_wait3A_194 = arith.constant 0 : i32
      %dma_wait3A_195 = tpu.memref_slice %arg12[%add3A_20, %dma_wait3A_194] : memref<2816x128xf32, #tpu.memory_space<vmem_shared>> -> memref<88x128xf32, #tpu.memory_space<vmem_shared>>
      %dma_wait3A_196 = arith.constant 0 : i32
      %dma_wait3A_197 = tpu.memref_slice %arg12[%add3A_20, %dma_wait3A_196] : memref<2816x128xf32, #tpu.memory_space<vmem_shared>> -> memref<88x128xf32, #tpu.memory_space<vmem_shared>>
      %dma_wait3A_198 = arith.constant 0 : i32
      %dma_wait3A_199 = arith.constant 0 : i32
      %dma_wait3A_200 = tpu.memref_slice %arg8[%dma_wait3A_198, %dma_wait3A_199] : memref<125x128xf32, #tpu.memory_space<vmem>> -> memref<88x128xf32, #tpu.memory_space<vmem>>
      tpu.wait_dma2 semaphore(%run_scoped3A : memref<!tpu.dma_semaphore, #tpu.memory_space<semaphore_mem>>) src(%dma_wait3A_200 : memref<88x128xf32, #tpu.memory_space<vmem>>) dst(%dma_wait3A_197 : memref<88x128xf32, #tpu.memory_space<vmem_shared>>)
      tpu.yield
    }) : () -> ()
    %mul3A_21 = arith.constant 160 : i32
    %mul3A_22 = arith.muli %arg1, %mul3A_21 : i32
    "tpu.region"() ({
      %run_scoped3A = tpu.sem_alloc : memref<!tpu.dma_semaphore, #tpu.memory_space<semaphore_mem>>
      %dma_start3A_181 = arith.constant 0 : i32
      %dma_start3A_182 = tpu.memref_slice %arg2[%mul3A_22, %dma_start3A_181] : memref<2560x125xi32, #tpu.memory_space<hbm>> -> memref<160x125xi32, #tpu.memory_space<hbm>>
      %dma_start3A_183 = arith.constant 0 : i32
      %dma_start3A_184 = tpu.memref_slice %arg2[%mul3A_22, %dma_start3A_183] : memref<2560x125xi32, #tpu.memory_space<hbm>> -> memref<160x125xi32, #tpu.memory_space<hbm>>
      tpu.enqueue_dma source(%dma_start3A_184 : memref<160x125xi32, #tpu.memory_space<hbm>>) target(%arg6 : memref<160x125xi32, #tpu.memory_space<vmem>>) target_semaphore(%run_scoped3A : memref<!tpu.dma_semaphore, #tpu.memory_space<semaphore_mem>>)
      %dma_wait3A_185 = arith.constant 0 : i32
      %dma_wait3A_186 = tpu.memref_slice %arg2[%mul3A_22, %dma_wait3A_185] : memref<2560x125xi32, #tpu.memory_space<hbm>> -> memref<160x125xi32, #tpu.memory_space<hbm>>
      %dma_wait3A_187 = arith.constant 0 : i32
      %dma_wait3A_188 = tpu.memref_slice %arg2[%mul3A_22, %dma_wait3A_187] : memref<2560x125xi32, #tpu.memory_space<hbm>> -> memref<160x125xi32, #tpu.memory_space<hbm>>
      tpu.wait_dma2 semaphore(%run_scoped3A : memref<!tpu.dma_semaphore, #tpu.memory_space<semaphore_mem>>) src(%dma_wait3A_188 : memref<160x125xi32, #tpu.memory_space<hbm>>) dst(%arg6 : memref<160x125xi32, #tpu.memory_space<vmem>>)
      tpu.yield
    }) : () -> ()
    %mul3A_23 = arith.constant 160 : i32
    %mul3A_24 = arith.muli %arg1, %mul3A_23 : i32
    "tpu.region"() ({
      %run_scoped3A = tpu.sem_alloc : memref<!tpu.dma_semaphore, #tpu.memory_space<semaphore_mem>>
      %dma_start3A_181 = arith.constant 0 : i32
      %dma_start3A_182 = tpu.memref_slice %arg3[%mul3A_24, %dma_start3A_181] : memref<2560x125xi32, #tpu.memory_space<hbm>> -> memref<160x125xi32, #tpu.memory_space<hbm>>
      %dma_start3A_183 = arith.constant 0 : i32
      %dma_start3A_184 = tpu.memref_slice %arg3[%mul3A_24, %dma_start3A_183] : memref<2560x125xi32, #tpu.memory_space<hbm>> -> memref<160x125xi32, #tpu.memory_space<hbm>>
      tpu.enqueue_dma source(%dma_start3A_184 : memref<160x125xi32, #tpu.memory_space<hbm>>) target(%arg7 : memref<160x125xi32, #tpu.memory_space<vmem>>) target_semaphore(%run_scoped3A : memref<!tpu.dma_semaphore, #tpu.memory_space<semaphore_mem>>)
      %dma_wait3A_185 = arith.constant 0 : i32
      %dma_wait3A_186 = tpu.memref_slice %arg3[%mul3A_24, %dma_wait3A_185] : memref<2560x125xi32, #tpu.memory_space<hbm>> -> memref<160x125xi32, #tpu.memory_space<hbm>>
      %dma_wait3A_187 = arith.constant 0 : i32
      %dma_wait3A_188 = tpu.memref_slice %arg3[%mul3A_24, %dma_wait3A_187] : memref<2560x125xi32, #tpu.memory_space<hbm>> -> memref<160x125xi32, #tpu.memory_space<hbm>>
      tpu.wait_dma2 semaphore(%run_scoped3A : memref<!tpu.dma_semaphore, #tpu.memory_space<semaphore_mem>>) src(%dma_wait3A_188 : memref<160x125xi32, #tpu.memory_space<hbm>>) dst(%arg7 : memref<160x125xi32, #tpu.memory_space<vmem>>)
      tpu.yield
    }) : () -> ()
    %iota3A_25 = tpu.iota {dimensions = array<i32: 0>} : vector<16xi32>
    %scan3A_26 = arith.constant 0 : i32
    %scan3A_27 = arith.constant 0 : i32
    %scan3A_28 = arith.constant 160 : i32
    %scan3A_29 = arith.addi %scan3A_27, %scan3A_28 : i32
    %scan3A_30 = arith.constant 1 : i32
    scf.for %scan3A_181 = %scan3A_27 to %scan3A_29 step %scan3A_30  : i32 {
      %get3A = arith.index_cast %scan3A_181 : i32 to index
      %get3A_182 = arith.constant 0 : index
      %get3A_183 = tpu.vector_load %arg7[%get3A, %get3A_182] {strides = array<i32>} : memref<160x125xi32, #tpu.memory_space<vmem>>, vector<1x16xi32>,
      %get3A_184 = vector.shape_cast %get3A_183 : vector<1x16xi32> to vector<16xi32>
      %sub3A = vector.broadcast %add3A_1 : i32 to vector<16xi32>
      %sub3A_185 = arith.subi %get3A_184, %sub3A : vector<16xi32>
      %ge3A = arith.constant 0 : i32
      %ge3A_186 = vector.broadcast %ge3A : i32 to vector<16xi32>
      %ge3A_187 = arith.cmpi sge, %sub3A_185, %ge3A_186 : vector<16xi32>
      %lt3A = arith.constant 2560 : i32
      %lt3A_188 = vector.broadcast %lt3A : i32 to vector<16xi32>
      %lt3A_189 = arith.cmpi slt, %sub3A_185, %lt3A_188 : vector<16xi32>
      %and3A = arith.andi %ge3A_187, %lt3A_189 : vector<16xi1>
      %select_n3A = arith.select %and3A, %sub3A_185, %add3A_7 : vector<16xi1>, vector<16xi32>
      %swap3A = arith.index_cast %scan3A_181 : i32 to index
      %swap3A_190 = arith.constant 0 : index
      %swap3A_191 = tpu.vector_load %arg7[%swap3A, %swap3A_190] {strides = array<i32>} : memref<160x125xi32, #tpu.memory_space<vmem>>, vector<1x16xi32>,
      %swap3A_192 = vector.shape_cast %swap3A_191 : vector<1x16xi32> to vector<16xi32>
      %swap3A_193 = vector.shape_cast %select_n3A : vector<16xi32> to vector<1x16xi32>
      tpu.vector_store %arg7[%swap3A, %swap3A_190], %swap3A_193 {strides = array<i32>} : memref<160x125xi32, #tpu.memory_space<vmem>>, vector<1x16xi32>,
      %get3A_194 = arith.index_cast %scan3A_181 : i32 to index
      %get3A_195 = arith.constant 16 : index
      %get3A_196 = tpu.vector_load %arg7[%get3A_194, %get3A_195] {strides = array<i32>} : memref<160x125xi32, #tpu.memory_space<vmem>>, vector<1x16xi32>,
      %get3A_197 = vector.shape_cast %get3A_196 : vector<1x16xi32> to vector<16xi32>
      %sub3A_198 = vector.broadcast %add3A_1 : i32 to vector<16xi32>
      %sub3A_199 = arith.subi %get3A_197, %sub3A_198 : vector<16xi32>
      %ge3A_200 = arith.constant 0 : i32
      %ge3A_201 = vector.broadcast %ge3A_200 : i32 to vector<16xi32>
      %ge3A_202 = arith.cmpi sge, %sub3A_199, %ge3A_201 : vector<16xi32>
      %lt3A_203 = arith.constant 2560 : i32
      %lt3A_204 = vector.broadcast %lt3A_203 : i32 to vector<16xi32>
      %lt3A_205 = arith.cmpi slt, %sub3A_199, %lt3A_204 : vector<16xi32>
      %and3A_206 = arith.andi %ge3A_202, %lt3A_205 : vector<16xi1>
      %select_n3A_207 = arith.select %and3A_206, %sub3A_199, %add3A_7 : vector<16xi1>, vector<16xi32>
      %swap3A_208 = arith.index_cast %scan3A_181 : i32 to index
      %swap3A_209 = arith.constant 16 : index
      %swap3A_210 = tpu.vector_load %arg7[%swap3A_208, %swap3A_209] {strides = array<i32>} : memref<160x125xi32, #tpu.memory_space<vmem>>, vector<1x16xi32>,
      %swap3A_211 = vector.shape_cast %swap3A_210 : vector<1x16xi32> to vector<16xi32>
      %swap3A_212 = vector.shape_cast %select_n3A_207 : vector<16xi32> to vector<1x16xi32>
      tpu.vector_store %arg7[%swap3A_208, %swap3A_209], %swap3A_212 {strides = array<i32>} : memref<160x125xi32, #tpu.memory_space<vmem>>, vector<1x16xi32>,
      %get3A_213 = arith.index_cast %scan3A_181 : i32 to index
      %get3A_214 = arith.constant 32 : index
      %get3A_215 = tpu.vector_load %arg7[%get3A_213, %get3A_214] {strides = array<i32>} : memref<160x125xi32, #tpu.memory_space<vmem>>, vector<1x16xi32>,
      %get3A_216 = vector.shape_cast %get3A_215 : vector<1x16xi32> to vector<16xi32>
      %sub3A_217 = vector.broadcast %add3A_1 : i32 to vector<16xi32>
      %sub3A_218 = arith.subi %get3A_216, %sub3A_217 : vector<16xi32>
      %ge3A_219 = arith.constant 0 : i32
      %ge3A_220 = vector.broadcast %ge3A_219 : i32 to vector<16xi32>
      %ge3A_221 = arith.cmpi sge, %sub3A_218, %ge3A_220 : vector<16xi32>
      %lt3A_222 = arith.constant 2560 : i32
      %lt3A_223 = vector.broadcast %lt3A_222 : i32 to vector<16xi32>
      %lt3A_224 = arith.cmpi slt, %sub3A_218, %lt3A_223 : vector<16xi32>
      %and3A_225 = arith.andi %ge3A_221, %lt3A_224 : vector<16xi1>
      %select_n3A_226 = arith.select %and3A_225, %sub3A_218, %add3A_7 : vector<16xi1>, vector<16xi32>
      %swap3A_227 = arith.index_cast %scan3A_181 : i32 to index
      %swap3A_228 = arith.constant 32 : index
      %swap3A_229 = tpu.vector_load %arg7[%swap3A_227, %swap3A_228] {strides = array<i32>} : memref<160x125xi32, #tpu.memory_space<vmem>>, vector<1x16xi32>,
      %swap3A_230 = vector.shape_cast %swap3A_229 : vector<1x16xi32> to vector<16xi32>
      %swap3A_231 = vector.shape_cast %select_n3A_226 : vector<16xi32> to vector<1x16xi32>
      tpu.vector_store %arg7[%swap3A_227, %swap3A_228], %swap3A_231 {strides = array<i32>} : memref<160x125xi32, #tpu.memory_space<vmem>>, vector<1x16xi32>,
      %get3A_232 = arith.index_cast %scan3A_181 : i32 to index
      %get3A_233 = arith.constant 48 : index
      %get3A_234 = tpu.vector_load %arg7[%get3A_232, %get3A_233] {strides = array<i32>} : memref<160x125xi32, #tpu.memory_space<vmem>>, vector<1x16xi32>,
      %get3A_235 = vector.shape_cast %get3A_234 : vector<1x16xi32> to vector<16xi32>
      %sub3A_236 = vector.broadcast %add3A_1 : i32 to vector<16xi32>
      %sub3A_237 = arith.subi %get3A_235, %sub3A_236 : vector<16xi32>
      %ge3A_238 = arith.constant 0 : i32
      %ge3A_239 = vector.broadcast %ge3A_238 : i32 to vector<16xi32>
      %ge3A_240 = arith.cmpi sge, %sub3A_237, %ge3A_239 : vector<16xi32>
      %lt3A_241 = arith.constant 2560 : i32
      %lt3A_242 = vector.broadcast %lt3A_241 : i32 to vector<16xi32>
      %lt3A_243 = arith.cmpi slt, %sub3A_237, %lt3A_242 : vector<16xi32>
      %and3A_244 = arith.andi %ge3A_240, %lt3A_243 : vector<16xi1>
      %select_n3A_245 = arith.select %and3A_244, %sub3A_237, %add3A_7 : vector<16xi1>, vector<16xi32>
      %swap3A_246 = arith.index_cast %scan3A_181 : i32 to index
      %swap3A_247 = arith.constant 48 : index
      %swap3A_248 = tpu.vector_load %arg7[%swap3A_246, %swap3A_247] {strides = array<i32>} : memref<160x125xi32, #tpu.memory_space<vmem>>, vector<1x16xi32>,
      %swap3A_249 = vector.shape_cast %swap3A_248 : vector<1x16xi32> to vector<16xi32>
      %swap3A_250 = vector.shape_cast %select_n3A_245 : vector<16xi32> to vector<1x16xi32>
      tpu.vector_store %arg7[%swap3A_246, %swap3A_247], %swap3A_250 {strides = array<i32>} : memref<160x125xi32, #tpu.memory_space<vmem>>, vector<1x16xi32>,
      %get3A_251 = arith.index_cast %scan3A_181 : i32 to index
      %get3A_252 = arith.constant 64 : index
      %get3A_253 = tpu.vector_load %arg7[%get3A_251, %get3A_252] {strides = array<i32>} : memref<160x125xi32, #tpu.memory_space<vmem>>, vector<1x16xi32>,
      %get3A_254 = vector.shape_cast %get3A_253 : vector<1x16xi32> to vector<16xi32>
      %sub3A_255 = vector.broadcast %add3A_1 : i32 to vector<16xi32>
      %sub3A_256 = arith.subi %get3A_254, %sub3A_255 : vector<16xi32>
      %ge3A_257 = arith.constant 0 : i32
      %ge3A_258 = vector.broadcast %ge3A_257 : i32 to vector<16xi32>
      %ge3A_259 = arith.cmpi sge, %sub3A_256, %ge3A_258 : vector<16xi32>
      %lt3A_260 = arith.constant 2560 : i32
      %lt3A_261 = vector.broadcast %lt3A_260 : i32 to vector<16xi32>
      %lt3A_262 = arith.cmpi slt, %sub3A_256, %lt3A_261 : vector<16xi32>
      %and3A_263 = arith.andi %ge3A_259, %lt3A_262 : vector<16xi1>
      %select_n3A_264 = arith.select %and3A_263, %sub3A_256, %add3A_7 : vector<16xi1>, vector<16xi32>
      %swap3A_265 = arith.index_cast %scan3A_181 : i32 to index
      %swap3A_266 = arith.constant 64 : index
      %swap3A_267 = tpu.vector_load %arg7[%swap3A_265, %swap3A_266] {strides = array<i32>} : memref<160x125xi32, #tpu.memory_space<vmem>>, vector<1x16xi32>,
      %swap3A_268 = vector.shape_cast %swap3A_267 : vector<1x16xi32> to vector<16xi32>
      %swap3A_269 = vector.shape_cast %select_n3A_264 : vector<16xi32> to vector<1x16xi32>
      tpu.vector_store %arg7[%swap3A_265, %swap3A_266], %swap3A_269 {strides = array<i32>} : memref<160x125xi32, #tpu.memory_space<vmem>>, vector<1x16xi32>,
      %get3A_270 = arith.index_cast %scan3A_181 : i32 to index
      %get3A_271 = arith.constant 80 : index
      %get3A_272 = tpu.vector_load %arg7[%get3A_270, %get3A_271] {strides = array<i32>} : memref<160x125xi32, #tpu.memory_space<vmem>>, vector<1x16xi32>,
      %get3A_273 = vector.shape_cast %get3A_272 : vector<1x16xi32> to vector<16xi32>
      %sub3A_274 = vector.broadcast %add3A_1 : i32 to vector<16xi32>
      %sub3A_275 = arith.subi %get3A_273, %sub3A_274 : vector<16xi32>
      %ge3A_276 = arith.constant 0 : i32
      %ge3A_277 = vector.broadcast %ge3A_276 : i32 to vector<16xi32>
      %ge3A_278 = arith.cmpi sge, %sub3A_275, %ge3A_277 : vector<16xi32>
      %lt3A_279 = arith.constant 2560 : i32
      %lt3A_280 = vector.broadcast %lt3A_279 : i32 to vector<16xi32>
      %lt3A_281 = arith.cmpi slt, %sub3A_275, %lt3A_280 : vector<16xi32>
      %and3A_282 = arith.andi %ge3A_278, %lt3A_281 : vector<16xi1>
      %select_n3A_283 = arith.select %and3A_282, %sub3A_275, %add3A_7 : vector<16xi1>, vector<16xi32>
      %swap3A_284 = arith.index_cast %scan3A_181 : i32 to index
      %swap3A_285 = arith.constant 80 : index
      %swap3A_286 = tpu.vector_load %arg7[%swap3A_284, %swap3A_285] {strides = array<i32>} : memref<160x125xi32, #tpu.memory_space<vmem>>, vector<1x16xi32>,
      %swap3A_287 = vector.shape_cast %swap3A_286 : vector<1x16xi32> to vector<16xi32>
      %swap3A_288 = vector.shape_cast %select_n3A_283 : vector<16xi32> to vector<1x16xi32>
      tpu.vector_store %arg7[%swap3A_284, %swap3A_285], %swap3A_288 {strides = array<i32>} : memref<160x125xi32, #tpu.memory_space<vmem>>, vector<1x16xi32>,
      %get3A_289 = arith.index_cast %scan3A_181 : i32 to index
      %get3A_290 = arith.constant 96 : index
      %get3A_291 = tpu.vector_load %arg7[%get3A_289, %get3A_290] {strides = array<i32>} : memref<160x125xi32, #tpu.memory_space<vmem>>, vector<1x16xi32>,
      %get3A_292 = vector.shape_cast %get3A_291 : vector<1x16xi32> to vector<16xi32>
      %sub3A_293 = vector.broadcast %add3A_1 : i32 to vector<16xi32>
      %sub3A_294 = arith.subi %get3A_292, %sub3A_293 : vector<16xi32>
      %ge3A_295 = arith.constant 0 : i32
      %ge3A_296 = vector.broadcast %ge3A_295 : i32 to vector<16xi32>
      %ge3A_297 = arith.cmpi sge, %sub3A_294, %ge3A_296 : vector<16xi32>
      %lt3A_298 = arith.constant 2560 : i32
      %lt3A_299 = vector.broadcast %lt3A_298 : i32 to vector<16xi32>
      %lt3A_300 = arith.cmpi slt, %sub3A_294, %lt3A_299 : vector<16xi32>
      %and3A_301 = arith.andi %ge3A_297, %lt3A_300 : vector<16xi1>
      %select_n3A_302 = arith.select %and3A_301, %sub3A_294, %add3A_7 : vector<16xi1>, vector<16xi32>
      %swap3A_303 = arith.index_cast %scan3A_181 : i32 to index
      %swap3A_304 = arith.constant 96 : index
      %swap3A_305 = tpu.vector_load %arg7[%swap3A_303, %swap3A_304] {strides = array<i32>} : memref<160x125xi32, #tpu.memory_space<vmem>>, vector<1x16xi32>,
      %swap3A_306 = vector.shape_cast %swap3A_305 : vector<1x16xi32> to vector<16xi32>
      %swap3A_307 = vector.shape_cast %select_n3A_302 : vector<16xi32> to vector<1x16xi32>
      tpu.vector_store %arg7[%swap3A_303, %swap3A_304], %swap3A_307 {strides = array<i32>} : memref<160x125xi32, #tpu.memory_space<vmem>>, vector<1x16xi32>,
      %get3A_308 = arith.index_cast %scan3A_181 : i32 to index
      %get3A_309 = arith.constant 109 : index
      %get3A_310 = tpu.vector_load %arg7[%get3A_308, %get3A_309] {strides = array<i32>} : memref<160x125xi32, #tpu.memory_space<vmem>>, vector<1x16xi32>,
      %get3A_311 = vector.shape_cast %get3A_310 : vector<1x16xi32> to vector<16xi32>
      %sub3A_312 = vector.broadcast %add3A_1 : i32 to vector<16xi32>
      %sub3A_313 = arith.subi %get3A_311, %sub3A_312 : vector<16xi32>
      %ge3A_314 = arith.constant 0 : i32
      %ge3A_315 = vector.broadcast %ge3A_314 : i32 to vector<16xi32>
      %ge3A_316 = arith.cmpi sge, %sub3A_313, %ge3A_315 : vector<16xi32>
      %lt3A_317 = arith.constant 2560 : i32
      %lt3A_318 = vector.broadcast %lt3A_317 : i32 to vector<16xi32>
      %lt3A_319 = arith.cmpi slt, %sub3A_313, %lt3A_318 : vector<16xi32>
      %and3A_320 = arith.andi %ge3A_316, %lt3A_319 : vector<16xi1>
      %select_n3A_321 = arith.select %and3A_320, %sub3A_313, %add3A_7 : vector<16xi1>, vector<16xi32>
      %ge3A_322 = arith.constant 3 : i32
      %ge3A_323 = vector.broadcast %ge3A_322 : i32 to vector<16xi32>
      %ge3A_324 = arith.cmpi sge, %iota3A_25, %ge3A_323 : vector<16xi32>
      %select_n3A_325 = arith.select %ge3A_324, %select_n3A_321, %get3A_311 : vector<16xi1>, vector<16xi32>
      %swap3A_326 = arith.index_cast %scan3A_181 : i32 to index
      %swap3A_327 = arith.constant 109 : index
      %swap3A_328 = tpu.vector_load %arg7[%swap3A_326, %swap3A_327] {strides = array<i32>} : memref<160x125xi32, #tpu.memory_space<vmem>>, vector<1x16xi32>,
      %swap3A_329 = vector.shape_cast %swap3A_328 : vector<1x16xi32> to vector<16xi32>
      %swap3A_330 = vector.shape_cast %select_n3A_325 : vector<16xi32> to vector<1x16xi32>
      tpu.vector_store %arg7[%swap3A_326, %swap3A_327], %swap3A_330 {strides = array<i32>} : memref<160x125xi32, #tpu.memory_space<vmem>>, vector<1x16xi32>,
    }
    %scan3A_31 = arith.constant 160 : i32
    %barrier3A = arith.constant 0 : index
    tpu.barrier barrier_id(%barrier3A)
    %dma_start3A = arith.constant 0 : i32
    %dma_start3A_32 = arith.constant 0 : i32
    %dma_start3A_33 = tpu.memref_slice %arg6[%dma_start3A, %dma_start3A_32] : memref<160x125xi32, #tpu.memory_space<vmem>> -> memref<1x125xi32, #tpu.memory_space<vmem>>
    %dma_start3A_34 = tpu.memref_squeeze %dma_start3A_33 : memref<1x125xi32, #tpu.memory_space<vmem>> -> memref<125xi32, #tpu.memory_space<vmem>>
    %dma_start3A_35 = arith.constant 0 : i32
    %dma_start3A_36 = arith.constant 0 : i32
    %dma_start3A_37 = tpu.memref_slice %arg4[%dma_start3A_35, %dma_start3A_36] : memref<10000x128xf32, #tpu.memory_space<hbm>> -> memref<10000x128xf32, #tpu.memory_space<hbm>>
    tpu.enqueue_indirect_dma source(%dma_start3A_37 : memref<10000x128xf32, #tpu.memory_space<hbm>>) target(%arg8 : memref<125x128xf32, #tpu.memory_space<vmem>>) offsets(%dma_start3A_34 : memref<125xi32, #tpu.memory_space<vmem>>) semaphore(%arg13 : memref<!tpu.dma_semaphore, #tpu.memory_space<semaphore_mem>>)
    %dma_start3A_38 = arith.constant 1 : i32
    %dma_start3A_39 = arith.constant 0 : i32
    %dma_start3A_40 = tpu.memref_slice %arg6[%dma_start3A_38, %dma_start3A_39] : memref<160x125xi32, #tpu.memory_space<vmem>> -> memref<1x125xi32, #tpu.memory_space<vmem>>
    %dma_start3A_41 = tpu.memref_squeeze %dma_start3A_40 : memref<1x125xi32, #tpu.memory_space<vmem>> -> memref<125xi32, #tpu.memory_space<vmem>>
    %dma_start3A_42 = arith.constant 0 : i32
    %dma_start3A_43 = arith.constant 0 : i32
    %dma_start3A_44 = tpu.memref_slice %arg4[%dma_start3A_42, %dma_start3A_43] : memref<10000x128xf32, #tpu.memory_space<hbm>> -> memref<10000x128xf32, #tpu.memory_space<hbm>>
    tpu.enqueue_indirect_dma source(%dma_start3A_44 : memref<10000x128xf32, #tpu.memory_space<hbm>>) target(%arg9 : memref<125x128xf32, #tpu.memory_space<vmem>>) offsets(%dma_start3A_41 : memref<125xi32, #tpu.memory_space<vmem>>) semaphore(%arg14 : memref<!tpu.dma_semaphore, #tpu.memory_space<semaphore_mem>>)
    %dma_wait3A = arith.constant 0 : i32
    %dma_wait3A_45 = arith.constant 0 : i32
    %dma_wait3A_46 = tpu.memref_slice %arg6[%dma_wait3A, %dma_wait3A_45] : memref<160x125xi32, #tpu.memory_space<vmem>> -> memref<1x125xi32, #tpu.memory_space<vmem>>
    %dma_wait3A_47 = tpu.memref_squeeze %dma_wait3A_46 : memref<1x125xi32, #tpu.memory_space<vmem>> -> memref<125xi32, #tpu.memory_space<vmem>>
    %dma_wait3A_48 = arith.constant 0 : i32
    %dma_wait3A_49 = arith.constant 0 : i32
    %dma_wait3A_50 = tpu.memref_slice %arg4[%dma_wait3A_48, %dma_wait3A_49] : memref<10000x128xf32, #tpu.memory_space<hbm>> -> memref<10000x128xf32, #tpu.memory_space<hbm>>
    tpu.wait_indirect_dma semaphore(%arg13 : memref<!tpu.dma_semaphore, #tpu.memory_space<semaphore_mem>>) src(%dma_wait3A_50 : memref<10000x128xf32, #tpu.memory_space<hbm>>) dst(%arg8 : memref<125x128xf32, #tpu.memory_space<vmem>>)
    %dma_start3A_51 = arith.constant 0 : i32
    %dma_start3A_52 = arith.constant 0 : i32
    %dma_start3A_53 = tpu.memref_slice %arg7[%dma_start3A_51, %dma_start3A_52] : memref<160x125xi32, #tpu.memory_space<vmem>> -> memref<1x125xi32, #tpu.memory_space<vmem>>
    %dma_start3A_54 = tpu.memref_squeeze %dma_start3A_53 : memref<1x125xi32, #tpu.memory_space<vmem>> -> memref<125xi32, #tpu.memory_space<vmem>>
    %dma_start3A_55 = arith.constant 0 : i32
    %dma_start3A_56 = arith.constant 0 : i32
    %dma_start3A_57 = tpu.memref_slice %arg12[%dma_start3A_55, %dma_start3A_56] : memref<2816x128xf32, #tpu.memory_space<vmem_shared>> -> memref<2816x128xf32, #tpu.memory_space<vmem_shared>>
    tpu.enqueue_indirect_dma source(%arg8 : memref<125x128xf32, #tpu.memory_space<vmem>>) target(%dma_start3A_57 : memref<2816x128xf32, #tpu.memory_space<vmem_shared>>) offsets(%dma_start3A_54 : memref<125xi32, #tpu.memory_space<vmem>>) semaphore(%arg17 : memref<!tpu.dma_semaphore, #tpu.memory_space<semaphore_mem>>) {add = true}
    %dma_wait3A_58 = arith.constant 0 : i32
    %dma_wait3A_59 = arith.constant 0 : i32
    %dma_wait3A_60 = tpu.memref_slice %arg6[%dma_wait3A_58, %dma_wait3A_59] : memref<160x125xi32, #tpu.memory_space<vmem>> -> memref<1x125xi32, #tpu.memory_space<vmem>>
    %dma_wait3A_61 = tpu.memref_squeeze %dma_wait3A_60 : memref<1x125xi32, #tpu.memory_space<vmem>> -> memref<125xi32, #tpu.memory_space<vmem>>
    %dma_wait3A_62 = arith.constant 0 : i32
    %dma_wait3A_63 = arith.constant 0 : i32
    %dma_wait3A_64 = tpu.memref_slice %arg4[%dma_wait3A_62, %dma_wait3A_63] : memref<10000x128xf32, #tpu.memory_space<hbm>> -> memref<10000x128xf32, #tpu.memory_space<hbm>>
    tpu.wait_indirect_dma semaphore(%arg14 : memref<!tpu.dma_semaphore, #tpu.memory_space<semaphore_mem>>) src(%dma_wait3A_64 : memref<10000x128xf32, #tpu.memory_space<hbm>>) dst(%arg9 : memref<125x128xf32, #tpu.memory_space<vmem>>)
    %dma_start3A_65 = arith.constant 1 : i32
    %dma_start3A_66 = arith.constant 0 : i32
    %dma_start3A_67 = tpu.memref_slice %arg7[%dma_start3A_65, %dma_start3A_66] : memref<160x125xi32, #tpu.memory_space<vmem>> -> memref<1x125xi32, #tpu.memory_space<vmem>>
    %dma_start3A_68 = tpu.memref_squeeze %dma_start3A_67 : memref<1x125xi32, #tpu.memory_space<vmem>> -> memref<125xi32, #tpu.memory_space<vmem>>
    %dma_start3A_69 = arith.constant 0 : i32
    %dma_start3A_70 = arith.constant 0 : i32
    %dma_start3A_71 = tpu.memref_slice %arg12[%dma_start3A_69, %dma_start3A_70] : memref<2816x128xf32, #tpu.memory_space<vmem_shared>> -> memref<2816x128xf32, #tpu.memory_space<vmem_shared>>
    tpu.enqueue_indirect_dma source(%arg9 : memref<125x128xf32, #tpu.memory_space<vmem>>) target(%dma_start3A_71 : memref<2816x128xf32, #tpu.memory_space<vmem_shared>>) offsets(%dma_start3A_68 : memref<125xi32, #tpu.memory_space<vmem>>) semaphore(%arg18 : memref<!tpu.dma_semaphore, #tpu.memory_space<semaphore_mem>>) {add = true}
    %dma_start3A_72 = arith.constant 2 : i32
    %dma_start3A_73 = arith.constant 0 : i32
    %dma_start3A_74 = tpu.memref_slice %arg6[%dma_start3A_72, %dma_start3A_73] : memref<160x125xi32, #tpu.memory_space<vmem>> -> memref<1x125xi32, #tpu.memory_space<vmem>>
    %dma_start3A_75 = tpu.memref_squeeze %dma_start3A_74 : memref<1x125xi32, #tpu.memory_space<vmem>> -> memref<125xi32, #tpu.memory_space<vmem>>
    %dma_start3A_76 = arith.constant 0 : i32
    %dma_start3A_77 = arith.constant 0 : i32
    %dma_start3A_78 = tpu.memref_slice %arg4[%dma_start3A_76, %dma_start3A_77] : memref<10000x128xf32, #tpu.memory_space<hbm>> -> memref<10000x128xf32, #tpu.memory_space<hbm>>
    tpu.enqueue_indirect_dma source(%dma_start3A_78 : memref<10000x128xf32, #tpu.memory_space<hbm>>) target(%arg10 : memref<125x128xf32, #tpu.memory_space<vmem>>) offsets(%dma_start3A_75 : memref<125xi32, #tpu.memory_space<vmem>>) semaphore(%arg15 : memref<!tpu.dma_semaphore, #tpu.memory_space<semaphore_mem>>)
    %dma_start3A_79 = arith.constant 3 : i32
    %dma_start3A_80 = arith.constant 0 : i32
    %dma_start3A_81 = tpu.memref_slice %arg6[%dma_start3A_79, %dma_start3A_80] : memref<160x125xi32, #tpu.memory_space<vmem>> -> memref<1x125xi32, #tpu.memory_space<vmem>>
    %dma_start3A_82 = tpu.memref_squeeze %dma_start3A_81 : memref<1x125xi32, #tpu.memory_space<vmem>> -> memref<125xi32, #tpu.memory_space<vmem>>
    %dma_start3A_83 = arith.constant 0 : i32
    %dma_start3A_84 = arith.constant 0 : i32
    %dma_start3A_85 = tpu.memref_slice %arg4[%dma_start3A_83, %dma_start3A_84] : memref<10000x128xf32, #tpu.memory_space<hbm>> -> memref<10000x128xf32, #tpu.memory_space<hbm>>
    tpu.enqueue_indirect_dma source(%dma_start3A_85 : memref<10000x128xf32, #tpu.memory_space<hbm>>) target(%arg11 : memref<125x128xf32, #tpu.memory_space<vmem>>) offsets(%dma_start3A_82 : memref<125xi32, #tpu.memory_space<vmem>>) semaphore(%arg16 : memref<!tpu.dma_semaphore, #tpu.memory_space<semaphore_mem>>)
    %dma_wait3A_86 = arith.constant 0 : i32
    %dma_wait3A_87 = arith.constant 0 : i32
    %dma_wait3A_88 = tpu.memref_slice %arg6[%dma_wait3A_86, %dma_wait3A_87] : memref<160x125xi32, #tpu.memory_space<vmem>> -> memref<1x125xi32, #tpu.memory_space<vmem>>
    %dma_wait3A_89 = tpu.memref_squeeze %dma_wait3A_88 : memref<1x125xi32, #tpu.memory_space<vmem>> -> memref<125xi32, #tpu.memory_space<vmem>>
    %dma_wait3A_90 = arith.constant 0 : i32
    %dma_wait3A_91 = arith.constant 0 : i32
    %dma_wait3A_92 = tpu.memref_slice %arg4[%dma_wait3A_90, %dma_wait3A_91] : memref<10000x128xf32, #tpu.memory_space<hbm>> -> memref<10000x128xf32, #tpu.memory_space<hbm>>
    tpu.wait_indirect_dma semaphore(%arg15 : memref<!tpu.dma_semaphore, #tpu.memory_space<semaphore_mem>>) src(%dma_wait3A_92 : memref<10000x128xf32, #tpu.memory_space<hbm>>) dst(%arg10 : memref<125x128xf32, #tpu.memory_space<vmem>>)
    %dma_start3A_93 = arith.constant 2 : i32
    %dma_start3A_94 = arith.constant 0 : i32
    %dma_start3A_95 = tpu.memref_slice %arg7[%dma_start3A_93, %dma_start3A_94] : memref<160x125xi32, #tpu.memory_space<vmem>> -> memref<1x125xi32, #tpu.memory_space<vmem>>
    %dma_start3A_96 = tpu.memref_squeeze %dma_start3A_95 : memref<1x125xi32, #tpu.memory_space<vmem>> -> memref<125xi32, #tpu.memory_space<vmem>>
    %dma_start3A_97 = arith.constant 0 : i32
    %dma_start3A_98 = arith.constant 0 : i32
    %dma_start3A_99 = tpu.memref_slice %arg12[%dma_start3A_97, %dma_start3A_98] : memref<2816x128xf32, #tpu.memory_space<vmem_shared>> -> memref<2816x128xf32, #tpu.memory_space<vmem_shared>>
    tpu.enqueue_indirect_dma source(%arg10 : memref<125x128xf32, #tpu.memory_space<vmem>>) target(%dma_start3A_99 : memref<2816x128xf32, #tpu.memory_space<vmem_shared>>) offsets(%dma_start3A_96 : memref<125xi32, #tpu.memory_space<vmem>>) semaphore(%arg19 : memref<!tpu.dma_semaphore, #tpu.memory_space<semaphore_mem>>) {add = true}
    %dma_wait3A_100 = arith.constant 0 : i32
    %dma_wait3A_101 = arith.constant 0 : i32
    %dma_wait3A_102 = tpu.memref_slice %arg6[%dma_wait3A_100, %dma_wait3A_101] : memref<160x125xi32, #tpu.memory_space<vmem>> -> memref<1x125xi32, #tpu.memory_space<vmem>>
    %dma_wait3A_103 = tpu.memref_squeeze %dma_wait3A_102 : memref<1x125xi32, #tpu.memory_space<vmem>> -> memref<125xi32, #tpu.memory_space<vmem>>
    %dma_wait3A_104 = arith.constant 0 : i32
    %dma_wait3A_105 = arith.constant 0 : i32
    %dma_wait3A_106 = tpu.memref_slice %arg4[%dma_wait3A_104, %dma_wait3A_105] : memref<10000x128xf32, #tpu.memory_space<hbm>> -> memref<10000x128xf32, #tpu.memory_space<hbm>>
    tpu.wait_indirect_dma semaphore(%arg16 : memref<!tpu.dma_semaphore, #tpu.memory_space<semaphore_mem>>) src(%dma_wait3A_106 : memref<10000x128xf32, #tpu.memory_space<hbm>>) dst(%arg11 : memref<125x128xf32, #tpu.memory_space<vmem>>)
    %dma_start3A_107 = arith.constant 3 : i32
    %dma_start3A_108 = arith.constant 0 : i32
    %dma_start3A_109 = tpu.memref_slice %arg7[%dma_start3A_107, %dma_start3A_108] : memref<160x125xi32, #tpu.memory_space<vmem>> -> memref<1x125xi32, #tpu.memory_space<vmem>>
    %dma_start3A_110 = tpu.memref_squeeze %dma_start3A_109 : memref<1x125xi32, #tpu.memory_space<vmem>> -> memref<125xi32, #tpu.memory_space<vmem>>
    %dma_start3A_111 = arith.constant 0 : i32
    %dma_start3A_112 = arith.constant 0 : i32
    %dma_start3A_113 = tpu.memref_slice %arg12[%dma_start3A_111, %dma_start3A_112] : memref<2816x128xf32, #tpu.memory_space<vmem_shared>> -> memref<2816x128xf32, #tpu.memory_space<vmem_shared>>
    tpu.enqueue_indirect_dma source(%arg11 : memref<125x128xf32, #tpu.memory_space<vmem>>) target(%dma_start3A_113 : memref<2816x128xf32, #tpu.memory_space<vmem_shared>>) offsets(%dma_start3A_110 : memref<125xi32, #tpu.memory_space<vmem>>) semaphore(%arg20 : memref<!tpu.dma_semaphore, #tpu.memory_space<semaphore_mem>>) {add = true}
    %dma_wait3A_114 = arith.constant 0 : i32
    %dma_wait3A_115 = arith.constant 0 : i32
    %dma_wait3A_116 = tpu.memref_slice %arg7[%dma_wait3A_114, %dma_wait3A_115] : memref<160x125xi32, #tpu.memory_space<vmem>> -> memref<1x125xi32, #tpu.memory_space<vmem>>
    %dma_wait3A_117 = tpu.memref_squeeze %dma_wait3A_116 : memref<1x125xi32, #tpu.memory_space<vmem>> -> memref<125xi32, #tpu.memory_space<vmem>>
    %dma_wait3A_118 = arith.constant 0 : i32
    %dma_wait3A_119 = arith.constant 0 : i32
    %dma_wait3A_120 = tpu.memref_slice %arg12[%dma_wait3A_118, %dma_wait3A_119] : memref<2816x128xf32, #tpu.memory_space<vmem_shared>> -> memref<2816x128xf32, #tpu.memory_space<vmem_shared>>
    tpu.wait_indirect_dma semaphore(%arg17 : memref<!tpu.dma_semaphore, #tpu.memory_space<semaphore_mem>>) src(%arg8 : memref<125x128xf32, #tpu.memory_space<vmem>>) dst(%dma_wait3A_120 : memref<2816x128xf32, #tpu.memory_space<vmem_shared>>)
    %dma_start3A_121 = arith.constant 4 : i32
    %dma_start3A_122 = arith.constant 0 : i32
    %dma_start3A_123 = tpu.memref_slice %arg6[%dma_start3A_121, %dma_start3A_122] : memref<160x125xi32, #tpu.memory_space<vmem>> -> memref<1x125xi32, #tpu.memory_space<vmem>>
    %dma_start3A_124 = tpu.memref_squeeze %dma_start3A_123 : memref<1x125xi32, #tpu.memory_space<vmem>> -> memref<125xi32, #tpu.memory_space<vmem>>
    %dma_start3A_125 = arith.constant 0 : i32
    %dma_start3A_126 = arith.constant 0 : i32
    %dma_start3A_127 = tpu.memref_slice %arg4[%dma_start3A_125, %dma_start3A_126] : memref<10000x128xf32, #tpu.memory_space<hbm>> -> memref<10000x128xf32, #tpu.memory_space<hbm>>
    tpu.enqueue_indirect_dma source(%dma_start3A_127 : memref<10000x128xf32, #tpu.memory_space<hbm>>) target(%arg8 : memref<125x128xf32, #tpu.memory_space<vmem>>) offsets(%dma_start3A_124 : memref<125xi32, #tpu.memory_space<vmem>>) semaphore(%arg13 : memref<!tpu.dma_semaphore, #tpu.memory_space<semaphore_mem>>)
    %dma_wait3A_128 = arith.constant 0 : i32
    %dma_wait3A_129 = arith.constant 0 : i32
    %dma_wait3A_130 = tpu.memref_slice %arg7[%dma_wait3A_128, %dma_wait3A_129] : memref<160x125xi32, #tpu.memory_space<vmem>> -> memref<1x125xi32, #tpu.memory_space<vmem>>
    %dma_wait3A_131 = tpu.memref_squeeze %dma_wait3A_130 : memref<1x125xi32, #tpu.memory_space<vmem>> -> memref<125xi32, #tpu.memory_space<vmem>>
    %dma_wait3A_132 = arith.constant 0 : i32
    %dma_wait3A_133 = arith.constant 0 : i32
    %dma_wait3A_134 = tpu.memref_slice %arg12[%dma_wait3A_132, %dma_wait3A_133] : memref<2816x128xf32, #tpu.memory_space<vmem_shared>> -> memref<2816x128xf32, #tpu.memory_space<vmem_shared>>
    tpu.wait_indirect_dma semaphore(%arg18 : memref<!tpu.dma_semaphore, #tpu.memory_space<semaphore_mem>>) src(%arg9 : memref<125x128xf32, #tpu.memory_space<vmem>>) dst(%dma_wait3A_134 : memref<2816x128xf32, #tpu.memory_space<vmem_shared>>)
    %dma_start3A_135 = arith.constant 5 : i32
    %dma_start3A_136 = arith.constant 0 : i32
    %dma_start3A_137 = tpu.memref_slice %arg6[%dma_start3A_135, %dma_start3A_136] : memref<160x125xi32, #tpu.memory_space<vmem>> -> memref<1x125xi32, #tpu.memory_space<vmem>>
    %dma_start3A_138 = tpu.memref_squeeze %dma_start3A_137 : memref<1x125xi32, #tpu.memory_space<vmem>> -> memref<125xi32, #tpu.memory_space<vmem>>
    %dma_start3A_139 = arith.constant 0 : i32
    %dma_start3A_140 = arith.constant 0 : i32
    %dma_start3A_141 = tpu.memref_slice %arg4[%dma_start3A_139, %dma_start3A_140] : memref<10000x128xf32, #tpu.memory_space<hbm>> -> memref<10000x128xf32, #tpu.memory_space<hbm>>
    tpu.enqueue_indirect_dma source(%dma_start3A_141 : memref<10000x128xf32, #tpu.memory_space<hbm>>) target(%arg9 : memref<125x128xf32, #tpu.memory_space<vmem>>) offsets(%dma_start3A_138 : memref<125xi32, #tpu.memory_space<vmem>>) semaphore(%arg14 : memref<!tpu.dma_semaphore, #tpu.memory_space<semaphore_mem>>)
    %scan3A_142 = arith.constant 0 : i32
    %scan3A_143 = arith.constant 1 : i32
    %scan3A_144 = arith.constant 39 : i32
    %scan3A_145 = arith.addi %scan3A_143, %scan3A_144 : i32
    %scan3A_146 = arith.constant 1 : i32
    scf.for %scan3A_181 = %scan3A_143 to %scan3A_145 step %scan3A_146  : i32 {
      %mul3A_182 = arith.constant 4 : i32
      %mul3A_183 = arith.muli %mul3A_182, %scan3A_181 : i32
      %dma_wait3A_184 = arith.constant 0 : i32
      %dma_wait3A_185 = arith.constant 0 : i32
      %dma_wait3A_186 = tpu.memref_slice %arg6[%dma_wait3A_184, %dma_wait3A_185] : memref<160x125xi32, #tpu.memory_space<vmem>> -> memref<1x125xi32, #tpu.memory_space<vmem>>
      %dma_wait3A_187 = tpu.memref_squeeze %dma_wait3A_186 : memref<1x125xi32, #tpu.memory_space<vmem>> -> memref<125xi32, #tpu.memory_space<vmem>>
      %dma_wait3A_188 = arith.constant 0 : i32
      %dma_wait3A_189 = arith.constant 0 : i32
      %dma_wait3A_190 = tpu.memref_slice %arg4[%dma_wait3A_188, %dma_wait3A_189] : memref<10000x128xf32, #tpu.memory_space<hbm>> -> memref<10000x128xf32, #tpu.memory_space<hbm>>
      tpu.wait_indirect_dma semaphore(%arg13 : memref<!tpu.dma_semaphore, #tpu.memory_space<semaphore_mem>>) src(%dma_wait3A_190 : memref<10000x128xf32, #tpu.memory_space<hbm>>) dst(%arg8 : memref<125x128xf32, #tpu.memory_space<vmem>>)
      %dma_start3A_191 = arith.constant 0 : i32
      %dma_start3A_192 = tpu.memref_slice %arg7[%mul3A_183, %dma_start3A_191] : memref<160x125xi32, #tpu.memory_space<vmem>> -> memref<1x125xi32, #tpu.memory_space<vmem>>
      %dma_start3A_193 = tpu.memref_squeeze %dma_start3A_192 : memref<1x125xi32, #tpu.memory_space<vmem>> -> memref<125xi32, #tpu.memory_space<vmem>>
      %dma_start3A_194 = arith.constant 0 : i32
      %dma_start3A_195 = arith.constant 0 : i32
      %dma_start3A_196 = tpu.memref_slice %arg12[%dma_start3A_194, %dma_start3A_195] : memref<2816x128xf32, #tpu.memory_space<vmem_shared>> -> memref<2816x128xf32, #tpu.memory_space<vmem_shared>>
      tpu.enqueue_indirect_dma source(%arg8 : memref<125x128xf32, #tpu.memory_space<vmem>>) target(%dma_start3A_196 : memref<2816x128xf32, #tpu.memory_space<vmem_shared>>) offsets(%dma_start3A_193 : memref<125xi32, #tpu.memory_space<vmem>>) semaphore(%arg17 : memref<!tpu.dma_semaphore, #tpu.memory_space<semaphore_mem>>) {add = true}
      %dma_wait3A_197 = arith.constant 0 : i32
      %dma_wait3A_198 = arith.constant 0 : i32
      %dma_wait3A_199 = tpu.memref_slice %arg6[%dma_wait3A_197, %dma_wait3A_198] : memref<160x125xi32, #tpu.memory_space<vmem>> -> memref<1x125xi32, #tpu.memory_space<vmem>>
      %dma_wait3A_200 = tpu.memref_squeeze %dma_wait3A_199 : memref<1x125xi32, #tpu.memory_space<vmem>> -> memref<125xi32, #tpu.memory_space<vmem>>
      %dma_wait3A_201 = arith.constant 0 : i32
      %dma_wait3A_202 = arith.constant 0 : i32
      %dma_wait3A_203 = tpu.memref_slice %arg4[%dma_wait3A_201, %dma_wait3A_202] : memref<10000x128xf32, #tpu.memory_space<hbm>> -> memref<10000x128xf32, #tpu.memory_space<hbm>>
      tpu.wait_indirect_dma semaphore(%arg14 : memref<!tpu.dma_semaphore, #tpu.memory_space<semaphore_mem>>) src(%dma_wait3A_203 : memref<10000x128xf32, #tpu.memory_space<hbm>>) dst(%arg9 : memref<125x128xf32, #tpu.memory_space<vmem>>)
      %add3A_204 = arith.constant 1 : i32
      %add3A_205 = arith.addi %mul3A_183, %add3A_204 : i32
      %dma_start3A_206 = arith.constant 0 : i32
      %dma_start3A_207 = tpu.memref_slice %arg7[%add3A_205, %dma_start3A_206] : memref<160x125xi32, #tpu.memory_space<vmem>> -> memref<1x125xi32, #tpu.memory_space<vmem>>
      %dma_start3A_208 = tpu.memref_squeeze %dma_start3A_207 : memref<1x125xi32, #tpu.memory_space<vmem>> -> memref<125xi32, #tpu.memory_space<vmem>>
      %dma_start3A_209 = arith.constant 0 : i32
      %dma_start3A_210 = arith.constant 0 : i32
      %dma_start3A_211 = tpu.memref_slice %arg12[%dma_start3A_209, %dma_start3A_210] : memref<2816x128xf32, #tpu.memory_space<vmem_shared>> -> memref<2816x128xf32, #tpu.memory_space<vmem_shared>>
      tpu.enqueue_indirect_dma source(%arg9 : memref<125x128xf32, #tpu.memory_space<vmem>>) target(%dma_start3A_211 : memref<2816x128xf32, #tpu.memory_space<vmem_shared>>) offsets(%dma_start3A_208 : memref<125xi32, #tpu.memory_space<vmem>>) semaphore(%arg18 : memref<!tpu.dma_semaphore, #tpu.memory_space<semaphore_mem>>) {add = true}
      %dma_wait3A_212 = arith.constant 0 : i32
      %dma_wait3A_213 = arith.constant 0 : i32
      %dma_wait3A_214 = tpu.memref_slice %arg7[%dma_wait3A_212, %dma_wait3A_213] : memref<160x125xi32, #tpu.memory_space<vmem>> -> memref<1x125xi32, #tpu.memory_space<vmem>>
      %dma_wait3A_215 = tpu.memref_squeeze %dma_wait3A_214 : memref<1x125xi32, #tpu.memory_space<vmem>> -> memref<125xi32, #tpu.memory_space<vmem>>
      %dma_wait3A_216 = arith.constant 0 : i32
      %dma_wait3A_217 = arith.constant 0 : i32
      %dma_wait3A_218 = tpu.memref_slice %arg12[%dma_wait3A_216, %dma_wait3A_217] : memref<2816x128xf32, #tpu.memory_space<vmem_shared>> -> memref<2816x128xf32, #tpu.memory_space<vmem_shared>>
      tpu.wait_indirect_dma semaphore(%arg19 : memref<!tpu.dma_semaphore, #tpu.memory_space<semaphore_mem>>) src(%arg10 : memref<125x128xf32, #tpu.memory_space<vmem>>) dst(%dma_wait3A_218 : memref<2816x128xf32, #tpu.memory_space<vmem_shared>>)
      %add3A_219 = arith.constant 2 : i32
      %add3A_220 = arith.addi %mul3A_183, %add3A_219 : i32
      %dma_start3A_221 = arith.constant 0 : i32
      %dma_start3A_222 = tpu.memref_slice %arg6[%add3A_220, %dma_start3A_221] : memref<160x125xi32, #tpu.memory_space<vmem>> -> memref<1x125xi32, #tpu.memory_space<vmem>>
      %dma_start3A_223 = tpu.memref_squeeze %dma_start3A_222 : memref<1x125xi32, #tpu.memory_space<vmem>> -> memref<125xi32, #tpu.memory_space<vmem>>
      %dma_start3A_224 = arith.constant 0 : i32
      %dma_start3A_225 = arith.constant 0 : i32
      %dma_start3A_226 = tpu.memref_slice %arg4[%dma_start3A_224, %dma_start3A_225] : memref<10000x128xf32, #tpu.memory_space<hbm>> -> memref<10000x128xf32, #tpu.memory_space<hbm>>
      tpu.enqueue_indirect_dma source(%dma_start3A_226 : memref<10000x128xf32, #tpu.memory_space<hbm>>) target(%arg10 : memref<125x128xf32, #tpu.memory_space<vmem>>) offsets(%dma_start3A_223 : memref<125xi32, #tpu.memory_space<vmem>>) semaphore(%arg15 : memref<!tpu.dma_semaphore, #tpu.memory_space<semaphore_mem>>)
      %dma_wait3A_227 = arith.constant 0 : i32
      %dma_wait3A_228 = arith.constant 0 : i32
      %dma_wait3A_229 = tpu.memref_slice %arg7[%dma_wait3A_227, %dma_wait3A_228] : memref<160x125xi32, #tpu.memory_space<vmem>> -> memref<1x125xi32, #tpu.memory_space<vmem>>
      %dma_wait3A_230 = tpu.memref_squeeze %dma_wait3A_229 : memref<1x125xi32, #tpu.memory_space<vmem>> -> memref<125xi32, #tpu.memory_space<vmem>>
      %dma_wait3A_231 = arith.constant 0 : i32
      %dma_wait3A_232 = arith.constant 0 : i32
      %dma_wait3A_233 = tpu.memref_slice %arg12[%dma_wait3A_231, %dma_wait3A_232] : memref<2816x128xf32, #tpu.memory_space<vmem_shared>> -> memref<2816x128xf32, #tpu.memory_space<vmem_shared>>
      tpu.wait_indirect_dma semaphore(%arg20 : memref<!tpu.dma_semaphore, #tpu.memory_space<semaphore_mem>>) src(%arg11 : memref<125x128xf32, #tpu.memory_space<vmem>>) dst(%dma_wait3A_233 : memref<2816x128xf32, #tpu.memory_space<vmem_shared>>)
      %add3A_234 = arith.constant 3 : i32
      %add3A_235 = arith.addi %mul3A_183, %add3A_234 : i32
      %dma_start3A_236 = arith.constant 0 : i32
      %dma_start3A_237 = tpu.memref_slice %arg6[%add3A_235, %dma_start3A_236] : memref<160x125xi32, #tpu.memory_space<vmem>> -> memref<1x125xi32, #tpu.memory_space<vmem>>
      %dma_start3A_238 = tpu.memref_squeeze %dma_start3A_237 : memref<1x125xi32, #tpu.memory_space<vmem>> -> memref<125xi32, #tpu.memory_space<vmem>>
      %dma_start3A_239 = arith.constant 0 : i32
      %dma_start3A_240 = arith.constant 0 : i32
      %dma_start3A_241 = tpu.memref_slice %arg4[%dma_start3A_239, %dma_start3A_240] : memref<10000x128xf32, #tpu.memory_space<hbm>> -> memref<10000x128xf32, #tpu.memory_space<hbm>>
      tpu.enqueue_indirect_dma source(%dma_start3A_241 : memref<10000x128xf32, #tpu.memory_space<hbm>>) target(%arg11 : memref<125x128xf32, #tpu.memory_space<vmem>>) offsets(%dma_start3A_238 : memref<125xi32, #tpu.memory_space<vmem>>) semaphore(%arg16 : memref<!tpu.dma_semaphore, #tpu.memory_space<semaphore_mem>>)
      %dma_wait3A_242 = arith.constant 0 : i32
      %dma_wait3A_243 = arith.constant 0 : i32
      %dma_wait3A_244 = tpu.memref_slice %arg6[%dma_wait3A_242, %dma_wait3A_243] : memref<160x125xi32, #tpu.memory_space<vmem>> -> memref<1x125xi32, #tpu.memory_space<vmem>>
      %dma_wait3A_245 = tpu.memref_squeeze %dma_wait3A_244 : memref<1x125xi32, #tpu.memory_space<vmem>> -> memref<125xi32, #tpu.memory_space<vmem>>
      %dma_wait3A_246 = arith.constant 0 : i32
      %dma_wait3A_247 = arith.constant 0 : i32
      %dma_wait3A_248 = tpu.memref_slice %arg4[%dma_wait3A_246, %dma_wait3A_247] : memref<10000x128xf32, #tpu.memory_space<hbm>> -> memref<10000x128xf32, #tpu.memory_space<hbm>>
      tpu.wait_indirect_dma semaphore(%arg15 : memref<!tpu.dma_semaphore, #tpu.memory_space<semaphore_mem>>) src(%dma_wait3A_248 : memref<10000x128xf32, #tpu.memory_space<hbm>>) dst(%arg10 : memref<125x128xf32, #tpu.memory_space<vmem>>)
      %add3A_249 = arith.constant 2 : i32
      %add3A_250 = arith.addi %mul3A_183, %add3A_249 : i32
      %dma_start3A_251 = arith.constant 0 : i32
      %dma_start3A_252 = tpu.memref_slice %arg7[%add3A_250, %dma_start3A_251] : memref<160x125xi32, #tpu.memory_space<vmem>> -> memref<1x125xi32, #tpu.memory_space<vmem>>
      %dma_start3A_253 = tpu.memref_squeeze %dma_start3A_252 : memref<1x125xi32, #tpu.memory_space<vmem>> -> memref<125xi32, #tpu.memory_space<vmem>>
      %dma_start3A_254 = arith.constant 0 : i32
      %dma_start3A_255 = arith.constant 0 : i32
      %dma_start3A_256 = tpu.memref_slice %arg12[%dma_start3A_254, %dma_start3A_255] : memref<2816x128xf32, #tpu.memory_space<vmem_shared>> -> memref<2816x128xf32, #tpu.memory_space<vmem_shared>>
      tpu.enqueue_indirect_dma source(%arg10 : memref<125x128xf32, #tpu.memory_space<vmem>>) target(%dma_start3A_256 : memref<2816x128xf32, #tpu.memory_space<vmem_shared>>) offsets(%dma_start3A_253 : memref<125xi32, #tpu.memory_space<vmem>>) semaphore(%arg19 : memref<!tpu.dma_semaphore, #tpu.memory_space<semaphore_mem>>) {add = true}
      %dma_wait3A_257 = arith.constant 0 : i32
      %dma_wait3A_258 = arith.constant 0 : i32
      %dma_wait3A_259 = tpu.memref_slice %arg6[%dma_wait3A_257, %dma_wait3A_258] : memref<160x125xi32, #tpu.memory_space<vmem>> -> memref<1x125xi32, #tpu.memory_space<vmem>>
      %dma_wait3A_260 = tpu.memref_squeeze %dma_wait3A_259 : memref<1x125xi32, #tpu.memory_space<vmem>> -> memref<125xi32, #tpu.memory_space<vmem>>
      %dma_wait3A_261 = arith.constant 0 : i32
      %dma_wait3A_262 = arith.constant 0 : i32
      %dma_wait3A_263 = tpu.memref_slice %arg4[%dma_wait3A_261, %dma_wait3A_262] : memref<10000x128xf32, #tpu.memory_space<hbm>> -> memref<10000x128xf32, #tpu.memory_space<hbm>>
      tpu.wait_indirect_dma semaphore(%arg16 : memref<!tpu.dma_semaphore, #tpu.memory_space<semaphore_mem>>) src(%dma_wait3A_263 : memref<10000x128xf32, #tpu.memory_space<hbm>>) dst(%arg11 : memref<125x128xf32, #tpu.memory_space<vmem>>)
      %add3A_264 = arith.constant 3 : i32
      %add3A_265 = arith.addi %mul3A_183, %add3A_264 : i32
      %dma_start3A_266 = arith.constant 0 : i32
      %dma_start3A_267 = tpu.memref_slice %arg7[%add3A_265, %dma_start3A_266] : memref<160x125xi32, #tpu.memory_space<vmem>> -> memref<1x125xi32, #tpu.memory_space<vmem>>
      %dma_start3A_268 = tpu.memref_squeeze %dma_start3A_267 : memref<1x125xi32, #tpu.memory_space<vmem>> -> memref<125xi32, #tpu.memory_space<vmem>>
      %dma_start3A_269 = arith.constant 0 : i32
      %dma_start3A_270 = arith.constant 0 : i32
      %dma_start3A_271 = tpu.memref_slice %arg12[%dma_start3A_269, %dma_start3A_270] : memref<2816x128xf32, #tpu.memory_space<vmem_shared>> -> memref<2816x128xf32, #tpu.memory_space<vmem_shared>>
      tpu.enqueue_indirect_dma source(%arg11 : memref<125x128xf32, #tpu.memory_space<vmem>>) target(%dma_start3A_271 : memref<2816x128xf32, #tpu.memory_space<vmem_shared>>) offsets(%dma_start3A_268 : memref<125xi32, #tpu.memory_space<vmem>>) semaphore(%arg20 : memref<!tpu.dma_semaphore, #tpu.memory_space<semaphore_mem>>) {add = true}
      %dma_wait3A_272 = arith.constant 0 : i32
      %dma_wait3A_273 = arith.constant 0 : i32
      %dma_wait3A_274 = tpu.memref_slice %arg7[%dma_wait3A_272, %dma_wait3A_273] : memref<160x125xi32, #tpu.memory_space<vmem>> -> memref<1x125xi32, #tpu.memory_space<vmem>>
      %dma_wait3A_275 = tpu.memref_squeeze %dma_wait3A_274 : memref<1x125xi32, #tpu.memory_space<vmem>> -> memref<125xi32, #tpu.memory_space<vmem>>
      %dma_wait3A_276 = arith.constant 0 : i32
      %dma_wait3A_277 = arith.constant 0 : i32
      %dma_wait3A_278 = tpu.memref_slice %arg12[%dma_wait3A_276, %dma_wait3A_277] : memref<2816x128xf32, #tpu.memory_space<vmem_shared>> -> memref<2816x128xf32, #tpu.memory_space<vmem_shared>>
      tpu.wait_indirect_dma semaphore(%arg17 : memref<!tpu.dma_semaphore, #tpu.memory_space<semaphore_mem>>) src(%arg8 : memref<125x128xf32, #tpu.memory_space<vmem>>) dst(%dma_wait3A_278 : memref<2816x128xf32, #tpu.memory_space<vmem_shared>>)
      %add3A_279 = arith.constant 4 : i32
      %add3A_280 = arith.addi %mul3A_183, %add3A_279 : i32
      %min3A = arith.constant 159 : i32
      %min3A_281 = arith.minsi %add3A_280, %min3A : i32
      %dma_start3A_282 = arith.constant 0 : i32
      %dma_start3A_283 = tpu.memref_slice %arg6[%min3A_281, %dma_start3A_282] : memref<160x125xi32, #tpu.memory_space<vmem>> -> memref<1x125xi32, #tpu.memory_space<vmem>>
      %dma_start3A_284 = tpu.memref_squeeze %dma_start3A_283 : memref<1x125xi32, #tpu.memory_space<vmem>> -> memref<125xi32, #tpu.memory_space<vmem>>
      %dma_start3A_285 = arith.constant 0 : i32
      %dma_start3A_286 = arith.constant 0 : i32
      %dma_start3A_287 = tpu.memref_slice %arg4[%dma_start3A_285, %dma_start3A_286] : memref<10000x128xf32, #tpu.memory_space<hbm>> -> memref<10000x128xf32, #tpu.memory_space<hbm>>
      tpu.enqueue_indirect_dma source(%dma_start3A_287 : memref<10000x128xf32, #tpu.memory_space<hbm>>) target(%arg8 : memref<125x128xf32, #tpu.memory_space<vmem>>) offsets(%dma_start3A_284 : memref<125xi32, #tpu.memory_space<vmem>>) semaphore(%arg13 : memref<!tpu.dma_semaphore, #tpu.memory_space<semaphore_mem>>)
      %dma_wait3A_288 = arith.constant 0 : i32
      %dma_wait3A_289 = arith.constant 0 : i32
      %dma_wait3A_290 = tpu.memref_slice %arg7[%dma_wait3A_288, %dma_wait3A_289] : memref<160x125xi32, #tpu.memory_space<vmem>> -> memref<1x125xi32, #tpu.memory_space<vmem>>
      %dma_wait3A_291 = tpu.memref_squeeze %dma_wait3A_290 : memref<1x125xi32, #tpu.memory_space<vmem>> -> memref<125xi32, #tpu.memory_space<vmem>>
      %dma_wait3A_292 = arith.constant 0 : i32
      %dma_wait3A_293 = arith.constant 0 : i32
      %dma_wait3A_294 = tpu.memref_slice %arg12[%dma_wait3A_292, %dma_wait3A_293] : memref<2816x128xf32, #tpu.memory_space<vmem_shared>> -> memref<2816x128xf32, #tpu.memory_space<vmem_shared>>
      tpu.wait_indirect_dma semaphore(%arg18 : memref<!tpu.dma_semaphore, #tpu.memory_space<semaphore_mem>>) src(%arg9 : memref<125x128xf32, #tpu.memory_space<vmem>>) dst(%dma_wait3A_294 : memref<2816x128xf32, #tpu.memory_space<vmem_shared>>)
      %add3A_295 = arith.constant 5 : i32
      %add3A_296 = arith.addi %mul3A_183, %add3A_295 : i32
      %min3A_297 = arith.constant 159 : i32
      %min3A_298 = arith.minsi %add3A_296, %min3A_297 : i32
      %dma_start3A_299 = arith.constant 0 : i32
      %dma_start3A_300 = tpu.memref_slice %arg6[%min3A_298, %dma_start3A_299] : memref<160x125xi32, #tpu.memory_space<vmem>> -> memref<1x125xi32, #tpu.memory_space<vmem>>
      %dma_start3A_301 = tpu.memref_squeeze %dma_start3A_300 : memref<1x125xi32, #tpu.memory_space<vmem>> -> memref<125xi32, #tpu.memory_space<vmem>>
      %dma_start3A_302 = arith.constant 0 : i32
      %dma_start3A_303 = arith.constant 0 : i32
      %dma_start3A_304 = tpu.memref_slice %arg4[%dma_start3A_302, %dma_start3A_303] : memref<10000x128xf32, #tpu.memory_space<hbm>> -> memref<10000x128xf32, #tpu.memory_space<hbm>>
      tpu.enqueue_indirect_dma source(%dma_start3A_304 : memref<10000x128xf32, #tpu.memory_space<hbm>>) target(%arg9 : memref<125x128xf32, #tpu.memory_space<vmem>>) offsets(%dma_start3A_301 : memref<125xi32, #tpu.memory_space<vmem>>) semaphore(%arg14 : memref<!tpu.dma_semaphore, #tpu.memory_space<semaphore_mem>>)
    }
    %scan3A_147 = arith.constant 39 : i32
    %dma_wait3A_148 = arith.constant 0 : i32
    %dma_wait3A_149 = arith.constant 0 : i32
    %dma_wait3A_150 = tpu.memref_slice %arg6[%dma_wait3A_148, %dma_wait3A_149] : memref<160x125xi32, #tpu.memory_space<vmem>> -> memref<1x125xi32, #tpu.memory_space<vmem>>
    %dma_wait3A_151 = tpu.memref_squeeze %dma_wait3A_150 : memref<1x125xi32, #tpu.memory_space<vmem>> -> memref<125xi32, #tpu.memory_space<vmem>>
    %dma_wait3A_152 = arith.constant 0 : i32
    %dma_wait3A_153 = arith.constant 0 : i32
    %dma_wait3A_154 = tpu.memref_slice %arg4[%dma_wait3A_152, %dma_wait3A_153] : memref<10000x128xf32, #tpu.memory_space<hbm>> -> memref<10000x128xf32, #tpu.memory_space<hbm>>
    tpu.wait_indirect_dma semaphore(%arg13 : memref<!tpu.dma_semaphore, #tpu.memory_space<semaphore_mem>>) src(%dma_wait3A_154 : memref<10000x128xf32, #tpu.memory_space<hbm>>) dst(%arg8 : memref<125x128xf32, #tpu.memory_space<vmem>>)
    %dma_wait3A_155 = arith.constant 0 : i32
    %dma_wait3A_156 = arith.constant 0 : i32
    %dma_wait3A_157 = tpu.memref_slice %arg6[%dma_wait3A_155, %dma_wait3A_156] : memref<160x125xi32, #tpu.memory_space<vmem>> -> memref<1x125xi32, #tpu.memory_space<vmem>>
    %dma_wait3A_158 = tpu.memref_squeeze %dma_wait3A_157 : memref<1x125xi32, #tpu.memory_space<vmem>> -> memref<125xi32, #tpu.memory_space<vmem>>
    %dma_wait3A_159 = arith.constant 0 : i32
    %dma_wait3A_160 = arith.constant 0 : i32
    %dma_wait3A_161 = tpu.memref_slice %arg4[%dma_wait3A_159, %dma_wait3A_160] : memref<10000x128xf32, #tpu.memory_space<hbm>> -> memref<10000x128xf32, #tpu.memory_space<hbm>>
    tpu.wait_indirect_dma semaphore(%arg14 : memref<!tpu.dma_semaphore, #tpu.memory_space<semaphore_mem>>) src(%dma_wait3A_161 : memref<10000x128xf32, #tpu.memory_space<hbm>>) dst(%arg9 : memref<125x128xf32, #tpu.memory_space<vmem>>)
    %dma_wait3A_162 = arith.constant 0 : i32
    %dma_wait3A_163 = arith.constant 0 : i32
    %dma_wait3A_164 = tpu.memref_slice %arg7[%dma_wait3A_162, %dma_wait3A_163] : memref<160x125xi32, #tpu.memory_space<vmem>> -> memref<1x125xi32, #tpu.memory_space<vmem>>
    %dma_wait3A_165 = tpu.memref_squeeze %dma_wait3A_164 : memref<1x125xi32, #tpu.memory_space<vmem>> -> memref<125xi32, #tpu.memory_space<vmem>>
    %dma_wait3A_166 = arith.constant 0 : i32
    %dma_wait3A_167 = arith.constant 0 : i32
    %dma_wait3A_168 = tpu.memref_slice %arg12[%dma_wait3A_166, %dma_wait3A_167] : memref<2816x128xf32, #tpu.memory_space<vmem_shared>> -> memref<2816x128xf32, #tpu.memory_space<vmem_shared>>
    tpu.wait_indirect_dma semaphore(%arg19 : memref<!tpu.dma_semaphore, #tpu.memory_space<semaphore_mem>>) src(%arg10 : memref<125x128xf32, #tpu.memory_space<vmem>>) dst(%dma_wait3A_168 : memref<2816x128xf32, #tpu.memory_space<vmem_shared>>)
    %dma_wait3A_169 = arith.constant 0 : i32
    %dma_wait3A_170 = arith.constant 0 : i32
    %dma_wait3A_171 = tpu.memref_slice %arg7[%dma_wait3A_169, %dma_wait3A_170] : memref<160x125xi32, #tpu.memory_space<vmem>> -> memref<1x125xi32, #tpu.memory_space<vmem>>
    %dma_wait3A_172 = tpu.memref_squeeze %dma_wait3A_171 : memref<1x125xi32, #tpu.memory_space<vmem>> -> memref<125xi32, #tpu.memory_space<vmem>>
    %dma_wait3A_173 = arith.constant 0 : i32
    %dma_wait3A_174 = arith.constant 0 : i32
    %dma_wait3A_175 = tpu.memref_slice %arg12[%dma_wait3A_173, %dma_wait3A_174] : memref<2816x128xf32, #tpu.memory_space<vmem_shared>> -> memref<2816x128xf32, #tpu.memory_space<vmem_shared>>
    tpu.wait_indirect_dma semaphore(%arg20 : memref<!tpu.dma_semaphore, #tpu.memory_space<semaphore_mem>>) src(%arg11 : memref<125x128xf32, #tpu.memory_space<vmem>>) dst(%dma_wait3A_175 : memref<2816x128xf32, #tpu.memory_space<vmem_shared>>)
    %barrier3A_176 = arith.constant 0 : index
    tpu.barrier barrier_id(%barrier3A_176)
    %mul3A_177 = arith.constant 160 : i32
    %mul3A_178 = arith.muli %arg1, %mul3A_177 : i32
    %mul3A_179 = arith.constant 160 : i32
    %mul3A_180 = arith.muli %arg1, %mul3A_179 : i32
    "tpu.region"() ({
      %run_scoped3A = tpu.sem_alloc : memref<!tpu.dma_semaphore, #tpu.memory_space<semaphore_mem>>
      %dma_start3A_181 = arith.constant 0 : i32
      %dma_start3A_182 = arith.constant 0 : i32
      %dma_start3A_183 = tpu.memref_slice %arg5[%arg0, %dma_start3A_181, %dma_start3A_182] : memref<2x2560x128xf32, #tpu.memory_space<hbm>> -> memref<1x2560x128xf32, #tpu.memory_space<hbm>>
      %dma_start3A_184 = tpu.memref_squeeze %dma_start3A_183 : memref<1x2560x128xf32, #tpu.memory_space<hbm>> -> memref<2560x128xf32, #tpu.memory_space<hbm>>
      %dma_start3A_185 = arith.constant 0 : i32
      %dma_start3A_186 = tpu.memref_slice %dma_start3A_184[%mul3A_180, %dma_start3A_185] : memref<2560x128xf32, #tpu.memory_space<hbm>> -> memref<160x128xf32, #tpu.memory_space<hbm>>
      %dma_start3A_187 = arith.constant 0 : i32
      %dma_start3A_188 = tpu.memref_slice %arg12[%mul3A_178, %dma_start3A_187] : memref<2816x128xf32, #tpu.memory_space<vmem_shared>> -> memref<160x128xf32, #tpu.memory_space<vmem_shared>>
      tpu.enqueue_dma source(%dma_start3A_188 : memref<160x128xf32, #tpu.memory_space<vmem_shared>>) target(%dma_start3A_186 : memref<160x128xf32, #tpu.memory_space<hbm>>) target_semaphore(%run_scoped3A : memref<!tpu.dma_semaphore, #tpu.memory_space<semaphore_mem>>)
      %dma_wait3A_189 = arith.constant 0 : i32
      %dma_wait3A_190 = arith.constant 0 : i32
      %dma_wait3A_191 = tpu.memref_slice %arg5[%arg0, %dma_wait3A_189, %dma_wait3A_190] : memref<2x2560x128xf32, #tpu.memory_space<hbm>> -> memref<1x2560x128xf32, #tpu.memory_space<hbm>>
      %dma_wait3A_192 = tpu.memref_squeeze %dma_wait3A_191 : memref<1x2560x128xf32, #tpu.memory_space<hbm>> -> memref<2560x128xf32, #tpu.memory_space<hbm>>
      %dma_wait3A_193 = arith.constant 0 : i32
      %dma_wait3A_194 = tpu.memref_slice %dma_wait3A_192[%mul3A_180, %dma_wait3A_193] : memref<2560x128xf32, #tpu.memory_space<hbm>> -> memref<160x128xf32, #tpu.memory_space<hbm>>
      %dma_wait3A_195 = arith.constant 0 : i32
      %dma_wait3A_196 = tpu.memref_slice %arg12[%mul3A_178, %dma_wait3A_195] : memref<2816x128xf32, #tpu.memory_space<vmem_shared>> -> memref<160x128xf32, #tpu.memory_space<vmem_shared>>
      tpu.wait_dma2 semaphore(%run_scoped3A : memref<!tpu.dma_semaphore, #tpu.memory_space<semaphore_mem>>) src(%dma_wait3A_196 : memref<160x128xf32, #tpu.memory_space<vmem_shared>>) dst(%dma_wait3A_194 : memref<160x128xf32, #tpu.memory_space<hbm>>)
      tpu.yield
    }) : () -> ()
    return
  }
}

#map = affine_map<(d0, d1) -> (0, 0)>
#map1 = affine_map<(d0, d1) -> (0, 0, 0)>
module attributes {stable_mosaic.version = 14 : i64} {
  func.func @_sc_agg_body(%arg0: i32, %arg1: i32, %arg2: memref<2560x125xi32, #tpu.memory_space<hbm>>, %arg3: memref<2560x125xi32, #tpu.memory_space<hbm>>, %arg4: memref<10000x128xf32, #tpu.memory_space<hbm>>, %arg5: memref<2x2560x128xf32, #tpu.memory_space<hbm>>, %arg6: memref<160x125xi32, #tpu.memory_space<vmem>>, %arg7: memref<160x125xi32, #tpu.memory_space<vmem>>, %arg8: memref<125x128xf32, #tpu.memory_space<vmem>>, %arg9: memref<125x128xf32, #tpu.memory_space<vmem>>, %arg10: memref<125x128xf32, #tpu.memory_space<vmem>>, %arg11: memref<125x128xf32, #tpu.memory_space<vmem>>, %arg12: memref<2816x128xf32, #tpu.memory_space<vmem_shared>>, %arg13: memref<!tpu.dma_semaphore, #tpu.memory_space<semaphore_mem>>, %arg14: memref<!tpu.dma_semaphore, #tpu.memory_space<semaphore_mem>>, %arg15: memref<!tpu.dma_semaphore, #tpu.memory_space<semaphore_mem>>, %arg16: memref<!tpu.dma_semaphore, #tpu.memory_space<semaphore_mem>>, %arg17: memref<!tpu.dma_semaphore, #tpu.memory_space<semaphore_mem>>, %arg18: memref<!tpu.dma_semaphore, #tpu.memory_space<semaphore_mem>>, %arg19: memref<!tpu.dma_semaphore, #tpu.memory_space<semaphore_mem>>, %arg20: memref<!tpu.dma_semaphore, #tpu.memory_space<semaphore_mem>>) attributes {dimension_semantics = [#tpu.dimension_semantics<core_parallel>, #tpu.dimension_semantics<subcore_parallel>], iteration_bounds = array<i64: 2, 16>, scalar_prefetch = 0 : i64, scratch_operands = 15 : i64, tpu.core_type = #tpu.core_type<sc_vector_subcore>, window_params = [{transform_indices = #map}, {transform_indices = #map}, {transform_indices = #map}, {transform_indices = #map1}]} {
    %mul3A = arith.constant 2560 : i32
    %mul3A_0 = arith.muli %arg0, %mul3A : i32
    %add3A = arith.constant 5120 : i32
    %add3A_1 = arith.addi %add3A, %mul3A_0 : i32
    %mul3A_2 = arith.constant 16 : i32
    %mul3A_3 = arith.muli %mul3A_2, %arg1 : i32
    %add3A_4 = arith.constant 2560 : i32
    %add3A_5 = arith.addi %add3A_4, %mul3A_3 : i32
    %iota3A = tpu.iota {dimensions = array<i32: 0>} : vector<16xi32>
    %add3A_6 = vector.broadcast %add3A_5 : i32 to vector<16xi32>
    %add3A_7 = arith.addi %add3A_6, %iota3A : vector<16xi32>
    %scan3A = arith.constant 0 : i32
    %scan3A_8 = arith.constant 0 : i32
    %scan3A_9 = arith.constant 88 : i32
    %scan3A_10 = arith.addi %scan3A_8, %scan3A_9 : i32
    %scan3A_11 = arith.constant 1 : i32
    scf.for %scan3A_181 = %scan3A_8 to %scan3A_10 step %scan3A_11  : i32 {
      %broadcast_in_dim3A = arith.constant 0.000000e+00 : f32
      %broadcast_in_dim3A_182 = vector.broadcast %broadcast_in_dim3A : f32 to vector<16xf32>
      %swap3A = arith.index_cast %scan3A_181 : i32 to index
      %swap3A_183 = arith.constant 0 : index
      %swap3A_184 = tpu.vector_load %arg8[%swap3A, %swap3A_183] {strides = array<i32>} : memref<125x128xf32, #tpu.memory_space<vmem>>, vector<1x16xf32>,
      %swap3A_185 = vector.shape_cast %swap3A_184 : vector<1x16xf32> to vector<16xf32>
      %swap3A_186 = vector.shape_cast %broadcast_in_dim3A_182 : vector<16xf32> to vector<1x16xf32>
      tpu.vector_store %arg8[%swap3A, %swap3A_183], %swap3A_186 {strides = array<i32>} : memref<125x128xf32, #tpu.memory_space<vmem>>, vector<1x16xf32>,
      %broadcast_in_dim3A_187 = arith.constant 0.000000e+00 : f32
      %broadcast_in_dim3A_188 = vector.broadcast %broadcast_in_dim3A_187 : f32 to vector<16xf32>
      %swap3A_189 = arith.index_cast %scan3A_181 : i32 to index
      %swap3A_190 = arith.constant 16 : index
      %swap3A_191 = tpu.vector_load %arg8[%swap3A_189, %swap3A_190] {strides = array<i32>} : memref<125x128xf32, #tpu.memory_space<vmem>>, vector<1x16xf32>,
      %swap3A_192 = vector.shape_cast %swap3A_191 : vector<1x16xf32> to vector<16xf32>
      %swap3A_193 = vector.shape_cast %broadcast_in_dim3A_188 : vector<16xf32> to vector<1x16xf32>
      tpu.vector_store %arg8[%swap3A_189, %swap3A_190], %swap3A_193 {strides = array<i32>} : memref<125x128xf32, #tpu.memory_space<vmem>>, vector<1x16xf32>,
      %broadcast_in_dim3A_194 = arith.constant 0.000000e+00 : f32
      %broadcast_in_dim3A_195 = vector.broadcast %broadcast_in_dim3A_194 : f32 to vector<16xf32>
      %swap3A_196 = arith.index_cast %scan3A_181 : i32 to index
      %swap3A_197 = arith.constant 32 : index
      %swap3A_198 = tpu.vector_load %arg8[%swap3A_196, %swap3A_197] {strides = array<i32>} : memref<125x128xf32, #tpu.memory_space<vmem>>, vector<1x16xf32>,
      %swap3A_199 = vector.shape_cast %swap3A_198 : vector<1x16xf32> to vector<16xf32>
      %swap3A_200 = vector.shape_cast %broadcast_in_dim3A_195 : vector<16xf32> to vector<1x16xf32>
      tpu.vector_store %arg8[%swap3A_196, %swap3A_197], %swap3A_200 {strides = array<i32>} : memref<125x128xf32, #tpu.memory_space<vmem>>, vector<1x16xf32>,
      %broadcast_in_dim3A_201 = arith.constant 0.000000e+00 : f32
      %broadcast_in_dim3A_202 = vector.broadcast %broadcast_in_dim3A_201 : f32 to vector<16xf32>
      %swap3A_203 = arith.index_cast %scan3A_181 : i32 to index
      %swap3A_204 = arith.constant 48 : index
      %swap3A_205 = tpu.vector_load %arg8[%swap3A_203, %swap3A_204] {strides = array<i32>} : memref<125x128xf32, #tpu.memory_space<vmem>>, vector<1x16xf32>,
      %swap3A_206 = vector.shape_cast %swap3A_205 : vector<1x16xf32> to vector<16xf32>
      %swap3A_207 = vector.shape_cast %broadcast_in_dim3A_202 : vector<16xf32> to vector<1x16xf32>
      tpu.vector_store %arg8[%swap3A_203, %swap3A_204], %swap3A_207 {strides = array<i32>} : memref<125x128xf32, #tpu.memory_space<vmem>>, vector<1x16xf32>,
      %broadcast_in_dim3A_208 = arith.constant 0.000000e+00 : f32
      %broadcast_in_dim3A_209 = vector.broadcast %broadcast_in_dim3A_208 : f32 to vector<16xf32>
      %swap3A_210 = arith.index_cast %scan3A_181 : i32 to index
      %swap3A_211 = arith.constant 64 : index
      %swap3A_212 = tpu.vector_load %arg8[%swap3A_210, %swap3A_211] {strides = array<i32>} : memref<125x128xf32, #tpu.memory_space<vmem>>, vector<1x16xf32>,
      %swap3A_213 = vector.shape_cast %swap3A_212 : vector<1x16xf32> to vector<16xf32>
      %swap3A_214 = vector.shape_cast %broadcast_in_dim3A_209 : vector<16xf32> to vector<1x16xf32>
      tpu.vector_store %arg8[%swap3A_210, %swap3A_211], %swap3A_214 {strides = array<i32>} : memref<125x128xf32, #tpu.memory_space<vmem>>, vector<1x16xf32>,
      %broadcast_in_dim3A_215 = arith.constant 0.000000e+00 : f32
      %broadcast_in_dim3A_216 = vector.broadcast %broadcast_in_dim3A_215 : f32 to vector<16xf32>
      %swap3A_217 = arith.index_cast %scan3A_181 : i32 to index
      %swap3A_218 = arith.constant 80 : index
      %swap3A_219 = tpu.vector_load %arg8[%swap3A_217, %swap3A_218] {strides = array<i32>} : memref<125x128xf32, #tpu.memory_space<vmem>>, vector<1x16xf32>,
      %swap3A_220 = vector.shape_cast %swap3A_219 : vector<1x16xf32> to vector<16xf32>
      %swap3A_221 = vector.shape_cast %broadcast_in_dim3A_216 : vector<16xf32> to vector<1x16xf32>
      tpu.vector_store %arg8[%swap3A_217, %swap3A_218], %swap3A_221 {strides = array<i32>} : memref<125x128xf32, #tpu.memory_space<vmem>>, vector<1x16xf32>,
      %broadcast_in_dim3A_222 = arith.constant 0.000000e+00 : f32
      %broadcast_in_dim3A_223 = vector.broadcast %broadcast_in_dim3A_222 : f32 to vector<16xf32>
      %swap3A_224 = arith.index_cast %scan3A_181 : i32 to index
      %swap3A_225 = arith.constant 96 : index
      %swap3A_226 = tpu.vector_load %arg8[%swap3A_224, %swap3A_225] {strides = array<i32>} : memref<125x128xf32, #tpu.memory_space<vmem>>, vector<1x16xf32>,
      %swap3A_227 = vector.shape_cast %swap3A_226 : vector<1x16xf32> to vector<16xf32>
      %swap3A_228 = vector.shape_cast %broadcast_in_dim3A_223 : vector<16xf32> to vector<1x16xf32>
      tpu.vector_store %arg8[%swap3A_224, %swap3A_225], %swap3A_228 {strides = array<i32>} : memref<125x128xf32, #tpu.memory_space<vmem>>, vector<1x16xf32>,
      %broadcast_in_dim3A_229 = arith.constant 0.000000e+00 : f32
      %broadcast_in_dim3A_230 = vector.broadcast %broadcast_in_dim3A_229 : f32 to vector<16xf32>
      %swap3A_231 = arith.index_cast %scan3A_181 : i32 to index
      %swap3A_232 = arith.constant 112 : index
      %swap3A_233 = tpu.vector_load %arg8[%swap3A_231, %swap3A_232] {strides = array<i32>} : memref<125x128xf32, #tpu.memory_space<vmem>>, vector<1x16xf32>,
      %swap3A_234 = vector.shape_cast %swap3A_233 : vector<1x16xf32> to vector<16xf32>
      %swap3A_235 = vector.shape_cast %broadcast_in_dim3A_230 : vector<16xf32> to vector<1x16xf32>
      tpu.vector_store %arg8[%swap3A_231, %swap3A_232], %swap3A_235 {strides = array<i32>} : memref<125x128xf32, #tpu.memory_space<vmem>>, vector<1x16xf32>,
    }
    %scan3A_12 = arith.constant 88 : i32
    %mul3A_13 = arith.constant 176 : i32
    %mul3A_14 = arith.muli %arg1, %mul3A_13 : i32
    %add3A_15 = arith.constant 0 : i32
    %add3A_16 = arith.addi %mul3A_14, %add3A_15 : i32
    "tpu.region"() ({
      %run_scoped3A = tpu.sem_alloc : memref<!tpu.dma_semaphore, #tpu.memory_space<semaphore_mem>>
      %dma_start3A_181 = arith.constant 0 : i32
      %dma_start3A_182 = arith.constant 0 : i32
      %dma_start3A_183 = tpu.memref_slice %arg8[%dma_start3A_181, %dma_start3A_182] : memref<125x128xf32, #tpu.memory_space<vmem>> -> memref<88x128xf32, #tpu.memory_space<vmem>>
      %dma_start3A_184 = arith.constant 0 : i32
      %dma_start3A_185 = tpu.memref_slice %arg12[%add3A_16, %dma_start3A_184] : memref<2816x128xf32, #tpu.memory_space<vmem_shared>> -> memref<88x128xf32, #tpu.memory_space<vmem_shared>>
      %dma_start3A_186 = arith.constant 0 : i32
      %dma_start3A_187 = tpu.memref_slice %arg12[%add3A_16, %dma_start3A_186] : memref<2816x128xf32, #tpu.memory_space<vmem_shared>> -> memref<88x128xf32, #tpu.memory_space<vmem_shared>>
      %dma_start3A_188 = arith.constant 0 : i32
      %dma_start3A_189 = arith.constant 0 : i32
      %dma_start3A_190 = tpu.memref_slice %arg8[%dma_start3A_188, %dma_start3A_189] : memref<125x128xf32, #tpu.memory_space<vmem>> -> memref<88x128xf32, #tpu.memory_space<vmem>>
      tpu.enqueue_dma source(%dma_start3A_190 : memref<88x128xf32, #tpu.memory_space<vmem>>) target(%dma_start3A_187 : memref<88x128xf32, #tpu.memory_space<vmem_shared>>) target_semaphore(%run_scoped3A : memref<!tpu.dma_semaphore, #tpu.memory_space<semaphore_mem>>)
      %dma_wait3A_191 = arith.constant 0 : i32
      %dma_wait3A_192 = arith.constant 0 : i32
      %dma_wait3A_193 = tpu.memref_slice %arg8[%dma_wait3A_191, %dma_wait3A_192] : memref<125x128xf32, #tpu.memory_space<vmem>> -> memref<88x128xf32, #tpu.memory_space<vmem>>
      %dma_wait3A_194 = arith.constant 0 : i32
      %dma_wait3A_195 = tpu.memref_slice %arg12[%add3A_16, %dma_wait3A_194] : memref<2816x128xf32, #tpu.memory_space<vmem_shared>> -> memref<88x128xf32, #tpu.memory_space<vmem_shared>>
      %dma_wait3A_196 = arith.constant 0 : i32
      %dma_wait3A_197 = tpu.memref_slice %arg12[%add3A_16, %dma_wait3A_196] : memref<2816x128xf32, #tpu.memory_space<vmem_shared>> -> memref<88x128xf32, #tpu.memory_space<vmem_shared>>
      %dma_wait3A_198 = arith.constant 0 : i32
      %dma_wait3A_199 = arith.constant 0 : i32
      %dma_wait3A_200 = tpu.memref_slice %arg8[%dma_wait3A_198, %dma_wait3A_199] : memref<125x128xf32, #tpu.memory_space<vmem>> -> memref<88x128xf32, #tpu.memory_space<vmem>>
      tpu.wait_dma2 semaphore(%run_scoped3A : memref<!tpu.dma_semaphore, #tpu.memory_space<semaphore_mem>>) src(%dma_wait3A_200 : memref<88x128xf32, #tpu.memory_space<vmem>>) dst(%dma_wait3A_197 : memref<88x128xf32, #tpu.memory_space<vmem_shared>>)
      tpu.yield
    }) : () -> ()
    %mul3A_17 = arith.constant 176 : i32
    %mul3A_18 = arith.muli %arg1, %mul3A_17 : i32
    %add3A_19 = arith.constant 88 : i32
    %add3A_20 = arith.addi %mul3A_18, %add3A_19 : i32
    "tpu.region"() ({
      %run_scoped3A = tpu.sem_alloc : memref<!tpu.dma_semaphore, #tpu.memory_space<semaphore_mem>>
      %dma_start3A_181 = arith.constant 0 : i32
      %dma_start3A_182 = arith.constant 0 : i32
      %dma_start3A_183 = tpu.memref_slice %arg8[%dma_start3A_181, %dma_start3A_182] : memref<125x128xf32, #tpu.memory_space<vmem>> -> memref<88x128xf32, #tpu.memory_space<vmem>>
      %dma_start3A_184 = arith.constant 0 : i32
      %dma_start3A_185 = tpu.memref_slice %arg12[%add3A_20, %dma_start3A_184] : memref<2816x128xf32, #tpu.memory_space<vmem_shared>> -> memref<88x128xf32, #tpu.memory_space<vmem_shared>>
      %dma_start3A_186 = arith.constant 0 : i32
      %dma_start3A_187 = tpu.memref_slice %arg12[%add3A_20, %dma_start3A_186] : memref<2816x128xf32, #tpu.memory_space<vmem_shared>> -> memref<88x128xf32, #tpu.memory_space<vmem_shared>>
      %dma_start3A_188 = arith.constant 0 : i32
      %dma_start3A_189 = arith.constant 0 : i32
      %dma_start3A_190 = tpu.memref_slice %arg8[%dma_start3A_188, %dma_start3A_189] : memref<125x128xf32, #tpu.memory_space<vmem>> -> memref<88x128xf32, #tpu.memory_space<vmem>>
      tpu.enqueue_dma source(%dma_start3A_190 : memref<88x128xf32, #tpu.memory_space<vmem>>) target(%dma_start3A_187 : memref<88x128xf32, #tpu.memory_space<vmem_shared>>) target_semaphore(%run_scoped3A : memref<!tpu.dma_semaphore, #tpu.memory_space<semaphore_mem>>)
      %dma_wait3A_191 = arith.constant 0 : i32
      %dma_wait3A_192 = arith.constant 0 : i32
      %dma_wait3A_193 = tpu.memref_slice %arg8[%dma_wait3A_191, %dma_wait3A_192] : memref<125x128xf32, #tpu.memory_space<vmem>> -> memref<88x128xf32, #tpu.memory_space<vmem>>
      %dma_wait3A_194 = arith.constant 0 : i32
      %dma_wait3A_195 = tpu.memref_slice %arg12[%add3A_20, %dma_wait3A_194] : memref<2816x128xf32, #tpu.memory_space<vmem_shared>> -> memref<88x128xf32, #tpu.memory_space<vmem_shared>>
      %dma_wait3A_196 = arith.constant 0 : i32
      %dma_wait3A_197 = tpu.memref_slice %arg12[%add3A_20, %dma_wait3A_196] : memref<2816x128xf32, #tpu.memory_space<vmem_shared>> -> memref<88x128xf32, #tpu.memory_space<vmem_shared>>
      %dma_wait3A_198 = arith.constant 0 : i32
      %dma_wait3A_199 = arith.constant 0 : i32
      %dma_wait3A_200 = tpu.memref_slice %arg8[%dma_wait3A_198, %dma_wait3A_199] : memref<125x128xf32, #tpu.memory_space<vmem>> -> memref<88x128xf32, #tpu.memory_space<vmem>>
      tpu.wait_dma2 semaphore(%run_scoped3A : memref<!tpu.dma_semaphore, #tpu.memory_space<semaphore_mem>>) src(%dma_wait3A_200 : memref<88x128xf32, #tpu.memory_space<vmem>>) dst(%dma_wait3A_197 : memref<88x128xf32, #tpu.memory_space<vmem_shared>>)
      tpu.yield
    }) : () -> ()
    %mul3A_21 = arith.constant 160 : i32
    %mul3A_22 = arith.muli %arg1, %mul3A_21 : i32
    "tpu.region"() ({
      %run_scoped3A = tpu.sem_alloc : memref<!tpu.dma_semaphore, #tpu.memory_space<semaphore_mem>>
      %dma_start3A_181 = arith.constant 0 : i32
      %dma_start3A_182 = tpu.memref_slice %arg2[%mul3A_22, %dma_start3A_181] : memref<2560x125xi32, #tpu.memory_space<hbm>> -> memref<160x125xi32, #tpu.memory_space<hbm>>
      %dma_start3A_183 = arith.constant 0 : i32
      %dma_start3A_184 = tpu.memref_slice %arg2[%mul3A_22, %dma_start3A_183] : memref<2560x125xi32, #tpu.memory_space<hbm>> -> memref<160x125xi32, #tpu.memory_space<hbm>>
      tpu.enqueue_dma source(%dma_start3A_184 : memref<160x125xi32, #tpu.memory_space<hbm>>) target(%arg6 : memref<160x125xi32, #tpu.memory_space<vmem>>) target_semaphore(%run_scoped3A : memref<!tpu.dma_semaphore, #tpu.memory_space<semaphore_mem>>)
      %dma_wait3A_185 = arith.constant 0 : i32
      %dma_wait3A_186 = tpu.memref_slice %arg2[%mul3A_22, %dma_wait3A_185] : memref<2560x125xi32, #tpu.memory_space<hbm>> -> memref<160x125xi32, #tpu.memory_space<hbm>>
      %dma_wait3A_187 = arith.constant 0 : i32
      %dma_wait3A_188 = tpu.memref_slice %arg2[%mul3A_22, %dma_wait3A_187] : memref<2560x125xi32, #tpu.memory_space<hbm>> -> memref<160x125xi32, #tpu.memory_space<hbm>>
      tpu.wait_dma2 semaphore(%run_scoped3A : memref<!tpu.dma_semaphore, #tpu.memory_space<semaphore_mem>>) src(%dma_wait3A_188 : memref<160x125xi32, #tpu.memory_space<hbm>>) dst(%arg6 : memref<160x125xi32, #tpu.memory_space<vmem>>)
      tpu.yield
    }) : () -> ()
    %mul3A_23 = arith.constant 160 : i32
    %mul3A_24 = arith.muli %arg1, %mul3A_23 : i32
    "tpu.region"() ({
      %run_scoped3A = tpu.sem_alloc : memref<!tpu.dma_semaphore, #tpu.memory_space<semaphore_mem>>
      %dma_start3A_181 = arith.constant 0 : i32
      %dma_start3A_182 = tpu.memref_slice %arg3[%mul3A_24, %dma_start3A_181] : memref<2560x125xi32, #tpu.memory_space<hbm>> -> memref<160x125xi32, #tpu.memory_space<hbm>>
      %dma_start3A_183 = arith.constant 0 : i32
      %dma_start3A_184 = tpu.memref_slice %arg3[%mul3A_24, %dma_start3A_183] : memref<2560x125xi32, #tpu.memory_space<hbm>> -> memref<160x125xi32, #tpu.memory_space<hbm>>
      tpu.enqueue_dma source(%dma_start3A_184 : memref<160x125xi32, #tpu.memory_space<hbm>>) target(%arg7 : memref<160x125xi32, #tpu.memory_space<vmem>>) target_semaphore(%run_scoped3A : memref<!tpu.dma_semaphore, #tpu.memory_space<semaphore_mem>>)
      %dma_wait3A_185 = arith.constant 0 : i32
      %dma_wait3A_186 = tpu.memref_slice %arg3[%mul3A_24, %dma_wait3A_185] : memref<2560x125xi32, #tpu.memory_space<hbm>> -> memref<160x125xi32, #tpu.memory_space<hbm>>
      %dma_wait3A_187 = arith.constant 0 : i32
      %dma_wait3A_188 = tpu.memref_slice %arg3[%mul3A_24, %dma_wait3A_187] : memref<2560x125xi32, #tpu.memory_space<hbm>> -> memref<160x125xi32, #tpu.memory_space<hbm>>
      tpu.wait_dma2 semaphore(%run_scoped3A : memref<!tpu.dma_semaphore, #tpu.memory_space<semaphore_mem>>) src(%dma_wait3A_188 : memref<160x125xi32, #tpu.memory_space<hbm>>) dst(%arg7 : memref<160x125xi32, #tpu.memory_space<vmem>>)
      tpu.yield
    }) : () -> ()
    %iota3A_25 = tpu.iota {dimensions = array<i32: 0>} : vector<16xi32>
    %scan3A_26 = arith.constant 0 : i32
    %scan3A_27 = arith.constant 0 : i32
    %scan3A_28 = arith.constant 160 : i32
    %scan3A_29 = arith.addi %scan3A_27, %scan3A_28 : i32
    %scan3A_30 = arith.constant 1 : i32
    scf.for %scan3A_181 = %scan3A_27 to %scan3A_29 step %scan3A_30  : i32 {
      %get3A = arith.index_cast %scan3A_181 : i32 to index
      %get3A_182 = arith.constant 0 : index
      %get3A_183 = tpu.vector_load %arg7[%get3A, %get3A_182] {strides = array<i32>} : memref<160x125xi32, #tpu.memory_space<vmem>>, vector<1x16xi32>,
      %get3A_184 = vector.shape_cast %get3A_183 : vector<1x16xi32> to vector<16xi32>
      %sub3A = vector.broadcast %add3A_1 : i32 to vector<16xi32>
      %sub3A_185 = arith.subi %get3A_184, %sub3A : vector<16xi32>
      %ge3A = arith.constant 0 : i32
      %ge3A_186 = vector.broadcast %ge3A : i32 to vector<16xi32>
      %ge3A_187 = arith.cmpi sge, %sub3A_185, %ge3A_186 : vector<16xi32>
      %lt3A = arith.constant 2560 : i32
      %lt3A_188 = vector.broadcast %lt3A : i32 to vector<16xi32>
      %lt3A_189 = arith.cmpi slt, %sub3A_185, %lt3A_188 : vector<16xi32>
      %and3A = arith.andi %ge3A_187, %lt3A_189 : vector<16xi1>
      %select_n3A = arith.select %and3A, %sub3A_185, %add3A_7 : vector<16xi1>, vector<16xi32>
      %swap3A = arith.index_cast %scan3A_181 : i32 to index
      %swap3A_190 = arith.constant 0 : index
      %swap3A_191 = tpu.vector_load %arg7[%swap3A, %swap3A_190] {strides = array<i32>} : memref<160x125xi32, #tpu.memory_space<vmem>>, vector<1x16xi32>,
      %swap3A_192 = vector.shape_cast %swap3A_191 : vector<1x16xi32> to vector<16xi32>
      %swap3A_193 = vector.shape_cast %select_n3A : vector<16xi32> to vector<1x16xi32>
      tpu.vector_store %arg7[%swap3A, %swap3A_190], %swap3A_193 {strides = array<i32>} : memref<160x125xi32, #tpu.memory_space<vmem>>, vector<1x16xi32>,
      %get3A_194 = arith.index_cast %scan3A_181 : i32 to index
      %get3A_195 = arith.constant 16 : index
      %get3A_196 = tpu.vector_load %arg7[%get3A_194, %get3A_195] {strides = array<i32>} : memref<160x125xi32, #tpu.memory_space<vmem>>, vector<1x16xi32>,
      %get3A_197 = vector.shape_cast %get3A_196 : vector<1x16xi32> to vector<16xi32>
      %sub3A_198 = vector.broadcast %add3A_1 : i32 to vector<16xi32>
      %sub3A_199 = arith.subi %get3A_197, %sub3A_198 : vector<16xi32>
      %ge3A_200 = arith.constant 0 : i32
      %ge3A_201 = vector.broadcast %ge3A_200 : i32 to vector<16xi32>
      %ge3A_202 = arith.cmpi sge, %sub3A_199, %ge3A_201 : vector<16xi32>
      %lt3A_203 = arith.constant 2560 : i32
      %lt3A_204 = vector.broadcast %lt3A_203 : i32 to vector<16xi32>
      %lt3A_205 = arith.cmpi slt, %sub3A_199, %lt3A_204 : vector<16xi32>
      %and3A_206 = arith.andi %ge3A_202, %lt3A_205 : vector<16xi1>
      %select_n3A_207 = arith.select %and3A_206, %sub3A_199, %add3A_7 : vector<16xi1>, vector<16xi32>
      %swap3A_208 = arith.index_cast %scan3A_181 : i32 to index
      %swap3A_209 = arith.constant 16 : index
      %swap3A_210 = tpu.vector_load %arg7[%swap3A_208, %swap3A_209] {strides = array<i32>} : memref<160x125xi32, #tpu.memory_space<vmem>>, vector<1x16xi32>,
      %swap3A_211 = vector.shape_cast %swap3A_210 : vector<1x16xi32> to vector<16xi32>
      %swap3A_212 = vector.shape_cast %select_n3A_207 : vector<16xi32> to vector<1x16xi32>
      tpu.vector_store %arg7[%swap3A_208, %swap3A_209], %swap3A_212 {strides = array<i32>} : memref<160x125xi32, #tpu.memory_space<vmem>>, vector<1x16xi32>,
      %get3A_213 = arith.index_cast %scan3A_181 : i32 to index
      %get3A_214 = arith.constant 32 : index
      %get3A_215 = tpu.vector_load %arg7[%get3A_213, %get3A_214] {strides = array<i32>} : memref<160x125xi32, #tpu.memory_space<vmem>>, vector<1x16xi32>,
      %get3A_216 = vector.shape_cast %get3A_215 : vector<1x16xi32> to vector<16xi32>
      %sub3A_217 = vector.broadcast %add3A_1 : i32 to vector<16xi32>
      %sub3A_218 = arith.subi %get3A_216, %sub3A_217 : vector<16xi32>
      %ge3A_219 = arith.constant 0 : i32
      %ge3A_220 = vector.broadcast %ge3A_219 : i32 to vector<16xi32>
      %ge3A_221 = arith.cmpi sge, %sub3A_218, %ge3A_220 : vector<16xi32>
      %lt3A_222 = arith.constant 2560 : i32
      %lt3A_223 = vector.broadcast %lt3A_222 : i32 to vector<16xi32>
      %lt3A_224 = arith.cmpi slt, %sub3A_218, %lt3A_223 : vector<16xi32>
      %and3A_225 = arith.andi %ge3A_221, %lt3A_224 : vector<16xi1>
      %select_n3A_226 = arith.select %and3A_225, %sub3A_218, %add3A_7 : vector<16xi1>, vector<16xi32>
      %swap3A_227 = arith.index_cast %scan3A_181 : i32 to index
      %swap3A_228 = arith.constant 32 : index
      %swap3A_229 = tpu.vector_load %arg7[%swap3A_227, %swap3A_228] {strides = array<i32>} : memref<160x125xi32, #tpu.memory_space<vmem>>, vector<1x16xi32>,
      %swap3A_230 = vector.shape_cast %swap3A_229 : vector<1x16xi32> to vector<16xi32>
      %swap3A_231 = vector.shape_cast %select_n3A_226 : vector<16xi32> to vector<1x16xi32>
      tpu.vector_store %arg7[%swap3A_227, %swap3A_228], %swap3A_231 {strides = array<i32>} : memref<160x125xi32, #tpu.memory_space<vmem>>, vector<1x16xi32>,
      %get3A_232 = arith.index_cast %scan3A_181 : i32 to index
      %get3A_233 = arith.constant 48 : index
      %get3A_234 = tpu.vector_load %arg7[%get3A_232, %get3A_233] {strides = array<i32>} : memref<160x125xi32, #tpu.memory_space<vmem>>, vector<1x16xi32>,
      %get3A_235 = vector.shape_cast %get3A_234 : vector<1x16xi32> to vector<16xi32>
      %sub3A_236 = vector.broadcast %add3A_1 : i32 to vector<16xi32>
      %sub3A_237 = arith.subi %get3A_235, %sub3A_236 : vector<16xi32>
      %ge3A_238 = arith.constant 0 : i32
      %ge3A_239 = vector.broadcast %ge3A_238 : i32 to vector<16xi32>
      %ge3A_240 = arith.cmpi sge, %sub3A_237, %ge3A_239 : vector<16xi32>
      %lt3A_241 = arith.constant 2560 : i32
      %lt3A_242 = vector.broadcast %lt3A_241 : i32 to vector<16xi32>
      %lt3A_243 = arith.cmpi slt, %sub3A_237, %lt3A_242 : vector<16xi32>
      %and3A_244 = arith.andi %ge3A_240, %lt3A_243 : vector<16xi1>
      %select_n3A_245 = arith.select %and3A_244, %sub3A_237, %add3A_7 : vector<16xi1>, vector<16xi32>
      %swap3A_246 = arith.index_cast %scan3A_181 : i32 to index
      %swap3A_247 = arith.constant 48 : index
      %swap3A_248 = tpu.vector_load %arg7[%swap3A_246, %swap3A_247] {strides = array<i32>} : memref<160x125xi32, #tpu.memory_space<vmem>>, vector<1x16xi32>,
      %swap3A_249 = vector.shape_cast %swap3A_248 : vector<1x16xi32> to vector<16xi32>
      %swap3A_250 = vector.shape_cast %select_n3A_245 : vector<16xi32> to vector<1x16xi32>
      tpu.vector_store %arg7[%swap3A_246, %swap3A_247], %swap3A_250 {strides = array<i32>} : memref<160x125xi32, #tpu.memory_space<vmem>>, vector<1x16xi32>,
      %get3A_251 = arith.index_cast %scan3A_181 : i32 to index
      %get3A_252 = arith.constant 64 : index
      %get3A_253 = tpu.vector_load %arg7[%get3A_251, %get3A_252] {strides = array<i32>} : memref<160x125xi32, #tpu.memory_space<vmem>>, vector<1x16xi32>,
      %get3A_254 = vector.shape_cast %get3A_253 : vector<1x16xi32> to vector<16xi32>
      %sub3A_255 = vector.broadcast %add3A_1 : i32 to vector<16xi32>
      %sub3A_256 = arith.subi %get3A_254, %sub3A_255 : vector<16xi32>
      %ge3A_257 = arith.constant 0 : i32
      %ge3A_258 = vector.broadcast %ge3A_257 : i32 to vector<16xi32>
      %ge3A_259 = arith.cmpi sge, %sub3A_256, %ge3A_258 : vector<16xi32>
      %lt3A_260 = arith.constant 2560 : i32
      %lt3A_261 = vector.broadcast %lt3A_260 : i32 to vector<16xi32>
      %lt3A_262 = arith.cmpi slt, %sub3A_256, %lt3A_261 : vector<16xi32>
      %and3A_263 = arith.andi %ge3A_259, %lt3A_262 : vector<16xi1>
      %select_n3A_264 = arith.select %and3A_263, %sub3A_256, %add3A_7 : vector<16xi1>, vector<16xi32>
      %swap3A_265 = arith.index_cast %scan3A_181 : i32 to index
      %swap3A_266 = arith.constant 64 : index
      %swap3A_267 = tpu.vector_load %arg7[%swap3A_265, %swap3A_266] {strides = array<i32>} : memref<160x125xi32, #tpu.memory_space<vmem>>, vector<1x16xi32>,
      %swap3A_268 = vector.shape_cast %swap3A_267 : vector<1x16xi32> to vector<16xi32>
      %swap3A_269 = vector.shape_cast %select_n3A_264 : vector<16xi32> to vector<1x16xi32>
      tpu.vector_store %arg7[%swap3A_265, %swap3A_266], %swap3A_269 {strides = array<i32>} : memref<160x125xi32, #tpu.memory_space<vmem>>, vector<1x16xi32>,
      %get3A_270 = arith.index_cast %scan3A_181 : i32 to index
      %get3A_271 = arith.constant 80 : index
      %get3A_272 = tpu.vector_load %arg7[%get3A_270, %get3A_271] {strides = array<i32>} : memref<160x125xi32, #tpu.memory_space<vmem>>, vector<1x16xi32>,
      %get3A_273 = vector.shape_cast %get3A_272 : vector<1x16xi32> to vector<16xi32>
      %sub3A_274 = vector.broadcast %add3A_1 : i32 to vector<16xi32>
      %sub3A_275 = arith.subi %get3A_273, %sub3A_274 : vector<16xi32>
      %ge3A_276 = arith.constant 0 : i32
      %ge3A_277 = vector.broadcast %ge3A_276 : i32 to vector<16xi32>
      %ge3A_278 = arith.cmpi sge, %sub3A_275, %ge3A_277 : vector<16xi32>
      %lt3A_279 = arith.constant 2560 : i32
      %lt3A_280 = vector.broadcast %lt3A_279 : i32 to vector<16xi32>
      %lt3A_281 = arith.cmpi slt, %sub3A_275, %lt3A_280 : vector<16xi32>
      %and3A_282 = arith.andi %ge3A_278, %lt3A_281 : vector<16xi1>
      %select_n3A_283 = arith.select %and3A_282, %sub3A_275, %add3A_7 : vector<16xi1>, vector<16xi32>
      %swap3A_284 = arith.index_cast %scan3A_181 : i32 to index
      %swap3A_285 = arith.constant 80 : index
      %swap3A_286 = tpu.vector_load %arg7[%swap3A_284, %swap3A_285] {strides = array<i32>} : memref<160x125xi32, #tpu.memory_space<vmem>>, vector<1x16xi32>,
      %swap3A_287 = vector.shape_cast %swap3A_286 : vector<1x16xi32> to vector<16xi32>
      %swap3A_288 = vector.shape_cast %select_n3A_283 : vector<16xi32> to vector<1x16xi32>
      tpu.vector_store %arg7[%swap3A_284, %swap3A_285], %swap3A_288 {strides = array<i32>} : memref<160x125xi32, #tpu.memory_space<vmem>>, vector<1x16xi32>,
      %get3A_289 = arith.index_cast %scan3A_181 : i32 to index
      %get3A_290 = arith.constant 96 : index
      %get3A_291 = tpu.vector_load %arg7[%get3A_289, %get3A_290] {strides = array<i32>} : memref<160x125xi32, #tpu.memory_space<vmem>>, vector<1x16xi32>,
      %get3A_292 = vector.shape_cast %get3A_291 : vector<1x16xi32> to vector<16xi32>
      %sub3A_293 = vector.broadcast %add3A_1 : i32 to vector<16xi32>
      %sub3A_294 = arith.subi %get3A_292, %sub3A_293 : vector<16xi32>
      %ge3A_295 = arith.constant 0 : i32
      %ge3A_296 = vector.broadcast %ge3A_295 : i32 to vector<16xi32>
      %ge3A_297 = arith.cmpi sge, %sub3A_294, %ge3A_296 : vector<16xi32>
      %lt3A_298 = arith.constant 2560 : i32
      %lt3A_299 = vector.broadcast %lt3A_298 : i32 to vector<16xi32>
      %lt3A_300 = arith.cmpi slt, %sub3A_294, %lt3A_299 : vector<16xi32>
      %and3A_301 = arith.andi %ge3A_297, %lt3A_300 : vector<16xi1>
      %select_n3A_302 = arith.select %and3A_301, %sub3A_294, %add3A_7 : vector<16xi1>, vector<16xi32>
      %swap3A_303 = arith.index_cast %scan3A_181 : i32 to index
      %swap3A_304 = arith.constant 96 : index
      %swap3A_305 = tpu.vector_load %arg7[%swap3A_303, %swap3A_304] {strides = array<i32>} : memref<160x125xi32, #tpu.memory_space<vmem>>, vector<1x16xi32>,
      %swap3A_306 = vector.shape_cast %swap3A_305 : vector<1x16xi32> to vector<16xi32>
      %swap3A_307 = vector.shape_cast %select_n3A_302 : vector<16xi32> to vector<1x16xi32>
      tpu.vector_store %arg7[%swap3A_303, %swap3A_304], %swap3A_307 {strides = array<i32>} : memref<160x125xi32, #tpu.memory_space<vmem>>, vector<1x16xi32>,
      %get3A_308 = arith.index_cast %scan3A_181 : i32 to index
      %get3A_309 = arith.constant 109 : index
      %get3A_310 = tpu.vector_load %arg7[%get3A_308, %get3A_309] {strides = array<i32>} : memref<160x125xi32, #tpu.memory_space<vmem>>, vector<1x16xi32>,
      %get3A_311 = vector.shape_cast %get3A_310 : vector<1x16xi32> to vector<16xi32>
      %sub3A_312 = vector.broadcast %add3A_1 : i32 to vector<16xi32>
      %sub3A_313 = arith.subi %get3A_311, %sub3A_312 : vector<16xi32>
      %ge3A_314 = arith.constant 0 : i32
      %ge3A_315 = vector.broadcast %ge3A_314 : i32 to vector<16xi32>
      %ge3A_316 = arith.cmpi sge, %sub3A_313, %ge3A_315 : vector<16xi32>
      %lt3A_317 = arith.constant 2560 : i32
      %lt3A_318 = vector.broadcast %lt3A_317 : i32 to vector<16xi32>
      %lt3A_319 = arith.cmpi slt, %sub3A_313, %lt3A_318 : vector<16xi32>
      %and3A_320 = arith.andi %ge3A_316, %lt3A_319 : vector<16xi1>
      %select_n3A_321 = arith.select %and3A_320, %sub3A_313, %add3A_7 : vector<16xi1>, vector<16xi32>
      %ge3A_322 = arith.constant 3 : i32
      %ge3A_323 = vector.broadcast %ge3A_322 : i32 to vector<16xi32>
      %ge3A_324 = arith.cmpi sge, %iota3A_25, %ge3A_323 : vector<16xi32>
      %select_n3A_325 = arith.select %ge3A_324, %select_n3A_321, %get3A_311 : vector<16xi1>, vector<16xi32>
      %swap3A_326 = arith.index_cast %scan3A_181 : i32 to index
      %swap3A_327 = arith.constant 109 : index
      %swap3A_328 = tpu.vector_load %arg7[%swap3A_326, %swap3A_327] {strides = array<i32>} : memref<160x125xi32, #tpu.memory_space<vmem>>, vector<1x16xi32>,
      %swap3A_329 = vector.shape_cast %swap3A_328 : vector<1x16xi32> to vector<16xi32>
      %swap3A_330 = vector.shape_cast %select_n3A_325 : vector<16xi32> to vector<1x16xi32>
      tpu.vector_store %arg7[%swap3A_326, %swap3A_327], %swap3A_330 {strides = array<i32>} : memref<160x125xi32, #tpu.memory_space<vmem>>, vector<1x16xi32>,
    }
    %scan3A_31 = arith.constant 160 : i32
    %barrier3A = arith.constant 0 : index
    tpu.barrier barrier_id(%barrier3A)
    %dma_start3A = arith.constant 0 : i32
    %dma_start3A_32 = arith.constant 0 : i32
    %dma_start3A_33 = tpu.memref_slice %arg6[%dma_start3A, %dma_start3A_32] : memref<160x125xi32, #tpu.memory_space<vmem>> -> memref<1x125xi32, #tpu.memory_space<vmem>>
    %dma_start3A_34 = tpu.memref_squeeze %dma_start3A_33 : memref<1x125xi32, #tpu.memory_space<vmem>> -> memref<125xi32, #tpu.memory_space<vmem>>
    %dma_start3A_35 = arith.constant 0 : i32
    %dma_start3A_36 = arith.constant 0 : i32
    %dma_start3A_37 = tpu.memref_slice %arg4[%dma_start3A_35, %dma_start3A_36] : memref<10000x128xf32, #tpu.memory_space<hbm>> -> memref<10000x128xf32, #tpu.memory_space<hbm>>
    tpu.enqueue_indirect_dma source(%dma_start3A_37 : memref<10000x128xf32, #tpu.memory_space<hbm>>) target(%arg8 : memref<125x128xf32, #tpu.memory_space<vmem>>) offsets(%dma_start3A_34 : memref<125xi32, #tpu.memory_space<vmem>>) semaphore(%arg13 : memref<!tpu.dma_semaphore, #tpu.memory_space<semaphore_mem>>)
    %dma_start3A_38 = arith.constant 1 : i32
    %dma_start3A_39 = arith.constant 0 : i32
    %dma_start3A_40 = tpu.memref_slice %arg6[%dma_start3A_38, %dma_start3A_39] : memref<160x125xi32, #tpu.memory_space<vmem>> -> memref<1x125xi32, #tpu.memory_space<vmem>>
    %dma_start3A_41 = tpu.memref_squeeze %dma_start3A_40 : memref<1x125xi32, #tpu.memory_space<vmem>> -> memref<125xi32, #tpu.memory_space<vmem>>
    %dma_start3A_42 = arith.constant 0 : i32
    %dma_start3A_43 = arith.constant 0 : i32
    %dma_start3A_44 = tpu.memref_slice %arg4[%dma_start3A_42, %dma_start3A_43] : memref<10000x128xf32, #tpu.memory_space<hbm>> -> memref<10000x128xf32, #tpu.memory_space<hbm>>
    tpu.enqueue_indirect_dma source(%dma_start3A_44 : memref<10000x128xf32, #tpu.memory_space<hbm>>) target(%arg9 : memref<125x128xf32, #tpu.memory_space<vmem>>) offsets(%dma_start3A_41 : memref<125xi32, #tpu.memory_space<vmem>>) semaphore(%arg14 : memref<!tpu.dma_semaphore, #tpu.memory_space<semaphore_mem>>)
    %dma_wait3A = arith.constant 0 : i32
    %dma_wait3A_45 = arith.constant 0 : i32
    %dma_wait3A_46 = tpu.memref_slice %arg6[%dma_wait3A, %dma_wait3A_45] : memref<160x125xi32, #tpu.memory_space<vmem>> -> memref<1x125xi32, #tpu.memory_space<vmem>>
    %dma_wait3A_47 = tpu.memref_squeeze %dma_wait3A_46 : memref<1x125xi32, #tpu.memory_space<vmem>> -> memref<125xi32, #tpu.memory_space<vmem>>
    %dma_wait3A_48 = arith.constant 0 : i32
    %dma_wait3A_49 = arith.constant 0 : i32
    %dma_wait3A_50 = tpu.memref_slice %arg4[%dma_wait3A_48, %dma_wait3A_49] : memref<10000x128xf32, #tpu.memory_space<hbm>> -> memref<10000x128xf32, #tpu.memory_space<hbm>>
    tpu.wait_indirect_dma semaphore(%arg13 : memref<!tpu.dma_semaphore, #tpu.memory_space<semaphore_mem>>) src(%dma_wait3A_50 : memref<10000x128xf32, #tpu.memory_space<hbm>>) dst(%arg8 : memref<125x128xf32, #tpu.memory_space<vmem>>)
    %dma_start3A_51 = arith.constant 0 : i32
    %dma_start3A_52 = arith.constant 0 : i32
    %dma_start3A_53 = tpu.memref_slice %arg7[%dma_start3A_51, %dma_start3A_52] : memref<160x125xi32, #tpu.memory_space<vmem>> -> memref<1x125xi32, #tpu.memory_space<vmem>>
    %dma_start3A_54 = tpu.memref_squeeze %dma_start3A_53 : memref<1x125xi32, #tpu.memory_space<vmem>> -> memref<125xi32, #tpu.memory_space<vmem>>
    %dma_start3A_55 = arith.constant 0 : i32
    %dma_start3A_56 = arith.constant 0 : i32
    %dma_start3A_57 = tpu.memref_slice %arg12[%dma_start3A_55, %dma_start3A_56] : memref<2816x128xf32, #tpu.memory_space<vmem_shared>> -> memref<2816x128xf32, #tpu.memory_space<vmem_shared>>
    tpu.enqueue_indirect_dma source(%arg8 : memref<125x128xf32, #tpu.memory_space<vmem>>) target(%dma_start3A_57 : memref<2816x128xf32, #tpu.memory_space<vmem_shared>>) offsets(%dma_start3A_54 : memref<125xi32, #tpu.memory_space<vmem>>) semaphore(%arg17 : memref<!tpu.dma_semaphore, #tpu.memory_space<semaphore_mem>>) {add = true}
    %dma_wait3A_58 = arith.constant 0 : i32
    %dma_wait3A_59 = arith.constant 0 : i32
    %dma_wait3A_60 = tpu.memref_slice %arg6[%dma_wait3A_58, %dma_wait3A_59] : memref<160x125xi32, #tpu.memory_space<vmem>> -> memref<1x125xi32, #tpu.memory_space<vmem>>
    %dma_wait3A_61 = tpu.memref_squeeze %dma_wait3A_60 : memref<1x125xi32, #tpu.memory_space<vmem>> -> memref<125xi32, #tpu.memory_space<vmem>>
    %dma_wait3A_62 = arith.constant 0 : i32
    %dma_wait3A_63 = arith.constant 0 : i32
    %dma_wait3A_64 = tpu.memref_slice %arg4[%dma_wait3A_62, %dma_wait3A_63] : memref<10000x128xf32, #tpu.memory_space<hbm>> -> memref<10000x128xf32, #tpu.memory_space<hbm>>
    tpu.wait_indirect_dma semaphore(%arg14 : memref<!tpu.dma_semaphore, #tpu.memory_space<semaphore_mem>>) src(%dma_wait3A_64 : memref<10000x128xf32, #tpu.memory_space<hbm>>) dst(%arg9 : memref<125x128xf32, #tpu.memory_space<vmem>>)
    %dma_start3A_65 = arith.constant 1 : i32
    %dma_start3A_66 = arith.constant 0 : i32
    %dma_start3A_67 = tpu.memref_slice %arg7[%dma_start3A_65, %dma_start3A_66] : memref<160x125xi32, #tpu.memory_space<vmem>> -> memref<1x125xi32, #tpu.memory_space<vmem>>
    %dma_start3A_68 = tpu.memref_squeeze %dma_start3A_67 : memref<1x125xi32, #tpu.memory_space<vmem>> -> memref<125xi32, #tpu.memory_space<vmem>>
    %dma_start3A_69 = arith.constant 0 : i32
    %dma_start3A_70 = arith.constant 0 : i32
    %dma_start3A_71 = tpu.memref_slice %arg12[%dma_start3A_69, %dma_start3A_70] : memref<2816x128xf32, #tpu.memory_space<vmem_shared>> -> memref<2816x128xf32, #tpu.memory_space<vmem_shared>>
    tpu.enqueue_indirect_dma source(%arg9 : memref<125x128xf32, #tpu.memory_space<vmem>>) target(%dma_start3A_71 : memref<2816x128xf32, #tpu.memory_space<vmem_shared>>) offsets(%dma_start3A_68 : memref<125xi32, #tpu.memory_space<vmem>>) semaphore(%arg18 : memref<!tpu.dma_semaphore, #tpu.memory_space<semaphore_mem>>) {add = true}
    %dma_start3A_72 = arith.constant 2 : i32
    %dma_start3A_73 = arith.constant 0 : i32
    %dma_start3A_74 = tpu.memref_slice %arg6[%dma_start3A_72, %dma_start3A_73] : memref<160x125xi32, #tpu.memory_space<vmem>> -> memref<1x125xi32, #tpu.memory_space<vmem>>
    %dma_start3A_75 = tpu.memref_squeeze %dma_start3A_74 : memref<1x125xi32, #tpu.memory_space<vmem>> -> memref<125xi32, #tpu.memory_space<vmem>>
    %dma_start3A_76 = arith.constant 0 : i32
    %dma_start3A_77 = arith.constant 0 : i32
    %dma_start3A_78 = tpu.memref_slice %arg4[%dma_start3A_76, %dma_start3A_77] : memref<10000x128xf32, #tpu.memory_space<hbm>> -> memref<10000x128xf32, #tpu.memory_space<hbm>>
    tpu.enqueue_indirect_dma source(%dma_start3A_78 : memref<10000x128xf32, #tpu.memory_space<hbm>>) target(%arg10 : memref<125x128xf32, #tpu.memory_space<vmem>>) offsets(%dma_start3A_75 : memref<125xi32, #tpu.memory_space<vmem>>) semaphore(%arg15 : memref<!tpu.dma_semaphore, #tpu.memory_space<semaphore_mem>>)
    %dma_start3A_79 = arith.constant 3 : i32
    %dma_start3A_80 = arith.constant 0 : i32
    %dma_start3A_81 = tpu.memref_slice %arg6[%dma_start3A_79, %dma_start3A_80] : memref<160x125xi32, #tpu.memory_space<vmem>> -> memref<1x125xi32, #tpu.memory_space<vmem>>
    %dma_start3A_82 = tpu.memref_squeeze %dma_start3A_81 : memref<1x125xi32, #tpu.memory_space<vmem>> -> memref<125xi32, #tpu.memory_space<vmem>>
    %dma_start3A_83 = arith.constant 0 : i32
    %dma_start3A_84 = arith.constant 0 : i32
    %dma_start3A_85 = tpu.memref_slice %arg4[%dma_start3A_83, %dma_start3A_84] : memref<10000x128xf32, #tpu.memory_space<hbm>> -> memref<10000x128xf32, #tpu.memory_space<hbm>>
    tpu.enqueue_indirect_dma source(%dma_start3A_85 : memref<10000x128xf32, #tpu.memory_space<hbm>>) target(%arg11 : memref<125x128xf32, #tpu.memory_space<vmem>>) offsets(%dma_start3A_82 : memref<125xi32, #tpu.memory_space<vmem>>) semaphore(%arg16 : memref<!tpu.dma_semaphore, #tpu.memory_space<semaphore_mem>>)
    %dma_wait3A_86 = arith.constant 0 : i32
    %dma_wait3A_87 = arith.constant 0 : i32
    %dma_wait3A_88 = tpu.memref_slice %arg6[%dma_wait3A_86, %dma_wait3A_87] : memref<160x125xi32, #tpu.memory_space<vmem>> -> memref<1x125xi32, #tpu.memory_space<vmem>>
    %dma_wait3A_89 = tpu.memref_squeeze %dma_wait3A_88 : memref<1x125xi32, #tpu.memory_space<vmem>> -> memref<125xi32, #tpu.memory_space<vmem>>
    %dma_wait3A_90 = arith.constant 0 : i32
    %dma_wait3A_91 = arith.constant 0 : i32
    %dma_wait3A_92 = tpu.memref_slice %arg4[%dma_wait3A_90, %dma_wait3A_91] : memref<10000x128xf32, #tpu.memory_space<hbm>> -> memref<10000x128xf32, #tpu.memory_space<hbm>>
    tpu.wait_indirect_dma semaphore(%arg15 : memref<!tpu.dma_semaphore, #tpu.memory_space<semaphore_mem>>) src(%dma_wait3A_92 : memref<10000x128xf32, #tpu.memory_space<hbm>>) dst(%arg10 : memref<125x128xf32, #tpu.memory_space<vmem>>)
    %dma_start3A_93 = arith.constant 2 : i32
    %dma_start3A_94 = arith.constant 0 : i32
    %dma_start3A_95 = tpu.memref_slice %arg7[%dma_start3A_93, %dma_start3A_94] : memref<160x125xi32, #tpu.memory_space<vmem>> -> memref<1x125xi32, #tpu.memory_space<vmem>>
    %dma_start3A_96 = tpu.memref_squeeze %dma_start3A_95 : memref<1x125xi32, #tpu.memory_space<vmem>> -> memref<125xi32, #tpu.memory_space<vmem>>
    %dma_start3A_97 = arith.constant 0 : i32
    %dma_start3A_98 = arith.constant 0 : i32
    %dma_start3A_99 = tpu.memref_slice %arg12[%dma_start3A_97, %dma_start3A_98] : memref<2816x128xf32, #tpu.memory_space<vmem_shared>> -> memref<2816x128xf32, #tpu.memory_space<vmem_shared>>
    tpu.enqueue_indirect_dma source(%arg10 : memref<125x128xf32, #tpu.memory_space<vmem>>) target(%dma_start3A_99 : memref<2816x128xf32, #tpu.memory_space<vmem_shared>>) offsets(%dma_start3A_96 : memref<125xi32, #tpu.memory_space<vmem>>) semaphore(%arg19 : memref<!tpu.dma_semaphore, #tpu.memory_space<semaphore_mem>>) {add = true}
    %dma_wait3A_100 = arith.constant 0 : i32
    %dma_wait3A_101 = arith.constant 0 : i32
    %dma_wait3A_102 = tpu.memref_slice %arg6[%dma_wait3A_100, %dma_wait3A_101] : memref<160x125xi32, #tpu.memory_space<vmem>> -> memref<1x125xi32, #tpu.memory_space<vmem>>
    %dma_wait3A_103 = tpu.memref_squeeze %dma_wait3A_102 : memref<1x125xi32, #tpu.memory_space<vmem>> -> memref<125xi32, #tpu.memory_space<vmem>>
    %dma_wait3A_104 = arith.constant 0 : i32
    %dma_wait3A_105 = arith.constant 0 : i32
    %dma_wait3A_106 = tpu.memref_slice %arg4[%dma_wait3A_104, %dma_wait3A_105] : memref<10000x128xf32, #tpu.memory_space<hbm>> -> memref<10000x128xf32, #tpu.memory_space<hbm>>
    tpu.wait_indirect_dma semaphore(%arg16 : memref<!tpu.dma_semaphore, #tpu.memory_space<semaphore_mem>>) src(%dma_wait3A_106 : memref<10000x128xf32, #tpu.memory_space<hbm>>) dst(%arg11 : memref<125x128xf32, #tpu.memory_space<vmem>>)
    %dma_start3A_107 = arith.constant 3 : i32
    %dma_start3A_108 = arith.constant 0 : i32
    %dma_start3A_109 = tpu.memref_slice %arg7[%dma_start3A_107, %dma_start3A_108] : memref<160x125xi32, #tpu.memory_space<vmem>> -> memref<1x125xi32, #tpu.memory_space<vmem>>
    %dma_start3A_110 = tpu.memref_squeeze %dma_start3A_109 : memref<1x125xi32, #tpu.memory_space<vmem>> -> memref<125xi32, #tpu.memory_space<vmem>>
    %dma_start3A_111 = arith.constant 0 : i32
    %dma_start3A_112 = arith.constant 0 : i32
    %dma_start3A_113 = tpu.memref_slice %arg12[%dma_start3A_111, %dma_start3A_112] : memref<2816x128xf32, #tpu.memory_space<vmem_shared>> -> memref<2816x128xf32, #tpu.memory_space<vmem_shared>>
    tpu.enqueue_indirect_dma source(%arg11 : memref<125x128xf32, #tpu.memory_space<vmem>>) target(%dma_start3A_113 : memref<2816x128xf32, #tpu.memory_space<vmem_shared>>) offsets(%dma_start3A_110 : memref<125xi32, #tpu.memory_space<vmem>>) semaphore(%arg20 : memref<!tpu.dma_semaphore, #tpu.memory_space<semaphore_mem>>) {add = true}
    %dma_wait3A_114 = arith.constant 0 : i32
    %dma_wait3A_115 = arith.constant 0 : i32
    %dma_wait3A_116 = tpu.memref_slice %arg7[%dma_wait3A_114, %dma_wait3A_115] : memref<160x125xi32, #tpu.memory_space<vmem>> -> memref<1x125xi32, #tpu.memory_space<vmem>>
    %dma_wait3A_117 = tpu.memref_squeeze %dma_wait3A_116 : memref<1x125xi32, #tpu.memory_space<vmem>> -> memref<125xi32, #tpu.memory_space<vmem>>
    %dma_wait3A_118 = arith.constant 0 : i32
    %dma_wait3A_119 = arith.constant 0 : i32
    %dma_wait3A_120 = tpu.memref_slice %arg12[%dma_wait3A_118, %dma_wait3A_119] : memref<2816x128xf32, #tpu.memory_space<vmem_shared>> -> memref<2816x128xf32, #tpu.memory_space<vmem_shared>>
    tpu.wait_indirect_dma semaphore(%arg17 : memref<!tpu.dma_semaphore, #tpu.memory_space<semaphore_mem>>) src(%arg8 : memref<125x128xf32, #tpu.memory_space<vmem>>) dst(%dma_wait3A_120 : memref<2816x128xf32, #tpu.memory_space<vmem_shared>>)
    %dma_start3A_121 = arith.constant 4 : i32
    %dma_start3A_122 = arith.constant 0 : i32
    %dma_start3A_123 = tpu.memref_slice %arg6[%dma_start3A_121, %dma_start3A_122] : memref<160x125xi32, #tpu.memory_space<vmem>> -> memref<1x125xi32, #tpu.memory_space<vmem>>
    %dma_start3A_124 = tpu.memref_squeeze %dma_start3A_123 : memref<1x125xi32, #tpu.memory_space<vmem>> -> memref<125xi32, #tpu.memory_space<vmem>>
    %dma_start3A_125 = arith.constant 0 : i32
    %dma_start3A_126 = arith.constant 0 : i32
    %dma_start3A_127 = tpu.memref_slice %arg4[%dma_start3A_125, %dma_start3A_126] : memref<10000x128xf32, #tpu.memory_space<hbm>> -> memref<10000x128xf32, #tpu.memory_space<hbm>>
    tpu.enqueue_indirect_dma source(%dma_start3A_127 : memref<10000x128xf32, #tpu.memory_space<hbm>>) target(%arg8 : memref<125x128xf32, #tpu.memory_space<vmem>>) offsets(%dma_start3A_124 : memref<125xi32, #tpu.memory_space<vmem>>) semaphore(%arg13 : memref<!tpu.dma_semaphore, #tpu.memory_space<semaphore_mem>>)
    %dma_wait3A_128 = arith.constant 0 : i32
    %dma_wait3A_129 = arith.constant 0 : i32
    %dma_wait3A_130 = tpu.memref_slice %arg7[%dma_wait3A_128, %dma_wait3A_129] : memref<160x125xi32, #tpu.memory_space<vmem>> -> memref<1x125xi32, #tpu.memory_space<vmem>>
    %dma_wait3A_131 = tpu.memref_squeeze %dma_wait3A_130 : memref<1x125xi32, #tpu.memory_space<vmem>> -> memref<125xi32, #tpu.memory_space<vmem>>
    %dma_wait3A_132 = arith.constant 0 : i32
    %dma_wait3A_133 = arith.constant 0 : i32
    %dma_wait3A_134 = tpu.memref_slice %arg12[%dma_wait3A_132, %dma_wait3A_133] : memref<2816x128xf32, #tpu.memory_space<vmem_shared>> -> memref<2816x128xf32, #tpu.memory_space<vmem_shared>>
    tpu.wait_indirect_dma semaphore(%arg18 : memref<!tpu.dma_semaphore, #tpu.memory_space<semaphore_mem>>) src(%arg9 : memref<125x128xf32, #tpu.memory_space<vmem>>) dst(%dma_wait3A_134 : memref<2816x128xf32, #tpu.memory_space<vmem_shared>>)
    %dma_start3A_135 = arith.constant 5 : i32
    %dma_start3A_136 = arith.constant 0 : i32
    %dma_start3A_137 = tpu.memref_slice %arg6[%dma_start3A_135, %dma_start3A_136] : memref<160x125xi32, #tpu.memory_space<vmem>> -> memref<1x125xi32, #tpu.memory_space<vmem>>
    %dma_start3A_138 = tpu.memref_squeeze %dma_start3A_137 : memref<1x125xi32, #tpu.memory_space<vmem>> -> memref<125xi32, #tpu.memory_space<vmem>>
    %dma_start3A_139 = arith.constant 0 : i32
    %dma_start3A_140 = arith.constant 0 : i32
    %dma_start3A_141 = tpu.memref_slice %arg4[%dma_start3A_139, %dma_start3A_140] : memref<10000x128xf32, #tpu.memory_space<hbm>> -> memref<10000x128xf32, #tpu.memory_space<hbm>>
    tpu.enqueue_indirect_dma source(%dma_start3A_141 : memref<10000x128xf32, #tpu.memory_space<hbm>>) target(%arg9 : memref<125x128xf32, #tpu.memory_space<vmem>>) offsets(%dma_start3A_138 : memref<125xi32, #tpu.memory_space<vmem>>) semaphore(%arg14 : memref<!tpu.dma_semaphore, #tpu.memory_space<semaphore_mem>>)
    %scan3A_142 = arith.constant 0 : i32
    %scan3A_143 = arith.constant 1 : i32
    %scan3A_144 = arith.constant 39 : i32
    %scan3A_145 = arith.addi %scan3A_143, %scan3A_144 : i32
    %scan3A_146 = arith.constant 1 : i32
    scf.for %scan3A_181 = %scan3A_143 to %scan3A_145 step %scan3A_146  : i32 {
      %mul3A_182 = arith.constant 4 : i32
      %mul3A_183 = arith.muli %mul3A_182, %scan3A_181 : i32
      %dma_wait3A_184 = arith.constant 0 : i32
      %dma_wait3A_185 = arith.constant 0 : i32
      %dma_wait3A_186 = tpu.memref_slice %arg6[%dma_wait3A_184, %dma_wait3A_185] : memref<160x125xi32, #tpu.memory_space<vmem>> -> memref<1x125xi32, #tpu.memory_space<vmem>>
      %dma_wait3A_187 = tpu.memref_squeeze %dma_wait3A_186 : memref<1x125xi32, #tpu.memory_space<vmem>> -> memref<125xi32, #tpu.memory_space<vmem>>
      %dma_wait3A_188 = arith.constant 0 : i32
      %dma_wait3A_189 = arith.constant 0 : i32
      %dma_wait3A_190 = tpu.memref_slice %arg4[%dma_wait3A_188, %dma_wait3A_189] : memref<10000x128xf32, #tpu.memory_space<hbm>> -> memref<10000x128xf32, #tpu.memory_space<hbm>>
      tpu.wait_indirect_dma semaphore(%arg13 : memref<!tpu.dma_semaphore, #tpu.memory_space<semaphore_mem>>) src(%dma_wait3A_190 : memref<10000x128xf32, #tpu.memory_space<hbm>>) dst(%arg8 : memref<125x128xf32, #tpu.memory_space<vmem>>)
      %dma_start3A_191 = arith.constant 0 : i32
      %dma_start3A_192 = tpu.memref_slice %arg7[%mul3A_183, %dma_start3A_191] : memref<160x125xi32, #tpu.memory_space<vmem>> -> memref<1x125xi32, #tpu.memory_space<vmem>>
      %dma_start3A_193 = tpu.memref_squeeze %dma_start3A_192 : memref<1x125xi32, #tpu.memory_space<vmem>> -> memref<125xi32, #tpu.memory_space<vmem>>
      %dma_start3A_194 = arith.constant 0 : i32
      %dma_start3A_195 = arith.constant 0 : i32
      %dma_start3A_196 = tpu.memref_slice %arg12[%dma_start3A_194, %dma_start3A_195] : memref<2816x128xf32, #tpu.memory_space<vmem_shared>> -> memref<2816x128xf32, #tpu.memory_space<vmem_shared>>
      tpu.enqueue_indirect_dma source(%arg8 : memref<125x128xf32, #tpu.memory_space<vmem>>) target(%dma_start3A_196 : memref<2816x128xf32, #tpu.memory_space<vmem_shared>>) offsets(%dma_start3A_193 : memref<125xi32, #tpu.memory_space<vmem>>) semaphore(%arg17 : memref<!tpu.dma_semaphore, #tpu.memory_space<semaphore_mem>>) {add = true}
      %dma_wait3A_197 = arith.constant 0 : i32
      %dma_wait3A_198 = arith.constant 0 : i32
      %dma_wait3A_199 = tpu.memref_slice %arg6[%dma_wait3A_197, %dma_wait3A_198] : memref<160x125xi32, #tpu.memory_space<vmem>> -> memref<1x125xi32, #tpu.memory_space<vmem>>
      %dma_wait3A_200 = tpu.memref_squeeze %dma_wait3A_199 : memref<1x125xi32, #tpu.memory_space<vmem>> -> memref<125xi32, #tpu.memory_space<vmem>>
      %dma_wait3A_201 = arith.constant 0 : i32
      %dma_wait3A_202 = arith.constant 0 : i32
      %dma_wait3A_203 = tpu.memref_slice %arg4[%dma_wait3A_201, %dma_wait3A_202] : memref<10000x128xf32, #tpu.memory_space<hbm>> -> memref<10000x128xf32, #tpu.memory_space<hbm>>
      tpu.wait_indirect_dma semaphore(%arg14 : memref<!tpu.dma_semaphore, #tpu.memory_space<semaphore_mem>>) src(%dma_wait3A_203 : memref<10000x128xf32, #tpu.memory_space<hbm>>) dst(%arg9 : memref<125x128xf32, #tpu.memory_space<vmem>>)
      %add3A_204 = arith.constant 1 : i32
      %add3A_205 = arith.addi %mul3A_183, %add3A_204 : i32
      %dma_start3A_206 = arith.constant 0 : i32
      %dma_start3A_207 = tpu.memref_slice %arg7[%add3A_205, %dma_start3A_206] : memref<160x125xi32, #tpu.memory_space<vmem>> -> memref<1x125xi32, #tpu.memory_space<vmem>>
      %dma_start3A_208 = tpu.memref_squeeze %dma_start3A_207 : memref<1x125xi32, #tpu.memory_space<vmem>> -> memref<125xi32, #tpu.memory_space<vmem>>
      %dma_start3A_209 = arith.constant 0 : i32
      %dma_start3A_210 = arith.constant 0 : i32
      %dma_start3A_211 = tpu.memref_slice %arg12[%dma_start3A_209, %dma_start3A_210] : memref<2816x128xf32, #tpu.memory_space<vmem_shared>> -> memref<2816x128xf32, #tpu.memory_space<vmem_shared>>
      tpu.enqueue_indirect_dma source(%arg9 : memref<125x128xf32, #tpu.memory_space<vmem>>) target(%dma_start3A_211 : memref<2816x128xf32, #tpu.memory_space<vmem_shared>>) offsets(%dma_start3A_208 : memref<125xi32, #tpu.memory_space<vmem>>) semaphore(%arg18 : memref<!tpu.dma_semaphore, #tpu.memory_space<semaphore_mem>>) {add = true}
      %dma_wait3A_212 = arith.constant 0 : i32
      %dma_wait3A_213 = arith.constant 0 : i32
      %dma_wait3A_214 = tpu.memref_slice %arg7[%dma_wait3A_212, %dma_wait3A_213] : memref<160x125xi32, #tpu.memory_space<vmem>> -> memref<1x125xi32, #tpu.memory_space<vmem>>
      %dma_wait3A_215 = tpu.memref_squeeze %dma_wait3A_214 : memref<1x125xi32, #tpu.memory_space<vmem>> -> memref<125xi32, #tpu.memory_space<vmem>>
      %dma_wait3A_216 = arith.constant 0 : i32
      %dma_wait3A_217 = arith.constant 0 : i32
      %dma_wait3A_218 = tpu.memref_slice %arg12[%dma_wait3A_216, %dma_wait3A_217] : memref<2816x128xf32, #tpu.memory_space<vmem_shared>> -> memref<2816x128xf32, #tpu.memory_space<vmem_shared>>
      tpu.wait_indirect_dma semaphore(%arg19 : memref<!tpu.dma_semaphore, #tpu.memory_space<semaphore_mem>>) src(%arg10 : memref<125x128xf32, #tpu.memory_space<vmem>>) dst(%dma_wait3A_218 : memref<2816x128xf32, #tpu.memory_space<vmem_shared>>)
      %add3A_219 = arith.constant 2 : i32
      %add3A_220 = arith.addi %mul3A_183, %add3A_219 : i32
      %dma_start3A_221 = arith.constant 0 : i32
      %dma_start3A_222 = tpu.memref_slice %arg6[%add3A_220, %dma_start3A_221] : memref<160x125xi32, #tpu.memory_space<vmem>> -> memref<1x125xi32, #tpu.memory_space<vmem>>
      %dma_start3A_223 = tpu.memref_squeeze %dma_start3A_222 : memref<1x125xi32, #tpu.memory_space<vmem>> -> memref<125xi32, #tpu.memory_space<vmem>>
      %dma_start3A_224 = arith.constant 0 : i32
      %dma_start3A_225 = arith.constant 0 : i32
      %dma_start3A_226 = tpu.memref_slice %arg4[%dma_start3A_224, %dma_start3A_225] : memref<10000x128xf32, #tpu.memory_space<hbm>> -> memref<10000x128xf32, #tpu.memory_space<hbm>>
      tpu.enqueue_indirect_dma source(%dma_start3A_226 : memref<10000x128xf32, #tpu.memory_space<hbm>>) target(%arg10 : memref<125x128xf32, #tpu.memory_space<vmem>>) offsets(%dma_start3A_223 : memref<125xi32, #tpu.memory_space<vmem>>) semaphore(%arg15 : memref<!tpu.dma_semaphore, #tpu.memory_space<semaphore_mem>>)
      %dma_wait3A_227 = arith.constant 0 : i32
      %dma_wait3A_228 = arith.constant 0 : i32
      %dma_wait3A_229 = tpu.memref_slice %arg7[%dma_wait3A_227, %dma_wait3A_228] : memref<160x125xi32, #tpu.memory_space<vmem>> -> memref<1x125xi32, #tpu.memory_space<vmem>>
      %dma_wait3A_230 = tpu.memref_squeeze %dma_wait3A_229 : memref<1x125xi32, #tpu.memory_space<vmem>> -> memref<125xi32, #tpu.memory_space<vmem>>
      %dma_wait3A_231 = arith.constant 0 : i32
      %dma_wait3A_232 = arith.constant 0 : i32
      %dma_wait3A_233 = tpu.memref_slice %arg12[%dma_wait3A_231, %dma_wait3A_232] : memref<2816x128xf32, #tpu.memory_space<vmem_shared>> -> memref<2816x128xf32, #tpu.memory_space<vmem_shared>>
      tpu.wait_indirect_dma semaphore(%arg20 : memref<!tpu.dma_semaphore, #tpu.memory_space<semaphore_mem>>) src(%arg11 : memref<125x128xf32, #tpu.memory_space<vmem>>) dst(%dma_wait3A_233 : memref<2816x128xf32, #tpu.memory_space<vmem_shared>>)
      %add3A_234 = arith.constant 3 : i32
      %add3A_235 = arith.addi %mul3A_183, %add3A_234 : i32
      %dma_start3A_236 = arith.constant 0 : i32
      %dma_start3A_237 = tpu.memref_slice %arg6[%add3A_235, %dma_start3A_236] : memref<160x125xi32, #tpu.memory_space<vmem>> -> memref<1x125xi32, #tpu.memory_space<vmem>>
      %dma_start3A_238 = tpu.memref_squeeze %dma_start3A_237 : memref<1x125xi32, #tpu.memory_space<vmem>> -> memref<125xi32, #tpu.memory_space<vmem>>
      %dma_start3A_239 = arith.constant 0 : i32
      %dma_start3A_240 = arith.constant 0 : i32
      %dma_start3A_241 = tpu.memref_slice %arg4[%dma_start3A_239, %dma_start3A_240] : memref<10000x128xf32, #tpu.memory_space<hbm>> -> memref<10000x128xf32, #tpu.memory_space<hbm>>
      tpu.enqueue_indirect_dma source(%dma_start3A_241 : memref<10000x128xf32, #tpu.memory_space<hbm>>) target(%arg11 : memref<125x128xf32, #tpu.memory_space<vmem>>) offsets(%dma_start3A_238 : memref<125xi32, #tpu.memory_space<vmem>>) semaphore(%arg16 : memref<!tpu.dma_semaphore, #tpu.memory_space<semaphore_mem>>)
      %dma_wait3A_242 = arith.constant 0 : i32
      %dma_wait3A_243 = arith.constant 0 : i32
      %dma_wait3A_244 = tpu.memref_slice %arg6[%dma_wait3A_242, %dma_wait3A_243] : memref<160x125xi32, #tpu.memory_space<vmem>> -> memref<1x125xi32, #tpu.memory_space<vmem>>
      %dma_wait3A_245 = tpu.memref_squeeze %dma_wait3A_244 : memref<1x125xi32, #tpu.memory_space<vmem>> -> memref<125xi32, #tpu.memory_space<vmem>>
      %dma_wait3A_246 = arith.constant 0 : i32
      %dma_wait3A_247 = arith.constant 0 : i32
      %dma_wait3A_248 = tpu.memref_slice %arg4[%dma_wait3A_246, %dma_wait3A_247] : memref<10000x128xf32, #tpu.memory_space<hbm>> -> memref<10000x128xf32, #tpu.memory_space<hbm>>
      tpu.wait_indirect_dma semaphore(%arg15 : memref<!tpu.dma_semaphore, #tpu.memory_space<semaphore_mem>>) src(%dma_wait3A_248 : memref<10000x128xf32, #tpu.memory_space<hbm>>) dst(%arg10 : memref<125x128xf32, #tpu.memory_space<vmem>>)
      %add3A_249 = arith.constant 2 : i32
      %add3A_250 = arith.addi %mul3A_183, %add3A_249 : i32
      %dma_start3A_251 = arith.constant 0 : i32
      %dma_start3A_252 = tpu.memref_slice %arg7[%add3A_250, %dma_start3A_251] : memref<160x125xi32, #tpu.memory_space<vmem>> -> memref<1x125xi32, #tpu.memory_space<vmem>>
      %dma_start3A_253 = tpu.memref_squeeze %dma_start3A_252 : memref<1x125xi32, #tpu.memory_space<vmem>> -> memref<125xi32, #tpu.memory_space<vmem>>
      %dma_start3A_254 = arith.constant 0 : i32
      %dma_start3A_255 = arith.constant 0 : i32
      %dma_start3A_256 = tpu.memref_slice %arg12[%dma_start3A_254, %dma_start3A_255] : memref<2816x128xf32, #tpu.memory_space<vmem_shared>> -> memref<2816x128xf32, #tpu.memory_space<vmem_shared>>
      tpu.enqueue_indirect_dma source(%arg10 : memref<125x128xf32, #tpu.memory_space<vmem>>) target(%dma_start3A_256 : memref<2816x128xf32, #tpu.memory_space<vmem_shared>>) offsets(%dma_start3A_253 : memref<125xi32, #tpu.memory_space<vmem>>) semaphore(%arg19 : memref<!tpu.dma_semaphore, #tpu.memory_space<semaphore_mem>>) {add = true}
      %dma_wait3A_257 = arith.constant 0 : i32
      %dma_wait3A_258 = arith.constant 0 : i32
      %dma_wait3A_259 = tpu.memref_slice %arg6[%dma_wait3A_257, %dma_wait3A_258] : memref<160x125xi32, #tpu.memory_space<vmem>> -> memref<1x125xi32, #tpu.memory_space<vmem>>
      %dma_wait3A_260 = tpu.memref_squeeze %dma_wait3A_259 : memref<1x125xi32, #tpu.memory_space<vmem>> -> memref<125xi32, #tpu.memory_space<vmem>>
      %dma_wait3A_261 = arith.constant 0 : i32
      %dma_wait3A_262 = arith.constant 0 : i32
      %dma_wait3A_263 = tpu.memref_slice %arg4[%dma_wait3A_261, %dma_wait3A_262] : memref<10000x128xf32, #tpu.memory_space<hbm>> -> memref<10000x128xf32, #tpu.memory_space<hbm>>
      tpu.wait_indirect_dma semaphore(%arg16 : memref<!tpu.dma_semaphore, #tpu.memory_space<semaphore_mem>>) src(%dma_wait3A_263 : memref<10000x128xf32, #tpu.memory_space<hbm>>) dst(%arg11 : memref<125x128xf32, #tpu.memory_space<vmem>>)
      %add3A_264 = arith.constant 3 : i32
      %add3A_265 = arith.addi %mul3A_183, %add3A_264 : i32
      %dma_start3A_266 = arith.constant 0 : i32
      %dma_start3A_267 = tpu.memref_slice %arg7[%add3A_265, %dma_start3A_266] : memref<160x125xi32, #tpu.memory_space<vmem>> -> memref<1x125xi32, #tpu.memory_space<vmem>>
      %dma_start3A_268 = tpu.memref_squeeze %dma_start3A_267 : memref<1x125xi32, #tpu.memory_space<vmem>> -> memref<125xi32, #tpu.memory_space<vmem>>
      %dma_start3A_269 = arith.constant 0 : i32
      %dma_start3A_270 = arith.constant 0 : i32
      %dma_start3A_271 = tpu.memref_slice %arg12[%dma_start3A_269, %dma_start3A_270] : memref<2816x128xf32, #tpu.memory_space<vmem_shared>> -> memref<2816x128xf32, #tpu.memory_space<vmem_shared>>
      tpu.enqueue_indirect_dma source(%arg11 : memref<125x128xf32, #tpu.memory_space<vmem>>) target(%dma_start3A_271 : memref<2816x128xf32, #tpu.memory_space<vmem_shared>>) offsets(%dma_start3A_268 : memref<125xi32, #tpu.memory_space<vmem>>) semaphore(%arg20 : memref<!tpu.dma_semaphore, #tpu.memory_space<semaphore_mem>>) {add = true}
      %dma_wait3A_272 = arith.constant 0 : i32
      %dma_wait3A_273 = arith.constant 0 : i32
      %dma_wait3A_274 = tpu.memref_slice %arg7[%dma_wait3A_272, %dma_wait3A_273] : memref<160x125xi32, #tpu.memory_space<vmem>> -> memref<1x125xi32, #tpu.memory_space<vmem>>
      %dma_wait3A_275 = tpu.memref_squeeze %dma_wait3A_274 : memref<1x125xi32, #tpu.memory_space<vmem>> -> memref<125xi32, #tpu.memory_space<vmem>>
      %dma_wait3A_276 = arith.constant 0 : i32
      %dma_wait3A_277 = arith.constant 0 : i32
      %dma_wait3A_278 = tpu.memref_slice %arg12[%dma_wait3A_276, %dma_wait3A_277] : memref<2816x128xf32, #tpu.memory_space<vmem_shared>> -> memref<2816x128xf32, #tpu.memory_space<vmem_shared>>
      tpu.wait_indirect_dma semaphore(%arg17 : memref<!tpu.dma_semaphore, #tpu.memory_space<semaphore_mem>>) src(%arg8 : memref<125x128xf32, #tpu.memory_space<vmem>>) dst(%dma_wait3A_278 : memref<2816x128xf32, #tpu.memory_space<vmem_shared>>)
      %add3A_279 = arith.constant 4 : i32
      %add3A_280 = arith.addi %mul3A_183, %add3A_279 : i32
      %min3A = arith.constant 159 : i32
      %min3A_281 = arith.minsi %add3A_280, %min3A : i32
      %dma_start3A_282 = arith.constant 0 : i32
      %dma_start3A_283 = tpu.memref_slice %arg6[%min3A_281, %dma_start3A_282] : memref<160x125xi32, #tpu.memory_space<vmem>> -> memref<1x125xi32, #tpu.memory_space<vmem>>
      %dma_start3A_284 = tpu.memref_squeeze %dma_start3A_283 : memref<1x125xi32, #tpu.memory_space<vmem>> -> memref<125xi32, #tpu.memory_space<vmem>>
      %dma_start3A_285 = arith.constant 0 : i32
      %dma_start3A_286 = arith.constant 0 : i32
      %dma_start3A_287 = tpu.memref_slice %arg4[%dma_start3A_285, %dma_start3A_286] : memref<10000x128xf32, #tpu.memory_space<hbm>> -> memref<10000x128xf32, #tpu.memory_space<hbm>>
      tpu.enqueue_indirect_dma source(%dma_start3A_287 : memref<10000x128xf32, #tpu.memory_space<hbm>>) target(%arg8 : memref<125x128xf32, #tpu.memory_space<vmem>>) offsets(%dma_start3A_284 : memref<125xi32, #tpu.memory_space<vmem>>) semaphore(%arg13 : memref<!tpu.dma_semaphore, #tpu.memory_space<semaphore_mem>>)
      %dma_wait3A_288 = arith.constant 0 : i32
      %dma_wait3A_289 = arith.constant 0 : i32
      %dma_wait3A_290 = tpu.memref_slice %arg7[%dma_wait3A_288, %dma_wait3A_289] : memref<160x125xi32, #tpu.memory_space<vmem>> -> memref<1x125xi32, #tpu.memory_space<vmem>>
      %dma_wait3A_291 = tpu.memref_squeeze %dma_wait3A_290 : memref<1x125xi32, #tpu.memory_space<vmem>> -> memref<125xi32, #tpu.memory_space<vmem>>
      %dma_wait3A_292 = arith.constant 0 : i32
      %dma_wait3A_293 = arith.constant 0 : i32
      %dma_wait3A_294 = tpu.memref_slice %arg12[%dma_wait3A_292, %dma_wait3A_293] : memref<2816x128xf32, #tpu.memory_space<vmem_shared>> -> memref<2816x128xf32, #tpu.memory_space<vmem_shared>>
      tpu.wait_indirect_dma semaphore(%arg18 : memref<!tpu.dma_semaphore, #tpu.memory_space<semaphore_mem>>) src(%arg9 : memref<125x128xf32, #tpu.memory_space<vmem>>) dst(%dma_wait3A_294 : memref<2816x128xf32, #tpu.memory_space<vmem_shared>>)
      %add3A_295 = arith.constant 5 : i32
      %add3A_296 = arith.addi %mul3A_183, %add3A_295 : i32
      %min3A_297 = arith.constant 159 : i32
      %min3A_298 = arith.minsi %add3A_296, %min3A_297 : i32
      %dma_start3A_299 = arith.constant 0 : i32
      %dma_start3A_300 = tpu.memref_slice %arg6[%min3A_298, %dma_start3A_299] : memref<160x125xi32, #tpu.memory_space<vmem>> -> memref<1x125xi32, #tpu.memory_space<vmem>>
      %dma_start3A_301 = tpu.memref_squeeze %dma_start3A_300 : memref<1x125xi32, #tpu.memory_space<vmem>> -> memref<125xi32, #tpu.memory_space<vmem>>
      %dma_start3A_302 = arith.constant 0 : i32
      %dma_start3A_303 = arith.constant 0 : i32
      %dma_start3A_304 = tpu.memref_slice %arg4[%dma_start3A_302, %dma_start3A_303] : memref<10000x128xf32, #tpu.memory_space<hbm>> -> memref<10000x128xf32, #tpu.memory_space<hbm>>
      tpu.enqueue_indirect_dma source(%dma_start3A_304 : memref<10000x128xf32, #tpu.memory_space<hbm>>) target(%arg9 : memref<125x128xf32, #tpu.memory_space<vmem>>) offsets(%dma_start3A_301 : memref<125xi32, #tpu.memory_space<vmem>>) semaphore(%arg14 : memref<!tpu.dma_semaphore, #tpu.memory_space<semaphore_mem>>)
    }
    %scan3A_147 = arith.constant 39 : i32
    %dma_wait3A_148 = arith.constant 0 : i32
    %dma_wait3A_149 = arith.constant 0 : i32
    %dma_wait3A_150 = tpu.memref_slice %arg6[%dma_wait3A_148, %dma_wait3A_149] : memref<160x125xi32, #tpu.memory_space<vmem>> -> memref<1x125xi32, #tpu.memory_space<vmem>>
    %dma_wait3A_151 = tpu.memref_squeeze %dma_wait3A_150 : memref<1x125xi32, #tpu.memory_space<vmem>> -> memref<125xi32, #tpu.memory_space<vmem>>
    %dma_wait3A_152 = arith.constant 0 : i32
    %dma_wait3A_153 = arith.constant 0 : i32
    %dma_wait3A_154 = tpu.memref_slice %arg4[%dma_wait3A_152, %dma_wait3A_153] : memref<10000x128xf32, #tpu.memory_space<hbm>> -> memref<10000x128xf32, #tpu.memory_space<hbm>>
    tpu.wait_indirect_dma semaphore(%arg13 : memref<!tpu.dma_semaphore, #tpu.memory_space<semaphore_mem>>) src(%dma_wait3A_154 : memref<10000x128xf32, #tpu.memory_space<hbm>>) dst(%arg8 : memref<125x128xf32, #tpu.memory_space<vmem>>)
    %dma_wait3A_155 = arith.constant 0 : i32
    %dma_wait3A_156 = arith.constant 0 : i32
    %dma_wait3A_157 = tpu.memref_slice %arg6[%dma_wait3A_155, %dma_wait3A_156] : memref<160x125xi32, #tpu.memory_space<vmem>> -> memref<1x125xi32, #tpu.memory_space<vmem>>
    %dma_wait3A_158 = tpu.memref_squeeze %dma_wait3A_157 : memref<1x125xi32, #tpu.memory_space<vmem>> -> memref<125xi32, #tpu.memory_space<vmem>>
    %dma_wait3A_159 = arith.constant 0 : i32
    %dma_wait3A_160 = arith.constant 0 : i32
    %dma_wait3A_161 = tpu.memref_slice %arg4[%dma_wait3A_159, %dma_wait3A_160] : memref<10000x128xf32, #tpu.memory_space<hbm>> -> memref<10000x128xf32, #tpu.memory_space<hbm>>
    tpu.wait_indirect_dma semaphore(%arg14 : memref<!tpu.dma_semaphore, #tpu.memory_space<semaphore_mem>>) src(%dma_wait3A_161 : memref<10000x128xf32, #tpu.memory_space<hbm>>) dst(%arg9 : memref<125x128xf32, #tpu.memory_space<vmem>>)
    %dma_wait3A_162 = arith.constant 0 : i32
    %dma_wait3A_163 = arith.constant 0 : i32
    %dma_wait3A_164 = tpu.memref_slice %arg7[%dma_wait3A_162, %dma_wait3A_163] : memref<160x125xi32, #tpu.memory_space<vmem>> -> memref<1x125xi32, #tpu.memory_space<vmem>>
    %dma_wait3A_165 = tpu.memref_squeeze %dma_wait3A_164 : memref<1x125xi32, #tpu.memory_space<vmem>> -> memref<125xi32, #tpu.memory_space<vmem>>
    %dma_wait3A_166 = arith.constant 0 : i32
    %dma_wait3A_167 = arith.constant 0 : i32
    %dma_wait3A_168 = tpu.memref_slice %arg12[%dma_wait3A_166, %dma_wait3A_167] : memref<2816x128xf32, #tpu.memory_space<vmem_shared>> -> memref<2816x128xf32, #tpu.memory_space<vmem_shared>>
    tpu.wait_indirect_dma semaphore(%arg19 : memref<!tpu.dma_semaphore, #tpu.memory_space<semaphore_mem>>) src(%arg10 : memref<125x128xf32, #tpu.memory_space<vmem>>) dst(%dma_wait3A_168 : memref<2816x128xf32, #tpu.memory_space<vmem_shared>>)
    %dma_wait3A_169 = arith.constant 0 : i32
    %dma_wait3A_170 = arith.constant 0 : i32
    %dma_wait3A_171 = tpu.memref_slice %arg7[%dma_wait3A_169, %dma_wait3A_170] : memref<160x125xi32, #tpu.memory_space<vmem>> -> memref<1x125xi32, #tpu.memory_space<vmem>>
    %dma_wait3A_172 = tpu.memref_squeeze %dma_wait3A_171 : memref<1x125xi32, #tpu.memory_space<vmem>> -> memref<125xi32, #tpu.memory_space<vmem>>
    %dma_wait3A_173 = arith.constant 0 : i32
    %dma_wait3A_174 = arith.constant 0 : i32
    %dma_wait3A_175 = tpu.memref_slice %arg12[%dma_wait3A_173, %dma_wait3A_174] : memref<2816x128xf32, #tpu.memory_space<vmem_shared>> -> memref<2816x128xf32, #tpu.memory_space<vmem_shared>>
    tpu.wait_indirect_dma semaphore(%arg20 : memref<!tpu.dma_semaphore, #tpu.memory_space<semaphore_mem>>) src(%arg11 : memref<125x128xf32, #tpu.memory_space<vmem>>) dst(%dma_wait3A_175 : memref<2816x128xf32, #tpu.memory_space<vmem_shared>>)
    %barrier3A_176 = arith.constant 0 : index
    tpu.barrier barrier_id(%barrier3A_176)
    %mul3A_177 = arith.constant 160 : i32
    %mul3A_178 = arith.muli %arg1, %mul3A_177 : i32
    %mul3A_179 = arith.constant 160 : i32
    %mul3A_180 = arith.muli %arg1, %mul3A_179 : i32
    "tpu.region"() ({
      %run_scoped3A = tpu.sem_alloc : memref<!tpu.dma_semaphore, #tpu.memory_space<semaphore_mem>>
      %dma_start3A_181 = arith.constant 0 : i32
      %dma_start3A_182 = arith.constant 0 : i32
      %dma_start3A_183 = tpu.memref_slice %arg5[%arg0, %dma_start3A_181, %dma_start3A_182] : memref<2x2560x128xf32, #tpu.memory_space<hbm>> -> memref<1x2560x128xf32, #tpu.memory_space<hbm>>
      %dma_start3A_184 = tpu.memref_squeeze %dma_start3A_183 : memref<1x2560x128xf32, #tpu.memory_space<hbm>> -> memref<2560x128xf32, #tpu.memory_space<hbm>>
      %dma_start3A_185 = arith.constant 0 : i32
      %dma_start3A_186 = tpu.memref_slice %dma_start3A_184[%mul3A_180, %dma_start3A_185] : memref<2560x128xf32, #tpu.memory_space<hbm>> -> memref<160x128xf32, #tpu.memory_space<hbm>>
      %dma_start3A_187 = arith.constant 0 : i32
      %dma_start3A_188 = tpu.memref_slice %arg12[%mul3A_178, %dma_start3A_187] : memref<2816x128xf32, #tpu.memory_space<vmem_shared>> -> memref<160x128xf32, #tpu.memory_space<vmem_shared>>
      tpu.enqueue_dma source(%dma_start3A_188 : memref<160x128xf32, #tpu.memory_space<vmem_shared>>) target(%dma_start3A_186 : memref<160x128xf32, #tpu.memory_space<hbm>>) target_semaphore(%run_scoped3A : memref<!tpu.dma_semaphore, #tpu.memory_space<semaphore_mem>>)
      %dma_wait3A_189 = arith.constant 0 : i32
      %dma_wait3A_190 = arith.constant 0 : i32
      %dma_wait3A_191 = tpu.memref_slice %arg5[%arg0, %dma_wait3A_189, %dma_wait3A_190] : memref<2x2560x128xf32, #tpu.memory_space<hbm>> -> memref<1x2560x128xf32, #tpu.memory_space<hbm>>
      %dma_wait3A_192 = tpu.memref_squeeze %dma_wait3A_191 : memref<1x2560x128xf32, #tpu.memory_space<hbm>> -> memref<2560x128xf32, #tpu.memory_space<hbm>>
      %dma_wait3A_193 = arith.constant 0 : i32
      %dma_wait3A_194 = tpu.memref_slice %dma_wait3A_192[%mul3A_180, %dma_wait3A_193] : memref<2560x128xf32, #tpu.memory_space<hbm>> -> memref<160x128xf32, #tpu.memory_space<hbm>>
      %dma_wait3A_195 = arith.constant 0 : i32
      %dma_wait3A_196 = tpu.memref_slice %arg12[%mul3A_178, %dma_wait3A_195] : memref<2816x128xf32, #tpu.memory_space<vmem_shared>> -> memref<160x128xf32, #tpu.memory_space<vmem_shared>>
      tpu.wait_dma2 semaphore(%run_scoped3A : memref<!tpu.dma_semaphore, #tpu.memory_space<semaphore_mem>>) src(%dma_wait3A_196 : memref<160x128xf32, #tpu.memory_space<vmem_shared>>) dst(%dma_wait3A_194 : memref<160x128xf32, #tpu.memory_space<hbm>>)
      tpu.yield
    }) : () -> ()
    return
  }
}

module attributes {stable_mosaic.version = 14 : i64} {
  func.func @_tc_in_body(%arg0: i32, %arg1: memref<2000x1xf32, #tpu.memory_space<vmem>>, %arg2: memref<2000x1xf32, #tpu.memory_space<vmem>>, %arg3: memref<2000x128xf32, #tpu.memory_space<vmem>>, %arg4: memref<128x128xf32, #tpu.memory_space<vmem>>, %arg5: memref<2000x128xf32, #tpu.memory_space<vmem>>) attributes {dimension_semantics = [#tpu.dimension_semantics<arbitrary>], iteration_bounds = array<i64: 5>, scalar_prefetch = 0 : i64, scratch_operands = 0 : i64, tpu.core_type = #tpu.core_type<tc>, window_params = [{transform_indices = @transform_0, window_bounds = array<i64: 2000, 1>}, {transform_indices = @transform_1, window_bounds = array<i64: 2000, 1>}, {transform_indices = @transform_2, window_bounds = array<i64: 2000, 128>}, {pipeline_mode = #tpu.pipeline_mode<synchronous>, transform_indices = @transform_3, window_bounds = array<i64: 128, 128>}, {transform_indices = @transform_4, window_bounds = array<i64: 2000, 128>}]} {
    %get3A = arith.constant 0 : index
    %get3A_0 = arith.constant 0 : index
    %get3A_1 = vector.load %arg1[%get3A, %get3A_0] : memref<2000x1xf32, #tpu.memory_space<vmem>>, vector<2000x1xf32>
    %get3A_2 = arith.constant 0 : index
    %get3A_3 = arith.constant 0 : index
    %get3A_4 = vector.load %arg2[%get3A_2, %get3A_3] : memref<2000x1xf32, #tpu.memory_space<vmem>>, vector<2000x1xf32>
    %add3A = arith.addf %get3A_1, %get3A_4 : vector<2000x1xf32>
    %add3A_5 = arith.constant 1.000000e+00 : f32
    %add3A_6 = vector.broadcast %add3A_5 : f32 to vector<2000x1xf32>
    %add3A_7 = arith.addf %add3A, %add3A_6 : vector<2000x1xf32>
    %rsqrt3A = math.rsqrt %add3A_7 : vector<2000x1xf32>
    %get3A_8 = arith.constant 0 : index
    %get3A_9 = arith.constant 0 : index
    %get3A_10 = vector.load %arg3[%get3A_8, %get3A_9] : memref<2000x128xf32, #tpu.memory_space<vmem>>, vector<2000x128xf32>
    %get3A_11 = arith.constant 0 : index
    %get3A_12 = arith.constant 0 : index
    %get3A_13 = vector.load %arg4[%get3A_11, %get3A_12] : memref<128x128xf32, #tpu.memory_space<vmem>>, vector<128x128xf32>
    %dot_general3A = arith.constant dense<0.000000e+00> : vector<2000x128xf32>
    %dot_general3A_14 = tpu.matmul %get3A_10, %get3A_13, %dot_general3A {dimension_numbers = #tpu.dot_dimension_numbers<[1], [0], [0], [1], [0, 0, 1, 1], [], []>, transpose_lhs_hint = false} : vector<2000x128xf32>, vector<128x128xf32>, vector<2000x128xf32> -> vector<2000x128xf32>
    %mul3A = vector.broadcast %rsqrt3A : vector<2000x1xf32> to vector<2000x128xf32>
    %mul3A_15 = arith.mulf %mul3A, %dot_general3A_14 : vector<2000x128xf32>
    %swap3A = arith.constant 0 : index
    %swap3A_16 = arith.constant 0 : index
    %swap3A_17 = vector.load %arg5[%swap3A, %swap3A_16] : memref<2000x128xf32, #tpu.memory_space<vmem>>, vector<2000x128xf32>
    tpu.vector_store %arg5[%swap3A, %swap3A_16], %mul3A_15 {strides = array<i32>} : memref<2000x128xf32, #tpu.memory_space<vmem>>, vector<2000x128xf32>,
    return
  }
  func.func @transform_0(%arg0: i32) -> (i32, i32) {
    %c0_i32 = arith.constant 0 : i32
    %c0_i32_0 = arith.constant 0 : i32
    return %arg0, %c0_i32 : i32, i32
  }
  func.func @transform_1(%arg0: i32) -> (i32, i32) {
    %c0_i32 = arith.constant 0 : i32
    %c0_i32_0 = arith.constant 0 : i32
    return %arg0, %c0_i32 : i32, i32
  }
  func.func @transform_2(%arg0: i32) -> (i32, i32) {
    %c0_i32 = arith.constant 0 : i32
    %c0_i32_0 = arith.constant 0 : i32
    return %arg0, %c0_i32 : i32, i32
  }
  func.func @transform_3(%arg0: i32) -> (i32, i32) {
    %c0_i32 = arith.constant 0 : i32
    %c0_i32_0 = arith.constant 0 : i32
    %c0_i32_1 = arith.constant 0 : i32
    return %c0_i32, %c0_i32_0 : i32, i32
  }
  func.func @transform_4(%arg0: i32) -> (i32, i32) {
    %c0_i32 = arith.constant 0 : i32
    %c0_i32_0 = arith.constant 0 : i32
    return %arg0, %c0_i32 : i32, i32
  }
}

module attributes {stable_mosaic.version = 14 : i64} {
  func.func @_tc_mid_body(%arg0: i32, %arg1: memref<2000x1xf32, #tpu.memory_space<vmem>>, %arg2: memref<2000x1xf32, #tpu.memory_space<vmem>>, %arg3: memref<2000x128xf32, #tpu.memory_space<vmem>>, %arg4: memref<2000x128xf32, #tpu.memory_space<vmem>>, %arg5: memref<1x128xf32, #tpu.memory_space<vmem>>, %arg6: memref<128x128xf32, #tpu.memory_space<vmem>>, %arg7: memref<2000x128xf32, #tpu.memory_space<vmem>>) attributes {dimension_semantics = [#tpu.dimension_semantics<arbitrary>], iteration_bounds = array<i64: 5>, scalar_prefetch = 0 : i64, scratch_operands = 0 : i64, tpu.core_type = #tpu.core_type<tc>, window_params = [{transform_indices = @transform_0, window_bounds = array<i64: 2000, 1>}, {transform_indices = @transform_1, window_bounds = array<i64: 2000, 1>}, {transform_indices = @transform_2, window_bounds = array<i64: 2000, 128>}, {transform_indices = @transform_3, window_bounds = array<i64: 2000, 128>}, {pipeline_mode = #tpu.pipeline_mode<synchronous>, transform_indices = @transform_4, window_bounds = array<i64: 1, 128>}, {pipeline_mode = #tpu.pipeline_mode<synchronous>, transform_indices = @transform_5, window_bounds = array<i64: 128, 128>}, {transform_indices = @transform_6, window_bounds = array<i64: 2000, 128>}]} {
    %get3A = arith.constant 0 : index
    %get3A_0 = arith.constant 0 : index
    %get3A_1 = vector.load %arg1[%get3A, %get3A_0] : memref<2000x1xf32, #tpu.memory_space<vmem>>, vector<2000x1xf32>
    %get3A_2 = arith.constant 0 : index
    %get3A_3 = arith.constant 0 : index
    %get3A_4 = vector.load %arg2[%get3A_2, %get3A_3] : memref<2000x1xf32, #tpu.memory_space<vmem>>, vector<2000x1xf32>
    %add3A = arith.addf %get3A_1, %get3A_4 : vector<2000x1xf32>
    %add3A_5 = arith.constant 1.000000e+00 : f32
    %add3A_6 = vector.broadcast %add3A_5 : f32 to vector<2000x1xf32>
    %add3A_7 = arith.addf %add3A, %add3A_6 : vector<2000x1xf32>
    %rsqrt3A = math.rsqrt %add3A_7 : vector<2000x1xf32>
    %get3A_8 = arith.constant 0 : index
    %get3A_9 = arith.constant 0 : index
    %get3A_10 = vector.load %arg3[%get3A_8, %get3A_9] : memref<2000x128xf32, #tpu.memory_space<vmem>>, vector<2000x128xf32>
    %get3A_11 = arith.constant 0 : index
    %get3A_12 = arith.constant 0 : index
    %get3A_13 = vector.load %arg4[%get3A_11, %get3A_12] : memref<2000x128xf32, #tpu.memory_space<vmem>>, vector<2000x128xf32>
    %add3A_14 = arith.addf %get3A_10, %get3A_13 : vector<2000x128xf32>
    %mul3A = vector.broadcast %rsqrt3A : vector<2000x1xf32> to vector<2000x128xf32>
    %mul3A_15 = arith.mulf %mul3A, %add3A_14 : vector<2000x128xf32>
    %get3A_16 = arith.constant 0 : index
    %get3A_17 = arith.constant 0 : index
    %get3A_18 = vector.load %arg5[%get3A_16, %get3A_17] : memref<1x128xf32, #tpu.memory_space<vmem>>, vector<1x128xf32>
    %add3A_19 = vector.broadcast %get3A_18 : vector<1x128xf32> to vector<2000x128xf32>
    %add3A_20 = arith.addf %mul3A_15, %add3A_19 : vector<2000x128xf32>
    %max3A = arith.constant 0.000000e+00 : f32
    %max3A_21 = vector.broadcast %max3A : f32 to vector<2000x128xf32>
    %max3A_22 = arith.maximumf %add3A_20, %max3A_21 : vector<2000x128xf32>
    %get3A_23 = arith.constant 0 : index
    %get3A_24 = arith.constant 0 : index
    %get3A_25 = vector.load %arg6[%get3A_23, %get3A_24] : memref<128x128xf32, #tpu.memory_space<vmem>>, vector<128x128xf32>
    %dot_general3A = arith.constant dense<0.000000e+00> : vector<2000x128xf32>
    %dot_general3A_26 = tpu.matmul %max3A_22, %get3A_25, %dot_general3A {dimension_numbers = #tpu.dot_dimension_numbers<[1], [0], [0], [1], [0, 0, 1, 1], [], []>, transpose_lhs_hint = false} : vector<2000x128xf32>, vector<128x128xf32>, vector<2000x128xf32> -> vector<2000x128xf32>
    %mul3A_27 = vector.broadcast %rsqrt3A : vector<2000x1xf32> to vector<2000x128xf32>
    %mul3A_28 = arith.mulf %mul3A_27, %dot_general3A_26 : vector<2000x128xf32>
    %swap3A = arith.constant 0 : index
    %swap3A_29 = arith.constant 0 : index
    %swap3A_30 = vector.load %arg7[%swap3A, %swap3A_29] : memref<2000x128xf32, #tpu.memory_space<vmem>>, vector<2000x128xf32>
    tpu.vector_store %arg7[%swap3A, %swap3A_29], %mul3A_28 {strides = array<i32>} : memref<2000x128xf32, #tpu.memory_space<vmem>>, vector<2000x128xf32>,
    return
  }
  func.func @transform_0(%arg0: i32) -> (i32, i32) {
    %c0_i32 = arith.constant 0 : i32
    %c0_i32_0 = arith.constant 0 : i32
    return %arg0, %c0_i32 : i32, i32
  }
  func.func @transform_1(%arg0: i32) -> (i32, i32) {
    %c0_i32 = arith.constant 0 : i32
    %c0_i32_0 = arith.constant 0 : i32
    return %arg0, %c0_i32 : i32, i32
  }
  func.func @transform_2(%arg0: i32) -> (i32, i32) {
    %c0_i32 = arith.constant 0 : i32
    %c0_i32_0 = arith.constant 0 : i32
    return %arg0, %c0_i32 : i32, i32
  }
  func.func @transform_3(%arg0: i32) -> (i32, i32) {
    %c0_i32 = arith.constant 0 : i32
    %c0_i32_0 = arith.constant 0 : i32
    return %arg0, %c0_i32 : i32, i32
  }
  func.func @transform_4(%arg0: i32) -> (i32, i32) {
    %c0_i32 = arith.constant 0 : i32
    %c0_i32_0 = arith.constant 0 : i32
    %c0_i32_1 = arith.constant 0 : i32
    return %c0_i32, %c0_i32_0 : i32, i32
  }
  func.func @transform_5(%arg0: i32) -> (i32, i32) {
    %c0_i32 = arith.constant 0 : i32
    %c0_i32_0 = arith.constant 0 : i32
    %c0_i32_1 = arith.constant 0 : i32
    return %c0_i32, %c0_i32_0 : i32, i32
  }
  func.func @transform_6(%arg0: i32) -> (i32, i32) {
    %c0_i32 = arith.constant 0 : i32
    %c0_i32_0 = arith.constant 0 : i32
    return %arg0, %c0_i32 : i32, i32
  }
}

module attributes {stable_mosaic.version = 14 : i64} {
  func.func @_tc_out_body(%arg0: i32, %arg1: memref<2000x1xf32, #tpu.memory_space<vmem>>, %arg2: memref<2000x1xf32, #tpu.memory_space<vmem>>, %arg3: memref<2000x128xf32, #tpu.memory_space<vmem>>, %arg4: memref<2000x128xf32, #tpu.memory_space<vmem>>, %arg5: memref<1x128xf32, #tpu.memory_space<vmem>>, %arg6: memref<2000x128xf32, #tpu.memory_space<vmem>>) attributes {dimension_semantics = [#tpu.dimension_semantics<arbitrary>], iteration_bounds = array<i64: 5>, scalar_prefetch = 0 : i64, scratch_operands = 0 : i64, tpu.core_type = #tpu.core_type<tc>, window_params = [{transform_indices = @transform_0, window_bounds = array<i64: 2000, 1>}, {transform_indices = @transform_1, window_bounds = array<i64: 2000, 1>}, {transform_indices = @transform_2, window_bounds = array<i64: 2000, 128>}, {transform_indices = @transform_3, window_bounds = array<i64: 2000, 128>}, {pipeline_mode = #tpu.pipeline_mode<synchronous>, transform_indices = @transform_4, window_bounds = array<i64: 1, 128>}, {transform_indices = @transform_5, window_bounds = array<i64: 2000, 128>}]} {
    %get3A = arith.constant 0 : index
    %get3A_0 = arith.constant 0 : index
    %get3A_1 = vector.load %arg1[%get3A, %get3A_0] : memref<2000x1xf32, #tpu.memory_space<vmem>>, vector<2000x1xf32>
    %get3A_2 = arith.constant 0 : index
    %get3A_3 = arith.constant 0 : index
    %get3A_4 = vector.load %arg2[%get3A_2, %get3A_3] : memref<2000x1xf32, #tpu.memory_space<vmem>>, vector<2000x1xf32>
    %add3A = arith.addf %get3A_1, %get3A_4 : vector<2000x1xf32>
    %add3A_5 = arith.constant 1.000000e+00 : f32
    %add3A_6 = vector.broadcast %add3A_5 : f32 to vector<2000x1xf32>
    %add3A_7 = arith.addf %add3A, %add3A_6 : vector<2000x1xf32>
    %rsqrt3A = math.rsqrt %add3A_7 : vector<2000x1xf32>
    %get3A_8 = arith.constant 0 : index
    %get3A_9 = arith.constant 0 : index
    %get3A_10 = vector.load %arg3[%get3A_8, %get3A_9] : memref<2000x128xf32, #tpu.memory_space<vmem>>, vector<2000x128xf32>
    %get3A_11 = arith.constant 0 : index
    %get3A_12 = arith.constant 0 : index
    %get3A_13 = vector.load %arg4[%get3A_11, %get3A_12] : memref<2000x128xf32, #tpu.memory_space<vmem>>, vector<2000x128xf32>
    %add3A_14 = arith.addf %get3A_10, %get3A_13 : vector<2000x128xf32>
    %mul3A = vector.broadcast %rsqrt3A : vector<2000x1xf32> to vector<2000x128xf32>
    %mul3A_15 = arith.mulf %mul3A, %add3A_14 : vector<2000x128xf32>
    %get3A_16 = arith.constant 0 : index
    %get3A_17 = arith.constant 0 : index
    %get3A_18 = vector.load %arg5[%get3A_16, %get3A_17] : memref<1x128xf32, #tpu.memory_space<vmem>>, vector<1x128xf32>
    %add3A_19 = vector.broadcast %get3A_18 : vector<1x128xf32> to vector<2000x128xf32>
    %add3A_20 = arith.addf %mul3A_15, %add3A_19 : vector<2000x128xf32>
    %swap3A = arith.constant 0 : index
    %swap3A_21 = arith.constant 0 : index
    %swap3A_22 = vector.load %arg6[%swap3A, %swap3A_21] : memref<2000x128xf32, #tpu.memory_space<vmem>>, vector<2000x128xf32>
    tpu.vector_store %arg6[%swap3A, %swap3A_21], %add3A_20 {strides = array<i32>} : memref<2000x128xf32, #tpu.memory_space<vmem>>, vector<2000x128xf32>,
    return
  }
  func.func @transform_0(%arg0: i32) -> (i32, i32) {
    %c0_i32 = arith.constant 0 : i32
    %c0_i32_0 = arith.constant 0 : i32
    return %arg0, %c0_i32 : i32, i32
  }
  func.func @transform_1(%arg0: i32) -> (i32, i32) {
    %c0_i32 = arith.constant 0 : i32
    %c0_i32_0 = arith.constant 0 : i32
    return %arg0, %c0_i32 : i32, i32
  }
  func.func @transform_2(%arg0: i32) -> (i32, i32) {
    %c0_i32 = arith.constant 0 : i32
    %c0_i32_0 = arith.constant 0 : i32
    return %arg0, %c0_i32 : i32, i32
  }
  func.func @transform_3(%arg0: i32) -> (i32, i32) {
    %c0_i32 = arith.constant 0 : i32
    %c0_i32_0 = arith.constant 0 : i32
    return %arg0, %c0_i32 : i32, i32
  }
  func.func @transform_4(%arg0: i32) -> (i32, i32) {
    %c0_i32 = arith.constant 0 : i32
    %c0_i32_0 = arith.constant 0 : i32
    %c0_i32_1 = arith.constant 0 : i32
    return %c0_i32, %c0_i32_0 : i32, i32
  }
  func.func @transform_5(%arg0: i32) -> (i32, i32) {
    %c0_i32 = arith.constant 0 : i32
    %c0_i32_0 = arith.constant 0 : i32
    return %arg0, %c0_i32 : i32, i32
  }
}

</mosaic_0001>

<sc_bundles>
// kernel: kernel.10.cloned.1.call-start
scs
__scs_entry_jumppad:
0x0: {  	(pc) =	sbr.rel $0x88, $3  }
0x1: {  	(tag) =	ssettag $0x0;
	lr =	simm.s32 $0x1  }
0x2: {  	[smem:$0x3F99] =	sst lr;
	_ =	strace $0xD0000000  }
0x3: {  	_ = 	snop  }
0x4: {  	_ = 	snop  }
0x5: {  	_ = 	snop  }
0x6: {  	_ = 	snop  }
0x7: {  	_ = 	snop  }
__scs_overlays_trampoline_lowered:
0x8: {  	[smem:$0x3FA8] =	sst s0  }
0x9: {  	[smem:$0x3FA9] =	sst s1  }
0xa: {  	[smem:$0x3FAA] =	sst s2  }
0xb: {  	[smem:$0x3FAB] =	sst s3  }
0xc: {  	[smem:$0x3FAC] =	sst s4  }
0xd: {  	[smem:$0x3FAD] =	sst s5  }
0xe: {  	[smem:$0x3FAE] =	sst s6  }
0xf: {  	[smem:$0x3FAF] =	sst s7  }
0x10: {  	[smem:$0x3FB0] =	sst s8  }
0x11: {  	[smem:$0x3FB1] =	sst s9;
	s0 =	simm.s32 @!p0 $0x0  }
0x12: {  	s1 =	sld [smem:$0x3F97];
	s0 =	simm.s32 @p0 $0x1  }
0x13: {  	[smem:$0x3FB2] =	sst s0;
	s0 =	simm.s32 @!p1 $0x0  }
0x14: {  	s2 =	sld [smem:$0x3F96];
	s0 =	simm.s32 @p1 $0x1  }
0x15: {  	[smem:$0x3FB3] =	sst s0;
	s0 =	simm.s32 @!p2 $0x0  }
0x16: {  	s3 =	sld [smem:$0x3FDB];
	s0 =	simm.s32 @p2 $0x1  }
0x17: {  	s4 =	simm.s32 $0x1BF5;
	[smem:$0x3FB5] =	sst s0  }
0x18: {  	s0 =	sld [smem:$0x3F98];
	_ =	swait.ge [sflag:s4], $0x0  }
0x19: {  	s7 =	sld [smem:$0x3F99]  }
0x1a: {  	s8 =	sadd.s32 $0xFFFFE003, lr  }
0x1b: {  	s9 =	sadd.s32 $0xFFFFFEF7, lr;
	s5 =	simm.s32 $0xFFFFFFFF;
	p2 =	slt.u32 s8, $0xFFFFF086  }
0x1c: {  	p1 =	slt.u32 s9, $0xF7A;
	s5 =	simm.s32 @!p2 $0x0  }
0x1d: {  	s5 =	simm.s32 @p1 $0x1;
	p0 =	seq.s32 s7, s2  }
0x1e: {  	s7 =	smul.u32 @!p0 $0xF7A, s2;
	p2 =	seq.s32 @!p0 s5, $0x0  }
0x1f: {  	s9 =	smul.u32 $0xF7A, s1;
	s8 =	simm.s32 @!p0 $0x1BF5;
	p2 =	por !p2, p0  }
0x20: {  	[sflag:s8] =	ssyncset.s32 @!p0 $0xFFFFF086;
	s6 =	sadd.s32 @!p0 s3, s7;
	s7 =	simm.s32 @!p0 $0x108  }
0x21: {  	s3 =	sadd.s32 s3, s9;
	s6 =	sadd.s32 @!p0 $0x88, s6;
	s7 =	simm.s32 @p2 $0x1082  }
0x22: {  	[simem:s7], [sflag:s8] =	dma.local @!p0 [hbm:s6], $0xF7A  }
0x23: {  	s9 =	sor.u32 $0xD0000000, s2;
	s6 =	simm.s32 $0x108;
	_ =	swait.ge @!p0 [sflag:s8], $0x0  }
0x24: {  	s3 =	sadd.s32 $0x88, s3;
	s6 =	simm.s32 @!p1 $0x1082;
	[sflag:s4] =	ssyncset.s32 $0xFFFFF086  }
0x25: {  	[simem:s6], [sflag:s4] =	dma.local [hbm:s3], $0xF7A  }
0x26: {  	[smem:$0x3F99] =	sst s1;
	(tag) =	ssettag s2;
	_ =	strace s9  }
0x27: {  	s1 =	sld [smem:$0x3FA9]  }
0x28: {  	s2 =	sld [smem:$0x3FAA]  }
0x29: {  	s4 =	sld [smem:$0x3FAC]  }
0x2a: {  	p0 =	seq.s32 s5, $0x0;
	s5 =	sld [smem:$0x3FAD]  }
0x2b: {  	s6 =	sld [smem:$0x3FAE]  }
0x2c: {  	s7 =	sld [smem:$0x3FAF]  }
0x2d: {  	s3 =	simm.s32 $0x108;
	s8 =	sld [smem:$0x3FB0]  }
0x2e: {  	s3 =	simm.s32 @!p0 $0x1082;
	s9 =	sld [smem:$0x3FB1]  }
0x2f: {  	lr =	sadd.s32 s0, s3;
	s0 =	sld [smem:$0x3FA8]  }
0x30: {  	s3 =	sld [smem:$0x3FAB]  }
0x31: {  	[smem:$0x3FB4] =	sst s10  }
0x32: {  	s10 =	sld [smem:$0x3FB2];
	_ =	sdelay $0x3  }
0x33: {  	p0 =	seq.s32 s10, $0x1;
	s10 =	sld [smem:$0x3FB4];
	_ =	sdelay $0x3  }
0x34: {  	[smem:$0x3FB4] =	sst s10  }
0x35: {  	s10 =	sld [smem:$0x3FB3];
	_ =	sdelay $0x3  }
0x36: {  	p1 =	seq.s32 s10, $0x1;
	s10 =	sld [smem:$0x3FB4];
	_ =	sdelay $0x3  }
0x37: {  	[smem:$0x3FB4] =	sst s10  }
0x38: {  	s10 =	sld [smem:$0x3FB5]  }
0x39: {  	_ = 	snop;
	(pc) =	sbr.ind lr, $3  }
0x3a: {  	_ = 	snop  }
0x3b: {  	_ = 	snop  }
0x3c: {  	p2 =	seq.s32 s10, $0x1;
	s10 =	sld [smem:$0x3FB4]  }
0x3d: {  	_ =	shalt  }
0x3e: {  	_ =	shalt  }
0x3f: {  	_ =	shalt  }
0x40: {  	_ =	shalt  }
0x41: {  	_ =	shalt  }
0x42: {  	_ =	shalt  }
0x43: {  	_ =	shalt  }
0x44: {  	_ =	shalt  }
0x45: {  	_ =	shalt  }
0x46: {  	_ =	shalt  }
0x47: {  	_ =	shalt  }
0x48: {  	_ =	shalt  }
0x49: {  	_ =	shalt  }
0x4a: {  	_ =	shalt  }
0x4b: {  	_ =	shalt  }
0x4c: {  	_ =	shalt  }
0x4d: {  	_ =	shalt  }
0x4e: {  	_ =	shalt  }
0x4f: {  	_ =	shalt  }
0x50: {  	_ =	shalt  }
0x51: {  	_ =	shalt  }
0x52: {  	_ =	shalt  }
0x53: {  	_ =	shalt  }
0x54: {  	_ =	shalt  }
0x55: {  	_ =	shalt  }
0x56: {  	_ =	shalt  }
0x57: {  	_ =	shalt  }
0x58: {  	_ =	shalt  }
0x59: {  	_ =	shalt  }
0x5a: {  	_ =	shalt  }
0x5b: {  	_ =	shalt  }
0x5c: {  	_ =	shalt  }
0x5d: {  	_ =	shalt  }
0x5e: {  	_ =	shalt  }
0x5f: {  	_ =	shalt  }
0x60: {  	_ =	shalt  }
0x61: {  	_ =	shalt  }
0x62: {  	_ =	shalt  }
0x63: {  	_ =	shalt  }
0x64: {  	_ =	shalt  }
0x65: {  	_ =	shalt  }
0x66: {  	_ =	shalt  }
0x67: {  	_ =	shalt  }
0x68: {  	_ =	shalt  }
0x69: {  	_ =	shalt  }
0x6a: {  	_ =	shalt  }
0x6b: {  	_ =	shalt  }
0x6c: {  	_ =	shalt  }
0x6d: {  	_ =	shalt  }
0x6e: {  	_ =	shalt  }
0x6f: {  	_ =	shalt  }
0x70: {  	_ =	shalt  }
0x71: {  	_ =	shalt  }
0x72: {  	_ =	shalt  }
0x73: {  	_ =	shalt  }
0x74: {  	_ =	shalt  }
0x75: {  	_ =	shalt  }
0x76: {  	_ =	shalt  }
0x77: {  	_ =	shalt  }
0x78: {  	_ =	shalt  }
0x79: {  	_ =	shalt  }
0x7a: {  	_ =	shalt  }
0x7b: {  	_ =	shalt  }
0x7c: {  	_ =	shalt  }
0x7d: {  	_ =	shalt  }
0x7e: {  	_ =	shalt  }
0x7f: {  	_ =	shalt  }
0x80: {  	_ =	shalt  }
0x81: {  	_ =	shalt  }
0x82: {  	_ =	shalt  }
0x83: {  	_ =	shalt  }
0x84: {  	_ =	shalt  }
0x85: {  	_ =	shalt  }
0x86: {  	_ =	shalt  }
0x87: {  	_ =	shalt  }
.Lfunc_end0:
.L_simem_size_0:
called_computation_lowered:
.L_overlay_start_0:
0x88: {  	s2 =	sld [smem:$0x3FD9]  }
0x89: {  	s3 =	sld [smem:$0x3FFE];
	_ =	sdelay $0x1  }
0x8a: {  	s1 =	srdreg.scid  }
0x8b: {  	s0 =	sand.u32 $0x1, s1  }
0x8c: {  	s14 =	sshll.u32 s0, $0xA;
	s2 =	sadd.s32 s3, s2  }
0x8d: {  	s2 =	sadd.s32 s2, s14  }
0x8e: {  	[smem:$0x3FC0] =	sst s2  }
0x8f: {  	_ = 	snop  }
0x90: {  	s2 =	sld [smem:$0x3FD0];
	_ =	sdelay $0x2  }
0x91: {  	s15 =	simm.s32 $0xB;
	s4 =	simm.s32 $0x10  }
0x92: {  	[smem:s4], [sflag:s15] =	dma.local [hbm:s2], $0x1  }
0x93: {  	_ =	swait.eq [sflag:s15], $0x1  }
0x94: {  	[sflag:s15] =	ssyncset.done $0x0  }
0x95: {  	[sflag:s15] =	ssyncadd.s32 $0xFFFFFFFF  }
0x96: {  	s16 =	sld [smem:$0x11];
	(tm) =	ssettm $0x1  }
0x97: {  	s17 =	sld [smem:$0x3FFB];
	_ =	sdelay $0x3  }
0x98: {  	_ =	strace s17  }
0x99: {  	s3 =	sld [smem:$0x3FFC];
	_ =	sdelay $0x3  }
0x9a: {  	_ =	strace s3  }
0x9b: {  	s3 =	sld [smem:$0x3FFD];
	_ =	sdelay $0x3  }
0x9c: {  	_ =	strace s3  }
0x9d: {  	_ =	strace $0x8FFFFFFF  }
0x9e: {  	s18 =	sld [smem:$0x3FDB];
	_ =	sdelay $0x1  }
0x9f: {  	s19 =	simm.s32 $_scs_section_size  }
0xa0: {  	s5 =	simm.s32 $_size__tile_overlayer_lowered;
	s6 =	simm.s32 $_tile_overlayer_lowered  }
0xa1: {  	s22 =	simm.s32 $0x1BFF;
	s21 =	sshll.u32 s6, $0x1;
	s3 =	sadd.s32 s19, s18  }
0xa2: {  	s7 =	simm.s32 $0x0;
	s20 =	sshll.u32 s5, $0x1;
	s5 =	sadd.s32 s21, s3  }
0xa3: {  	[timem:s7], [sflag:s22] =	dma.local [hbm:s5], s20  }
0xa4: {  	_ =	swait.ge [sflag:s22], s20  }
0xa5: {  	s4 =	ssub.s32 $0x0, s20;
	[sflag:s22] =	ssyncset.done $0x0  }
0xa6: {  	[sflag:s22] =	ssyncadd.s32 s4;
	_ =	sdelay $0x1  }
0xa7: {  	s23 =	simm.s32 $0x1B8B  }
0xa8: {  	_ =	swait.ge [sflag:s23], $0x1  }
0xa9: {  	[sflag:s23] =	ssyncset.done $0x0  }
0xaa: {  	s25 =	simm.s32 $0x1B8E;
	s24 =	sld [smem:$0x3FFE];
	[sflag:s23] =	ssyncadd.s32 $0xFFFFFFFF  }
0xab: {  	s26 =	simm.s32 $execute0_lowered;
	[smem:$0x3FD2] =	sst s25  }
0xac: {  	s5 =	sshll.u32 s26, $0x1;
	_ =	strace $0x80000046;
	[dreg:$0x1] =	wrdreg $0xFFFFFFFF  }
0xad: {  	s28 =	simm.s32 $_size_execute0_lowered;
	s3 =	sadd.s32 s3, s5;
	[dreg:$0x0] =	wrdreg $0x0  }
0xae: {  	s5 =	sshll.u32 s28, $0x1;
	[dreg:$0x2] =	wrdreg s3  }
0xaf: {  	[dreg:$0x3] =	wrdreg s5  }
0xb0: {  	[dreg:$0x4] =	wrdreg $0xC0  }
0xb1: {  	_ =	task [dreg:s7], $0x5FFFF  }
0xb2: {  	[dreg:$0x1] =	wrdreg $0xFFFFFFFF  }
0xb3: {  	[dreg:$0x0] =	wrdreg $0x60  }
0xb4: {  	[dreg:$0x2] =	wrdreg s16  }
0xb5: {  	[dreg:$0x3] =	wrdreg s24  }
0xb6: {  	[dreg:$0x4] =	wrdreg $0x50000  }
0xb7: {  	[dreg:$0x5] =	wrdreg $0x9  }
0xb8: {  	_ =	task.clear_ibuf [dreg:s7], $0x6FFFF;
	_ =	strace $0x90000046  }
0xb9: {  	s29 =	simm.s32 $0x9;
	_ =	strace $0x80000048  }
0xba: {  	_ =	swait.ge [sflag:s29], $0x1  }
0xbb: {  	[sflag:s29] =	ssyncadd.s32 $0xFFFFFFFF  }
0xbc: {  	_ =	strace $0x90000048  }
0xbd: {  	_ =	sfence  }
0xbe: {  	s30 =	sld [smem:$0x0];
	_ =	sdelay $0x2  }
0xbf: {  	s31 =	sshll.u32 s1, $0xD;
	s1 =	sshrl.u32 s1, $0x2  }
0xc0: {  	s3 =	sand.u32 $0x4000, s31;
	s1 =	sadd.s32 s1, s30  }
0xc1: {  	s0 =	sor.u32 s3, s0;
	s1 =	sshll.u32 s1, $0x11  }
0xc2: {  	s0 =	sor.u32 s1, s0  }
0xc3: {  	s0 =	sadd.s32 $0x8F2B, s0  }
0xc4: {  	[sflag:s0] =	ssyncadd.remote.s32 $0x1  }
0xc5: {  	_ =	sfence.sel $0xFFFF  }
0xc6: {  	[dreg:$0x0] =	wrdreg $0xFFFFFFFF;
	(pc) =	sbr.abs _section_cstart, $3  }
0xc7: {  	[dreg:$0x1] =	wrdreg $0xFFFFFFFF  }
0xc8: {  	_ =	task.clear_ibuf [dreg:s7], $0x2FFFF;
	_ =	strace $0x9FFFFFFF  }
0xc9: {  	(tm) =	ssettm $0x7FFFFFFF  }
tec
execute0_lowered:
.L_overlay_start_1:
0x0: {  	(tag) =	ssettag $0x1  }
0x1: {  	s3 =	rddreg [dreg:$0x0]  }
0x2: {  	s4 =	rddreg [dreg:$0x1];
	s0 =	srdreg.scid  }
0x3: {  	s1 =	rddreg [dreg:$0x2];
	s6 =	stileid.u32  }
0x4: {  	s2 =	simm.s32 $0x0;
	s5 =	sand.u32 $0x1, s0;
	s0 =	rddreg [dreg:$0x3]  }
0x5: {  	s9 =	simm.s32 $0x2800;
	[smem:$0x7FF] =	sst s2;
	p0 =	sne.s32 s6, $0x0  }
0x6: {  	s7 =	sshll.u32 s5, $0x4;
	s8 =	smul.u32 $0x4E2, s5;
	s5 =	ssub.s32 $0x2, s5  }
0x7: {  	_ =	strace $0x80000047;
	s7 =	sor.u32 s6, s7;
	s31 =	sshrl.u32 s5, $0x1  }
0x8: {  	s6 =	simm.s32 $0x2880;
	s7 =	smul.u32 $0x500, s7;
	s4 =	sadd.s32 s8, s4  }
0x9: {  	s5 =	ssub.s32 s5, s31;
	s8 =	simm.s32 $0x7D;
	s4 =	sadd.s32 $0x3800, s4  }
0xa: {  	v0 =	vimm.f32 $1.000000000e+00;
	v1 =	vimm.f32 $0.0e+00;
	s5 =	smax.u32 s5, $0x1;
	s3 =	sadd.s32 s3, s7;
	s7 =	simm.s32 $0x1  }
.LBB2_1:
0xb: {  	[tilespmem:$0x2800] =	vst v0  }
0xc: {  	[tilespmem:$0x2810] =	vst v0  }
0xd: {  	[tilespmem:$0x2820] =	vst v0  }
.Ltmp0:
0xe: {  	[tilespmem:$0x2830] =	vst v0;
	(pc) =	sbr.rel @p0 .LBB2_5-.Ltmp0, $4  }
0xf: {  	[tilespmem:$0x2840] =	vst v0  }
0x10: {  	[tilespmem:$0x2850] =	vst v0  }
0x11: {  	[tilespmem:$0x2860] =	vst v0  }
0x12: {  	[tilespmem:$0x2870] =	vst v0  }
0x13: {  	s10 =	simm.s32 $0x40;
	s11 =	simm.s32 $0x0  }
.LBB2_3:
0x14: {  	p1 =	sne.s32 s10, $0x9C00;
	[tilespmem:s11+$0x2880] =	vst v1;
	s11 =	smov.u32 s10;
	s10 =	sadd.s32 $0x40, s10  }
.Ltmp1:
0x15: {  	(pc) =	sbr.rel @p1 .LBB2_3-.Ltmp1, $2  }
0x16: {  	_ =	sdelay $0x2  }
0x17: {  	s11 =	sshra.s32 s11, $0x2  }
0x18: {  	[tilespmem:s11+$0x2880] =	vst v1  }
0x19: {  	[spmem:s1] =	stream.linear.scatter [tilespmem:s6], [sflag:$0x1], $0x2780, $0x38;
	[tilespmem:$0x5278] =	vst v63  }
0x1a: {  	_ =	swait.ge [sflag:s7], $0x2780  }
0x1b: {  	[sflag:s7] =	ssyncset.done $0x0  }
0x1c: {  	[sflag:s7] =	ssyncadd.s32 $0xFFFFD880  }
.LBB2_5:
0x1d: {  	[bflag:$0x0] =	sbarrier.arrive $0xFFFF;
	s10 =	simm.s32 $0x0  }
0x1e: {  	[tilespmem:s10], [sflag:$0x1] =	stream.linear.gather [hbm4b:s3+s10], $0x2800, $0x38;
	[tilespmem:$0x5278] =	vst v63  }
0x1f: {  	_ =	swait.ge [sflag:s7], $0x2800  }
0x20: {  	[sflag:s7] =	ssyncset.done $0x0  }
0x21: {  	s31 =	simm.s32 $0x0;
	[sflag:s7] =	ssyncadd.s32 $0xFFFFD800  }
0x22: {  	[spmem:s1] =	stream.indirect.scatter.add.f32 [tilespmem:s9], [sflag:$0x1], $0x1, s31, s8, $0xb8;
	[tilespmem:$0x5278] =	vst v63  }
0x23: {  	_ =	swait.ge [sflag:s7], $0x7D  }
0x24: {  	s10 =	simm.s32 $0x200;
	[sflag:s7] =	ssyncset.done $0x0  }
.LBB2_6:
0x25: {  	s11 =	sshra.s32 s10, $0x2;
	[sflag:s7] =	ssyncadd.s32 $0xFFFFFF83;
	p1 =	sne.s32 s10, $0x9E00  }
0x26: {  	[spmem:s1] =	stream.indirect.scatter.add.f32 [tilespmem:s9], [sflag:$0x1], $0x1, s11, s8, $0xb8;
	[tilespmem:$0x5278] =	vst v63  }
.Ltmp2:
0x27: {  	_ = 	snop;
	(pc) =	sbr.rel @p1 .LBB2_6-.Ltmp2, $4  }
0x28: {  	_ = 	snop  }
0x29: {  	s10 =	sadd.s32 $0x200, s10  }
0x2a: {  	_ =	swait.ge [sflag:s7], $0x7D  }
0x2b: {  	[sflag:s7] =	ssyncset.done $0x0  }
0x2c: {  	[sflag:s7] =	ssyncadd.s32 $0xFFFFFF83  }
0x2d: {  	s10 =	simm.s32 @!p0 $0x2880;
	s11 =	simm.s32 @!p0 $0x1;
	[bflag:$0x0] =	sbarrier.arrive $0xFFFF  }
0x2e: {  	[tilespmem:s10], [sflag:$0x1] =	stream.linear.gather @!p0 [spmem:s1], $0x2780, $0x38;
	[tilespmem:$0x5278] =	vst v63  }
0x2f: {  	s2 =	sadd.s32 $0x1, s2;
	_ =	swait.ge @!p0 [sflag:s11], $0x2780  }
0x30: {  	p1 =	sne.s32 s2, s5;
	[sflag:s11] =	ssyncset.done @!p0 $0x0  }
.Ltmp3:
0x31: {  	s12 =	simm.s32 @!p0 $0x0;
	[sflag:s11] =	ssyncadd.s32 @!p0 $0xFFFFD880;
	(pc) =	sbr.rel @p1 .LBB2_1-.Ltmp3, $4  }
0x32: {  	[hbm4b:s4+s12] =	stream.linear.scatter @!p0 [tilespmem:s10], [sflag:$0x1], $0x2710, $0x38;
	[tilespmem:$0x5278] =	vst v63  }
0x33: {  	_ =	swait.ge @!p0 [sflag:s11], $0x2710  }
0x34: {  	[sflag:s11] =	ssyncset.done @!p0 $0x0  }
0x35: {  	[sflag:s11] =	ssyncadd.s32 @!p0 $0xFFFFD8F0  }
0x36: {  	_ =	sfence.sel $0x180000  }
0x37: {  	[bflag:$0x0] =	sbarrier.arrive $0xFFFF  }
0x38: {  	_ =	strace $0x90000047  }
0x39: {  	s0 =	sadd.s32 @!p0 $0x100000, s0;
	[bflag:$0x2] =	sbarrier.arrive $0xFFFF  }
0x3a: {  	[sflag:s0] =	ssyncadd.tile.s32 @!p0 $0x1;
	_ =	shalt  }
.Lfunc_end2:
_tile_overlayer_lowered:
.L_overlay_start_2:
0x3b: {  	(tag) =	ssettag $0x2  }
0x3c: {  	s0 =	rddreg [dreg:$0x0];
	s2 =	stileid.u32  }
0x3d: {  	s1 =	rddreg [dreg:$0x1];
	p0 =	sne.s32 s2, $0x0  }
0x3e: {  	s3 =	rddreg [dreg:$0x2];
	[bflag:$0x3] =	sbarrier.arrive $0xFFFF;
	s2 =	simm.s32 @!p0 $0x1C01  }
0x3f: {  	[timem:s3], [sflag:s2] =	dma.local @!p0 [hbm:s0], s1  }
0x40: {  	s0 =	simm.s32 @!p0 $0x1  }
0x41: {  	_ =	swait.ge @!p0 [sflag:s0], s1  }
0x42: {  	s1 =	ssub.s32 @!p0 $0x0, s1;
	[sflag:s0] =	ssyncset.done @!p0 $0x0  }
0x43: {  	[sflag:s0] =	ssyncadd.s32 @!p0 s1  }
0x44: {  	[bflag:$0x3] =	sbarrier.arrive $0xFFFF  }
0x45: {  	_ =	shalt  }

// kernel: kernel.13.cloned.1.call-start
scs
__scs_entry_jumppad:
0x0: {  	(pc) =	sbr.rel $0x88, $3  }
0x1: {  	(tag) =	ssettag $0x0;
	lr =	simm.s32 $0x1  }
0x2: {  	[smem:$0x3F99] =	sst lr;
	_ =	strace $0xD0000000  }
0x3: {  	_ = 	snop  }
0x4: {  	_ = 	snop  }
0x5: {  	_ = 	snop  }
0x6: {  	_ = 	snop  }
0x7: {  	_ = 	snop  }
__scs_overlays_trampoline_lowered:
0x8: {  	[smem:$0x3FA8] =	sst s0  }
0x9: {  	[smem:$0x3FA9] =	sst s1  }
0xa: {  	[smem:$0x3FAA] =	sst s2  }
0xb: {  	[smem:$0x3FAB] =	sst s3  }
0xc: {  	[smem:$0x3FAC] =	sst s4  }
0xd: {  	[smem:$0x3FAD] =	sst s5  }
0xe: {  	[smem:$0x3FAE] =	sst s6  }
0xf: {  	[smem:$0x3FAF] =	sst s7  }
0x10: {  	[smem:$0x3FB0] =	sst s8  }
0x11: {  	[smem:$0x3FB1] =	sst s9;
	s0 =	simm.s32 @!p0 $0x0  }
0x12: {  	s1 =	sld [smem:$0x3F97];
	s0 =	simm.s32 @p0 $0x1  }
0x13: {  	[smem:$0x3FB2] =	sst s0;
	s0 =	simm.s32 @!p1 $0x0  }
0x14: {  	s2 =	sld [smem:$0x3F96];
	s0 =	simm.s32 @p1 $0x1  }
0x15: {  	[smem:$0x3FB3] =	sst s0;
	s0 =	simm.s32 @!p2 $0x0  }
0x16: {  	s3 =	sld [smem:$0x3FDB];
	s0 =	simm.s32 @p2 $0x1  }
0x17: {  	s4 =	simm.s32 $0x1BF5;
	[smem:$0x3FB5] =	sst s0  }
0x18: {  	s0 =	sld [smem:$0x3F98];
	_ =	swait.ge [sflag:s4], $0x0  }
0x19: {  	s7 =	sld [smem:$0x3F99]  }
0x1a: {  	s8 =	sadd.s32 $0xFFFFE003, lr  }
0x1b: {  	s9 =	sadd.s32 $0xFFFFFEF7, lr;
	s5 =	simm.s32 $0xFFFFFFFF;
	p2 =	slt.u32 s8, $0xFFFFF086  }
0x1c: {  	p1 =	slt.u32 s9, $0xF7A;
	s5 =	simm.s32 @!p2 $0x0  }
0x1d: {  	s5 =	simm.s32 @p1 $0x1;
	p0 =	seq.s32 s7, s2  }
0x1e: {  	s7 =	smul.u32 @!p0 $0xF7A, s2;
	p2 =	seq.s32 @!p0 s5, $0x0  }
0x1f: {  	s9 =	smul.u32 $0xF7A, s1;
	s8 =	simm.s32 @!p0 $0x1BF5;
	p2 =	por !p2, p0  }
0x20: {  	[sflag:s8] =	ssyncset.s32 @!p0 $0xFFFFF086;
	s6 =	sadd.s32 @!p0 s3, s7;
	s7 =	simm.s32 @!p0 $0x108  }
0x21: {  	s3 =	sadd.s32 s3, s9;
	s6 =	sadd.s32 @!p0 $0x88, s6;
	s7 =	simm.s32 @p2 $0x1082  }
0x22: {  	[simem:s7], [sflag:s8] =	dma.local @!p0 [hbm:s6], $0xF7A  }
0x23: {  	s9 =	sor.u32 $0xD0000000, s2;
	s6 =	simm.s32 $0x108;
	_ =	swait.ge @!p0 [sflag:s8], $0x0  }
0x24: {  	s3 =	sadd.s32 $0x88, s3;
	s6 =	simm.s32 @!p1 $0x1082;
	[sflag:s4] =	ssyncset.s32 $0xFFFFF086  }
0x25: {  	[simem:s6], [sflag:s4] =	dma.local [hbm:s3], $0xF7A  }
0x26: {  	[smem:$0x3F99] =	sst s1;
	(tag) =	ssettag s2;
	_ =	strace s9  }
0x27: {  	s1 =	sld [smem:$0x3FA9]  }
0x28: {  	s2 =	sld [smem:$0x3FAA]  }
0x29: {  	s4 =	sld [smem:$0x3FAC]  }
0x2a: {  	p0 =	seq.s32 s5, $0x0;
	s5 =	sld [smem:$0x3FAD]  }
0x2b: {  	s6 =	sld [smem:$0x3FAE]  }
0x2c: {  	s7 =	sld [smem:$0x3FAF]  }
0x2d: {  	s3 =	simm.s32 $0x108;
	s8 =	sld [smem:$0x3FB0]  }
0x2e: {  	s3 =	simm.s32 @!p0 $0x1082;
	s9 =	sld [smem:$0x3FB1]  }
0x2f: {  	lr =	sadd.s32 s0, s3;
	s0 =	sld [smem:$0x3FA8]  }
0x30: {  	s3 =	sld [smem:$0x3FAB]  }
0x31: {  	[smem:$0x3FB4] =	sst s10  }
0x32: {  	s10 =	sld [smem:$0x3FB2];
	_ =	sdelay $0x3  }
0x33: {  	p0 =	seq.s32 s10, $0x1;
	s10 =	sld [smem:$0x3FB4];
	_ =	sdelay $0x3  }
0x34: {  	[smem:$0x3FB4] =	sst s10  }
0x35: {  	s10 =	sld [smem:$0x3FB3];
	_ =	sdelay $0x3  }
0x36: {  	p1 =	seq.s32 s10, $0x1;
	s10 =	sld [smem:$0x3FB4];
	_ =	sdelay $0x3  }
0x37: {  	[smem:$0x3FB4] =	sst s10  }
0x38: {  	s10 =	sld [smem:$0x3FB5]  }
0x39: {  	_ = 	snop;
	(pc) =	sbr.ind lr, $3  }
0x3a: {  	_ = 	snop  }
0x3b: {  	_ = 	snop  }
0x3c: {  	p2 =	seq.s32 s10, $0x1;
	s10 =	sld [smem:$0x3FB4]  }
0x3d: {  	_ =	shalt  }
0x3e: {  	_ =	shalt  }
0x3f: {  	_ =	shalt  }
0x40: {  	_ =	shalt  }
0x41: {  	_ =	shalt  }
0x42: {  	_ =	shalt  }
0x43: {  	_ =	shalt  }
0x44: {  	_ =	shalt  }
0x45: {  	_ =	shalt  }
0x46: {  	_ =	shalt  }
0x47: {  	_ =	shalt  }
0x48: {  	_ =	shalt  }
0x49: {  	_ =	shalt  }
0x4a: {  	_ =	shalt  }
0x4b: {  	_ =	shalt  }
0x4c: {  	_ =	shalt  }
0x4d: {  	_ =	shalt  }
0x4e: {  	_ =	shalt  }
0x4f: {  	_ =	shalt  }
0x50: {  	_ =	shalt  }
0x51: {  	_ =	shalt  }
0x52: {  	_ =	shalt  }
0x53: {  	_ =	shalt  }
0x54: {  	_ =	shalt  }
0x55: {  	_ =	shalt  }
0x56: {  	_ =	shalt  }
0x57: {  	_ =	shalt  }
0x58: {  	_ =	shalt  }
0x59: {  	_ =	shalt  }
0x5a: {  	_ =	shalt  }
0x5b: {  	_ =	shalt  }
0x5c: {  	_ =	shalt  }
0x5d: {  	_ =	shalt  }
0x5e: {  	_ =	shalt  }
0x5f: {  	_ =	shalt  }
0x60: {  	_ =	shalt  }
0x61: {  	_ =	shalt  }
0x62: {  	_ =	shalt  }
0x63: {  	_ =	shalt  }
0x64: {  	_ =	shalt  }
0x65: {  	_ =	shalt  }
0x66: {  	_ =	shalt  }
0x67: {  	_ =	shalt  }
0x68: {  	_ =	shalt  }
0x69: {  	_ =	shalt  }
0x6a: {  	_ =	shalt  }
0x6b: {  	_ =	shalt  }
0x6c: {  	_ =	shalt  }
0x6d: {  	_ =	shalt  }
0x6e: {  	_ =	shalt  }
0x6f: {  	_ =	shalt  }
0x70: {  	_ =	shalt  }
0x71: {  	_ =	shalt  }
0x72: {  	_ =	shalt  }
0x73: {  	_ =	shalt  }
0x74: {  	_ =	shalt  }
0x75: {  	_ =	shalt  }
0x76: {  	_ =	shalt  }
0x77: {  	_ =	shalt  }
0x78: {  	_ =	shalt  }
0x79: {  	_ =	shalt  }
0x7a: {  	_ =	shalt  }
0x7b: {  	_ =	shalt  }
0x7c: {  	_ =	shalt  }
0x7d: {  	_ =	shalt  }
0x7e: {  	_ =	shalt  }
0x7f: {  	_ =	shalt  }
0x80: {  	_ =	shalt  }
0x81: {  	_ =	shalt  }
0x82: {  	_ =	shalt  }
0x83: {  	_ =	shalt  }
0x84: {  	_ =	shalt  }
0x85: {  	_ =	shalt  }
0x86: {  	_ =	shalt  }
0x87: {  	_ =	shalt  }
.Lfunc_end0:
.L_simem_size_0:
called_computation.1_lowered:
.L_overlay_start_0:
0x88: {  	s2 =	sld [smem:$0x3FD9]  }
0x89: {  	s3 =	sld [smem:$0x3FFE];
	_ =	sdelay $0x1  }
0x8a: {  	s1 =	srdreg.scid  }
0x8b: {  	s0 =	sand.u32 $0x1, s1  }
0x8c: {  	s14 =	sshll.u32 s0, $0xA;
	s2 =	sadd.s32 s3, s2  }
0x8d: {  	s2 =	sadd.s32 s2, s14  }
0x8e: {  	[smem:$0x3FC0] =	sst s2  }
0x8f: {  	_ = 	snop  }
0x90: {  	s2 =	sld [smem:$0x3FD0];
	_ =	sdelay $0x2  }
0x91: {  	s15 =	simm.s32 $0xB;
	s4 =	simm.s32 $0x10  }
0x92: {  	[smem:s4], [sflag:s15] =	dma.local [hbm:s2], $0x1  }
0x93: {  	_ =	swait.eq [sflag:s15], $0x1  }
0x94: {  	[sflag:s15] =	ssyncset.done $0x0  }
0x95: {  	s16 =	sld [smem:$0x10];
	[sflag:s15] =	ssyncadd.s32 $0xFFFFFFFF  }
0x96: {  	s17 =	sld [smem:$0x11];
	(tm) =	ssettm $0x1  }
0x97: {  	s18 =	sld [smem:$0x3FFB];
	_ =	sdelay $0x3  }
0x98: {  	_ =	strace s18  }
0x99: {  	s4 =	sld [smem:$0x3FFC];
	_ =	sdelay $0x3  }
0x9a: {  	_ =	strace s4  }
0x9b: {  	s4 =	sld [smem:$0x3FFD];
	_ =	sdelay $0x3  }
0x9c: {  	_ =	strace s4  }
0x9d: {  	_ =	strace $0x8FFFFFFF  }
0x9e: {  	s19 =	sld [smem:$0x3FDB];
	_ =	sdelay $0x1  }
0x9f: {  	s5 =	simm.s32 $_scs_section_size  }
0xa0: {  	s6 =	simm.s32 $_size__tile_overlayer_lowered;
	s7 =	simm.s32 $_tile_overlayer_lowered  }
0xa1: {  	s22 =	simm.s32 $0x1BFF;
	s21 =	sshll.u32 s7, $0x1;
	s4 =	sadd.s32 s5, s19  }
0xa2: {  	s8 =	simm.s32 $0x0;
	s20 =	sshll.u32 s6, $0x1;
	s6 =	sadd.s32 s21, s4  }
0xa3: {  	[timem:s8], [sflag:s22] =	dma.local [hbm:s6], s20  }
0xa4: {  	_ =	swait.ge [sflag:s22], s20  }
0xa5: {  	s5 =	ssub.s32 $0x0, s20;
	[sflag:s22] =	ssyncset.done $0x0  }
0xa6: {  	[sflag:s22] =	ssyncadd.s32 s5;
	_ =	sdelay $0x1  }
0xa7: {  	s23 =	simm.s32 $0x1B8B  }
0xa8: {  	_ =	swait.ge [sflag:s23], $0x1  }
0xa9: {  	[sflag:s23] =	ssyncset.done $0x0  }
0xaa: {  	s25 =	simm.s32 $0x1B8E;
	s24 =	sld [smem:$0x3FFE];
	[sflag:s23] =	ssyncadd.s32 $0xFFFFFFFF  }
0xab: {  	s26 =	simm.s32 $execute0_lowered;
	[smem:$0x3FD2] =	sst s25  }
0xac: {  	s6 =	sshll.u32 s26, $0x1;
	_ =	strace $0x80000049;
	[dreg:$0x1] =	wrdreg $0xFFFFFFFF  }
0xad: {  	s28 =	simm.s32 $_size_execute0_lowered;
	s4 =	sadd.s32 s4, s6;
	[dreg:$0x0] =	wrdreg $0x0  }
0xae: {  	s6 =	sshll.u32 s28, $0x1;
	[dreg:$0x2] =	wrdreg s4  }
0xaf: {  	[dreg:$0x3] =	wrdreg s6  }
0xb0: {  	[dreg:$0x4] =	wrdreg $0xC0  }
0xb1: {  	_ =	task [dreg:s8], $0x5FFFF  }
0xb2: {  	[dreg:$0x1] =	wrdreg $0xFFFFFFFF  }
0xb3: {  	[dreg:$0x0] =	wrdreg $0x60  }
0xb4: {  	[dreg:$0x2] =	wrdreg s16  }
0xb5: {  	[dreg:$0x3] =	wrdreg s17  }
0xb6: {  	[dreg:$0x4] =	wrdreg s24  }
0xb7: {  	[dreg:$0x5] =	wrdreg $0x1A0000  }
0xb8: {  	[dreg:$0x6] =	wrdreg $0x9  }
0xb9: {  	_ =	task.clear_ibuf [dreg:s8], $0x7FFFF;
	_ =	strace $0x90000049  }
0xba: {  	s29 =	simm.s32 $0x9;
	_ =	strace $0x8000004B  }
0xbb: {  	_ =	swait.ge [sflag:s29], $0x1  }
0xbc: {  	[sflag:s29] =	ssyncadd.s32 $0xFFFFFFFF  }
0xbd: {  	_ =	strace $0x9000004B  }
0xbe: {  	_ =	sfence  }
0xbf: {  	s30 =	sld [smem:$0x0];
	_ =	sdelay $0x2  }
0xc0: {  	s31 =	sshll.u32 s1, $0xD;
	s1 =	sshrl.u32 s1, $0x2  }
0xc1: {  	s3 =	sand.u32 $0x4000, s31;
	s1 =	sadd.s32 s1, s30  }
0xc2: {  	s0 =	sor.u32 s3, s0;
	s1 =	sshll.u32 s1, $0x11  }
0xc3: {  	s0 =	sor.u32 s1, s0  }
0xc4: {  	s0 =	sadd.s32 $0x8F2B, s0  }
0xc5: {  	[sflag:s0] =	ssyncadd.remote.s32 $0x1  }
0xc6: {  	_ =	sfence.sel $0xFFFF  }
0xc7: {  	[dreg:$0x0] =	wrdreg $0xFFFFFFFF;
	(pc) =	sbr.abs _section_cstart, $3  }
0xc8: {  	[dreg:$0x1] =	wrdreg $0xFFFFFFFF  }
0xc9: {  	_ =	task.clear_ibuf [dreg:s8], $0x2FFFF;
	_ =	strace $0x9FFFFFFF  }
0xca: {  	(tm) =	ssettm $0x7FFFFFFF  }
0xcb: {  	_ =	shalt  }
tec
execute0_lowered:
.L_overlay_start_1:
0x0: {  	(tag) =	ssettag $0x1  }
0x1: {  	s0 =	rddreg [dreg:$0x0]  }
0x2: {  	s8 =	rddreg [dreg:$0x1]  }
0x3: {  	s5 =	rddreg [dreg:$0x2]  }
0x4: {  	s1 =	rddreg [dreg:$0x3];
	s2 =	simm.s32 $0x0  }
0x5: {  	s3 =	srdreg.scid;
	s12 =	simm.s32 $0x5000;
	s13 =	simm.s32 $0x7D  }
0x6: {  	s15 =	simm.s32 $0xE000;
	s16 =	simm.s32 $0x1;
	s17 =	simm.s32 $0x2  }
0x7: {  	s20 =	simm.s32 $0x12000;
	s28 =	simm.s32 $0x4;
	s6 =	sand.u32 $0x1, s3  }
0x8: {  	s30 =	simm.s32 $0x5;
	s3 =	stileid.u32;
	s7 =	smul.u32 $0xA000, s6  }
0x9: {  	s31 =	simm.s32 $0x4F80;
	[smem:$0x7FF] =	sst s2;
	s10 =	smul.u32 $0x16000, s3  }
0xa: {  	s4 =	sadd.s32 $0x3800, s5;
	_ =	strace $0x8000004A;
	s14 =	smul.u32 $0xA00, s6  }
0xb: {  	s9 =	ssub.s32 $0x2, s6;
	s18 =	smul.u32 $0xA00, s3;
	s25 =	sshll.u32 s3, $0x4  }
0xc: {  	s26 =	smul.u32 $0x14000, s3;
	s23 =	sshrl.u32 s9, $0x1;
	s22 =	sor.u32 $0xA00, s25  }
0xd: {  	s25 =	simm.s32 $0x3;
	s11 =	sadd.s32 s7, s5;
	s9 =	ssub.s32 s9, s23  }
0xe: {  	v0 =	vlaneseq.u32;
	s24 =	sshrl.u32 s10, $0x2;
	s7 =	sadd.s32 s0, s18;
	s8 =	sadd.s32 s8, s18  }
0xf: {  	s10 =	sshrl.u32 s26, $0x2;
	s0 =	simm.s32 $0x6;
	v0 =	vor.u32 s22, v0;
	s22 =	simm.s32 $0x9F80  }
0x10: {  	s5 =	sadd.s32 s24, s1;
	s29 =	sadd.s32 $0x2AA00, s11;
	s19 =	sadd.s32 s10, s1  }
0x11: {  	s9 =	smax.u32 s9, $0x1;
	s10 =	simm.s32 $0xA000;
	s11 =	simm.s32 $0x9  }
0x12: {  	s24 =	simm.s32 $0x16000;
	s6 =	sadd.s32 $0x2C00, s5;
	s21 =	sadd.s32 s18, s29  }
0x13: {  	v2 =	vimm.f32 $0.0e+00;
	vm0 =	vmmov $0x7;
	v1 =	vmov s14;
	s23 =	sshrl.u32 s19, $0x3;
	s18 =	simm.s32 $0x7;
	s19 =	simm.s32 $0x8  }
.LBB2_1:
0x14: {  	s14 =	simm.s32 $0x0;
	s26 =	simm.s32 $0x200  }
.LBB2_2:
0x15: {  	p0 =	sne.s32 s26, $0xAE00;
	[tilespmem:s14+$0xA070] =	vst v2  }
0x16: {  	[tilespmem:s14+$0xA000] =	vst v2  }
0x17: {  	[tilespmem:s14+$0xA010] =	vst v2  }
.Ltmp0:
0x18: {  	[tilespmem:s14+$0xA020] =	vst v2;
	(pc) =	sbr.rel @p0 .LBB2_2-.Ltmp0, $4  }
0x19: {  	[tilespmem:s14+$0xA030] =	vst v2  }
0x1a: {  	[tilespmem:s14+$0xA040] =	vst v2  }
0x1b: {  	[tilespmem:s14+$0xA050] =	vst v2  }
0x1c: {  	[tilespmem:s14+$0xA060] =	vst v2;
	s14 =	sshra.s32 s26, $0x2;
	s26 =	sadd.s32 $0x200, s26  }
0x1d: {  	[tilespmem:s14+$0xA070] =	vst v2  }
0x1e: {  	[tilespmem:s14+$0xA000] =	vst v2  }
0x1f: {  	[tilespmem:s14+$0xA010] =	vst v2  }
0x20: {  	[tilespmem:s14+$0xA020] =	vst v2  }
0x21: {  	[tilespmem:s14+$0xA030] =	vst v2  }
0x22: {  	[tilespmem:s14+$0xA040] =	vst v2  }
0x23: {  	[tilespmem:s14+$0xA050] =	vst v2  }
0x24: {  	[tilespmem:s14+$0xA060] =	vst v2  }
0x25: {  	[spmem:s5] =	stream.linear.scatter [tilespmem:s10], [sflag:$0x9], $0x2C00, $0x38;
	[tilespmem:$0x1F800] =	vst v63  }
0x26: {  	_ =	swait.ge [sflag:s11], $0x2C00  }
0x27: {  	[sflag:s11] =	ssyncset.done $0x0  }
0x28: {  	[sflag:s11] =	ssyncadd.s32 $0xFFFFD400  }
0x29: {  	[spmem:s6] =	stream.linear.scatter [tilespmem:s10], [sflag:$0x9], $0x2C00, $0x38;
	[tilespmem:$0x1F800] =	vst v63  }
0x2a: {  	_ =	swait.ge [sflag:s11], $0x2C00  }
0x2b: {  	[sflag:s11] =	ssyncset.done $0x0  }
0x2c: {  	s26 =	simm.s32 $0x0;
	[sflag:s11] =	ssyncadd.s32 $0xFFFFD400  }
0x2d: {  	[tilespmem:s26], [sflag:$0x9] =	stream.linear.gather [hbm4b:s7+s26], $0x5000, $0x38;
	[tilespmem:$0x1F800] =	vst v63  }
0x2e: {  	_ =	swait.ge [sflag:s11], $0x5000  }
0x2f: {  	[sflag:s11] =	ssyncset.done $0x0  }
0x30: {  	[sflag:s11] =	ssyncadd.s32 $0xFFFFB000  }
0x31: {  	[tilespmem:s12], [sflag:$0x9] =	stream.linear.gather [hbm4b:s8+s26], $0x5000, $0x38;
	[tilespmem:$0x1F800] =	vst v63  }
0x32: {  	_ =	swait.ge [sflag:s11], $0x5000  }
0x33: {  	[sflag:s11] =	ssyncset.done $0x0  }
0x34: {  	s26 =	simm.s32 $0x0;
	[sflag:s11] =	ssyncadd.s32 $0xFFFFB000  }
0x35: {  	v3 =	vld [tilespmem:s26+$0x5060];
	_ =	sdelay $0x1  }
0x36: {  	v4 =	vld [tilespmem:s26+$0x5000];
	_ =	sdelay $0x1  }
0x37: {  	v5 =	vld [tilespmem:s26+$0x5010]  }
0x38: {  	v6 =	vld [tilespmem:s26+$0x5020];
	v3 =	vsub.s32 v3, v1  }
0x39: {  	v7 =	vld [tilespmem:s26+$0x5030];
	vm1 =	vlt.u32 v3, $0xA00  }
0x3a: {  	v8 =	vld [tilespmem:s26+$0x5040];
	v4 =	vsub.s32 v4, v1;
	v3 =	vsel vm1, v3, v0  }
0x3b: {  	v9 =	vld [tilespmem:s26+$0x5050];
	vm2 =	vlt.u32 v4, $0xA00;
	[tilespmem:s26+$0x5060] =	vst v3  }
0x3c: {  	v4 =	vsel vm2, v4, v0;
	v3 =	vld [tilespmem:s26+$0x506D]  }
0x3d: {  	[tilespmem:s26+$0x5000] =	vst v4;
	v4 =	vsub.s32 v5, v1  }
0x3e: {  	v62 =	vsub.s32 v7, v1;
	v5 =	vsub.s32 v6, v1;
	vm1 =	vlt.u32 v4, $0xA00  }
0x3f: {  	vm2 =	vlt.u32 v62, $0xA00;
	v4 =	vsel vm1, v4, v0;
	vm1 =	vlt.u32 v5, $0xA00  }
0x40: {  	v6 =	vsel vm2, v62, v0;
	[tilespmem:s26+$0x5010] =	vst v4;
	v4 =	vsel vm1, v5, v0;
	v5 =	vsub.s32 v8, v1  }
0x41: {  	[tilespmem:s26+$0x5020] =	vst v4;
	vm1 =	vlt.u32 v5, $0xA00;
	v4 =	vsub.s32 v9, v1;
	v63 =	vsub.s32 v3, v1  }
0x42: {  	[tilespmem:s26+$0x5030] =	vst v6;
	v5 =	vsel vm1, v5, v0;
	vm1 =	vlt.u32 v4, $0xA00;
	vm2 =	vlt.u32 v63, $0xA00  }
0x43: {  	[tilespmem:s26+$0x5040] =	vst v5;
	v4 =	vsel vm1, v4, v0;
	v5 =	vsel vm2, v63, v0  }
0x44: {  	s29 =	simm.s32 $0x200;
	s14 =	simm.s32 $0x400;
	[tilespmem:s26+$0x5050] =	vst v4;
	v3 =	vsel vm0, v3, v5  }
.LBB2_4:
0x45: {  	p0 =	sne.s32 s14, $0x13E00  }
0x46: {  	[tilespmem:s26+$0x506D] =	vst v3;
	s26 =	sshra.s32 s29, $0x2;
	s29 =	smov.u32 s14;
	s14 =	sadd.s32 $0x200, s14  }
0x47: {  	v3 =	vld [tilespmem:s26+$0x5060]  }
0x48: {  	v4 =	vld [tilespmem:s26+$0x5000]  }
0x49: {  	v5 =	vld [tilespmem:s26+$0x5010]  }
0x4a: {  	v6 =	vld [tilespmem:s26+$0x5020]  }
0x4b: {  	v7 =	vld [tilespmem:s26+$0x5030]  }
0x4c: {  	v8 =	vld [tilespmem:s26+$0x5040];
	v3 =	vsub.s32 v3, v1  }
0x4d: {  	v4 =	vsub.s32 v4, v1;
	v9 =	vld [tilespmem:s26+$0x5050];
	vm1 =	vlt.u32 v3, $0xA00  }
0x4e: {  	vm2 =	vlt.u32 v4, $0xA00;
	v5 =	vsub.s32 v5, v1;
	v3 =	vsel vm1, v3, v0  }
0x4f: {  	v4 =	vsel vm2, v4, v0;
	vm1 =	vlt.u32 v5, $0xA00;
	v6 =	vsub.s32 v6, v1;
	[tilespmem:s26+$0x5060] =	vst v3  }
0x50: {  	[tilespmem:s26+$0x5000] =	vst v4;
	v3 =	vsel vm1, v5, v0;
	vm1 =	vlt.u32 v6, $0xA00;
	v4 =	vsub.s32 v7, v1;
	v5 =	vld [tilespmem:s26+$0x506D]  }
0x51: {  	[tilespmem:s26+$0x5010] =	vst v3;
	v3 =	vsel vm1, v6, v0;
	vm1 =	vlt.u32 v4, $0xA00;
	v6 =	vsub.s32 v8, v1  }
0x52: {  	[tilespmem:s26+$0x5020] =	vst v3;
	v3 =	vsel vm1, v4, v0;
	vm1 =	vlt.u32 v6, $0xA00;
	v4 =	vsub.s32 v9, v1  }
0x53: {  	[tilespmem:s26+$0x5030] =	vst v3;
	v3 =	vsel vm1, v6, v0;
	vm1 =	vlt.u32 v4, $0xA00  }
.Ltmp1:
0x54: {  	[tilespmem:s26+$0x5040] =	vst v3;
	v3 =	vsel vm1, v4, v0;
	(pc) =	sbr.rel @p0 .LBB2_4-.Ltmp1, $4  }
0x55: {  	[tilespmem:s26+$0x5050] =	vst v3;
	v3 =	vsub.s32 v5, v1  }
0x56: {  	vm1 =	vlt.u32 v3, $0xA00  }
0x57: {  	v3 =	vsel vm1, v3, v0  }
0x58: {  	v3 =	vsel vm0, v5, v3  }
0x59: {  	s14 =	sshra.s32 s29, $0x2;
	[tilespmem:s26+$0x506D] =	vst v3  }
0x5a: {  	v3 =	vld [tilespmem:s14+$0x5060];
	_ =	sdelay $0x2  }
0x5b: {  	v4 =	vld [tilespmem:s14+$0x5000]  }
0x5c: {  	v7 =	vld [tilespmem:s14+$0x5030]  }
0x5d: {  	v5 =	vld [tilespmem:s14+$0x5010];
	v3 =	vsub.s32 v3, v1  }
0x5e: {  	v6 =	vld [tilespmem:s14+$0x5020];
	vm1 =	vlt.u32 v3, $0xA00  }
0x5f: {  	v8 =	vld [tilespmem:s14+$0x5040];
	v3 =	vsel vm1, v3, v0  }
0x60: {  	v9 =	vld [tilespmem:s14+$0x5050];
	[tilespmem:s14+$0x5060] =	vst v3  }
0x61: {  	v7 =	vsub.s32 v7, v1;
	v3 =	vld [tilespmem:s14+$0x506D]  }
0x62: {  	v4 =	vsub.s32 v4, v1;
	v5 =	vsub.s32 v5, v1;
	vm2 =	vlt.u32 v7, $0xA00  }
0x63: {  	v6 =	vsub.s32 v6, v1;
	vm1 =	vlt.u32 v4, $0xA00;
	v60 =	vsel vm2, v7, v0  }
0x64: {  	v59 =	vsub.s32 v8, v1;
	v4 =	vsel vm1, v4, v0;
	vm1 =	vlt.u32 v5, $0xA00;
	[tilespmem:s14+$0x5030] =	vst v60  }
0x65: {  	v61 =	vsub.s32 v9, v1;
	[tilespmem:s14+$0x5000] =	vst v4;
	v57 =	vsel vm1, v5, v0;
	vm1 =	vlt.u32 v6, $0xA00  }
0x66: {  	[tilespmem:s14+$0x5010] =	vst v57;
	v58 =	vsel vm1, v6, v0;
	vm1 =	vlt.u32 v59, $0xA00;
	v62 =	vsub.s32 v3, v1  }
0x67: {  	[tilespmem:s14+$0x5020] =	vst v58;
	v5 =	vsel vm1, v59, v0;
	vm1 =	vlt.u32 v61, $0xA00;
	vm2 =	vlt.u32 v62, $0xA00  }
0x68: {  	[tilespmem:s14+$0x5040] =	vst v5;
	v4 =	vsel vm1, v61, v0;
	v63 =	vsel vm2, v62, v0  }
0x69: {  	[tilespmem:s14+$0x5050] =	vst v4;
	v3 =	vsel vm0, v3, v63  }
0x6a: {  	[tilespmem:s14+$0x506D] =	vst v3  }
0x6b: {  	s26 =	simm.s32 $0x0;
	[bflag:$0x0] =	sbarrier.arrive $0xFFFF  }
0x6c: {  	[tilespmem:s10], [sflag:$0x1] =	stream.indirect.gather [hbm4b:s4+s13], $0x80, s26, s13, $0xb8;
	[tilespmem:$0x1F800] =	vst v63  }
0x6d: {  	s29 =	simm.s32 $0x80  }
0x6e: {  	[tilespmem:s15], [sflag:$0x2] =	stream.indirect.gather [hbm4b:s4+s13], $0x80, s29, s13, $0xb8;
	[tilespmem:$0x1F800] =	vst v63  }
0x6f: {  	_ =	swait.ge [sflag:s16], $0x3E80  }
0x70: {  	[sflag:s16] =	ssyncset.done $0x0  }
0x71: {  	[sflag:s16] =	ssyncadd.s32 $0xFFFFC180  }
0x72: {  	[spmem:s1] =	stream.indirect.scatter.add.f32 [tilespmem:s10], [sflag:$0x5], $0x80, s12, s13, $0xb8;
	[tilespmem:$0x1F800] =	vst v63  }
0x73: {  	_ =	swait.ge [sflag:s17], $0x3E80  }
0x74: {  	[sflag:s17] =	ssyncset.done $0x0  }
0x75: {  	s26 =	simm.s32 $0x5080;
	[sflag:s17] =	ssyncadd.s32 $0xFFFFC180  }
0x76: {  	[spmem:s1] =	stream.indirect.scatter.add.f32 [tilespmem:s15], [sflag:$0x6], $0x80, s26, s13, $0xb8;
	[tilespmem:$0x1F800] =	vst v63  }
0x77: {  	s29 =	simm.s32 $0x100  }
0x78: {  	[tilespmem:s20], [sflag:$0x3] =	stream.indirect.gather [hbm4b:s4+s13], $0x80, s29, s13, $0xb8;
	[tilespmem:$0x1F800] =	vst v63  }
0x79: {  	s26 =	simm.s32 $0x180  }
0x7a: {  	[tilespmem:s24], [sflag:$0x4] =	stream.indirect.gather [hbm4b:s4+s13], $0x80, s26, s13, $0xb8;
	[tilespmem:$0x1F800] =	vst v63  }
0x7b: {  	_ =	swait.ge [sflag:s25], $0x3E80  }
0x7c: {  	[sflag:s25] =	ssyncset.done $0x0  }
0x7d: {  	s29 =	simm.s32 $0x5100;
	[sflag:s25] =	ssyncadd.s32 $0xFFFFC180  }
0x7e: {  	[spmem:s1] =	stream.indirect.scatter.add.f32 [tilespmem:s20], [sflag:$0x7], $0x80, s29, s13, $0xb8;
	[tilespmem:$0x1F800] =	vst v63  }
0x7f: {  	_ =	swait.ge [sflag:s28], $0x3E80  }
0x80: {  	[sflag:s28] =	ssyncset.done $0x0  }
0x81: {  	s26 =	simm.s32 $0x5180;
	[sflag:s28] =	ssyncadd.s32 $0xFFFFC180  }
0x82: {  	[spmem:s1] =	stream.indirect.scatter.add.f32 [tilespmem:s24], [sflag:$0x8], $0x80, s26, s13, $0xb8;
	[tilespmem:$0x1F800] =	vst v63  }
0x83: {  	_ =	swait.ge [sflag:s30], $0x3E80  }
0x84: {  	[sflag:s30] =	ssyncset.done $0x0  }
0x85: {  	s29 =	simm.s32 $0x200;
	[sflag:s30] =	ssyncadd.s32 $0xFFFFC180  }
0x86: {  	[tilespmem:s10], [sflag:$0x1] =	stream.indirect.gather [hbm4b:s4+s13], $0x80, s29, s13, $0xb8;
	[tilespmem:$0x1F800] =	vst v63  }
0x87: {  	_ =	swait.ge [sflag:s0], $0x3E80  }
0x88: {  	[sflag:s0] =	ssyncset.done $0x0  }
0x89: {  	s26 =	simm.s32 $0x280;
	[sflag:s0] =	ssyncadd.s32 $0xFFFFC180  }
0x8a: {  	[tilespmem:s15], [sflag:$0x2] =	stream.indirect.gather [hbm4b:s4+s13], $0x80, s26, s13, $0xb8;
	[tilespmem:$0x1F800] =	vst v63  }
0x8b: {  	_ =	swait.ge [sflag:s16], $0x3E80  }
0x8c: {  	[sflag:s16] =	ssyncset.done $0x0  }
0x8d: {  	s29 =	simm.s32 $0x5200;
	[sflag:s16] =	ssyncadd.s32 $0xFFFFC180  }
0x8e: {  	[spmem:s1] =	stream.indirect.scatter.add.f32 [tilespmem:s10], [sflag:$0x5], $0x80, s29, s13, $0xb8;
	[tilespmem:$0x1F800] =	vst v63  }
0x8f: {  	_ =	swait.ge [sflag:s17], $0x3E80  }
0x90: {  	[sflag:s17] =	ssyncset.done $0x0  }
0x91: {  	s26 =	simm.s32 $0x5280;
	[sflag:s17] =	ssyncadd.s32 $0xFFFFC180  }
0x92: {  	[spmem:s1] =	stream.indirect.scatter.add.f32 [tilespmem:s15], [sflag:$0x6], $0x80, s26, s13, $0xb8;
	[tilespmem:$0x1F800] =	vst v63  }
0x93: {  	_ =	swait.ge [sflag:s18], $0x3E80  }
0x94: {  	[sflag:s18] =	ssyncset.done $0x0  }
0x95: {  	s29 =	simm.s32 $0x300;
	[sflag:s18] =	ssyncadd.s32 $0xFFFFC180  }
0x96: {  	[tilespmem:s20], [sflag:$0x3] =	stream.indirect.gather [hbm4b:s4+s13], $0x80, s29, s13, $0xb8;
	[tilespmem:$0x1F800] =	vst v63  }
0x97: {  	_ =	swait.ge [sflag:s19], $0x3E80  }
0x98: {  	[sflag:s19] =	ssyncset.done $0x0  }
0x99: {  	s26 =	simm.s32 $0x380;
	[sflag:s19] =	ssyncadd.s32 $0xFFFFC180  }
0x9a: {  	[tilespmem:s24], [sflag:$0x4] =	stream.indirect.gather [hbm4b:s4+s13], $0x80, s26, s13, $0xb8;
	[tilespmem:$0x1F800] =	vst v63  }
0x9b: {  	_ =	swait.ge [sflag:s25], $0x3E80  }
0x9c: {  	[sflag:s25] =	ssyncset.done $0x0  }
0x9d: {  	s29 =	simm.s32 $0x5300;
	[sflag:s25] =	ssyncadd.s32 $0xFFFFC180  }
0x9e: {  	[spmem:s1] =	stream.indirect.scatter.add.f32 [tilespmem:s20], [sflag:$0x7], $0x80, s29, s13, $0xb8;
	[tilespmem:$0x1F800] =	vst v63  }
0x9f: {  	_ =	swait.ge [sflag:s28], $0x3E80  }
0xa0: {  	[sflag:s28] =	ssyncset.done $0x0  }
0xa1: {  	s26 =	simm.s32 $0x5380;
	[sflag:s28] =	ssyncadd.s32 $0xFFFFC180  }
0xa2: {  	[spmem:s1] =	stream.indirect.scatter.add.f32 [tilespmem:s24], [sflag:$0x8], $0x80, s26, s13, $0xb8;
	[tilespmem:$0x1F800] =	vst v63  }
0xa3: {  	_ =	swait.ge [sflag:s30], $0x3E80  }
0xa4: {  	[sflag:s30] =	ssyncset.done $0x0  }
0xa5: {  	s29 =	simm.s32 $0x400;
	[sflag:s30] =	ssyncadd.s32 $0xFFFFC180  }
0xa6: {  	[tilespmem:s10], [sflag:$0x1] =	stream.indirect.gather [hbm4b:s4+s13], $0x80, s29, s13, $0xb8;
	[tilespmem:$0x1F800] =	vst v63  }
0xa7: {  	_ =	swait.ge [sflag:s0], $0x3E80  }
0xa8: {  	[sflag:s0] =	ssyncset.done $0x0  }
0xa9: {  	s14 =	simm.s32 $0x480;
	s26 =	simm.s32 $0x800;
	[sflag:s0] =	ssyncadd.s32 $0xFFFFC180  }
.LBB2_6:
0xaa: {  	[tilespmem:s15], [sflag:$0x2] =	stream.indirect.gather [hbm4b:s4+s13], $0x80, s14, s13, $0xb8;
	[tilespmem:$0x1F800] =	vst v63  }
0xab: {  	s14 =	smov.u32 s26  }
0xac: {  	p0 =	sne.s32 s26, $0x12800;
	s26 =	sadd.s32 $0x800, s26;
	_ =	swait.ge [sflag:s16], $0x3E80  }
0xad: {  	s14 =	sshra.s32 s14, $0x2;
	[sflag:s16] =	ssyncset.done $0x0  }
0xae: {  	s29 =	sadd.s32 $0x5200, s14;
	[sflag:s16] =	ssyncadd.s32 $0xFFFFC180  }
0xaf: {  	[spmem:s1] =	stream.indirect.scatter.add.f32 [tilespmem:s10], [sflag:$0x5], $0x80, s29, s13, $0xb8;
	[tilespmem:$0x1F800] =	vst v63  }
0xb0: {  	_ =	swait.ge [sflag:s17], $0x3E80  }
0xb1: {  	[sflag:s17] =	ssyncset.done $0x0  }
0xb2: {  	s29 =	sadd.s32 $0x5280, s14;
	[sflag:s17] =	ssyncadd.s32 $0xFFFFC180  }
0xb3: {  	[spmem:s1] =	stream.indirect.scatter.add.f32 [tilespmem:s15], [sflag:$0x6], $0x80, s29, s13, $0xb8;
	[tilespmem:$0x1F800] =	vst v63  }
0xb4: {  	_ =	swait.ge [sflag:s18], $0x3E80  }
0xb5: {  	[sflag:s18] =	ssyncset.done $0x0  }
0xb6: {  	s29 =	sadd.s32 $0x300, s14;
	[sflag:s18] =	ssyncadd.s32 $0xFFFFC180  }
0xb7: {  	[tilespmem:s20], [sflag:$0x3] =	stream.indirect.gather [hbm4b:s4+s13], $0x80, s29, s13, $0xb8;
	[tilespmem:$0x1F800] =	vst v63  }
0xb8: {  	_ =	swait.ge [sflag:s19], $0x3E80  }
0xb9: {  	[sflag:s19] =	ssyncset.done $0x0  }
0xba: {  	s29 =	sadd.s32 $0x380, s14;
	[sflag:s19] =	ssyncadd.s32 $0xFFFFC180  }
0xbb: {  	[tilespmem:s24], [sflag:$0x4] =	stream.indirect.gather [hbm4b:s4+s13], $0x80, s29, s13, $0xb8;
	[tilespmem:$0x1F800] =	vst v63  }
0xbc: {  	_ =	swait.ge [sflag:s25], $0x3E80  }
0xbd: {  	[sflag:s25] =	ssyncset.done $0x0  }
0xbe: {  	s29 =	sadd.s32 $0x5300, s14;
	[sflag:s25] =	ssyncadd.s32 $0xFFFFC180  }
0xbf: {  	[spmem:s1] =	stream.indirect.scatter.add.f32 [tilespmem:s20], [sflag:$0x7], $0x80, s29, s13, $0xb8;
	[tilespmem:$0x1F800] =	vst v63  }
0xc0: {  	_ =	swait.ge [sflag:s28], $0x3E80  }
0xc1: {  	[sflag:s28] =	ssyncset.done $0x0  }
0xc2: {  	s29 =	sadd.s32 $0x5380, s14;
	[sflag:s28] =	ssyncadd.s32 $0xFFFFC180  }
0xc3: {  	[spmem:s1] =	stream.indirect.scatter.add.f32 [tilespmem:s24], [sflag:$0x8], $0x80, s29, s13, $0xb8;
	[tilespmem:$0x1F800] =	vst v63  }
0xc4: {  	_ =	swait.ge [sflag:s30], $0x3E80  }
0xc5: {  	[sflag:s30] =	ssyncset.done $0x0  }
.Ltmp2:
0xc6: {  	s29 =	sadd.s32 $0x400, s14;
	[sflag:s30] =	ssyncadd.s32 $0xFFFFC180;
	(pc) =	sbr.rel @p0 .LBB2_6-.Ltmp2, $4  }
0xc7: {  	[tilespmem:s10], [sflag:$0x1] =	stream.indirect.gather [hbm4b:s4+s13], $0x80, s29, s13, $0xb8;
	[tilespmem:$0x1F800] =	vst v63  }
0xc8: {  	_ =	swait.ge [sflag:s0], $0x3E80  }
0xc9: {  	[sflag:s0] =	ssyncset.done $0x0  }
0xca: {  	s14 =	sadd.s32 $0x480, s14;
	[sflag:s0] =	ssyncadd.s32 $0xFFFFC180  }
0xcb: {  	[tilespmem:s15], [sflag:$0x2] =	stream.indirect.gather [hbm4b:s4+s13], $0x80, s14, s13, $0xb8;
	[tilespmem:$0x1F800] =	vst v63  }
0xcc: {  	_ =	swait.ge [sflag:s16], $0x3E80  }
0xcd: {  	[sflag:s16] =	ssyncset.done $0x0  }
0xce: {  	s29 =	simm.s32 $0x9E00;
	[sflag:s16] =	ssyncadd.s32 $0xFFFFC180  }
0xcf: {  	[spmem:s1] =	stream.indirect.scatter.add.f32 [tilespmem:s10], [sflag:$0x5], $0x80, s29, s13, $0xb8;
	[tilespmem:$0x1F800] =	vst v63  }
0xd0: {  	_ =	swait.ge [sflag:s17], $0x3E80  }
0xd1: {  	[sflag:s17] =	ssyncset.done $0x0  }
0xd2: {  	s26 =	simm.s32 $0x9E80;
	[sflag:s17] =	ssyncadd.s32 $0xFFFFC180  }
0xd3: {  	[spmem:s1] =	stream.indirect.scatter.add.f32 [tilespmem:s15], [sflag:$0x6], $0x80, s26, s13, $0xb8;
	[tilespmem:$0x1F800] =	vst v63  }
0xd4: {  	_ =	swait.ge [sflag:s18], $0x3E80  }
0xd5: {  	[sflag:s18] =	ssyncset.done $0x0  }
0xd6: {  	s29 =	simm.s32 $0x4F00;
	[sflag:s18] =	ssyncadd.s32 $0xFFFFC180  }
0xd7: {  	[tilespmem:s20], [sflag:$0x3] =	stream.indirect.gather [hbm4b:s4+s13], $0x80, s29, s13, $0xb8;
	[tilespmem:$0x1F800] =	vst v63  }
0xd8: {  	_ =	swait.ge [sflag:s19], $0x3E80  }
0xd9: {  	[sflag:s19] =	ssyncset.done $0x0  }
0xda: {  	[sflag:s19] =	ssyncadd.s32 $0xFFFFC180  }
0xdb: {  	[tilespmem:s24], [sflag:$0x4] =	stream.indirect.gather [hbm4b:s4+s13], $0x80, s31, s13, $0xb8;
	[tilespmem:$0x1F800] =	vst v63  }
0xdc: {  	_ =	swait.ge [sflag:s25], $0x3E80  }
0xdd: {  	[sflag:s25] =	ssyncset.done $0x0  }
0xde: {  	s26 =	simm.s32 $0x9F00;
	[sflag:s25] =	ssyncadd.s32 $0xFFFFC180  }
0xdf: {  	[spmem:s1] =	stream.indirect.scatter.add.f32 [tilespmem:s20], [sflag:$0x7], $0x80, s26, s13, $0xb8;
	[tilespmem:$0x1F800] =	vst v63  }
0xe0: {  	_ =	swait.ge [sflag:s28], $0x3E80  }
0xe1: {  	[sflag:s28] =	ssyncset.done $0x0  }
0xe2: {  	[sflag:s28] =	ssyncadd.s32 $0xFFFFC180  }
0xe3: {  	[spmem:s1] =	stream.indirect.scatter.add.f32 [tilespmem:s24], [sflag:$0x8], $0x80, s22, s13, $0xb8;
	[tilespmem:$0x1F800] =	vst v63  }
0xe4: {  	_ =	swait.ge [sflag:s30], $0x3E80  }
0xe5: {  	[sflag:s30] =	ssyncset.done $0x0  }
0xe6: {  	[sflag:s30] =	ssyncadd.s32 $0xFFFFC180  }
0xe7: {  	[tilespmem:s10], [sflag:$0x1] =	stream.indirect.gather [hbm4b:s4+s13], $0x80, s31, s13, $0xb8;
	[tilespmem:$0x1F800] =	vst v63  }
0xe8: {  	_ =	swait.ge [sflag:s0], $0x3E80  }
0xe9: {  	[sflag:s0] =	ssyncset.done $0x0  }
0xea: {  	[sflag:s0] =	ssyncadd.s32 $0xFFFFC180  }
0xeb: {  	[tilespmem:s15], [sflag:$0x2] =	stream.indirect.gather [hbm4b:s4+s13], $0x80, s31, s13, $0xb8;
	[tilespmem:$0x1F800] =	vst v63  }
0xec: {  	_ =	swait.ge [sflag:s16], $0x3E80  }
0xed: {  	[sflag:s16] =	ssyncset.done $0x0  }
0xee: {  	[sflag:s16] =	ssyncadd.s32 $0xFFFFC180  }
0xef: {  	_ =	swait.ge [sflag:s17], $0x3E80  }
0xf0: {  	[sflag:s17] =	ssyncset.done $0x0  }
0xf1: {  	[sflag:s17] =	ssyncadd.s32 $0xFFFFC180  }
0xf2: {  	_ =	swait.ge [sflag:s18], $0x3E80  }
0xf3: {  	[sflag:s18] =	ssyncset.done $0x0  }
0xf4: {  	[sflag:s18] =	ssyncadd.s32 $0xFFFFC180  }
0xf5: {  	_ =	swait.ge [sflag:s19], $0x3E80  }
0xf6: {  	s2 =	sadd.s32 $0x1, s2;
	[sflag:s19] =	ssyncset.done $0x0  }
0xf7: {  	p0 =	sne.s32 s2, s9;
	s29 =	sshll.u32 s3, $0x6;
	[sflag:s19] =	ssyncadd.s32 $0xFFFFC180  }
.Ltmp3:
0xf8: {  	s14 =	sor.u32 $0x1C09, s29;
	[bflag:$0x0] =	sbarrier.arrive $0xFFFF;
	(pc) =	sbr.rel @p0 .LBB2_1-.Ltmp3, $4  }
0xf9: {  	[hbm:s21], [sflag:s14] =	dma.local [spmem:s23], $0xA00  }
0xfa: {  	_ =	swait.ge [sflag:s11], $0xA00  }
0xfb: {  	[sflag:s11] =	ssyncset.done $0x0  }
0xfc: {  	[sflag:s11] =	ssyncadd.s32 $0xFFFFF600  }
0xfd: {  	_ =	sfence.sel $0x180000  }
0xfe: {  	[bflag:$0x0] =	sbarrier.arrive $0xFFFF  }
0xff: {  	_ =	strace $0x9000004A  }
0x100: {  	[bflag:$0x2] =	sbarrier.arrive $0xFFFF  }
0x101: {  	p0 =	sne.s32 s3, $0x0;
	s0 =	rddreg [dreg:$0x4]  }
0x102: {  	s0 =	sadd.s32 @!p0 $0x100000, s0  }
0x103: {  	[sflag:s0] =	ssyncadd.tile.s32 @!p0 $0x1;
	_ =	shalt  }
.Lfunc_end2:
_tile_overlayer_lowered:
.L_overlay_start_2:
0x104: {  	(tag) =	ssettag $0x2  }
0x105: {  	s0 =	rddreg [dreg:$0x0];
	s2 =	stileid.u32  }
0x106: {  	s1 =	rddreg [dreg:$0x1];
	p0 =	sne.s32 s2, $0x0  }
0x107: {  	s3 =	rddreg [dreg:$0x2];
	[bflag:$0x3] =	sbarrier.arrive $0xFFFF;
	s2 =	simm.s32 @!p0 $0x1C09  }
0x108: {  	[timem:s3], [sflag:s2] =	dma.local @!p0 [hbm:s0], s1  }
0x109: {  	s0 =	simm.s32 @!p0 $0x9  }
0x10a: {  	_ =	swait.ge @!p0 [sflag:s0], s1  }
0x10b: {  	s1 =	ssub.s32 @!p0 $0x0, s1;
	[sflag:s0] =	ssyncset.done @!p0 $0x0  }
0x10c: {  	[sflag:s0] =	ssyncadd.s32 @!p0 s1  }
0x10d: {  	[bflag:$0x3] =	sbarrier.arrive $0xFFFF  }
0x10e: {  	_ =	shalt  }

// kernel: kernel.16.cloned.1.call-start
scs
__scs_entry_jumppad:
0x0: {  	(pc) =	sbr.rel $0x88, $3  }
0x1: {  	(tag) =	ssettag $0x0;
	lr =	simm.s32 $0x1  }
0x2: {  	[smem:$0x3F99] =	sst lr;
	_ =	strace $0xD0000000  }
0x3: {  	_ = 	snop  }
0x4: {  	_ = 	snop  }
0x5: {  	_ = 	snop  }
0x6: {  	_ = 	snop  }
0x7: {  	_ = 	snop  }
__scs_overlays_trampoline_lowered:
0x8: {  	[smem:$0x3FA8] =	sst s0  }
0x9: {  	[smem:$0x3FA9] =	sst s1  }
0xa: {  	[smem:$0x3FAA] =	sst s2  }
0xb: {  	[smem:$0x3FAB] =	sst s3  }
0xc: {  	[smem:$0x3FAC] =	sst s4  }
0xd: {  	[smem:$0x3FAD] =	sst s5  }
0xe: {  	[smem:$0x3FAE] =	sst s6  }
0xf: {  	[smem:$0x3FAF] =	sst s7  }
0x10: {  	[smem:$0x3FB0] =	sst s8  }
0x11: {  	[smem:$0x3FB1] =	sst s9;
	s0 =	simm.s32 @!p0 $0x0  }
0x12: {  	s1 =	sld [smem:$0x3F97];
	s0 =	simm.s32 @p0 $0x1  }
0x13: {  	[smem:$0x3FB2] =	sst s0;
	s0 =	simm.s32 @!p1 $0x0  }
0x14: {  	s2 =	sld [smem:$0x3F96];
	s0 =	simm.s32 @p1 $0x1  }
0x15: {  	[smem:$0x3FB3] =	sst s0;
	s0 =	simm.s32 @!p2 $0x0  }
0x16: {  	s3 =	sld [smem:$0x3FDB];
	s0 =	simm.s32 @p2 $0x1  }
0x17: {  	s4 =	simm.s32 $0x1BF5;
	[smem:$0x3FB5] =	sst s0  }
0x18: {  	s0 =	sld [smem:$0x3F98];
	_ =	swait.ge [sflag:s4], $0x0  }
0x19: {  	s7 =	sld [smem:$0x3F99]  }
0x1a: {  	s8 =	sadd.s32 $0xFFFFE003, lr  }
0x1b: {  	s9 =	sadd.s32 $0xFFFFFEF7, lr;
	s5 =	simm.s32 $0xFFFFFFFF;
	p2 =	slt.u32 s8, $0xFFFFF086  }
0x1c: {  	p1 =	slt.u32 s9, $0xF7A;
	s5 =	simm.s32 @!p2 $0x0  }
0x1d: {  	s5 =	simm.s32 @p1 $0x1;
	p0 =	seq.s32 s7, s2  }
0x1e: {  	s7 =	smul.u32 @!p0 $0xF7A, s2;
	p2 =	seq.s32 @!p0 s5, $0x0  }
0x1f: {  	s9 =	smul.u32 $0xF7A, s1;
	s8 =	simm.s32 @!p0 $0x1BF5;
	p2 =	por !p2, p0  }
0x20: {  	[sflag:s8] =	ssyncset.s32 @!p0 $0xFFFFF086;
	s6 =	sadd.s32 @!p0 s3, s7;
	s7 =	simm.s32 @!p0 $0x108  }
0x21: {  	s3 =	sadd.s32 s3, s9;
	s6 =	sadd.s32 @!p0 $0x88, s6;
	s7 =	simm.s32 @p2 $0x1082  }
0x22: {  	[simem:s7], [sflag:s8] =	dma.local @!p0 [hbm:s6], $0xF7A  }
0x23: {  	s9 =	sor.u32 $0xD0000000, s2;
	s6 =	simm.s32 $0x108;
	_ =	swait.ge @!p0 [sflag:s8], $0x0  }
0x24: {  	s3 =	sadd.s32 $0x88, s3;
	s6 =	simm.s32 @!p1 $0x1082;
	[sflag:s4] =	ssyncset.s32 $0xFFFFF086  }
0x25: {  	[simem:s6], [sflag:s4] =	dma.local [hbm:s3], $0xF7A  }
0x26: {  	[smem:$0x3F99] =	sst s1;
	(tag) =	ssettag s2;
	_ =	strace s9  }
0x27: {  	s1 =	sld [smem:$0x3FA9]  }
0x28: {  	s2 =	sld [smem:$0x3FAA]  }
0x29: {  	s4 =	sld [smem:$0x3FAC]  }
0x2a: {  	p0 =	seq.s32 s5, $0x0;
	s5 =	sld [smem:$0x3FAD]  }
0x2b: {  	s6 =	sld [smem:$0x3FAE]  }
0x2c: {  	s7 =	sld [smem:$0x3FAF]  }
0x2d: {  	s3 =	simm.s32 $0x108;
	s8 =	sld [smem:$0x3FB0]  }
0x2e: {  	s3 =	simm.s32 @!p0 $0x1082;
	s9 =	sld [smem:$0x3FB1]  }
0x2f: {  	lr =	sadd.s32 s0, s3;
	s0 =	sld [smem:$0x3FA8]  }
0x30: {  	s3 =	sld [smem:$0x3FAB]  }
0x31: {  	[smem:$0x3FB4] =	sst s10  }
0x32: {  	s10 =	sld [smem:$0x3FB2];
	_ =	sdelay $0x3  }
0x33: {  	p0 =	seq.s32 s10, $0x1;
	s10 =	sld [smem:$0x3FB4];
	_ =	sdelay $0x3  }
0x34: {  	[smem:$0x3FB4] =	sst s10  }
0x35: {  	s10 =	sld [smem:$0x3FB3];
	_ =	sdelay $0x3  }
0x36: {  	p1 =	seq.s32 s10, $0x1;
	s10 =	sld [smem:$0x3FB4];
	_ =	sdelay $0x3  }
0x37: {  	[smem:$0x3FB4] =	sst s10  }
0x38: {  	s10 =	sld [smem:$0x3FB5]  }
0x39: {  	_ = 	snop;
	(pc) =	sbr.ind lr, $3  }
0x3a: {  	_ = 	snop  }
0x3b: {  	_ = 	snop  }
0x3c: {  	p2 =	seq.s32 s10, $0x1;
	s10 =	sld [smem:$0x3FB4]  }
0x3d: {  	_ =	shalt  }
0x3e: {  	_ =	shalt  }
0x3f: {  	_ =	shalt  }
0x40: {  	_ =	shalt  }
0x41: {  	_ =	shalt  }
0x42: {  	_ =	shalt  }
0x43: {  	_ =	shalt  }
0x44: {  	_ =	shalt  }
0x45: {  	_ =	shalt  }
0x46: {  	_ =	shalt  }
0x47: {  	_ =	shalt  }
0x48: {  	_ =	shalt  }
0x49: {  	_ =	shalt  }
0x4a: {  	_ =	shalt  }
0x4b: {  	_ =	shalt  }
0x4c: {  	_ =	shalt  }
0x4d: {  	_ =	shalt  }
0x4e: {  	_ =	shalt  }
0x4f: {  	_ =	shalt  }
0x50: {  	_ =	shalt  }
0x51: {  	_ =	shalt  }
0x52: {  	_ =	shalt  }
0x53: {  	_ =	shalt  }
0x54: {  	_ =	shalt  }
0x55: {  	_ =	shalt  }
0x56: {  	_ =	shalt  }
0x57: {  	_ =	shalt  }
0x58: {  	_ =	shalt  }
0x59: {  	_ =	shalt  }
0x5a: {  	_ =	shalt  }
0x5b: {  	_ =	shalt  }
0x5c: {  	_ =	shalt  }
0x5d: {  	_ =	shalt  }
0x5e: {  	_ =	shalt  }
0x5f: {  	_ =	shalt  }
0x60: {  	_ =	shalt  }
0x61: {  	_ =	shalt  }
0x62: {  	_ =	shalt  }
0x63: {  	_ =	shalt  }
0x64: {  	_ =	shalt  }
0x65: {  	_ =	shalt  }
0x66: {  	_ =	shalt  }
0x67: {  	_ =	shalt  }
0x68: {  	_ =	shalt  }
0x69: {  	_ =	shalt  }
0x6a: {  	_ =	shalt  }
0x6b: {  	_ =	shalt  }
0x6c: {  	_ =	shalt  }
0x6d: {  	_ =	shalt  }
0x6e: {  	_ =	shalt  }
0x6f: {  	_ =	shalt  }
0x70: {  	_ =	shalt  }
0x71: {  	_ =	shalt  }
0x72: {  	_ =	shalt  }
0x73: {  	_ =	shalt  }
0x74: {  	_ =	shalt  }
0x75: {  	_ =	shalt  }
0x76: {  	_ =	shalt  }
0x77: {  	_ =	shalt  }
0x78: {  	_ =	shalt  }
0x79: {  	_ =	shalt  }
0x7a: {  	_ =	shalt  }
0x7b: {  	_ =	shalt  }
0x7c: {  	_ =	shalt  }
0x7d: {  	_ =	shalt  }
0x7e: {  	_ =	shalt  }
0x7f: {  	_ =	shalt  }
0x80: {  	_ =	shalt  }
0x81: {  	_ =	shalt  }
0x82: {  	_ =	shalt  }
0x83: {  	_ =	shalt  }
0x84: {  	_ =	shalt  }
0x85: {  	_ =	shalt  }
0x86: {  	_ =	shalt  }
0x87: {  	_ =	shalt  }
.Lfunc_end0:
.L_simem_size_0:
called_computation.2_lowered:
.L_overlay_start_0:
0x88: {  	s2 =	sld [smem:$0x3FD9]  }
0x89: {  	s3 =	sld [smem:$0x3FFE];
	_ =	sdelay $0x1  }
0x8a: {  	s1 =	srdreg.scid  }
0x8b: {  	s0 =	sand.u32 $0x1, s1  }
0x8c: {  	s15 =	sshll.u32 s0, $0xA;
	s2 =	sadd.s32 s3, s2  }
0x8d: {  	s2 =	sadd.s32 s2, s15  }
0x8e: {  	[smem:$0x3FC0] =	sst s2  }
0x8f: {  	_ = 	snop  }
0x90: {  	s2 =	sld [smem:$0x3FD0];
	_ =	sdelay $0x2  }
0x91: {  	s4 =	simm.s32 $0xB;
	s16 =	simm.s32 $0x10  }
0x92: {  	[smem:s16], [sflag:s4] =	dma.local [hbm:s2], $0x1  }
0x93: {  	_ =	swait.eq [sflag:s4], $0x1  }
0x94: {  	[sflag:s4] =	ssyncset.done $0x0  }
0x95: {  	s17 =	sld [smem:$0x10];
	[sflag:s4] =	ssyncadd.s32 $0xFFFFFFFF  }
0x96: {  	s18 =	sld [smem:$0x11];
	(tm) =	ssettm $0x1  }
0x97: {  	s19 =	sld [smem:$0x3FFB];
	_ =	sdelay $0x3  }
0x98: {  	_ =	strace s19  }
0x99: {  	s2 =	sld [smem:$0x3FFC];
	_ =	sdelay $0x3  }
0x9a: {  	_ =	strace s2  }
0x9b: {  	s2 =	sld [smem:$0x3FFD];
	_ =	sdelay $0x3  }
0x9c: {  	_ =	strace s2  }
0x9d: {  	_ =	strace $0x8FFFFFFF  }
0x9e: {  	s20 =	sld [smem:$0x3FDB];
	_ =	sdelay $0x1  }
0x9f: {  	s5 =	simm.s32 $_scs_section_size  }
0xa0: {  	s6 =	simm.s32 $_size__tile_overlayer_lowered;
	s7 =	simm.s32 $_tile_overlayer_lowered  }
0xa1: {  	s8 =	simm.s32 $0x1BFF;
	s21 =	sshll.u32 s7, $0x1;
	s5 =	sadd.s32 s5, s20  }
0xa2: {  	s22 =	simm.s32 $0x0;
	s6 =	sshll.u32 s6, $0x1;
	s7 =	sadd.s32 s21, s5  }
0xa3: {  	[timem:s22], [sflag:s8] =	dma.local [hbm:s7], s6  }
0xa4: {  	_ =	swait.ge [sflag:s8], s6  }
0xa5: {  	s6 =	ssub.s32 $0x0, s6;
	[sflag:s8] =	ssyncset.done $0x0  }
0xa6: {  	[sflag:s8] =	ssyncadd.s32 s6;
	_ =	sdelay $0x1  }
0xa7: {  	s23 =	simm.s32 $0x1B8B  }
0xa8: {  	_ =	swait.ge [sflag:s23], $0x1  }
0xa9: {  	[sflag:s23] =	ssyncset.done $0x0  }
0xaa: {  	[sflag:s23] =	ssyncadd.s32 $0xFFFFFFFF  }
0xab: {  	s6 =	sld [smem:$0x0]  }
0xac: {  	s7 =	sand.u32 $0xFFFFFFFE, s1  }
0xad: {  	p0 =	sne.s32 s1, s7  }
0xae: {  	s7 =	sshll.u32 @p0 s7, $0xE  }
0xaf: {  	s7 =	sadd.s32 @p0 $0x11B8D, s7;
	s8 =	sshll.u32 @p0 s6, $0x11  }
0xb0: {  	s7 =	sor.u32 @p0 s8, s7  }
0xb1: {  	[sflag:s7] =	ssyncadd.remote.s32 @p0 $0x1;
	_ =	sdelay $0x1  }
0xb2: {  	s7 =	simm.s32 @p0 $0x1B8D  }
0xb3: {  	_ =	swait.eq @p0 [sflag:s7], $0x1  }
0xb4: {  	[sflag:s7] =	ssyncadd.s32 @p0 $0xFFFFFFFF  }
0xb5: {  	s8 =	sshll.u32 @!p0 s1, $0xE  }
0xb6: {  	s8 =	sor.u32 @!p0 $0x4000, s8;
	s7 =	simm.s32 @!p0 $0x1B8D  }
0xb7: {  	s6 =	sshll.u32 @!p0 s6, $0x11;
	s8 =	sadd.s32 @!p0 $0x11B8D, s8;
	_ =	swait.eq @!p0 [sflag:s7], $0x1  }
0xb8: {  	s6 =	sor.u32 @!p0 s6, s8;
	[sflag:s7] =	ssyncadd.s32 @!p0 $0xFFFFFFFF  }
0xb9: {  	s25 =	simm.s32 $0x1B8E;
	s24 =	sld [smem:$0x3FFE];
	[sflag:s6] =	ssyncadd.remote.s32 @!p0 $0x1  }
0xba: {  	s26 =	simm.s32 $execute0_lowered;
	[smem:$0x3FD2] =	sst s25  }
0xbb: {  	s7 =	sshll.u32 s26, $0x1;
	_ =	strace $0x8000004C;
	[dreg:$0x1] =	wrdreg $0xFFFFFFFF  }
0xbc: {  	s28 =	simm.s32 $_size_execute0_lowered;
	s5 =	sadd.s32 s5, s7;
	[dreg:$0x0] =	wrdreg $0x0  }
0xbd: {  	s7 =	sshll.u32 s28, $0x1;
	[dreg:$0x2] =	wrdreg s5  }
0xbe: {  	[dreg:$0x3] =	wrdreg s7  }
0xbf: {  	[dreg:$0x4] =	wrdreg $0xC0  }
0xc0: {  	_ =	task [dreg:s22], $0x5FFFF  }
0xc1: {  	[dreg:$0x1] =	wrdreg $0xFFFFFFFF  }
0xc2: {  	[dreg:$0x0] =	wrdreg $0x60  }
0xc3: {  	[dreg:$0x2] =	wrdreg s17  }
0xc4: {  	[dreg:$0x3] =	wrdreg s18  }
0xc5: {  	[dreg:$0x4] =	wrdreg s24  }
0xc6: {  	[dreg:$0x5] =	wrdreg $0x1A0000  }
0xc7: {  	[dreg:$0x6] =	wrdreg $0xA  }
0xc8: {  	_ =	task.clear_ibuf [dreg:s22], $0x7FFFF;
	_ =	strace $0x9000004C  }
0xc9: {  	s29 =	simm.s32 $0xA;
	_ =	strace $0x8000004E  }
0xca: {  	_ =	swait.ge [sflag:s29], $0x1  }
0xcb: {  	[sflag:s29] =	ssyncadd.s32 $0xFFFFFFFF  }
0xcc: {  	_ =	strace $0x9000004E  }
0xcd: {  	_ =	sfence  }
0xce: {  	s30 =	sld [smem:$0x0];
	_ =	sdelay $0x2  }
0xcf: {  	s31 =	sshll.u32 s1, $0xD;
	s1 =	sshrl.u32 s1, $0x2  }
0xd0: {  	s4 =	sand.u32 $0x4000, s31;
	s1 =	sadd.s32 s1, s30  }
0xd1: {  	s0 =	sor.u32 s4, s0;
	s1 =	sshll.u32 s1, $0x11  }
0xd2: {  	s0 =	sor.u32 s1, s0  }
0xd3: {  	s0 =	sadd.s32 $0x8F2B, s0  }
0xd4: {  	[sflag:s0] =	ssyncadd.remote.s32 $0x1  }
0xd5: {  	_ =	sfence.sel $0xFFFF  }
0xd6: {  	[dreg:$0x0] =	wrdreg $0xFFFFFFFF;
	(pc) =	sbr.abs _section_cstart, $3  }
0xd7: {  	[dreg:$0x1] =	wrdreg $0xFFFFFFFF  }
0xd8: {  	_ =	task.clear_ibuf [dreg:s22], $0x2FFFF;
	_ =	strace $0x9FFFFFFF  }
0xd9: {  	(tm) =	ssettm $0x7FFFFFFF  }
tec
execute0_lowered:
.L_overlay_start_1:
0x0: {  	(tag) =	ssettag $0x1  }
0x1: {  	s0 =	rddreg [dreg:$0x0]  }
0x2: {  	s8 =	rddreg [dreg:$0x1]  }
0x3: {  	s5 =	rddreg [dreg:$0x2]  }
0x4: {  	s1 =	rddreg [dreg:$0x3];
	s2 =	srdreg.scid;
	s3 =	simm.s32 $0x0  }
0x5: {  	s13 =	simm.s32 $0x7D;
	s15 =	simm.s32 $0xE000;
	s16 =	simm.s32 $0x1  }
0x6: {  	s17 =	simm.s32 $0x2;
	s20 =	simm.s32 $0x12000;
	s4 =	sand.u32 $0x1, s2  }
0x7: {  	s28 =	simm.s32 $0x4;
	s30 =	simm.s32 $0x5;
	s6 =	smul.u32 $0xA000, s4  }
0x8: {  	s31 =	simm.s32 $0x4F80;
	s2 =	stileid.u32;
	s9 =	smul.u32 $0xA00, s4  }
0x9: {  	[smem:$0x7FF] =	sst s3;
	s7 =	ssub.s32 $0x2, s4;
	s11 =	smul.u32 $0x16000, s2  }
0xa: {  	_ =	strace $0x8000004D;
	s4 =	sadd.s32 $0x3800, s5;
	s18 =	smul.u32 $0xA00, s2  }
0xb: {  	s25 =	sshll.u32 s2, $0x4;
	s26 =	smul.u32 $0x14000, s2;
	s10 =	sshrl.u32 s7, $0x1  }
0xc: {  	s22 =	sor.u32 $0xA00, s25;
	s25 =	simm.s32 $0x3;
	s12 =	sadd.s32 s6, s5  }
0xd: {  	s10 =	ssub.s32 s7, s10;
	s14 =	sadd.s32 $0x1400, s9;
	s24 =	sshrl.u32 s11, $0x2  }
0xe: {  	v0 =	vlaneseq.u32;
	s7 =	sadd.s32 s0, s18;
	s8 =	sadd.s32 s8, s18;
	s9 =	sshrl.u32 s26, $0x2  }
0xf: {  	s11 =	simm.s32 $0x9;
	s0 =	simm.s32 $0x6;
	v0 =	vor.u32 s22, v0;
	s22 =	simm.s32 $0x9F80  }
0x10: {  	s5 =	sadd.s32 s24, s1;
	s29 =	sadd.s32 $0x3EA00, s12;
	s19 =	sadd.s32 s9, s1  }
0x11: {  	s9 =	smax.u32 s10, $0x1;
	s10 =	simm.s32 $0xA000;
	s12 =	simm.s32 $0x5000  }
0x12: {  	s24 =	simm.s32 $0x16000;
	s6 =	sadd.s32 $0x2C00, s5;
	s21 =	sadd.s32 s18, s29  }
0x13: {  	v2 =	vimm.f32 $0.0e+00;
	vm0 =	vmmov $0x7;
	v1 =	vmov s14;
	s23 =	sshrl.u32 s19, $0x3;
	s18 =	simm.s32 $0x7;
	s19 =	simm.s32 $0x8  }
.LBB2_1:
0x14: {  	s14 =	simm.s32 $0x0;
	s26 =	simm.s32 $0x200  }
.LBB2_2:
0x15: {  	p0 =	sne.s32 s26, $0xAE00;
	[tilespmem:s14+$0xA070] =	vst v2  }
0x16: {  	[tilespmem:s14+$0xA000] =	vst v2  }
0x17: {  	[tilespmem:s14+$0xA010] =	vst v2  }
.Ltmp0:
0x18: {  	[tilespmem:s14+$0xA020] =	vst v2;
	(pc) =	sbr.rel @p0 .LBB2_2-.Ltmp0, $4  }
0x19: {  	[tilespmem:s14+$0xA030] =	vst v2  }
0x1a: {  	[tilespmem:s14+$0xA040] =	vst v2  }
0x1b: {  	[tilespmem:s14+$0xA050] =	vst v2  }
0x1c: {  	[tilespmem:s14+$0xA060] =	vst v2;
	s14 =	sshra.s32 s26, $0x2;
	s26 =	sadd.s32 $0x200, s26  }
0x1d: {  	[tilespmem:s14+$0xA070] =	vst v2  }
0x1e: {  	[tilespmem:s14+$0xA000] =	vst v2  }
0x1f: {  	[tilespmem:s14+$0xA010] =	vst v2  }
0x20: {  	[tilespmem:s14+$0xA020] =	vst v2  }
0x21: {  	[tilespmem:s14+$0xA030] =	vst v2  }
0x22: {  	[tilespmem:s14+$0xA040] =	vst v2  }
0x23: {  	[tilespmem:s14+$0xA050] =	vst v2  }
0x24: {  	[tilespmem:s14+$0xA060] =	vst v2  }
0x25: {  	[spmem:s5] =	stream.linear.scatter [tilespmem:s10], [sflag:$0x9], $0x2C00, $0x38;
	[tilespmem:$0x1F800] =	vst v63  }
0x26: {  	_ =	swait.ge [sflag:s11], $0x2C00  }
0x27: {  	[sflag:s11] =	ssyncset.done $0x0  }
0x28: {  	[sflag:s11] =	ssyncadd.s32 $0xFFFFD400  }
0x29: {  	[spmem:s6] =	stream.linear.scatter [tilespmem:s10], [sflag:$0x9], $0x2C00, $0x38;
	[tilespmem:$0x1F800] =	vst v63  }
0x2a: {  	_ =	swait.ge [sflag:s11], $0x2C00  }
0x2b: {  	[sflag:s11] =	ssyncset.done $0x0  }
0x2c: {  	s26 =	simm.s32 $0x0;
	[sflag:s11] =	ssyncadd.s32 $0xFFFFD400  }
0x2d: {  	[tilespmem:s26], [sflag:$0x9] =	stream.linear.gather [hbm4b:s7+s26], $0x5000, $0x38;
	[tilespmem:$0x1F800] =	vst v63  }
0x2e: {  	_ =	swait.ge [sflag:s11], $0x5000  }
0x2f: {  	[sflag:s11] =	ssyncset.done $0x0  }
0x30: {  	[sflag:s11] =	ssyncadd.s32 $0xFFFFB000  }
0x31: {  	[tilespmem:s12], [sflag:$0x9] =	stream.linear.gather [hbm4b:s8+s26], $0x5000, $0x38;
	[tilespmem:$0x1F800] =	vst v63  }
0x32: {  	_ =	swait.ge [sflag:s11], $0x5000  }
0x33: {  	[sflag:s11] =	ssyncset.done $0x0  }
0x34: {  	s26 =	simm.s32 $0x0;
	[sflag:s11] =	ssyncadd.s32 $0xFFFFB000  }
0x35: {  	v3 =	vld [tilespmem:s26+$0x5060];
	_ =	sdelay $0x1  }
0x36: {  	v4 =	vld [tilespmem:s26+$0x5000];
	_ =	sdelay $0x1  }
0x37: {  	v5 =	vld [tilespmem:s26+$0x5010]  }
0x38: {  	v6 =	vld [tilespmem:s26+$0x5020];
	v3 =	vsub.s32 v3, v1  }
0x39: {  	v7 =	vld [tilespmem:s26+$0x5030];
	vm1 =	vlt.u32 v3, $0xA00  }
0x3a: {  	v8 =	vld [tilespmem:s26+$0x5040];
	v4 =	vsub.s32 v4, v1;
	v3 =	vsel vm1, v3, v0  }
0x3b: {  	v9 =	vld [tilespmem:s26+$0x5050];
	vm2 =	vlt.u32 v4, $0xA00;
	[tilespmem:s26+$0x5060] =	vst v3  }
0x3c: {  	v4 =	vsel vm2, v4, v0;
	v3 =	vld [tilespmem:s26+$0x506D]  }
0x3d: {  	[tilespmem:s26+$0x5000] =	vst v4;
	v4 =	vsub.s32 v5, v1  }
0x3e: {  	v62 =	vsub.s32 v7, v1;
	v5 =	vsub.s32 v6, v1;
	vm1 =	vlt.u32 v4, $0xA00  }
0x3f: {  	vm2 =	vlt.u32 v62, $0xA00;
	v4 =	vsel vm1, v4, v0;
	vm1 =	vlt.u32 v5, $0xA00  }
0x40: {  	v6 =	vsel vm2, v62, v0;
	[tilespmem:s26+$0x5010] =	vst v4;
	v4 =	vsel vm1, v5, v0;
	v5 =	vsub.s32 v8, v1  }
0x41: {  	[tilespmem:s26+$0x5020] =	vst v4;
	vm1 =	vlt.u32 v5, $0xA00;
	v4 =	vsub.s32 v9, v1;
	v63 =	vsub.s32 v3, v1  }
0x42: {  	[tilespmem:s26+$0x5030] =	vst v6;
	v5 =	vsel vm1, v5, v0;
	vm1 =	vlt.u32 v4, $0xA00;
	vm2 =	vlt.u32 v63, $0xA00  }
0x43: {  	[tilespmem:s26+$0x5040] =	vst v5;
	v4 =	vsel vm1, v4, v0;
	v5 =	vsel vm2, v63, v0  }
0x44: {  	s29 =	simm.s32 $0x200;
	s14 =	simm.s32 $0x400;
	[tilespmem:s26+$0x5050] =	vst v4;
	v3 =	vsel vm0, v3, v5  }
.LBB2_4:
0x45: {  	p0 =	sne.s32 s14, $0x13E00  }
0x46: {  	[tilespmem:s26+$0x506D] =	vst v3;
	s26 =	sshra.s32 s29, $0x2;
	s29 =	smov.u32 s14;
	s14 =	sadd.s32 $0x200, s14  }
0x47: {  	v3 =	vld [tilespmem:s26+$0x5060]  }
0x48: {  	v4 =	vld [tilespmem:s26+$0x5000]  }
0x49: {  	v5 =	vld [tilespmem:s26+$0x5010]  }
0x4a: {  	v6 =	vld [tilespmem:s26+$0x5020]  }
0x4b: {  	v7 =	vld [tilespmem:s26+$0x5030]  }
0x4c: {  	v8 =	vld [tilespmem:s26+$0x5040];
	v3 =	vsub.s32 v3, v1  }
0x4d: {  	v4 =	vsub.s32 v4, v1;
	v9 =	vld [tilespmem:s26+$0x5050];
	vm1 =	vlt.u32 v3, $0xA00  }
0x4e: {  	vm2 =	vlt.u32 v4, $0xA00;
	v5 =	vsub.s32 v5, v1;
	v3 =	vsel vm1, v3, v0  }
0x4f: {  	v4 =	vsel vm2, v4, v0;
	vm1 =	vlt.u32 v5, $0xA00;
	v6 =	vsub.s32 v6, v1;
	[tilespmem:s26+$0x5060] =	vst v3  }
0x50: {  	[tilespmem:s26+$0x5000] =	vst v4;
	v3 =	vsel vm1, v5, v0;
	vm1 =	vlt.u32 v6, $0xA00;
	v4 =	vsub.s32 v7, v1;
	v5 =	vld [tilespmem:s26+$0x506D]  }
0x51: {  	[tilespmem:s26+$0x5010] =	vst v3;
	v3 =	vsel vm1, v6, v0;
	vm1 =	vlt.u32 v4, $0xA00;
	v6 =	vsub.s32 v8, v1  }
0x52: {  	[tilespmem:s26+$0x5020] =	vst v3;
	v3 =	vsel vm1, v4, v0;
	vm1 =	vlt.u32 v6, $0xA00;
	v4 =	vsub.s32 v9, v1  }
0x53: {  	[tilespmem:s26+$0x5030] =	vst v3;
	v3 =	vsel vm1, v6, v0;
	vm1 =	vlt.u32 v4, $0xA00  }
.Ltmp1:
0x54: {  	[tilespmem:s26+$0x5040] =	vst v3;
	v3 =	vsel vm1, v4, v0;
	(pc) =	sbr.rel @p0 .LBB2_4-.Ltmp1, $4  }
0x55: {  	[tilespmem:s26+$0x5050] =	vst v3;
	v3 =	vsub.s32 v5, v1  }
0x56: {  	vm1 =	vlt.u32 v3, $0xA00  }
0x57: {  	v3 =	vsel vm1, v3, v0  }
0x58: {  	v3 =	vsel vm0, v5, v3  }
0x59: {  	s14 =	sshra.s32 s29, $0x2;
	[tilespmem:s26+$0x506D] =	vst v3  }
0x5a: {  	v3 =	vld [tilespmem:s14+$0x5060];
	_ =	sdelay $0x2  }
0x5b: {  	v4 =	vld [tilespmem:s14+$0x5000]  }
0x5c: {  	v7 =	vld [tilespmem:s14+$0x5030]  }
0x5d: {  	v5 =	vld [tilespmem:s14+$0x5010];
	v3 =	vsub.s32 v3, v1  }
0x5e: {  	v6 =	vld [tilespmem:s14+$0x5020];
	vm1 =	vlt.u32 v3, $0xA00  }
0x5f: {  	v8 =	vld [tilespmem:s14+$0x5040];
	v3 =	vsel vm1, v3, v0  }
0x60: {  	v9 =	vld [tilespmem:s14+$0x5050];
	[tilespmem:s14+$0x5060] =	vst v3  }
0x61: {  	v7 =	vsub.s32 v7, v1;
	v3 =	vld [tilespmem:s14+$0x506D]  }
0x62: {  	v4 =	vsub.s32 v4, v1;
	v5 =	vsub.s32 v5, v1;
	vm2 =	vlt.u32 v7, $0xA00  }
0x63: {  	v6 =	vsub.s32 v6, v1;
	vm1 =	vlt.u32 v4, $0xA00;
	v60 =	vsel vm2, v7, v0  }
0x64: {  	v59 =	vsub.s32 v8, v1;
	v4 =	vsel vm1, v4, v0;
	vm1 =	vlt.u32 v5, $0xA00;
	[tilespmem:s14+$0x5030] =	vst v60  }
0x65: {  	v61 =	vsub.s32 v9, v1;
	[tilespmem:s14+$0x5000] =	vst v4;
	v57 =	vsel vm1, v5, v0;
	vm1 =	vlt.u32 v6, $0xA00  }
0x66: {  	[tilespmem:s14+$0x5010] =	vst v57;
	v58 =	vsel vm1, v6, v0;
	vm1 =	vlt.u32 v59, $0xA00;
	v62 =	vsub.s32 v3, v1  }
0x67: {  	[tilespmem:s14+$0x5020] =	vst v58;
	v5 =	vsel vm1, v59, v0;
	vm1 =	vlt.u32 v61, $0xA00;
	vm2 =	vlt.u32 v62, $0xA00  }
0x68: {  	[tilespmem:s14+$0x5040] =	vst v5;
	v4 =	vsel vm1, v61, v0;
	v63 =	vsel vm2, v62, v0  }
0x69: {  	[tilespmem:s14+$0x5050] =	vst v4;
	v3 =	vsel vm0, v3, v63  }
0x6a: {  	[tilespmem:s14+$0x506D] =	vst v3  }
0x6b: {  	s26 =	simm.s32 $0x0;
	[bflag:$0x0] =	sbarrier.arrive $0xFFFF  }
0x6c: {  	[tilespmem:s10], [sflag:$0x1] =	stream.indirect.gather [hbm4b:s4+s13], $0x80, s26, s13, $0xb8;
	[tilespmem:$0x1F800] =	vst v63  }
0x6d: {  	s29 =	simm.s32 $0x80  }
0x6e: {  	[tilespmem:s15], [sflag:$0x2] =	stream.indirect.gather [hbm4b:s4+s13], $0x80, s29, s13, $0xb8;
	[tilespmem:$0x1F800] =	vst v63  }
0x6f: {  	_ =	swait.ge [sflag:s16], $0x3E80  }
0x70: {  	[sflag:s16] =	ssyncset.done $0x0  }
0x71: {  	[sflag:s16] =	ssyncadd.s32 $0xFFFFC180  }
0x72: {  	[spmem:s1] =	stream.indirect.scatter.add.f32 [tilespmem:s10], [sflag:$0x5], $0x80, s12, s13, $0xb8;
	[tilespmem:$0x1F800] =	vst v63  }
0x73: {  	_ =	swait.ge [sflag:s17], $0x3E80  }
0x74: {  	[sflag:s17] =	ssyncset.done $0x0  }
0x75: {  	s26 =	simm.s32 $0x5080;
	[sflag:s17] =	ssyncadd.s32 $0xFFFFC180  }
0x76: {  	[spmem:s1] =	stream.indirect.scatter.add.f32 [tilespmem:s15], [sflag:$0x6], $0x80, s26, s13, $0xb8;
	[tilespmem:$0x1F800] =	vst v63  }
0x77: {  	s29 =	simm.s32 $0x100  }
0x78: {  	[tilespmem:s20], [sflag:$0x3] =	stream.indirect.gather [hbm4b:s4+s13], $0x80, s29, s13, $0xb8;
	[tilespmem:$0x1F800] =	vst v63  }
0x79: {  	s26 =	simm.s32 $0x180  }
0x7a: {  	[tilespmem:s24], [sflag:$0x4] =	stream.indirect.gather [hbm4b:s4+s13], $0x80, s26, s13, $0xb8;
	[tilespmem:$0x1F800] =	vst v63  }
0x7b: {  	_ =	swait.ge [sflag:s25], $0x3E80  }
0x7c: {  	[sflag:s25] =	ssyncset.done $0x0  }
0x7d: {  	s29 =	simm.s32 $0x5100;
	[sflag:s25] =	ssyncadd.s32 $0xFFFFC180  }
0x7e: {  	[spmem:s1] =	stream.indirect.scatter.add.f32 [tilespmem:s20], [sflag:$0x7], $0x80, s29, s13, $0xb8;
	[tilespmem:$0x1F800] =	vst v63  }
0x7f: {  	_ =	swait.ge [sflag:s28], $0x3E80  }
0x80: {  	[sflag:s28] =	ssyncset.done $0x0  }
0x81: {  	s26 =	simm.s32 $0x5180;
	[sflag:s28] =	ssyncadd.s32 $0xFFFFC180  }
0x82: {  	[spmem:s1] =	stream.indirect.scatter.add.f32 [tilespmem:s24], [sflag:$0x8], $0x80, s26, s13, $0xb8;
	[tilespmem:$0x1F800] =	vst v63  }
0x83: {  	_ =	swait.ge [sflag:s30], $0x3E80  }
0x84: {  	[sflag:s30] =	ssyncset.done $0x0  }
0x85: {  	s29 =	simm.s32 $0x200;
	[sflag:s30] =	ssyncadd.s32 $0xFFFFC180  }
0x86: {  	[tilespmem:s10], [sflag:$0x1] =	stream.indirect.gather [hbm4b:s4+s13], $0x80, s29, s13, $0xb8;
	[tilespmem:$0x1F800] =	vst v63  }
0x87: {  	_ =	swait.ge [sflag:s0], $0x3E80  }
0x88: {  	[sflag:s0] =	ssyncset.done $0x0  }
0x89: {  	s26 =	simm.s32 $0x280;
	[sflag:s0] =	ssyncadd.s32 $0xFFFFC180  }
0x8a: {  	[tilespmem:s15], [sflag:$0x2] =	stream.indirect.gather [hbm4b:s4+s13], $0x80, s26, s13, $0xb8;
	[tilespmem:$0x1F800] =	vst v63  }
0x8b: {  	_ =	swait.ge [sflag:s16], $0x3E80  }
0x8c: {  	[sflag:s16] =	ssyncset.done $0x0  }
0x8d: {  	s29 =	simm.s32 $0x5200;
	[sflag:s16] =	ssyncadd.s32 $0xFFFFC180  }
0x8e: {  	[spmem:s1] =	stream.indirect.scatter.add.f32 [tilespmem:s10], [sflag:$0x5], $0x80, s29, s13, $0xb8;
	[tilespmem:$0x1F800] =	vst v63  }
0x8f: {  	_ =	swait.ge [sflag:s17], $0x3E80  }
0x90: {  	[sflag:s17] =	ssyncset.done $0x0  }
0x91: {  	s26 =	simm.s32 $0x5280;
	[sflag:s17] =	ssyncadd.s32 $0xFFFFC180  }
0x92: {  	[spmem:s1] =	stream.indirect.scatter.add.f32 [tilespmem:s15], [sflag:$0x6], $0x80, s26, s13, $0xb8;
	[tilespmem:$0x1F800] =	vst v63  }
0x93: {  	_ =	swait.ge [sflag:s18], $0x3E80  }
0x94: {  	[sflag:s18] =	ssyncset.done $0x0  }
0x95: {  	s29 =	simm.s32 $0x300;
	[sflag:s18] =	ssyncadd.s32 $0xFFFFC180  }
0x96: {  	[tilespmem:s20], [sflag:$0x3] =	stream.indirect.gather [hbm4b:s4+s13], $0x80, s29, s13, $0xb8;
	[tilespmem:$0x1F800] =	vst v63  }
0x97: {  	_ =	swait.ge [sflag:s19], $0x3E80  }
0x98: {  	[sflag:s19] =	ssyncset.done $0x0  }
0x99: {  	s26 =	simm.s32 $0x380;
	[sflag:s19] =	ssyncadd.s32 $0xFFFFC180  }
0x9a: {  	[tilespmem:s24], [sflag:$0x4] =	stream.indirect.gather [hbm4b:s4+s13], $0x80, s26, s13, $0xb8;
	[tilespmem:$0x1F800] =	vst v63  }
0x9b: {  	_ =	swait.ge [sflag:s25], $0x3E80  }
0x9c: {  	[sflag:s25] =	ssyncset.done $0x0  }
0x9d: {  	s29 =	simm.s32 $0x5300;
	[sflag:s25] =	ssyncadd.s32 $0xFFFFC180  }
0x9e: {  	[spmem:s1] =	stream.indirect.scatter.add.f32 [tilespmem:s20], [sflag:$0x7], $0x80, s29, s13, $0xb8;
	[tilespmem:$0x1F800] =	vst v63  }
0x9f: {  	_ =	swait.ge [sflag:s28], $0x3E80  }
0xa0: {  	[sflag:s28] =	ssyncset.done $0x0  }
0xa1: {  	s26 =	simm.s32 $0x5380;
	[sflag:s28] =	ssyncadd.s32 $0xFFFFC180  }
0xa2: {  	[spmem:s1] =	stream.indirect.scatter.add.f32 [tilespmem:s24], [sflag:$0x8], $0x80, s26, s13, $0xb8;
	[tilespmem:$0x1F800] =	vst v63  }
0xa3: {  	_ =	swait.ge [sflag:s30], $0x3E80  }
0xa4: {  	[sflag:s30] =	ssyncset.done $0x0  }
0xa5: {  	s29 =	simm.s32 $0x400;
	[sflag:s30] =	ssyncadd.s32 $0xFFFFC180  }
0xa6: {  	[tilespmem:s10], [sflag:$0x1] =	stream.indirect.gather [hbm4b:s4+s13], $0x80, s29, s13, $0xb8;
	[tilespmem:$0x1F800] =	vst v63  }
0xa7: {  	_ =	swait.ge [sflag:s0], $0x3E80  }
0xa8: {  	[sflag:s0] =	ssyncset.done $0x0  }
0xa9: {  	s14 =	simm.s32 $0x480;
	s26 =	simm.s32 $0x800;
	[sflag:s0] =	ssyncadd.s32 $0xFFFFC180  }
.LBB2_6:
0xaa: {  	[tilespmem:s15], [sflag:$0x2] =	stream.indirect.gather [hbm4b:s4+s13], $0x80, s14, s13, $0xb8;
	[tilespmem:$0x1F800] =	vst v63  }
0xab: {  	s14 =	smov.u32 s26  }
0xac: {  	p0 =	sne.s32 s26, $0x12800;
	s26 =	sadd.s32 $0x800, s26;
	_ =	swait.ge [sflag:s16], $0x3E80  }
0xad: {  	s14 =	sshra.s32 s14, $0x2;
	[sflag:s16] =	ssyncset.done $0x0  }
0xae: {  	s29 =	sadd.s32 $0x5200, s14;
	[sflag:s16] =	ssyncadd.s32 $0xFFFFC180  }
0xaf: {  	[spmem:s1] =	stream.indirect.scatter.add.f32 [tilespmem:s10], [sflag:$0x5], $0x80, s29, s13, $0xb8;
	[tilespmem:$0x1F800] =	vst v63  }
0xb0: {  	_ =	swait.ge [sflag:s17], $0x3E80  }
0xb1: {  	[sflag:s17] =	ssyncset.done $0x0  }
0xb2: {  	s29 =	sadd.s32 $0x5280, s14;
	[sflag:s17] =	ssyncadd.s32 $0xFFFFC180  }
0xb3: {  	[spmem:s1] =	stream.indirect.scatter.add.f32 [tilespmem:s15], [sflag:$0x6], $0x80, s29, s13, $0xb8;
	[tilespmem:$0x1F800] =	vst v63  }
0xb4: {  	_ =	swait.ge [sflag:s18], $0x3E80  }
0xb5: {  	[sflag:s18] =	ssyncset.done $0x0  }
0xb6: {  	s29 =	sadd.s32 $0x300, s14;
	[sflag:s18] =	ssyncadd.s32 $0xFFFFC180  }
0xb7: {  	[tilespmem:s20], [sflag:$0x3] =	stream.indirect.gather [hbm4b:s4+s13], $0x80, s29, s13, $0xb8;
	[tilespmem:$0x1F800] =	vst v63  }
0xb8: {  	_ =	swait.ge [sflag:s19], $0x3E80  }
0xb9: {  	[sflag:s19] =	ssyncset.done $0x0  }
0xba: {  	s29 =	sadd.s32 $0x380, s14;
	[sflag:s19] =	ssyncadd.s32 $0xFFFFC180  }
0xbb: {  	[tilespmem:s24], [sflag:$0x4] =	stream.indirect.gather [hbm4b:s4+s13], $0x80, s29, s13, $0xb8;
	[tilespmem:$0x1F800] =	vst v63  }
0xbc: {  	_ =	swait.ge [sflag:s25], $0x3E80  }
0xbd: {  	[sflag:s25] =	ssyncset.done $0x0  }
0xbe: {  	s29 =	sadd.s32 $0x5300, s14;
	[sflag:s25] =	ssyncadd.s32 $0xFFFFC180  }
0xbf: {  	[spmem:s1] =	stream.indirect.scatter.add.f32 [tilespmem:s20], [sflag:$0x7], $0x80, s29, s13, $0xb8;
	[tilespmem:$0x1F800] =	vst v63  }
0xc0: {  	_ =	swait.ge [sflag:s28], $0x3E80  }
0xc1: {  	[sflag:s28] =	ssyncset.done $0x0  }
0xc2: {  	s29 =	sadd.s32 $0x5380, s14;
	[sflag:s28] =	ssyncadd.s32 $0xFFFFC180  }
0xc3: {  	[spmem:s1] =	stream.indirect.scatter.add.f32 [tilespmem:s24], [sflag:$0x8], $0x80, s29, s13, $0xb8;
	[tilespmem:$0x1F800] =	vst v63  }
0xc4: {  	_ =	swait.ge [sflag:s30], $0x3E80  }
0xc5: {  	[sflag:s30] =	ssyncset.done $0x0  }
.Ltmp2:
0xc6: {  	s29 =	sadd.s32 $0x400, s14;
	[sflag:s30] =	ssyncadd.s32 $0xFFFFC180;
	(pc) =	sbr.rel @p0 .LBB2_6-.Ltmp2, $4  }
0xc7: {  	[tilespmem:s10], [sflag:$0x1] =	stream.indirect.gather [hbm4b:s4+s13], $0x80, s29, s13, $0xb8;
	[tilespmem:$0x1F800] =	vst v63  }
0xc8: {  	_ =	swait.ge [sflag:s0], $0x3E80  }
0xc9: {  	[sflag:s0] =	ssyncset.done $0x0  }
0xca: {  	s14 =	sadd.s32 $0x480, s14;
	[sflag:s0] =	ssyncadd.s32 $0xFFFFC180  }
0xcb: {  	[tilespmem:s15], [sflag:$0x2] =	stream.indirect.gather [hbm4b:s4+s13], $0x80, s14, s13, $0xb8;
	[tilespmem:$0x1F800] =	vst v63  }
0xcc: {  	_ =	swait.ge [sflag:s16], $0x3E80  }
0xcd: {  	[sflag:s16] =	ssyncset.done $0x0  }
0xce: {  	s29 =	simm.s32 $0x9E00;
	[sflag:s16] =	ssyncadd.s32 $0xFFFFC180  }
0xcf: {  	[spmem:s1] =	stream.indirect.scatter.add.f32 [tilespmem:s10], [sflag:$0x5], $0x80, s29, s13, $0xb8;
	[tilespmem:$0x1F800] =	vst v63  }
0xd0: {  	_ =	swait.ge [sflag:s17], $0x3E80  }
0xd1: {  	[sflag:s17] =	ssyncset.done $0x0  }
0xd2: {  	s26 =	simm.s32 $0x9E80;
	[sflag:s17] =	ssyncadd.s32 $0xFFFFC180  }
0xd3: {  	[spmem:s1] =	stream.indirect.scatter.add.f32 [tilespmem:s15], [sflag:$0x6], $0x80, s26, s13, $0xb8;
	[tilespmem:$0x1F800] =	vst v63  }
0xd4: {  	_ =	swait.ge [sflag:s18], $0x3E80  }
0xd5: {  	[sflag:s18] =	ssyncset.done $0x0  }
0xd6: {  	s29 =	simm.s32 $0x4F00;
	[sflag:s18] =	ssyncadd.s32 $0xFFFFC180  }
0xd7: {  	[tilespmem:s20], [sflag:$0x3] =	stream.indirect.gather [hbm4b:s4+s13], $0x80, s29, s13, $0xb8;
	[tilespmem:$0x1F800] =	vst v63  }
0xd8: {  	_ =	swait.ge [sflag:s19], $0x3E80  }
0xd9: {  	[sflag:s19] =	ssyncset.done $0x0  }
0xda: {  	[sflag:s19] =	ssyncadd.s32 $0xFFFFC180  }
0xdb: {  	[tilespmem:s24], [sflag:$0x4] =	stream.indirect.gather [hbm4b:s4+s13], $0x80, s31, s13, $0xb8;
	[tilespmem:$0x1F800] =	vst v63  }
0xdc: {  	_ =	swait.ge [sflag:s25], $0x3E80  }
0xdd: {  	[sflag:s25] =	ssyncset.done $0x0  }
0xde: {  	s26 =	simm.s32 $0x9F00;
	[sflag:s25] =	ssyncadd.s32 $0xFFFFC180  }
0xdf: {  	[spmem:s1] =	stream.indirect.scatter.add.f32 [tilespmem:s20], [sflag:$0x7], $0x80, s26, s13, $0xb8;
	[tilespmem:$0x1F800] =	vst v63  }
0xe0: {  	_ =	swait.ge [sflag:s28], $0x3E80  }
0xe1: {  	[sflag:s28] =	ssyncset.done $0x0  }
0xe2: {  	[sflag:s28] =	ssyncadd.s32 $0xFFFFC180  }
0xe3: {  	[spmem:s1] =	stream.indirect.scatter.add.f32 [tilespmem:s24], [sflag:$0x8], $0x80, s22, s13, $0xb8;
	[tilespmem:$0x1F800] =	vst v63  }
0xe4: {  	_ =	swait.ge [sflag:s30], $0x3E80  }
0xe5: {  	[sflag:s30] =	ssyncset.done $0x0  }
0xe6: {  	[sflag:s30] =	ssyncadd.s32 $0xFFFFC180  }
0xe7: {  	[tilespmem:s10], [sflag:$0x1] =	stream.indirect.gather [hbm4b:s4+s13], $0x80, s31, s13, $0xb8;
	[tilespmem:$0x1F800] =	vst v63  }
0xe8: {  	_ =	swait.ge [sflag:s0], $0x3E80  }
0xe9: {  	[sflag:s0] =	ssyncset.done $0x0  }
0xea: {  	[sflag:s0] =	ssyncadd.s32 $0xFFFFC180  }
0xeb: {  	[tilespmem:s15], [sflag:$0x2] =	stream.indirect.gather [hbm4b:s4+s13], $0x80, s31, s13, $0xb8;
	[tilespmem:$0x1F800] =	vst v63  }
0xec: {  	_ =	swait.ge [sflag:s16], $0x3E80  }
0xed: {  	[sflag:s16] =	ssyncset.done $0x0  }
0xee: {  	[sflag:s16] =	ssyncadd.s32 $0xFFFFC180  }
0xef: {  	_ =	swait.ge [sflag:s17], $0x3E80  }
0xf0: {  	[sflag:s17] =	ssyncset.done $0x0  }
0xf1: {  	[sflag:s17] =	ssyncadd.s32 $0xFFFFC180  }
0xf2: {  	_ =	swait.ge [sflag:s18], $0x3E80  }
0xf3: {  	[sflag:s18] =	ssyncset.done $0x0  }
0xf4: {  	[sflag:s18] =	ssyncadd.s32 $0xFFFFC180  }
0xf5: {  	_ =	swait.ge [sflag:s19], $0x3E80  }
0xf6: {  	s3 =	sadd.s32 $0x1, s3;
	[sflag:s19] =	ssyncset.done $0x0  }
0xf7: {  	p0 =	sne.s32 s3, s9;
	s29 =	sshll.u32 s2, $0x6;
	[sflag:s19] =	ssyncadd.s32 $0xFFFFC180  }
.Ltmp3:
0xf8: {  	s14 =	sor.u32 $0x1C09, s29;
	[bflag:$0x0] =	sbarrier.arrive $0xFFFF;
	(pc) =	sbr.rel @p0 .LBB2_1-.Ltmp3, $4  }
0xf9: {  	[hbm:s21], [sflag:s14] =	dma.local [spmem:s23], $0xA00  }
0xfa: {  	_ =	swait.ge [sflag:s11], $0xA00  }
0xfb: {  	[sflag:s11] =	ssyncset.done $0x0  }
0xfc: {  	[sflag:s11] =	ssyncadd.s32 $0xFFFFF600  }
0xfd: {  	_ =	sfence.sel $0x180000  }
0xfe: {  	[bflag:$0x0] =	sbarrier.arrive $0xFFFF  }
0xff: {  	_ =	strace $0x9000004D  }
0x100: {  	[bflag:$0x2] =	sbarrier.arrive $0xFFFF  }
0x101: {  	p0 =	sne.s32 s2, $0x0;
	s0 =	rddreg [dreg:$0x4]  }
0x102: {  	s0 =	sadd.s32 @!p0 $0x100000, s0  }
0x103: {  	[sflag:s0] =	ssyncadd.tile.s32 @!p0 $0x1;
	_ =	shalt  }
.Lfunc_end2:
_tile_overlayer_lowered:
.L_overlay_start_2:
0x104: {  	(tag) =	ssettag $0x2  }
0x105: {  	s0 =	rddreg [dreg:$0x0];
	s2 =	stileid.u32  }
0x106: {  	s1 =	rddreg [dreg:$0x1];
	p0 =	sne.s32 s2, $0x0  }
0x107: {  	s3 =	rddreg [dreg:$0x2];
	[bflag:$0x3] =	sbarrier.arrive $0xFFFF;
	s2 =	simm.s32 @!p0 $0x1C09  }
0x108: {  	[timem:s3], [sflag:s2] =	dma.local @!p0 [hbm:s0], s1  }
0x109: {  	s0 =	simm.s32 @!p0 $0x9  }
0x10a: {  	_ =	swait.ge @!p0 [sflag:s0], s1  }
0x10b: {  	s1 =	ssub.s32 @!p0 $0x0, s1;
	[sflag:s0] =	ssyncset.done @!p0 $0x0  }
0x10c: {  	[sflag:s0] =	ssyncadd.s32 @!p0 s1  }
0x10d: {  	[bflag:$0x3] =	sbarrier.arrive $0xFFFF  }
0x10e: {  	_ =	shalt  }

// kernel: kernel.19.cloned.1.call-start
scs
__scs_entry_jumppad:
0x0: {  	(pc) =	sbr.rel $0x88, $3  }
0x1: {  	(tag) =	ssettag $0x0;
	lr =	simm.s32 $0x1  }
0x2: {  	[smem:$0x3F99] =	sst lr;
	_ =	strace $0xD0000000  }
0x3: {  	_ = 	snop  }
0x4: {  	_ = 	snop  }
0x5: {  	_ = 	snop  }
0x6: {  	_ = 	snop  }
0x7: {  	_ = 	snop  }
__scs_overlays_trampoline_lowered:
0x8: {  	[smem:$0x3FA8] =	sst s0  }
0x9: {  	[smem:$0x3FA9] =	sst s1  }
0xa: {  	[smem:$0x3FAA] =	sst s2  }
0xb: {  	[smem:$0x3FAB] =	sst s3  }
0xc: {  	[smem:$0x3FAC] =	sst s4  }
0xd: {  	[smem:$0x3FAD] =	sst s5  }
0xe: {  	[smem:$0x3FAE] =	sst s6  }
0xf: {  	[smem:$0x3FAF] =	sst s7  }
0x10: {  	[smem:$0x3FB0] =	sst s8  }
0x11: {  	[smem:$0x3FB1] =	sst s9;
	s0 =	simm.s32 @!p0 $0x0  }
0x12: {  	s1 =	sld [smem:$0x3F97];
	s0 =	simm.s32 @p0 $0x1  }
0x13: {  	[smem:$0x3FB2] =	sst s0;
	s0 =	simm.s32 @!p1 $0x0  }
0x14: {  	s2 =	sld [smem:$0x3F96];
	s0 =	simm.s32 @p1 $0x1  }
0x15: {  	[smem:$0x3FB3] =	sst s0;
	s0 =	simm.s32 @!p2 $0x0  }
0x16: {  	s3 =	sld [smem:$0x3FDB];
	s0 =	simm.s32 @p2 $0x1  }
0x17: {  	s4 =	simm.s32 $0x1BF5;
	[smem:$0x3FB5] =	sst s0  }
0x18: {  	s0 =	sld [smem:$0x3F98];
	_ =	swait.ge [sflag:s4], $0x0  }
0x19: {  	s7 =	sld [smem:$0x3F99]  }
0x1a: {  	s8 =	sadd.s32 $0xFFFFE003, lr  }
0x1b: {  	s9 =	sadd.s32 $0xFFFFFEF7, lr;
	s5 =	simm.s32 $0xFFFFFFFF;
	p2 =	slt.u32 s8, $0xFFFFF086  }
0x1c: {  	p1 =	slt.u32 s9, $0xF7A;
	s5 =	simm.s32 @!p2 $0x0  }
0x1d: {  	s5 =	simm.s32 @p1 $0x1;
	p0 =	seq.s32 s7, s2  }
0x1e: {  	s7 =	smul.u32 @!p0 $0xF7A, s2;
	p2 =	seq.s32 @!p0 s5, $0x0  }
0x1f: {  	s9 =	smul.u32 $0xF7A, s1;
	s8 =	simm.s32 @!p0 $0x1BF5;
	p2 =	por !p2, p0  }
0x20: {  	[sflag:s8] =	ssyncset.s32 @!p0 $0xFFFFF086;
	s6 =	sadd.s32 @!p0 s3, s7;
	s7 =	simm.s32 @!p0 $0x108  }
0x21: {  	s3 =	sadd.s32 s3, s9;
	s6 =	sadd.s32 @!p0 $0x88, s6;
	s7 =	simm.s32 @p2 $0x1082  }
0x22: {  	[simem:s7], [sflag:s8] =	dma.local @!p0 [hbm:s6], $0xF7A  }
0x23: {  	s9 =	sor.u32 $0xD0000000, s2;
	s6 =	simm.s32 $0x108;
	_ =	swait.ge @!p0 [sflag:s8], $0x0  }
0x24: {  	s3 =	sadd.s32 $0x88, s3;
	s6 =	simm.s32 @!p1 $0x1082;
	[sflag:s4] =	ssyncset.s32 $0xFFFFF086  }
0x25: {  	[simem:s6], [sflag:s4] =	dma.local [hbm:s3], $0xF7A  }
0x26: {  	[smem:$0x3F99] =	sst s1;
	(tag) =	ssettag s2;
	_ =	strace s9  }
0x27: {  	s1 =	sld [smem:$0x3FA9]  }
0x28: {  	s2 =	sld [smem:$0x3FAA]  }
0x29: {  	s4 =	sld [smem:$0x3FAC]  }
0x2a: {  	p0 =	seq.s32 s5, $0x0;
	s5 =	sld [smem:$0x3FAD]  }
0x2b: {  	s6 =	sld [smem:$0x3FAE]  }
0x2c: {  	s7 =	sld [smem:$0x3FAF]  }
0x2d: {  	s3 =	simm.s32 $0x108;
	s8 =	sld [smem:$0x3FB0]  }
0x2e: {  	s3 =	simm.s32 @!p0 $0x1082;
	s9 =	sld [smem:$0x3FB1]  }
0x2f: {  	lr =	sadd.s32 s0, s3;
	s0 =	sld [smem:$0x3FA8]  }
0x30: {  	s3 =	sld [smem:$0x3FAB]  }
0x31: {  	[smem:$0x3FB4] =	sst s10  }
0x32: {  	s10 =	sld [smem:$0x3FB2];
	_ =	sdelay $0x3  }
0x33: {  	p0 =	seq.s32 s10, $0x1;
	s10 =	sld [smem:$0x3FB4];
	_ =	sdelay $0x3  }
0x34: {  	[smem:$0x3FB4] =	sst s10  }
0x35: {  	s10 =	sld [smem:$0x3FB3];
	_ =	sdelay $0x3  }
0x36: {  	p1 =	seq.s32 s10, $0x1;
	s10 =	sld [smem:$0x3FB4];
	_ =	sdelay $0x3  }
0x37: {  	[smem:$0x3FB4] =	sst s10  }
0x38: {  	s10 =	sld [smem:$0x3FB5]  }
0x39: {  	_ = 	snop;
	(pc) =	sbr.ind lr, $3  }
0x3a: {  	_ = 	snop  }
0x3b: {  	_ = 	snop  }
0x3c: {  	p2 =	seq.s32 s10, $0x1;
	s10 =	sld [smem:$0x3FB4]  }
0x3d: {  	_ =	shalt  }
0x3e: {  	_ =	shalt  }
0x3f: {  	_ =	shalt  }
0x40: {  	_ =	shalt  }
0x41: {  	_ =	shalt  }
0x42: {  	_ =	shalt  }
0x43: {  	_ =	shalt  }
0x44: {  	_ =	shalt  }
0x45: {  	_ =	shalt  }
0x46: {  	_ =	shalt  }
0x47: {  	_ =	shalt  }
0x48: {  	_ =	shalt  }
0x49: {  	_ =	shalt  }
0x4a: {  	_ =	shalt  }
0x4b: {  	_ =	shalt  }
0x4c: {  	_ =	shalt  }
0x4d: {  	_ =	shalt  }
0x4e: {  	_ =	shalt  }
0x4f: {  	_ =	shalt  }
0x50: {  	_ =	shalt  }
0x51: {  	_ =	shalt  }
0x52: {  	_ =	shalt  }
0x53: {  	_ =	shalt  }
0x54: {  	_ =	shalt  }
0x55: {  	_ =	shalt  }
0x56: {  	_ =	shalt  }
0x57: {  	_ =	shalt  }
0x58: {  	_ =	shalt  }
0x59: {  	_ =	shalt  }
0x5a: {  	_ =	shalt  }
0x5b: {  	_ =	shalt  }
0x5c: {  	_ =	shalt  }
0x5d: {  	_ =	shalt  }
0x5e: {  	_ =	shalt  }
0x5f: {  	_ =	shalt  }
0x60: {  	_ =	shalt  }
0x61: {  	_ =	shalt  }
0x62: {  	_ =	shalt  }
0x63: {  	_ =	shalt  }
0x64: {  	_ =	shalt  }
0x65: {  	_ =	shalt  }
0x66: {  	_ =	shalt  }
0x67: {  	_ =	shalt  }
0x68: {  	_ =	shalt  }
0x69: {  	_ =	shalt  }
0x6a: {  	_ =	shalt  }
0x6b: {  	_ =	shalt  }
0x6c: {  	_ =	shalt  }
0x6d: {  	_ =	shalt  }
0x6e: {  	_ =	shalt  }
0x6f: {  	_ =	shalt  }
0x70: {  	_ =	shalt  }
0x71: {  	_ =	shalt  }
0x72: {  	_ =	shalt  }
0x73: {  	_ =	shalt  }
0x74: {  	_ =	shalt  }
0x75: {  	_ =	shalt  }
0x76: {  	_ =	shalt  }
0x77: {  	_ =	shalt  }
0x78: {  	_ =	shalt  }
0x79: {  	_ =	shalt  }
0x7a: {  	_ =	shalt  }
0x7b: {  	_ =	shalt  }
0x7c: {  	_ =	shalt  }
0x7d: {  	_ =	shalt  }
0x7e: {  	_ =	shalt  }
0x7f: {  	_ =	shalt  }
0x80: {  	_ =	shalt  }
0x81: {  	_ =	shalt  }
0x82: {  	_ =	shalt  }
0x83: {  	_ =	shalt  }
0x84: {  	_ =	shalt  }
0x85: {  	_ =	shalt  }
0x86: {  	_ =	shalt  }
0x87: {  	_ =	shalt  }
.Lfunc_end0:
.L_simem_size_0:
called_computation.3_lowered:
.L_overlay_start_0:
0x88: {  	s2 =	sld [smem:$0x3FD9]  }
0x89: {  	s3 =	sld [smem:$0x3FFE];
	_ =	sdelay $0x1  }
0x8a: {  	s1 =	srdreg.scid  }
0x8b: {  	s0 =	sand.u32 $0x1, s1  }
0x8c: {  	s14 =	sshll.u32 s0, $0xA;
	s2 =	sadd.s32 s3, s2  }
0x8d: {  	s2 =	sadd.s32 s2, s14  }
0x8e: {  	[smem:$0x3FC0] =	sst s2  }
0x8f: {  	_ = 	snop  }
0x90: {  	s2 =	sld [smem:$0x3FD0];
	_ =	sdelay $0x2  }
0x91: {  	s15 =	simm.s32 $0xB;
	s4 =	simm.s32 $0x10  }
0x92: {  	[smem:s4], [sflag:s15] =	dma.local [hbm:s2], $0x1  }
0x93: {  	_ =	swait.eq [sflag:s15], $0x1  }
0x94: {  	[sflag:s15] =	ssyncset.done $0x0  }
0x95: {  	s16 =	sld [smem:$0x10];
	[sflag:s15] =	ssyncadd.s32 $0xFFFFFFFF  }
0x96: {  	s17 =	sld [smem:$0x11];
	(tm) =	ssettm $0x1  }
0x97: {  	s18 =	sld [smem:$0x3FFB];
	_ =	sdelay $0x3  }
0x98: {  	_ =	strace s18  }
0x99: {  	s4 =	sld [smem:$0x3FFC];
	_ =	sdelay $0x3  }
0x9a: {  	_ =	strace s4  }
0x9b: {  	s4 =	sld [smem:$0x3FFD];
	_ =	sdelay $0x3  }
0x9c: {  	_ =	strace s4  }
0x9d: {  	_ =	strace $0x8FFFFFFF  }
0x9e: {  	s19 =	sld [smem:$0x3FDB];
	_ =	sdelay $0x1  }
0x9f: {  	s5 =	simm.s32 $_scs_section_size  }
0xa0: {  	s6 =	simm.s32 $_size__tile_overlayer_lowered;
	s7 =	simm.s32 $_tile_overlayer_lowered  }
0xa1: {  	s22 =	simm.s32 $0x1BFF;
	s21 =	sshll.u32 s7, $0x1;
	s4 =	sadd.s32 s5, s19  }
0xa2: {  	s8 =	simm.s32 $0x0;
	s20 =	sshll.u32 s6, $0x1;
	s6 =	sadd.s32 s21, s4  }
0xa3: {  	[timem:s8], [sflag:s22] =	dma.local [hbm:s6], s20  }
0xa4: {  	_ =	swait.ge [sflag:s22], s20  }
0xa5: {  	s5 =	ssub.s32 $0x0, s20;
	[sflag:s22] =	ssyncset.done $0x0  }
0xa6: {  	[sflag:s22] =	ssyncadd.s32 s5;
	_ =	sdelay $0x1  }
0xa7: {  	s23 =	simm.s32 $0x1B8B  }
0xa8: {  	_ =	swait.ge [sflag:s23], $0x1  }
0xa9: {  	[sflag:s23] =	ssyncset.done $0x0  }
0xaa: {  	s25 =	simm.s32 $0x1B8E;
	s24 =	sld [smem:$0x3FFE];
	[sflag:s23] =	ssyncadd.s32 $0xFFFFFFFF  }
0xab: {  	s26 =	simm.s32 $execute0_lowered;
	[smem:$0x3FD2] =	sst s25  }
0xac: {  	s6 =	sshll.u32 s26, $0x1;
	_ =	strace $0x8000004F;
	[dreg:$0x1] =	wrdreg $0xFFFFFFFF  }
0xad: {  	s28 =	simm.s32 $_size_execute0_lowered;
	s4 =	sadd.s32 s4, s6;
	[dreg:$0x0] =	wrdreg $0x0  }
0xae: {  	s6 =	sshll.u32 s28, $0x1;
	[dreg:$0x2] =	wrdreg s4  }
0xaf: {  	[dreg:$0x3] =	wrdreg s6  }
0xb0: {  	[dreg:$0x4] =	wrdreg $0xC0  }
0xb1: {  	_ =	task [dreg:s8], $0x5FFFF  }
0xb2: {  	[dreg:$0x1] =	wrdreg $0xFFFFFFFF  }
0xb3: {  	[dreg:$0x0] =	wrdreg $0x60  }
0xb4: {  	[dreg:$0x2] =	wrdreg s16  }
0xb5: {  	[dreg:$0x3] =	wrdreg s17  }
0xb6: {  	[dreg:$0x4] =	wrdreg s24  }
0xb7: {  	[dreg:$0x5] =	wrdreg $0x1A0000  }
0xb8: {  	[dreg:$0x6] =	wrdreg $0x9  }
0xb9: {  	_ =	task.clear_ibuf [dreg:s8], $0x7FFFF;
	_ =	strace $0x9000004F  }
0xba: {  	s29 =	simm.s32 $0x9;
	_ =	strace $0x80000051  }
0xbb: {  	_ =	swait.ge [sflag:s29], $0x1  }
0xbc: {  	[sflag:s29] =	ssyncadd.s32 $0xFFFFFFFF  }
0xbd: {  	_ =	strace $0x90000051  }
0xbe: {  	_ =	sfence  }
0xbf: {  	s30 =	sld [smem:$0x0];
	_ =	sdelay $0x2  }
0xc0: {  	s31 =	sshll.u32 s1, $0xD;
	s1 =	sshrl.u32 s1, $0x2  }
0xc1: {  	s3 =	sand.u32 $0x4000, s31;
	s1 =	sadd.s32 s1, s30  }
0xc2: {  	s0 =	sor.u32 s3, s0;
	s1 =	sshll.u32 s1, $0x11  }
0xc3: {  	s0 =	sor.u32 s1, s0  }
0xc4: {  	s0 =	sadd.s32 $0x8F2B, s0  }
0xc5: {  	[sflag:s0] =	ssyncadd.remote.s32 $0x1  }
0xc6: {  	_ =	sfence.sel $0xFFFF  }
0xc7: {  	[dreg:$0x0] =	wrdreg $0xFFFFFFFF;
	(pc) =	sbr.abs _section_cstart, $3  }
0xc8: {  	[dreg:$0x1] =	wrdreg $0xFFFFFFFF  }
0xc9: {  	_ =	task.clear_ibuf [dreg:s8], $0x2FFFF;
	_ =	strace $0x9FFFFFFF  }
0xca: {  	(tm) =	ssettm $0x7FFFFFFF  }
0xcb: {  	_ =	shalt  }
tec
execute0_lowered:
.L_overlay_start_1:
0x0: {  	(tag) =	ssettag $0x1  }
0x1: {  	s0 =	rddreg [dreg:$0x0]  }
0x2: {  	s8 =	rddreg [dreg:$0x1]  }
0x3: {  	s5 =	rddreg [dreg:$0x2]  }
0x4: {  	s1 =	rddreg [dreg:$0x3];
	s2 =	simm.s32 $0x0  }
0x5: {  	s3 =	srdreg.scid;
	s12 =	simm.s32 $0x5000;
	s13 =	simm.s32 $0x7D  }
0x6: {  	s15 =	simm.s32 $0xE000;
	s16 =	simm.s32 $0x1;
	s17 =	simm.s32 $0x2  }
0x7: {  	s20 =	simm.s32 $0x12000;
	s28 =	simm.s32 $0x4;
	s6 =	sand.u32 $0x1, s3  }
0x8: {  	s30 =	simm.s32 $0x5;
	s3 =	stileid.u32;
	s7 =	smul.u32 $0xA000, s6  }
0x9: {  	s31 =	simm.s32 $0x4F80;
	[smem:$0x7FF] =	sst s2;
	s10 =	smul.u32 $0x16000, s3  }
0xa: {  	s4 =	sadd.s32 $0x3800, s5;
	_ =	strace $0x80000050;
	s14 =	smul.u32 $0xA00, s6  }
0xb: {  	s9 =	ssub.s32 $0x2, s6;
	s18 =	smul.u32 $0xA00, s3;
	s25 =	sshll.u32 s3, $0x4  }
0xc: {  	s26 =	smul.u32 $0x14000, s3;
	s23 =	sshrl.u32 s9, $0x1;
	s22 =	sor.u32 $0xA00, s25  }
0xd: {  	s25 =	simm.s32 $0x3;
	s11 =	sadd.s32 s7, s5;
	s9 =	ssub.s32 s9, s23  }
0xe: {  	v0 =	vlaneseq.u32;
	s24 =	sshrl.u32 s10, $0x2;
	s7 =	sadd.s32 s0, s18;
	s8 =	sadd.s32 s8, s18  }
0xf: {  	s10 =	sshrl.u32 s26, $0x2;
	s0 =	simm.s32 $0x6;
	v0 =	vor.u32 s22, v0;
	s22 =	simm.s32 $0x9F80  }
0x10: {  	s5 =	sadd.s32 s24, s1;
	s29 =	sadd.s32 $0x2AA00, s11;
	s19 =	sadd.s32 s10, s1  }
0x11: {  	s9 =	smax.u32 s9, $0x1;
	s10 =	simm.s32 $0xA000;
	s11 =	simm.s32 $0x9  }
0x12: {  	s24 =	simm.s32 $0x16000;
	s6 =	sadd.s32 $0x2C00, s5;
	s21 =	sadd.s32 s18, s29  }
0x13: {  	v2 =	vimm.f32 $0.0e+00;
	vm0 =	vmmov $0x7;
	v1 =	vmov s14;
	s23 =	sshrl.u32 s19, $0x3;
	s18 =	simm.s32 $0x7;
	s19 =	simm.s32 $0x8  }
.LBB2_1:
0x14: {  	s14 =	simm.s32 $0x0;
	s26 =	simm.s32 $0x200  }
.LBB2_2:
0x15: {  	p0 =	sne.s32 s26, $0xAE00;
	[tilespmem:s14+$0xA070] =	vst v2  }
0x16: {  	[tilespmem:s14+$0xA000] =	vst v2  }
0x17: {  	[tilespmem:s14+$0xA010] =	vst v2  }
.Ltmp0:
0x18: {  	[tilespmem:s14+$0xA020] =	vst v2;
	(pc) =	sbr.rel @p0 .LBB2_2-.Ltmp0, $4  }
0x19: {  	[tilespmem:s14+$0xA030] =	vst v2  }
0x1a: {  	[tilespmem:s14+$0xA040] =	vst v2  }
0x1b: {  	[tilespmem:s14+$0xA050] =	vst v2  }
0x1c: {  	[tilespmem:s14+$0xA060] =	vst v2;
	s14 =	sshra.s32 s26, $0x2;
	s26 =	sadd.s32 $0x200, s26  }
0x1d: {  	[tilespmem:s14+$0xA070] =	vst v2  }
0x1e: {  	[tilespmem:s14+$0xA000] =	vst v2  }
0x1f: {  	[tilespmem:s14+$0xA010] =	vst v2  }
0x20: {  	[tilespmem:s14+$0xA020] =	vst v2  }
0x21: {  	[tilespmem:s14+$0xA030] =	vst v2  }
0x22: {  	[tilespmem:s14+$0xA040] =	vst v2  }
0x23: {  	[tilespmem:s14+$0xA050] =	vst v2  }
0x24: {  	[tilespmem:s14+$0xA060] =	vst v2  }
0x25: {  	[spmem:s5] =	stream.linear.scatter [tilespmem:s10], [sflag:$0x9], $0x2C00, $0x38;
	[tilespmem:$0x1F800] =	vst v63  }
0x26: {  	_ =	swait.ge [sflag:s11], $0x2C00  }
0x27: {  	[sflag:s11] =	ssyncset.done $0x0  }
0x28: {  	[sflag:s11] =	ssyncadd.s32 $0xFFFFD400  }
0x29: {  	[spmem:s6] =	stream.linear.scatter [tilespmem:s10], [sflag:$0x9], $0x2C00, $0x38;
	[tilespmem:$0x1F800] =	vst v63  }
0x2a: {  	_ =	swait.ge [sflag:s11], $0x2C00  }
0x2b: {  	[sflag:s11] =	ssyncset.done $0x0  }
0x2c: {  	s26 =	simm.s32 $0x0;
	[sflag:s11] =	ssyncadd.s32 $0xFFFFD400  }
0x2d: {  	[tilespmem:s26], [sflag:$0x9] =	stream.linear.gather [hbm4b:s7+s26], $0x5000, $0x38;
	[tilespmem:$0x1F800] =	vst v63  }
0x2e: {  	_ =	swait.ge [sflag:s11], $0x5000  }
0x2f: {  	[sflag:s11] =	ssyncset.done $0x0  }
0x30: {  	[sflag:s11] =	ssyncadd.s32 $0xFFFFB000  }
0x31: {  	[tilespmem:s12], [sflag:$0x9] =	stream.linear.gather [hbm4b:s8+s26], $0x5000, $0x38;
	[tilespmem:$0x1F800] =	vst v63  }
0x32: {  	_ =	swait.ge [sflag:s11], $0x5000  }
0x33: {  	[sflag:s11] =	ssyncset.done $0x0  }
0x34: {  	s26 =	simm.s32 $0x0;
	[sflag:s11] =	ssyncadd.s32 $0xFFFFB000  }
0x35: {  	v3 =	vld [tilespmem:s26+$0x5060];
	_ =	sdelay $0x1  }
0x36: {  	v4 =	vld [tilespmem:s26+$0x5000];
	_ =	sdelay $0x1  }
0x37: {  	v5 =	vld [tilespmem:s26+$0x5010]  }
0x38: {  	v6 =	vld [tilespmem:s26+$0x5020];
	v3 =	vsub.s32 v3, v1  }
0x39: {  	v7 =	vld [tilespmem:s26+$0x5030];
	vm1 =	vlt.u32 v3, $0xA00  }
0x3a: {  	v8 =	vld [tilespmem:s26+$0x5040];
	v4 =	vsub.s32 v4, v1;
	v3 =	vsel vm1, v3, v0  }
0x3b: {  	v9 =	vld [tilespmem:s26+$0x5050];
	vm2 =	vlt.u32 v4, $0xA00;
	[tilespmem:s26+$0x5060] =	vst v3  }
0x3c: {  	v4 =	vsel vm2, v4, v0;
	v3 =	vld [tilespmem:s26+$0x506D]  }
0x3d: {  	[tilespmem:s26+$0x5000] =	vst v4;
	v4 =	vsub.s32 v5, v1  }
0x3e: {  	v62 =	vsub.s32 v7, v1;
	v5 =	vsub.s32 v6, v1;
	vm1 =	vlt.u32 v4, $0xA00  }
0x3f: {  	vm2 =	vlt.u32 v62, $0xA00;
	v4 =	vsel vm1, v4, v0;
	vm1 =	vlt.u32 v5, $0xA00  }
0x40: {  	v6 =	vsel vm2, v62, v0;
	[tilespmem:s26+$0x5010] =	vst v4;
	v4 =	vsel vm1, v5, v0;
	v5 =	vsub.s32 v8, v1  }
0x41: {  	[tilespmem:s26+$0x5020] =	vst v4;
	vm1 =	vlt.u32 v5, $0xA00;
	v4 =	vsub.s32 v9, v1;
	v63 =	vsub.s32 v3, v1  }
0x42: {  	[tilespmem:s26+$0x5030] =	vst v6;
	v5 =	vsel vm1, v5, v0;
	vm1 =	vlt.u32 v4, $0xA00;
	vm2 =	vlt.u32 v63, $0xA00  }
0x43: {  	[tilespmem:s26+$0x5040] =	vst v5;
	v4 =	vsel vm1, v4, v0;
	v5 =	vsel vm2, v63, v0  }
0x44: {  	s29 =	simm.s32 $0x200;
	s14 =	simm.s32 $0x400;
	[tilespmem:s26+$0x5050] =	vst v4;
	v3 =	vsel vm0, v3, v5  }
.LBB2_4:
0x45: {  	p0 =	sne.s32 s14, $0x13E00  }
0x46: {  	[tilespmem:s26+$0x506D] =	vst v3;
	s26 =	sshra.s32 s29, $0x2;
	s29 =	smov.u32 s14;
	s14 =	sadd.s32 $0x200, s14  }
0x47: {  	v3 =	vld [tilespmem:s26+$0x5060]  }
0x48: {  	v4 =	vld [tilespmem:s26+$0x5000]  }
0x49: {  	v5 =	vld [tilespmem:s26+$0x5010]  }
0x4a: {  	v6 =	vld [tilespmem:s26+$0x5020]  }
0x4b: {  	v7 =	vld [tilespmem:s26+$0x5030]  }
0x4c: {  	v8 =	vld [tilespmem:s26+$0x5040];
	v3 =	vsub.s32 v3, v1  }
0x4d: {  	v4 =	vsub.s32 v4, v1;
	v9 =	vld [tilespmem:s26+$0x5050];
	vm1 =	vlt.u32 v3, $0xA00  }
0x4e: {  	vm2 =	vlt.u32 v4, $0xA00;
	v5 =	vsub.s32 v5, v1;
	v3 =	vsel vm1, v3, v0  }
0x4f: {  	v4 =	vsel vm2, v4, v0;
	vm1 =	vlt.u32 v5, $0xA00;
	v6 =	vsub.s32 v6, v1;
	[tilespmem:s26+$0x5060] =	vst v3  }
0x50: {  	[tilespmem:s26+$0x5000] =	vst v4;
	v3 =	vsel vm1, v5, v0;
	vm1 =	vlt.u32 v6, $0xA00;
	v4 =	vsub.s32 v7, v1;
	v5 =	vld [tilespmem:s26+$0x506D]  }
0x51: {  	[tilespmem:s26+$0x5010] =	vst v3;
	v3 =	vsel vm1, v6, v0;
	vm1 =	vlt.u32 v4, $0xA00;
	v6 =	vsub.s32 v8, v1  }
0x52: {  	[tilespmem:s26+$0x5020] =	vst v3;
	v3 =	vsel vm1, v4, v0;
	vm1 =	vlt.u32 v6, $0xA00;
	v4 =	vsub.s32 v9, v1  }
0x53: {  	[tilespmem:s26+$0x5030] =	vst v3;
	v3 =	vsel vm1, v6, v0;
	vm1 =	vlt.u32 v4, $0xA00  }
.Ltmp1:
0x54: {  	[tilespmem:s26+$0x5040] =	vst v3;
	v3 =	vsel vm1, v4, v0;
	(pc) =	sbr.rel @p0 .LBB2_4-.Ltmp1, $4  }
0x55: {  	[tilespmem:s26+$0x5050] =	vst v3;
	v3 =	vsub.s32 v5, v1  }
0x56: {  	vm1 =	vlt.u32 v3, $0xA00  }
0x57: {  	v3 =	vsel vm1, v3, v0  }
0x58: {  	v3 =	vsel vm0, v5, v3  }
0x59: {  	s14 =	sshra.s32 s29, $0x2;
	[tilespmem:s26+$0x506D] =	vst v3  }
0x5a: {  	v3 =	vld [tilespmem:s14+$0x5060];
	_ =	sdelay $0x2  }
0x5b: {  	v4 =	vld [tilespmem:s14+$0x5000]  }
0x5c: {  	v7 =	vld [tilespmem:s14+$0x5030]  }
0x5d: {  	v5 =	vld [tilespmem:s14+$0x5010];
	v3 =	vsub.s32 v3, v1  }
0x5e: {  	v6 =	vld [tilespmem:s14+$0x5020];
	vm1 =	vlt.u32 v3, $0xA00  }
0x5f: {  	v8 =	vld [tilespmem:s14+$0x5040];
	v3 =	vsel vm1, v3, v0  }
0x60: {  	v9 =	vld [tilespmem:s14+$0x5050];
	[tilespmem:s14+$0x5060] =	vst v3  }
0x61: {  	v7 =	vsub.s32 v7, v1;
	v3 =	vld [tilespmem:s14+$0x506D]  }
0x62: {  	v4 =	vsub.s32 v4, v1;
	v5 =	vsub.s32 v5, v1;
	vm2 =	vlt.u32 v7, $0xA00  }
0x63: {  	v6 =	vsub.s32 v6, v1;
	vm1 =	vlt.u32 v4, $0xA00;
	v60 =	vsel vm2, v7, v0  }
0x64: {  	v59 =	vsub.s32 v8, v1;
	v4 =	vsel vm1, v4, v0;
	vm1 =	vlt.u32 v5, $0xA00;
	[tilespmem:s14+$0x5030] =	vst v60  }
0x65: {  	v61 =	vsub.s32 v9, v1;
	[tilespmem:s14+$0x5000] =	vst v4;
	v57 =	vsel vm1, v5, v0;
	vm1 =	vlt.u32 v6, $0xA00  }
0x66: {  	[tilespmem:s14+$0x5010] =	vst v57;
	v58 =	vsel vm1, v6, v0;
	vm1 =	vlt.u32 v59, $0xA00;
	v62 =	vsub.s32 v3, v1  }
0x67: {  	[tilespmem:s14+$0x5020] =	vst v58;
	v5 =	vsel vm1, v59, v0;
	vm1 =	vlt.u32 v61, $0xA00;
	vm2 =	vlt.u32 v62, $0xA00  }
0x68: {  	[tilespmem:s14+$0x5040] =	vst v5;
	v4 =	vsel vm1, v61, v0;
	v63 =	vsel vm2, v62, v0  }
0x69: {  	[tilespmem:s14+$0x5050] =	vst v4;
	v3 =	vsel vm0, v3, v63  }
0x6a: {  	[tilespmem:s14+$0x506D] =	vst v3  }
0x6b: {  	s26 =	simm.s32 $0x0;
	[bflag:$0x0] =	sbarrier.arrive $0xFFFF  }
0x6c: {  	[tilespmem:s10], [sflag:$0x1] =	stream.indirect.gather [hbm4b:s4+s13], $0x80, s26, s13, $0xb8;
	[tilespmem:$0x1F800] =	vst v63  }
0x6d: {  	s29 =	simm.s32 $0x80  }
0x6e: {  	[tilespmem:s15], [sflag:$0x2] =	stream.indirect.gather [hbm4b:s4+s13], $0x80, s29, s13, $0xb8;
	[tilespmem:$0x1F800] =	vst v63  }
0x6f: {  	_ =	swait.ge [sflag:s16], $0x3E80  }
0x70: {  	[sflag:s16] =	ssyncset.done $0x0  }
0x71: {  	[sflag:s16] =	ssyncadd.s32 $0xFFFFC180  }
0x72: {  	[spmem:s1] =	stream.indirect.scatter.add.f32 [tilespmem:s10], [sflag:$0x5], $0x80, s12, s13, $0xb8;
	[tilespmem:$0x1F800] =	vst v63  }
0x73: {  	_ =	swait.ge [sflag:s17], $0x3E80  }
0x74: {  	[sflag:s17] =	ssyncset.done $0x0  }
0x75: {  	s26 =	simm.s32 $0x5080;
	[sflag:s17] =	ssyncadd.s32 $0xFFFFC180  }
0x76: {  	[spmem:s1] =	stream.indirect.scatter.add.f32 [tilespmem:s15], [sflag:$0x6], $0x80, s26, s13, $0xb8;
	[tilespmem:$0x1F800] =	vst v63  }
0x77: {  	s29 =	simm.s32 $0x100  }
0x78: {  	[tilespmem:s20], [sflag:$0x3] =	stream.indirect.gather [hbm4b:s4+s13], $0x80, s29, s13, $0xb8;
	[tilespmem:$0x1F800] =	vst v63  }
0x79: {  	s26 =	simm.s32 $0x180  }
0x7a: {  	[tilespmem:s24], [sflag:$0x4] =	stream.indirect.gather [hbm4b:s4+s13], $0x80, s26, s13, $0xb8;
	[tilespmem:$0x1F800] =	vst v63  }
0x7b: {  	_ =	swait.ge [sflag:s25], $0x3E80  }
0x7c: {  	[sflag:s25] =	ssyncset.done $0x0  }
0x7d: {  	s29 =	simm.s32 $0x5100;
	[sflag:s25] =	ssyncadd.s32 $0xFFFFC180  }
0x7e: {  	[spmem:s1] =	stream.indirect.scatter.add.f32 [tilespmem:s20], [sflag:$0x7], $0x80, s29, s13, $0xb8;
	[tilespmem:$0x1F800] =	vst v63  }
0x7f: {  	_ =	swait.ge [sflag:s28], $0x3E80  }
0x80: {  	[sflag:s28] =	ssyncset.done $0x0  }
0x81: {  	s26 =	simm.s32 $0x5180;
	[sflag:s28] =	ssyncadd.s32 $0xFFFFC180  }
0x82: {  	[spmem:s1] =	stream.indirect.scatter.add.f32 [tilespmem:s24], [sflag:$0x8], $0x80, s26, s13, $0xb8;
	[tilespmem:$0x1F800] =	vst v63  }
0x83: {  	_ =	swait.ge [sflag:s30], $0x3E80  }
0x84: {  	[sflag:s30] =	ssyncset.done $0x0  }
0x85: {  	s29 =	simm.s32 $0x200;
	[sflag:s30] =	ssyncadd.s32 $0xFFFFC180  }
0x86: {  	[tilespmem:s10], [sflag:$0x1] =	stream.indirect.gather [hbm4b:s4+s13], $0x80, s29, s13, $0xb8;
	[tilespmem:$0x1F800] =	vst v63  }
0x87: {  	_ =	swait.ge [sflag:s0], $0x3E80  }
0x88: {  	[sflag:s0] =	ssyncset.done $0x0  }
0x89: {  	s26 =	simm.s32 $0x280;
	[sflag:s0] =	ssyncadd.s32 $0xFFFFC180  }
0x8a: {  	[tilespmem:s15], [sflag:$0x2] =	stream.indirect.gather [hbm4b:s4+s13], $0x80, s26, s13, $0xb8;
	[tilespmem:$0x1F800] =	vst v63  }
0x8b: {  	_ =	swait.ge [sflag:s16], $0x3E80  }
0x8c: {  	[sflag:s16] =	ssyncset.done $0x0  }
0x8d: {  	s29 =	simm.s32 $0x5200;
	[sflag:s16] =	ssyncadd.s32 $0xFFFFC180  }
0x8e: {  	[spmem:s1] =	stream.indirect.scatter.add.f32 [tilespmem:s10], [sflag:$0x5], $0x80, s29, s13, $0xb8;
	[tilespmem:$0x1F800] =	vst v63  }
0x8f: {  	_ =	swait.ge [sflag:s17], $0x3E80  }
0x90: {  	[sflag:s17] =	ssyncset.done $0x0  }
0x91: {  	s26 =	simm.s32 $0x5280;
	[sflag:s17] =	ssyncadd.s32 $0xFFFFC180  }
0x92: {  	[spmem:s1] =	stream.indirect.scatter.add.f32 [tilespmem:s15], [sflag:$0x6], $0x80, s26, s13, $0xb8;
	[tilespmem:$0x1F800] =	vst v63  }
0x93: {  	_ =	swait.ge [sflag:s18], $0x3E80  }
0x94: {  	[sflag:s18] =	ssyncset.done $0x0  }
0x95: {  	s29 =	simm.s32 $0x300;
	[sflag:s18] =	ssyncadd.s32 $0xFFFFC180  }
0x96: {  	[tilespmem:s20], [sflag:$0x3] =	stream.indirect.gather [hbm4b:s4+s13], $0x80, s29, s13, $0xb8;
	[tilespmem:$0x1F800] =	vst v63  }
0x97: {  	_ =	swait.ge [sflag:s19], $0x3E80  }
0x98: {  	[sflag:s19] =	ssyncset.done $0x0  }
0x99: {  	s26 =	simm.s32 $0x380;
	[sflag:s19] =	ssyncadd.s32 $0xFFFFC180  }
0x9a: {  	[tilespmem:s24], [sflag:$0x4] =	stream.indirect.gather [hbm4b:s4+s13], $0x80, s26, s13, $0xb8;
	[tilespmem:$0x1F800] =	vst v63  }
0x9b: {  	_ =	swait.ge [sflag:s25], $0x3E80  }
0x9c: {  	[sflag:s25] =	ssyncset.done $0x0  }
0x9d: {  	s29 =	simm.s32 $0x5300;
	[sflag:s25] =	ssyncadd.s32 $0xFFFFC180  }
0x9e: {  	[spmem:s1] =	stream.indirect.scatter.add.f32 [tilespmem:s20], [sflag:$0x7], $0x80, s29, s13, $0xb8;
	[tilespmem:$0x1F800] =	vst v63  }
0x9f: {  	_ =	swait.ge [sflag:s28], $0x3E80  }
0xa0: {  	[sflag:s28] =	ssyncset.done $0x0  }
0xa1: {  	s26 =	simm.s32 $0x5380;
	[sflag:s28] =	ssyncadd.s32 $0xFFFFC180  }
0xa2: {  	[spmem:s1] =	stream.indirect.scatter.add.f32 [tilespmem:s24], [sflag:$0x8], $0x80, s26, s13, $0xb8;
	[tilespmem:$0x1F800] =	vst v63  }
0xa3: {  	_ =	swait.ge [sflag:s30], $0x3E80  }
0xa4: {  	[sflag:s30] =	ssyncset.done $0x0  }
0xa5: {  	s29 =	simm.s32 $0x400;
	[sflag:s30] =	ssyncadd.s32 $0xFFFFC180  }
0xa6: {  	[tilespmem:s10], [sflag:$0x1] =	stream.indirect.gather [hbm4b:s4+s13], $0x80, s29, s13, $0xb8;
	[tilespmem:$0x1F800] =	vst v63  }
0xa7: {  	_ =	swait.ge [sflag:s0], $0x3E80  }
0xa8: {  	[sflag:s0] =	ssyncset.done $0x0  }
0xa9: {  	s14 =	simm.s32 $0x480;
	s26 =	simm.s32 $0x800;
	[sflag:s0] =	ssyncadd.s32 $0xFFFFC180  }
.LBB2_6:
0xaa: {  	[tilespmem:s15], [sflag:$0x2] =	stream.indirect.gather [hbm4b:s4+s13], $0x80, s14, s13, $0xb8;
	[tilespmem:$0x1F800] =	vst v63  }
0xab: {  	s14 =	smov.u32 s26  }
0xac: {  	p0 =	sne.s32 s26, $0x12800;
	s26 =	sadd.s32 $0x800, s26;
	_ =	swait.ge [sflag:s16], $0x3E80  }
0xad: {  	s14 =	sshra.s32 s14, $0x2;
	[sflag:s16] =	ssyncset.done $0x0  }
0xae: {  	s29 =	sadd.s32 $0x5200, s14;
	[sflag:s16] =	ssyncadd.s32 $0xFFFFC180  }
0xaf: {  	[spmem:s1] =	stream.indirect.scatter.add.f32 [tilespmem:s10], [sflag:$0x5], $0x80, s29, s13, $0xb8;
	[tilespmem:$0x1F800] =	vst v63  }
0xb0: {  	_ =	swait.ge [sflag:s17], $0x3E80  }
0xb1: {  	[sflag:s17] =	ssyncset.done $0x0  }
0xb2: {  	s29 =	sadd.s32 $0x5280, s14;
	[sflag:s17] =	ssyncadd.s32 $0xFFFFC180  }
0xb3: {  	[spmem:s1] =	stream.indirect.scatter.add.f32 [tilespmem:s15], [sflag:$0x6], $0x80, s29, s13, $0xb8;
	[tilespmem:$0x1F800] =	vst v63  }
0xb4: {  	_ =	swait.ge [sflag:s18], $0x3E80  }
0xb5: {  	[sflag:s18] =	ssyncset.done $0x0  }
0xb6: {  	s29 =	sadd.s32 $0x300, s14;
	[sflag:s18] =	ssyncadd.s32 $0xFFFFC180  }
0xb7: {  	[tilespmem:s20], [sflag:$0x3] =	stream.indirect.gather [hbm4b:s4+s13], $0x80, s29, s13, $0xb8;
	[tilespmem:$0x1F800] =	vst v63  }
0xb8: {  	_ =	swait.ge [sflag:s19], $0x3E80  }
0xb9: {  	[sflag:s19] =	ssyncset.done $0x0  }
0xba: {  	s29 =	sadd.s32 $0x380, s14;
	[sflag:s19] =	ssyncadd.s32 $0xFFFFC180  }
0xbb: {  	[tilespmem:s24], [sflag:$0x4] =	stream.indirect.gather [hbm4b:s4+s13], $0x80, s29, s13, $0xb8;
	[tilespmem:$0x1F800] =	vst v63  }
0xbc: {  	_ =	swait.ge [sflag:s25], $0x3E80  }
0xbd: {  	[sflag:s25] =	ssyncset.done $0x0  }
0xbe: {  	s29 =	sadd.s32 $0x5300, s14;
	[sflag:s25] =	ssyncadd.s32 $0xFFFFC180  }
0xbf: {  	[spmem:s1] =	stream.indirect.scatter.add.f32 [tilespmem:s20], [sflag:$0x7], $0x80, s29, s13, $0xb8;
	[tilespmem:$0x1F800] =	vst v63  }
0xc0: {  	_ =	swait.ge [sflag:s28], $0x3E80  }
0xc1: {  	[sflag:s28] =	ssyncset.done $0x0  }
0xc2: {  	s29 =	sadd.s32 $0x5380, s14;
	[sflag:s28] =	ssyncadd.s32 $0xFFFFC180  }
0xc3: {  	[spmem:s1] =	stream.indirect.scatter.add.f32 [tilespmem:s24], [sflag:$0x8], $0x80, s29, s13, $0xb8;
	[tilespmem:$0x1F800] =	vst v63  }
0xc4: {  	_ =	swait.ge [sflag:s30], $0x3E80  }
0xc5: {  	[sflag:s30] =	ssyncset.done $0x0  }
.Ltmp2:
0xc6: {  	s29 =	sadd.s32 $0x400, s14;
	[sflag:s30] =	ssyncadd.s32 $0xFFFFC180;
	(pc) =	sbr.rel @p0 .LBB2_6-.Ltmp2, $4  }
0xc7: {  	[tilespmem:s10], [sflag:$0x1] =	stream.indirect.gather [hbm4b:s4+s13], $0x80, s29, s13, $0xb8;
	[tilespmem:$0x1F800] =	vst v63  }
0xc8: {  	_ =	swait.ge [sflag:s0], $0x3E80  }
0xc9: {  	[sflag:s0] =	ssyncset.done $0x0  }
0xca: {  	s14 =	sadd.s32 $0x480, s14;
	[sflag:s0] =	ssyncadd.s32 $0xFFFFC180  }
0xcb: {  	[tilespmem:s15], [sflag:$0x2] =	stream.indirect.gather [hbm4b:s4+s13], $0x80, s14, s13, $0xb8;
	[tilespmem:$0x1F800] =	vst v63  }
0xcc: {  	_ =	swait.ge [sflag:s16], $0x3E80  }
0xcd: {  	[sflag:s16] =	ssyncset.done $0x0  }
0xce: {  	s29 =	simm.s32 $0x9E00;
	[sflag:s16] =	ssyncadd.s32 $0xFFFFC180  }
0xcf: {  	[spmem:s1] =	stream.indirect.scatter.add.f32 [tilespmem:s10], [sflag:$0x5], $0x80, s29, s13, $0xb8;
	[tilespmem:$0x1F800] =	vst v63  }
0xd0: {  	_ =	swait.ge [sflag:s17], $0x3E80  }
0xd1: {  	[sflag:s17] =	ssyncset.done $0x0  }
0xd2: {  	s26 =	simm.s32 $0x9E80;
	[sflag:s17] =	ssyncadd.s32 $0xFFFFC180  }
0xd3: {  	[spmem:s1] =	stream.indirect.scatter.add.f32 [tilespmem:s15], [sflag:$0x6], $0x80, s26, s13, $0xb8;
	[tilespmem:$0x1F800] =	vst v63  }
0xd4: {  	_ =	swait.ge [sflag:s18], $0x3E80  }
0xd5: {  	[sflag:s18] =	ssyncset.done $0x0  }
0xd6: {  	s29 =	simm.s32 $0x4F00;
	[sflag:s18] =	ssyncadd.s32 $0xFFFFC180  }
0xd7: {  	[tilespmem:s20], [sflag:$0x3] =	stream.indirect.gather [hbm4b:s4+s13], $0x80, s29, s13, $0xb8;
	[tilespmem:$0x1F800] =	vst v63  }
0xd8: {  	_ =	swait.ge [sflag:s19], $0x3E80  }
0xd9: {  	[sflag:s19] =	ssyncset.done $0x0  }
0xda: {  	[sflag:s19] =	ssyncadd.s32 $0xFFFFC180  }
0xdb: {  	[tilespmem:s24], [sflag:$0x4] =	stream.indirect.gather [hbm4b:s4+s13], $0x80, s31, s13, $0xb8;
	[tilespmem:$0x1F800] =	vst v63  }
0xdc: {  	_ =	swait.ge [sflag:s25], $0x3E80  }
0xdd: {  	[sflag:s25] =	ssyncset.done $0x0  }
0xde: {  	s26 =	simm.s32 $0x9F00;
	[sflag:s25] =	ssyncadd.s32 $0xFFFFC180  }
0xdf: {  	[spmem:s1] =	stream.indirect.scatter.add.f32 [tilespmem:s20], [sflag:$0x7], $0x80, s26, s13, $0xb8;
	[tilespmem:$0x1F800] =	vst v63  }
0xe0: {  	_ =	swait.ge [sflag:s28], $0x3E80  }
0xe1: {  	[sflag:s28] =	ssyncset.done $0x0  }
0xe2: {  	[sflag:s28] =	ssyncadd.s32 $0xFFFFC180  }
0xe3: {  	[spmem:s1] =	stream.indirect.scatter.add.f32 [tilespmem:s24], [sflag:$0x8], $0x80, s22, s13, $0xb8;
	[tilespmem:$0x1F800] =	vst v63  }
0xe4: {  	_ =	swait.ge [sflag:s30], $0x3E80  }
0xe5: {  	[sflag:s30] =	ssyncset.done $0x0  }
0xe6: {  	[sflag:s30] =	ssyncadd.s32 $0xFFFFC180  }
0xe7: {  	[tilespmem:s10], [sflag:$0x1] =	stream.indirect.gather [hbm4b:s4+s13], $0x80, s31, s13, $0xb8;
	[tilespmem:$0x1F800] =	vst v63  }
0xe8: {  	_ =	swait.ge [sflag:s0], $0x3E80  }
0xe9: {  	[sflag:s0] =	ssyncset.done $0x0  }
0xea: {  	[sflag:s0] =	ssyncadd.s32 $0xFFFFC180  }
0xeb: {  	[tilespmem:s15], [sflag:$0x2] =	stream.indirect.gather [hbm4b:s4+s13], $0x80, s31, s13, $0xb8;
	[tilespmem:$0x1F800] =	vst v63  }
0xec: {  	_ =	swait.ge [sflag:s16], $0x3E80  }
0xed: {  	[sflag:s16] =	ssyncset.done $0x0  }
0xee: {  	[sflag:s16] =	ssyncadd.s32 $0xFFFFC180  }
0xef: {  	_ =	swait.ge [sflag:s17], $0x3E80  }
0xf0: {  	[sflag:s17] =	ssyncset.done $0x0  }
0xf1: {  	[sflag:s17] =	ssyncadd.s32 $0xFFFFC180  }
0xf2: {  	_ =	swait.ge [sflag:s18], $0x3E80  }
0xf3: {  	[sflag:s18] =	ssyncset.done $0x0  }
0xf4: {  	[sflag:s18] =	ssyncadd.s32 $0xFFFFC180  }
0xf5: {  	_ =	swait.ge [sflag:s19], $0x3E80  }
0xf6: {  	s2 =	sadd.s32 $0x1, s2;
	[sflag:s19] =	ssyncset.done $0x0  }
0xf7: {  	p0 =	sne.s32 s2, s9;
	s29 =	sshll.u32 s3, $0x6;
	[sflag:s19] =	ssyncadd.s32 $0xFFFFC180  }
.Ltmp3:
0xf8: {  	s14 =	sor.u32 $0x1C09, s29;
	[bflag:$0x0] =	sbarrier.arrive $0xFFFF;
	(pc) =	sbr.rel @p0 .LBB2_1-.Ltmp3, $4  }
0xf9: {  	[hbm:s21], [sflag:s14] =	dma.local [spmem:s23], $0xA00  }
0xfa: {  	_ =	swait.ge [sflag:s11], $0xA00  }
0xfb: {  	[sflag:s11] =	ssyncset.done $0x0  }
0xfc: {  	[sflag:s11] =	ssyncadd.s32 $0xFFFFF600  }
0xfd: {  	_ =	sfence.sel $0x180000  }
0xfe: {  	[bflag:$0x0] =	sbarrier.arrive $0xFFFF  }
0xff: {  	_ =	strace $0x90000050  }
0x100: {  	[bflag:$0x2] =	sbarrier.arrive $0xFFFF  }
0x101: {  	p0 =	sne.s32 s3, $0x0;
	s0 =	rddreg [dreg:$0x4]  }
0x102: {  	s0 =	sadd.s32 @!p0 $0x100000, s0  }
0x103: {  	[sflag:s0] =	ssyncadd.tile.s32 @!p0 $0x1;
	_ =	shalt  }
.Lfunc_end2:
_tile_overlayer_lowered:
.L_overlay_start_2:
0x104: {  	(tag) =	ssettag $0x2  }
0x105: {  	s0 =	rddreg [dreg:$0x0];
	s2 =	stileid.u32  }
0x106: {  	s1 =	rddreg [dreg:$0x1];
	p0 =	sne.s32 s2, $0x0  }
0x107: {  	s3 =	rddreg [dreg:$0x2];
	[bflag:$0x3] =	sbarrier.arrive $0xFFFF;
	s2 =	simm.s32 @!p0 $0x1C09  }
0x108: {  	[timem:s3], [sflag:s2] =	dma.local @!p0 [hbm:s0], s1  }
0x109: {  	s0 =	simm.s32 @!p0 $0x9  }
0x10a: {  	_ =	swait.ge @!p0 [sflag:s0], s1  }
0x10b: {  	s1 =	ssub.s32 @!p0 $0x0, s1;
	[sflag:s0] =	ssyncset.done @!p0 $0x0  }
0x10c: {  	[sflag:s0] =	ssyncadd.s32 @!p0 s1  }
0x10d: {  	[bflag:$0x3] =	sbarrier.arrive $0xFFFF  }
0x10e: {  	_ =	shalt  }

// kernel: kernel.22.cloned.1.call-start
scs
__scs_entry_jumppad:
0x0: {  	(pc) =	sbr.rel $0x88, $3  }
0x1: {  	(tag) =	ssettag $0x0;
	lr =	simm.s32 $0x1  }
0x2: {  	[smem:$0x3F99] =	sst lr;
	_ =	strace $0xD0000000  }
0x3: {  	_ = 	snop  }
0x4: {  	_ = 	snop  }
0x5: {  	_ = 	snop  }
0x6: {  	_ = 	snop  }
0x7: {  	_ = 	snop  }
__scs_overlays_trampoline_lowered:
0x8: {  	[smem:$0x3FA8] =	sst s0  }
0x9: {  	[smem:$0x3FA9] =	sst s1  }
0xa: {  	[smem:$0x3FAA] =	sst s2  }
0xb: {  	[smem:$0x3FAB] =	sst s3  }
0xc: {  	[smem:$0x3FAC] =	sst s4  }
0xd: {  	[smem:$0x3FAD] =	sst s5  }
0xe: {  	[smem:$0x3FAE] =	sst s6  }
0xf: {  	[smem:$0x3FAF] =	sst s7  }
0x10: {  	[smem:$0x3FB0] =	sst s8  }
0x11: {  	[smem:$0x3FB1] =	sst s9;
	s0 =	simm.s32 @!p0 $0x0  }
0x12: {  	s1 =	sld [smem:$0x3F97];
	s0 =	simm.s32 @p0 $0x1  }
0x13: {  	[smem:$0x3FB2] =	sst s0;
	s0 =	simm.s32 @!p1 $0x0  }
0x14: {  	s2 =	sld [smem:$0x3F96];
	s0 =	simm.s32 @p1 $0x1  }
0x15: {  	[smem:$0x3FB3] =	sst s0;
	s0 =	simm.s32 @!p2 $0x0  }
0x16: {  	s3 =	sld [smem:$0x3FDB];
	s0 =	simm.s32 @p2 $0x1  }
0x17: {  	s4 =	simm.s32 $0x1BF5;
	[smem:$0x3FB5] =	sst s0  }
0x18: {  	s0 =	sld [smem:$0x3F98];
	_ =	swait.ge [sflag:s4], $0x0  }
0x19: {  	s7 =	sld [smem:$0x3F99]  }
0x1a: {  	s8 =	sadd.s32 $0xFFFFE003, lr  }
0x1b: {  	s9 =	sadd.s32 $0xFFFFFEF7, lr;
	s5 =	simm.s32 $0xFFFFFFFF;
	p2 =	slt.u32 s8, $0xFFFFF086  }
0x1c: {  	p1 =	slt.u32 s9, $0xF7A;
	s5 =	simm.s32 @!p2 $0x0  }
0x1d: {  	s5 =	simm.s32 @p1 $0x1;
	p0 =	seq.s32 s7, s2  }
0x1e: {  	s7 =	smul.u32 @!p0 $0xF7A, s2;
	p2 =	seq.s32 @!p0 s5, $0x0  }
0x1f: {  	s9 =	smul.u32 $0xF7A, s1;
	s8 =	simm.s32 @!p0 $0x1BF5;
	p2 =	por !p2, p0  }
0x20: {  	[sflag:s8] =	ssyncset.s32 @!p0 $0xFFFFF086;
	s6 =	sadd.s32 @!p0 s3, s7;
	s7 =	simm.s32 @!p0 $0x108  }
0x21: {  	s3 =	sadd.s32 s3, s9;
	s6 =	sadd.s32 @!p0 $0x88, s6;
	s7 =	simm.s32 @p2 $0x1082  }
0x22: {  	[simem:s7], [sflag:s8] =	dma.local @!p0 [hbm:s6], $0xF7A  }
0x23: {  	s9 =	sor.u32 $0xD0000000, s2;
	s6 =	simm.s32 $0x108;
	_ =	swait.ge @!p0 [sflag:s8], $0x0  }
0x24: {  	s3 =	sadd.s32 $0x88, s3;
	s6 =	simm.s32 @!p1 $0x1082;
	[sflag:s4] =	ssyncset.s32 $0xFFFFF086  }
0x25: {  	[simem:s6], [sflag:s4] =	dma.local [hbm:s3], $0xF7A  }
0x26: {  	[smem:$0x3F99] =	sst s1;
	(tag) =	ssettag s2;
	_ =	strace s9  }
0x27: {  	s1 =	sld [smem:$0x3FA9]  }
0x28: {  	s2 =	sld [smem:$0x3FAA]  }
0x29: {  	s4 =	sld [smem:$0x3FAC]  }
0x2a: {  	p0 =	seq.s32 s5, $0x0;
	s5 =	sld [smem:$0x3FAD]  }
0x2b: {  	s6 =	sld [smem:$0x3FAE]  }
0x2c: {  	s7 =	sld [smem:$0x3FAF]  }
0x2d: {  	s3 =	simm.s32 $0x108;
	s8 =	sld [smem:$0x3FB0]  }
0x2e: {  	s3 =	simm.s32 @!p0 $0x1082;
	s9 =	sld [smem:$0x3FB1]  }
0x2f: {  	lr =	sadd.s32 s0, s3;
	s0 =	sld [smem:$0x3FA8]  }
0x30: {  	s3 =	sld [smem:$0x3FAB]  }
0x31: {  	[smem:$0x3FB4] =	sst s10  }
0x32: {  	s10 =	sld [smem:$0x3FB2];
	_ =	sdelay $0x3  }
0x33: {  	p0 =	seq.s32 s10, $0x1;
	s10 =	sld [smem:$0x3FB4];
	_ =	sdelay $0x3  }
0x34: {  	[smem:$0x3FB4] =	sst s10  }
0x35: {  	s10 =	sld [smem:$0x3FB3];
	_ =	sdelay $0x3  }
0x36: {  	p1 =	seq.s32 s10, $0x1;
	s10 =	sld [smem:$0x3FB4];
	_ =	sdelay $0x3  }
0x37: {  	[smem:$0x3FB4] =	sst s10  }
0x38: {  	s10 =	sld [smem:$0x3FB5]  }
0x39: {  	_ = 	snop;
	(pc) =	sbr.ind lr, $3  }
0x3a: {  	_ = 	snop  }
0x3b: {  	_ = 	snop  }
0x3c: {  	p2 =	seq.s32 s10, $0x1;
	s10 =	sld [smem:$0x3FB4]  }
0x3d: {  	_ =	shalt  }
0x3e: {  	_ =	shalt  }
0x3f: {  	_ =	shalt  }
0x40: {  	_ =	shalt  }
0x41: {  	_ =	shalt  }
0x42: {  	_ =	shalt  }
0x43: {  	_ =	shalt  }
0x44: {  	_ =	shalt  }
0x45: {  	_ =	shalt  }
0x46: {  	_ =	shalt  }
0x47: {  	_ =	shalt  }
0x48: {  	_ =	shalt  }
0x49: {  	_ =	shalt  }
0x4a: {  	_ =	shalt  }
0x4b: {  	_ =	shalt  }
0x4c: {  	_ =	shalt  }
0x4d: {  	_ =	shalt  }
0x4e: {  	_ =	shalt  }
0x4f: {  	_ =	shalt  }
0x50: {  	_ =	shalt  }
0x51: {  	_ =	shalt  }
0x52: {  	_ =	shalt  }
0x53: {  	_ =	shalt  }
0x54: {  	_ =	shalt  }
0x55: {  	_ =	shalt  }
0x56: {  	_ =	shalt  }
0x57: {  	_ =	shalt  }
0x58: {  	_ =	shalt  }
0x59: {  	_ =	shalt  }
0x5a: {  	_ =	shalt  }
0x5b: {  	_ =	shalt  }
0x5c: {  	_ =	shalt  }
0x5d: {  	_ =	shalt  }
0x5e: {  	_ =	shalt  }
0x5f: {  	_ =	shalt  }
0x60: {  	_ =	shalt  }
0x61: {  	_ =	shalt  }
0x62: {  	_ =	shalt  }
0x63: {  	_ =	shalt  }
0x64: {  	_ =	shalt  }
0x65: {  	_ =	shalt  }
0x66: {  	_ =	shalt  }
0x67: {  	_ =	shalt  }
0x68: {  	_ =	shalt  }
0x69: {  	_ =	shalt  }
0x6a: {  	_ =	shalt  }
0x6b: {  	_ =	shalt  }
0x6c: {  	_ =	shalt  }
0x6d: {  	_ =	shalt  }
0x6e: {  	_ =	shalt  }
0x6f: {  	_ =	shalt  }
0x70: {  	_ =	shalt  }
0x71: {  	_ =	shalt  }
0x72: {  	_ =	shalt  }
0x73: {  	_ =	shalt  }
0x74: {  	_ =	shalt  }
0x75: {  	_ =	shalt  }
0x76: {  	_ =	shalt  }
0x77: {  	_ =	shalt  }
0x78: {  	_ =	shalt  }
0x79: {  	_ =	shalt  }
0x7a: {  	_ =	shalt  }
0x7b: {  	_ =	shalt  }
0x7c: {  	_ =	shalt  }
0x7d: {  	_ =	shalt  }
0x7e: {  	_ =	shalt  }
0x7f: {  	_ =	shalt  }
0x80: {  	_ =	shalt  }
0x81: {  	_ =	shalt  }
0x82: {  	_ =	shalt  }
0x83: {  	_ =	shalt  }
0x84: {  	_ =	shalt  }
0x85: {  	_ =	shalt  }
0x86: {  	_ =	shalt  }
0x87: {  	_ =	shalt  }
.Lfunc_end0:
.L_simem_size_0:
called_computation.4_lowered:
.L_overlay_start_0:
0x88: {  	s2 =	sld [smem:$0x3FD9]  }
0x89: {  	s3 =	sld [smem:$0x3FFE];
	_ =	sdelay $0x1  }
0x8a: {  	s1 =	srdreg.scid  }
0x8b: {  	s0 =	sand.u32 $0x1, s1  }
0x8c: {  	s15 =	sshll.u32 s0, $0xA;
	s2 =	sadd.s32 s3, s2  }
0x8d: {  	s2 =	sadd.s32 s2, s15  }
0x8e: {  	[smem:$0x3FC0] =	sst s2  }
0x8f: {  	_ = 	snop  }
0x90: {  	s2 =	sld [smem:$0x3FD0];
	_ =	sdelay $0x2  }
0x91: {  	s4 =	simm.s32 $0xB;
	s16 =	simm.s32 $0x10  }
0x92: {  	[smem:s16], [sflag:s4] =	dma.local [hbm:s2], $0x1  }
0x93: {  	_ =	swait.eq [sflag:s4], $0x1  }
0x94: {  	[sflag:s4] =	ssyncset.done $0x0  }
0x95: {  	s17 =	sld [smem:$0x10];
	[sflag:s4] =	ssyncadd.s32 $0xFFFFFFFF  }
0x96: {  	s18 =	sld [smem:$0x11];
	(tm) =	ssettm $0x1  }
0x97: {  	s19 =	sld [smem:$0x3FFB];
	_ =	sdelay $0x3  }
0x98: {  	_ =	strace s19  }
0x99: {  	s2 =	sld [smem:$0x3FFC];
	_ =	sdelay $0x3  }
0x9a: {  	_ =	strace s2  }
0x9b: {  	s2 =	sld [smem:$0x3FFD];
	_ =	sdelay $0x3  }
0x9c: {  	_ =	strace s2  }
0x9d: {  	_ =	strace $0x8FFFFFFF  }
0x9e: {  	s20 =	sld [smem:$0x3FDB];
	_ =	sdelay $0x1  }
0x9f: {  	s5 =	simm.s32 $_scs_section_size  }
0xa0: {  	s6 =	simm.s32 $_size__tile_overlayer_lowered;
	s7 =	simm.s32 $_tile_overlayer_lowered  }
0xa1: {  	s8 =	simm.s32 $0x1BFF;
	s21 =	sshll.u32 s7, $0x1;
	s5 =	sadd.s32 s5, s20  }
0xa2: {  	s22 =	simm.s32 $0x0;
	s6 =	sshll.u32 s6, $0x1;
	s7 =	sadd.s32 s21, s5  }
0xa3: {  	[timem:s22], [sflag:s8] =	dma.local [hbm:s7], s6  }
0xa4: {  	_ =	swait.ge [sflag:s8], s6  }
0xa5: {  	s6 =	ssub.s32 $0x0, s6;
	[sflag:s8] =	ssyncset.done $0x0  }
0xa6: {  	[sflag:s8] =	ssyncadd.s32 s6;
	_ =	sdelay $0x1  }
0xa7: {  	s23 =	simm.s32 $0x1B8B  }
0xa8: {  	_ =	swait.ge [sflag:s23], $0x1  }
0xa9: {  	[sflag:s23] =	ssyncset.done $0x0  }
0xaa: {  	[sflag:s23] =	ssyncadd.s32 $0xFFFFFFFF  }
0xab: {  	s6 =	sld [smem:$0x0]  }
0xac: {  	s7 =	sand.u32 $0xFFFFFFFE, s1  }
0xad: {  	p0 =	sne.s32 s1, s7  }
0xae: {  	s7 =	sshll.u32 @p0 s7, $0xE  }
0xaf: {  	s7 =	sadd.s32 @p0 $0x11B8D, s7;
	s8 =	sshll.u32 @p0 s6, $0x11  }
0xb0: {  	s7 =	sor.u32 @p0 s8, s7  }
0xb1: {  	[sflag:s7] =	ssyncadd.remote.s32 @p0 $0x1;
	_ =	sdelay $0x1  }
0xb2: {  	s7 =	simm.s32 @p0 $0x1B8D  }
0xb3: {  	_ =	swait.eq @p0 [sflag:s7], $0x1  }
0xb4: {  	[sflag:s7] =	ssyncadd.s32 @p0 $0xFFFFFFFF  }
0xb5: {  	s8 =	sshll.u32 @!p0 s1, $0xE  }
0xb6: {  	s8 =	sor.u32 @!p0 $0x4000, s8;
	s7 =	simm.s32 @!p0 $0x1B8D  }
0xb7: {  	s6 =	sshll.u32 @!p0 s6, $0x11;
	s8 =	sadd.s32 @!p0 $0x11B8D, s8;
	_ =	swait.eq @!p0 [sflag:s7], $0x1  }
0xb8: {  	s6 =	sor.u32 @!p0 s6, s8;
	[sflag:s7] =	ssyncadd.s32 @!p0 $0xFFFFFFFF  }
0xb9: {  	s25 =	simm.s32 $0x1B8E;
	s24 =	sld [smem:$0x3FFE];
	[sflag:s6] =	ssyncadd.remote.s32 @!p0 $0x1  }
0xba: {  	s26 =	simm.s32 $execute0_lowered;
	[smem:$0x3FD2] =	sst s25  }
0xbb: {  	s7 =	sshll.u32 s26, $0x1;
	_ =	strace $0x80000052;
	[dreg:$0x1] =	wrdreg $0xFFFFFFFF  }
0xbc: {  	s28 =	simm.s32 $_size_execute0_lowered;
	s5 =	sadd.s32 s5, s7;
	[dreg:$0x0] =	wrdreg $0x0  }
0xbd: {  	s7 =	sshll.u32 s28, $0x1;
	[dreg:$0x2] =	wrdreg s5  }
0xbe: {  	[dreg:$0x3] =	wrdreg s7  }
0xbf: {  	[dreg:$0x4] =	wrdreg $0xC0  }
0xc0: {  	_ =	task [dreg:s22], $0x5FFFF  }
0xc1: {  	[dreg:$0x1] =	wrdreg $0xFFFFFFFF  }
0xc2: {  	[dreg:$0x0] =	wrdreg $0x60  }
0xc3: {  	[dreg:$0x2] =	wrdreg s17  }
0xc4: {  	[dreg:$0x3] =	wrdreg s18  }
0xc5: {  	[dreg:$0x4] =	wrdreg s24  }
0xc6: {  	[dreg:$0x5] =	wrdreg $0x1A0000  }
0xc7: {  	[dreg:$0x6] =	wrdreg $0xA  }
0xc8: {  	_ =	task.clear_ibuf [dreg:s22], $0x7FFFF;
	_ =	strace $0x90000052  }
0xc9: {  	s29 =	simm.s32 $0xA;
	_ =	strace $0x80000054  }
0xca: {  	_ =	swait.ge [sflag:s29], $0x1  }
0xcb: {  	[sflag:s29] =	ssyncadd.s32 $0xFFFFFFFF  }
0xcc: {  	_ =	strace $0x90000054  }
0xcd: {  	_ =	sfence  }
0xce: {  	s30 =	sld [smem:$0x0];
	_ =	sdelay $0x2  }
0xcf: {  	s31 =	sshll.u32 s1, $0xD;
	s1 =	sshrl.u32 s1, $0x2  }
0xd0: {  	s4 =	sand.u32 $0x4000, s31;
	s1 =	sadd.s32 s1, s30  }
0xd1: {  	s0 =	sor.u32 s4, s0;
	s1 =	sshll.u32 s1, $0x11  }
0xd2: {  	s0 =	sor.u32 s1, s0  }
0xd3: {  	s0 =	sadd.s32 $0x8F2B, s0  }
0xd4: {  	[sflag:s0] =	ssyncadd.remote.s32 $0x1  }
0xd5: {  	_ =	sfence.sel $0xFFFF  }
0xd6: {  	[dreg:$0x0] =	wrdreg $0xFFFFFFFF;
	(pc) =	sbr.abs _section_cstart, $3  }
0xd7: {  	[dreg:$0x1] =	wrdreg $0xFFFFFFFF  }
0xd8: {  	_ =	task.clear_ibuf [dreg:s22], $0x2FFFF;
	_ =	strace $0x9FFFFFFF  }
0xd9: {  	(tm) =	ssettm $0x7FFFFFFF  }
tec
execute0_lowered:
.L_overlay_start_1:
0x0: {  	(tag) =	ssettag $0x1  }
0x1: {  	s0 =	rddreg [dreg:$0x0]  }
0x2: {  	s8 =	rddreg [dreg:$0x1]  }
0x3: {  	s5 =	rddreg [dreg:$0x2]  }
0x4: {  	s1 =	rddreg [dreg:$0x3];
	s2 =	srdreg.scid;
	s3 =	simm.s32 $0x0  }
0x5: {  	s13 =	simm.s32 $0x7D;
	s15 =	simm.s32 $0xE000;
	s16 =	simm.s32 $0x1  }
0x6: {  	s17 =	simm.s32 $0x2;
	s20 =	simm.s32 $0x12000;
	s4 =	sand.u32 $0x1, s2  }
0x7: {  	s28 =	simm.s32 $0x4;
	s30 =	simm.s32 $0x5;
	s6 =	smul.u32 $0xA000, s4  }
0x8: {  	s31 =	simm.s32 $0x4F80;
	s2 =	stileid.u32;
	s9 =	smul.u32 $0xA00, s4  }
0x9: {  	[smem:$0x7FF] =	sst s3;
	s7 =	ssub.s32 $0x2, s4;
	s11 =	smul.u32 $0x16000, s2  }
0xa: {  	_ =	strace $0x80000053;
	s4 =	sadd.s32 $0x3800, s5;
	s18 =	smul.u32 $0xA00, s2  }
0xb: {  	s25 =	sshll.u32 s2, $0x4;
	s26 =	smul.u32 $0x14000, s2;
	s10 =	sshrl.u32 s7, $0x1  }
0xc: {  	s22 =	sor.u32 $0xA00, s25;
	s25 =	simm.s32 $0x3;
	s12 =	sadd.s32 s6, s5  }
0xd: {  	s10 =	ssub.s32 s7, s10;
	s14 =	sadd.s32 $0x1400, s9;
	s24 =	sshrl.u32 s11, $0x2  }
0xe: {  	v0 =	vlaneseq.u32;
	s7 =	sadd.s32 s0, s18;
	s8 =	sadd.s32 s8, s18;
	s9 =	sshrl.u32 s26, $0x2  }
0xf: {  	s11 =	simm.s32 $0x9;
	s0 =	simm.s32 $0x6;
	v0 =	vor.u32 s22, v0;
	s22 =	simm.s32 $0x9F80  }
0x10: {  	s5 =	sadd.s32 s24, s1;
	s29 =	sadd.s32 $0x3EA00, s12;
	s19 =	sadd.s32 s9, s1  }
0x11: {  	s9 =	smax.u32 s10, $0x1;
	s10 =	simm.s32 $0xA000;
	s12 =	simm.s32 $0x5000  }
0x12: {  	s24 =	simm.s32 $0x16000;
	s6 =	sadd.s32 $0x2C00, s5;
	s21 =	sadd.s32 s18, s29  }
0x13: {  	v2 =	vimm.f32 $0.0e+00;
	vm0 =	vmmov $0x7;
	v1 =	vmov s14;
	s23 =	sshrl.u32 s19, $0x3;
	s18 =	simm.s32 $0x7;
	s19 =	simm.s32 $0x8  }
.LBB2_1:
0x14: {  	s14 =	simm.s32 $0x0;
	s26 =	simm.s32 $0x200  }
.LBB2_2:
0x15: {  	p0 =	sne.s32 s26, $0xAE00;
	[tilespmem:s14+$0xA070] =	vst v2  }
0x16: {  	[tilespmem:s14+$0xA000] =	vst v2  }
0x17: {  	[tilespmem:s14+$0xA010] =	vst v2  }
.Ltmp0:
0x18: {  	[tilespmem:s14+$0xA020] =	vst v2;
	(pc) =	sbr.rel @p0 .LBB2_2-.Ltmp0, $4  }
0x19: {  	[tilespmem:s14+$0xA030] =	vst v2  }
0x1a: {  	[tilespmem:s14+$0xA040] =	vst v2  }
0x1b: {  	[tilespmem:s14+$0xA050] =	vst v2  }
0x1c: {  	[tilespmem:s14+$0xA060] =	vst v2;
	s14 =	sshra.s32 s26, $0x2;
	s26 =	sadd.s32 $0x200, s26  }
0x1d: {  	[tilespmem:s14+$0xA070] =	vst v2  }
0x1e: {  	[tilespmem:s14+$0xA000] =	vst v2  }
0x1f: {  	[tilespmem:s14+$0xA010] =	vst v2  }
0x20: {  	[tilespmem:s14+$0xA020] =	vst v2  }
0x21: {  	[tilespmem:s14+$0xA030] =	vst v2  }
0x22: {  	[tilespmem:s14+$0xA040] =	vst v2  }
0x23: {  	[tilespmem:s14+$0xA050] =	vst v2  }
0x24: {  	[tilespmem:s14+$0xA060] =	vst v2  }
0x25: {  	[spmem:s5] =	stream.linear.scatter [tilespmem:s10], [sflag:$0x9], $0x2C00, $0x38;
	[tilespmem:$0x1F800] =	vst v63  }
0x26: {  	_ =	swait.ge [sflag:s11], $0x2C00  }
0x27: {  	[sflag:s11] =	ssyncset.done $0x0  }
0x28: {  	[sflag:s11] =	ssyncadd.s32 $0xFFFFD400  }
0x29: {  	[spmem:s6] =	stream.linear.scatter [tilespmem:s10], [sflag:$0x9], $0x2C00, $0x38;
	[tilespmem:$0x1F800] =	vst v63  }
0x2a: {  	_ =	swait.ge [sflag:s11], $0x2C00  }
0x2b: {  	[sflag:s11] =	ssyncset.done $0x0  }
0x2c: {  	s26 =	simm.s32 $0x0;
	[sflag:s11] =	ssyncadd.s32 $0xFFFFD400  }
0x2d: {  	[tilespmem:s26], [sflag:$0x9] =	stream.linear.gather [hbm4b:s7+s26], $0x5000, $0x38;
	[tilespmem:$0x1F800] =	vst v63  }
0x2e: {  	_ =	swait.ge [sflag:s11], $0x5000  }
0x2f: {  	[sflag:s11] =	ssyncset.done $0x0  }
0x30: {  	[sflag:s11] =	ssyncadd.s32 $0xFFFFB000  }
0x31: {  	[tilespmem:s12], [sflag:$0x9] =	stream.linear.gather [hbm4b:s8+s26], $0x5000, $0x38;
	[tilespmem:$0x1F800] =	vst v63  }
0x32: {  	_ =	swait.ge [sflag:s11], $0x5000  }
0x33: {  	[sflag:s11] =	ssyncset.done $0x0  }
0x34: {  	s26 =	simm.s32 $0x0;
	[sflag:s11] =	ssyncadd.s32 $0xFFFFB000  }
0x35: {  	v3 =	vld [tilespmem:s26+$0x5060];
	_ =	sdelay $0x1  }
0x36: {  	v4 =	vld [tilespmem:s26+$0x5000];
	_ =	sdelay $0x1  }
0x37: {  	v5 =	vld [tilespmem:s26+$0x5010]  }
0x38: {  	v6 =	vld [tilespmem:s26+$0x5020];
	v3 =	vsub.s32 v3, v1  }
0x39: {  	v7 =	vld [tilespmem:s26+$0x5030];
	vm1 =	vlt.u32 v3, $0xA00  }
0x3a: {  	v8 =	vld [tilespmem:s26+$0x5040];
	v4 =	vsub.s32 v4, v1;
	v3 =	vsel vm1, v3, v0  }
0x3b: {  	v9 =	vld [tilespmem:s26+$0x5050];
	vm2 =	vlt.u32 v4, $0xA00;
	[tilespmem:s26+$0x5060] =	vst v3  }
0x3c: {  	v4 =	vsel vm2, v4, v0;
	v3 =	vld [tilespmem:s26+$0x506D]  }
0x3d: {  	[tilespmem:s26+$0x5000] =	vst v4;
	v4 =	vsub.s32 v5, v1  }
0x3e: {  	v62 =	vsub.s32 v7, v1;
	v5 =	vsub.s32 v6, v1;
	vm1 =	vlt.u32 v4, $0xA00  }
0x3f: {  	vm2 =	vlt.u32 v62, $0xA00;
	v4 =	vsel vm1, v4, v0;
	vm1 =	vlt.u32 v5, $0xA00  }
0x40: {  	v6 =	vsel vm2, v62, v0;
	[tilespmem:s26+$0x5010] =	vst v4;
	v4 =	vsel vm1, v5, v0;
	v5 =	vsub.s32 v8, v1  }
0x41: {  	[tilespmem:s26+$0x5020] =	vst v4;
	vm1 =	vlt.u32 v5, $0xA00;
	v4 =	vsub.s32 v9, v1;
	v63 =	vsub.s32 v3, v1  }
0x42: {  	[tilespmem:s26+$0x5030] =	vst v6;
	v5 =	vsel vm1, v5, v0;
	vm1 =	vlt.u32 v4, $0xA00;
	vm2 =	vlt.u32 v63, $0xA00  }
0x43: {  	[tilespmem:s26+$0x5040] =	vst v5;
	v4 =	vsel vm1, v4, v0;
	v5 =	vsel vm2, v63, v0  }
0x44: {  	s29 =	simm.s32 $0x200;
	s14 =	simm.s32 $0x400;
	[tilespmem:s26+$0x5050] =	vst v4;
	v3 =	vsel vm0, v3, v5  }
.LBB2_4:
0x45: {  	p0 =	sne.s32 s14, $0x13E00  }
0x46: {  	[tilespmem:s26+$0x506D] =	vst v3;
	s26 =	sshra.s32 s29, $0x2;
	s29 =	smov.u32 s14;
	s14 =	sadd.s32 $0x200, s14  }
0x47: {  	v3 =	vld [tilespmem:s26+$0x5060]  }
0x48: {  	v4 =	vld [tilespmem:s26+$0x5000]  }
0x49: {  	v5 =	vld [tilespmem:s26+$0x5010]  }
0x4a: {  	v6 =	vld [tilespmem:s26+$0x5020]  }
0x4b: {  	v7 =	vld [tilespmem:s26+$0x5030]  }
0x4c: {  	v8 =	vld [tilespmem:s26+$0x5040];
	v3 =	vsub.s32 v3, v1  }
0x4d: {  	v4 =	vsub.s32 v4, v1;
	v9 =	vld [tilespmem:s26+$0x5050];
	vm1 =	vlt.u32 v3, $0xA00  }
0x4e: {  	vm2 =	vlt.u32 v4, $0xA00;
	v5 =	vsub.s32 v5, v1;
	v3 =	vsel vm1, v3, v0  }
0x4f: {  	v4 =	vsel vm2, v4, v0;
	vm1 =	vlt.u32 v5, $0xA00;
	v6 =	vsub.s32 v6, v1;
	[tilespmem:s26+$0x5060] =	vst v3  }
0x50: {  	[tilespmem:s26+$0x5000] =	vst v4;
	v3 =	vsel vm1, v5, v0;
	vm1 =	vlt.u32 v6, $0xA00;
	v4 =	vsub.s32 v7, v1;
	v5 =	vld [tilespmem:s26+$0x506D]  }
0x51: {  	[tilespmem:s26+$0x5010] =	vst v3;
	v3 =	vsel vm1, v6, v0;
	vm1 =	vlt.u32 v4, $0xA00;
	v6 =	vsub.s32 v8, v1  }
0x52: {  	[tilespmem:s26+$0x5020] =	vst v3;
	v3 =	vsel vm1, v4, v0;
	vm1 =	vlt.u32 v6, $0xA00;
	v4 =	vsub.s32 v9, v1  }
0x53: {  	[tilespmem:s26+$0x5030] =	vst v3;
	v3 =	vsel vm1, v6, v0;
	vm1 =	vlt.u32 v4, $0xA00  }
.Ltmp1:
0x54: {  	[tilespmem:s26+$0x5040] =	vst v3;
	v3 =	vsel vm1, v4, v0;
	(pc) =	sbr.rel @p0 .LBB2_4-.Ltmp1, $4  }
0x55: {  	[tilespmem:s26+$0x5050] =	vst v3;
	v3 =	vsub.s32 v5, v1  }
0x56: {  	vm1 =	vlt.u32 v3, $0xA00  }
0x57: {  	v3 =	vsel vm1, v3, v0  }
0x58: {  	v3 =	vsel vm0, v5, v3  }
0x59: {  	s14 =	sshra.s32 s29, $0x2;
	[tilespmem:s26+$0x506D] =	vst v3  }
0x5a: {  	v3 =	vld [tilespmem:s14+$0x5060];
	_ =	sdelay $0x2  }
0x5b: {  	v4 =	vld [tilespmem:s14+$0x5000]  }
0x5c: {  	v7 =	vld [tilespmem:s14+$0x5030]  }
0x5d: {  	v5 =	vld [tilespmem:s14+$0x5010];
	v3 =	vsub.s32 v3, v1  }
0x5e: {  	v6 =	vld [tilespmem:s14+$0x5020];
	vm1 =	vlt.u32 v3, $0xA00  }
0x5f: {  	v8 =	vld [tilespmem:s14+$0x5040];
	v3 =	vsel vm1, v3, v0  }
0x60: {  	v9 =	vld [tilespmem:s14+$0x5050];
	[tilespmem:s14+$0x5060] =	vst v3  }
0x61: {  	v7 =	vsub.s32 v7, v1;
	v3 =	vld [tilespmem:s14+$0x506D]  }
0x62: {  	v4 =	vsub.s32 v4, v1;
	v5 =	vsub.s32 v5, v1;
	vm2 =	vlt.u32 v7, $0xA00  }
0x63: {  	v6 =	vsub.s32 v6, v1;
	vm1 =	vlt.u32 v4, $0xA00;
	v60 =	vsel vm2, v7, v0  }
0x64: {  	v59 =	vsub.s32 v8, v1;
	v4 =	vsel vm1, v4, v0;
	vm1 =	vlt.u32 v5, $0xA00;
	[tilespmem:s14+$0x5030] =	vst v60  }
0x65: {  	v61 =	vsub.s32 v9, v1;
	[tilespmem:s14+$0x5000] =	vst v4;
	v57 =	vsel vm1, v5, v0;
	vm1 =	vlt.u32 v6, $0xA00  }
0x66: {  	[tilespmem:s14+$0x5010] =	vst v57;
	v58 =	vsel vm1, v6, v0;
	vm1 =	vlt.u32 v59, $0xA00;
	v62 =	vsub.s32 v3, v1  }
0x67: {  	[tilespmem:s14+$0x5020] =	vst v58;
	v5 =	vsel vm1, v59, v0;
	vm1 =	vlt.u32 v61, $0xA00;
	vm2 =	vlt.u32 v62, $0xA00  }
0x68: {  	[tilespmem:s14+$0x5040] =	vst v5;
	v4 =	vsel vm1, v61, v0;
	v63 =	vsel vm2, v62, v0  }
0x69: {  	[tilespmem:s14+$0x5050] =	vst v4;
	v3 =	vsel vm0, v3, v63  }
0x6a: {  	[tilespmem:s14+$0x506D] =	vst v3  }
0x6b: {  	s26 =	simm.s32 $0x0;
	[bflag:$0x0] =	sbarrier.arrive $0xFFFF  }
0x6c: {  	[tilespmem:s10], [sflag:$0x1] =	stream.indirect.gather [hbm4b:s4+s13], $0x80, s26, s13, $0xb8;
	[tilespmem:$0x1F800] =	vst v63  }
0x6d: {  	s29 =	simm.s32 $0x80  }
0x6e: {  	[tilespmem:s15], [sflag:$0x2] =	stream.indirect.gather [hbm4b:s4+s13], $0x80, s29, s13, $0xb8;
	[tilespmem:$0x1F800] =	vst v63  }
0x6f: {  	_ =	swait.ge [sflag:s16], $0x3E80  }
0x70: {  	[sflag:s16] =	ssyncset.done $0x0  }
0x71: {  	[sflag:s16] =	ssyncadd.s32 $0xFFFFC180  }
0x72: {  	[spmem:s1] =	stream.indirect.scatter.add.f32 [tilespmem:s10], [sflag:$0x5], $0x80, s12, s13, $0xb8;
	[tilespmem:$0x1F800] =	vst v63  }
0x73: {  	_ =	swait.ge [sflag:s17], $0x3E80  }
0x74: {  	[sflag:s17] =	ssyncset.done $0x0  }
0x75: {  	s26 =	simm.s32 $0x5080;
	[sflag:s17] =	ssyncadd.s32 $0xFFFFC180  }
0x76: {  	[spmem:s1] =	stream.indirect.scatter.add.f32 [tilespmem:s15], [sflag:$0x6], $0x80, s26, s13, $0xb8;
	[tilespmem:$0x1F800] =	vst v63  }
0x77: {  	s29 =	simm.s32 $0x100  }
0x78: {  	[tilespmem:s20], [sflag:$0x3] =	stream.indirect.gather [hbm4b:s4+s13], $0x80, s29, s13, $0xb8;
	[tilespmem:$0x1F800] =	vst v63  }
0x79: {  	s26 =	simm.s32 $0x180  }
0x7a: {  	[tilespmem:s24], [sflag:$0x4] =	stream.indirect.gather [hbm4b:s4+s13], $0x80, s26, s13, $0xb8;
	[tilespmem:$0x1F800] =	vst v63  }
0x7b: {  	_ =	swait.ge [sflag:s25], $0x3E80  }
0x7c: {  	[sflag:s25] =	ssyncset.done $0x0  }
0x7d: {  	s29 =	simm.s32 $0x5100;
	[sflag:s25] =	ssyncadd.s32 $0xFFFFC180  }
0x7e: {  	[spmem:s1] =	stream.indirect.scatter.add.f32 [tilespmem:s20], [sflag:$0x7], $0x80, s29, s13, $0xb8;
	[tilespmem:$0x1F800] =	vst v63  }
0x7f: {  	_ =	swait.ge [sflag:s28], $0x3E80  }
0x80: {  	[sflag:s28] =	ssyncset.done $0x0  }
0x81: {  	s26 =	simm.s32 $0x5180;
	[sflag:s28] =	ssyncadd.s32 $0xFFFFC180  }
0x82: {  	[spmem:s1] =	stream.indirect.scatter.add.f32 [tilespmem:s24], [sflag:$0x8], $0x80, s26, s13, $0xb8;
	[tilespmem:$0x1F800] =	vst v63  }
0x83: {  	_ =	swait.ge [sflag:s30], $0x3E80  }
0x84: {  	[sflag:s30] =	ssyncset.done $0x0  }
0x85: {  	s29 =	simm.s32 $0x200;
	[sflag:s30] =	ssyncadd.s32 $0xFFFFC180  }
0x86: {  	[tilespmem:s10], [sflag:$0x1] =	stream.indirect.gather [hbm4b:s4+s13], $0x80, s29, s13, $0xb8;
	[tilespmem:$0x1F800] =	vst v63  }
0x87: {  	_ =	swait.ge [sflag:s0], $0x3E80  }
0x88: {  	[sflag:s0] =	ssyncset.done $0x0  }
0x89: {  	s26 =	simm.s32 $0x280;
	[sflag:s0] =	ssyncadd.s32 $0xFFFFC180  }
0x8a: {  	[tilespmem:s15], [sflag:$0x2] =	stream.indirect.gather [hbm4b:s4+s13], $0x80, s26, s13, $0xb8;
	[tilespmem:$0x1F800] =	vst v63  }
0x8b: {  	_ =	swait.ge [sflag:s16], $0x3E80  }
0x8c: {  	[sflag:s16] =	ssyncset.done $0x0  }
0x8d: {  	s29 =	simm.s32 $0x5200;
	[sflag:s16] =	ssyncadd.s32 $0xFFFFC180  }
0x8e: {  	[spmem:s1] =	stream.indirect.scatter.add.f32 [tilespmem:s10], [sflag:$0x5], $0x80, s29, s13, $0xb8;
	[tilespmem:$0x1F800] =	vst v63  }
0x8f: {  	_ =	swait.ge [sflag:s17], $0x3E80  }
0x90: {  	[sflag:s17] =	ssyncset.done $0x0  }
0x91: {  	s26 =	simm.s32 $0x5280;
	[sflag:s17] =	ssyncadd.s32 $0xFFFFC180  }
0x92: {  	[spmem:s1] =	stream.indirect.scatter.add.f32 [tilespmem:s15], [sflag:$0x6], $0x80, s26, s13, $0xb8;
	[tilespmem:$0x1F800] =	vst v63  }
0x93: {  	_ =	swait.ge [sflag:s18], $0x3E80  }
0x94: {  	[sflag:s18] =	ssyncset.done $0x0  }
0x95: {  	s29 =	simm.s32 $0x300;
	[sflag:s18] =	ssyncadd.s32 $0xFFFFC180  }
0x96: {  	[tilespmem:s20], [sflag:$0x3] =	stream.indirect.gather [hbm4b:s4+s13], $0x80, s29, s13, $0xb8;
	[tilespmem:$0x1F800] =	vst v63  }
0x97: {  	_ =	swait.ge [sflag:s19], $0x3E80  }
0x98: {  	[sflag:s19] =	ssyncset.done $0x0  }
0x99: {  	s26 =	simm.s32 $0x380;
	[sflag:s19] =	ssyncadd.s32 $0xFFFFC180  }
0x9a: {  	[tilespmem:s24], [sflag:$0x4] =	stream.indirect.gather [hbm4b:s4+s13], $0x80, s26, s13, $0xb8;
	[tilespmem:$0x1F800] =	vst v63  }
0x9b: {  	_ =	swait.ge [sflag:s25], $0x3E80  }
0x9c: {  	[sflag:s25] =	ssyncset.done $0x0  }
0x9d: {  	s29 =	simm.s32 $0x5300;
	[sflag:s25] =	ssyncadd.s32 $0xFFFFC180  }
0x9e: {  	[spmem:s1] =	stream.indirect.scatter.add.f32 [tilespmem:s20], [sflag:$0x7], $0x80, s29, s13, $0xb8;
	[tilespmem:$0x1F800] =	vst v63  }
0x9f: {  	_ =	swait.ge [sflag:s28], $0x3E80  }
0xa0: {  	[sflag:s28] =	ssyncset.done $0x0  }
0xa1: {  	s26 =	simm.s32 $0x5380;
	[sflag:s28] =	ssyncadd.s32 $0xFFFFC180  }
0xa2: {  	[spmem:s1] =	stream.indirect.scatter.add.f32 [tilespmem:s24], [sflag:$0x8], $0x80, s26, s13, $0xb8;
	[tilespmem:$0x1F800] =	vst v63  }
0xa3: {  	_ =	swait.ge [sflag:s30], $0x3E80  }
0xa4: {  	[sflag:s30] =	ssyncset.done $0x0  }
0xa5: {  	s29 =	simm.s32 $0x400;
	[sflag:s30] =	ssyncadd.s32 $0xFFFFC180  }
0xa6: {  	[tilespmem:s10], [sflag:$0x1] =	stream.indirect.gather [hbm4b:s4+s13], $0x80, s29, s13, $0xb8;
	[tilespmem:$0x1F800] =	vst v63  }
0xa7: {  	_ =	swait.ge [sflag:s0], $0x3E80  }
0xa8: {  	[sflag:s0] =	ssyncset.done $0x0  }
0xa9: {  	s14 =	simm.s32 $0x480;
	s26 =	simm.s32 $0x800;
	[sflag:s0] =	ssyncadd.s32 $0xFFFFC180  }
.LBB2_6:
0xaa: {  	[tilespmem:s15], [sflag:$0x2] =	stream.indirect.gather [hbm4b:s4+s13], $0x80, s14, s13, $0xb8;
	[tilespmem:$0x1F800] =	vst v63  }
0xab: {  	s14 =	smov.u32 s26  }
0xac: {  	p0 =	sne.s32 s26, $0x12800;
	s26 =	sadd.s32 $0x800, s26;
	_ =	swait.ge [sflag:s16], $0x3E80  }
0xad: {  	s14 =	sshra.s32 s14, $0x2;
	[sflag:s16] =	ssyncset.done $0x0  }
0xae: {  	s29 =	sadd.s32 $0x5200, s14;
	[sflag:s16] =	ssyncadd.s32 $0xFFFFC180  }
0xaf: {  	[spmem:s1] =	stream.indirect.scatter.add.f32 [tilespmem:s10], [sflag:$0x5], $0x80, s29, s13, $0xb8;
	[tilespmem:$0x1F800] =	vst v63  }
0xb0: {  	_ =	swait.ge [sflag:s17], $0x3E80  }
0xb1: {  	[sflag:s17] =	ssyncset.done $0x0  }
0xb2: {  	s29 =	sadd.s32 $0x5280, s14;
	[sflag:s17] =	ssyncadd.s32 $0xFFFFC180  }
0xb3: {  	[spmem:s1] =	stream.indirect.scatter.add.f32 [tilespmem:s15], [sflag:$0x6], $0x80, s29, s13, $0xb8;
	[tilespmem:$0x1F800] =	vst v63  }
0xb4: {  	_ =	swait.ge [sflag:s18], $0x3E80  }
0xb5: {  	[sflag:s18] =	ssyncset.done $0x0  }
0xb6: {  	s29 =	sadd.s32 $0x300, s14;
	[sflag:s18] =	ssyncadd.s32 $0xFFFFC180  }
0xb7: {  	[tilespmem:s20], [sflag:$0x3] =	stream.indirect.gather [hbm4b:s4+s13], $0x80, s29, s13, $0xb8;
	[tilespmem:$0x1F800] =	vst v63  }
0xb8: {  	_ =	swait.ge [sflag:s19], $0x3E80  }
0xb9: {  	[sflag:s19] =	ssyncset.done $0x0  }
0xba: {  	s29 =	sadd.s32 $0x380, s14;
	[sflag:s19] =	ssyncadd.s32 $0xFFFFC180  }
0xbb: {  	[tilespmem:s24], [sflag:$0x4] =	stream.indirect.gather [hbm4b:s4+s13], $0x80, s29, s13, $0xb8;
	[tilespmem:$0x1F800] =	vst v63  }
0xbc: {  	_ =	swait.ge [sflag:s25], $0x3E80  }
0xbd: {  	[sflag:s25] =	ssyncset.done $0x0  }
0xbe: {  	s29 =	sadd.s32 $0x5300, s14;
	[sflag:s25] =	ssyncadd.s32 $0xFFFFC180  }
0xbf: {  	[spmem:s1] =	stream.indirect.scatter.add.f32 [tilespmem:s20], [sflag:$0x7], $0x80, s29, s13, $0xb8;
	[tilespmem:$0x1F800] =	vst v63  }
0xc0: {  	_ =	swait.ge [sflag:s28], $0x3E80  }
0xc1: {  	[sflag:s28] =	ssyncset.done $0x0  }
0xc2: {  	s29 =	sadd.s32 $0x5380, s14;
	[sflag:s28] =	ssyncadd.s32 $0xFFFFC180  }
0xc3: {  	[spmem:s1] =	stream.indirect.scatter.add.f32 [tilespmem:s24], [sflag:$0x8], $0x80, s29, s13, $0xb8;
	[tilespmem:$0x1F800] =	vst v63  }
0xc4: {  	_ =	swait.ge [sflag:s30], $0x3E80  }
0xc5: {  	[sflag:s30] =	ssyncset.done $0x0  }
.Ltmp2:
0xc6: {  	s29 =	sadd.s32 $0x400, s14;
	[sflag:s30] =	ssyncadd.s32 $0xFFFFC180;
	(pc) =	sbr.rel @p0 .LBB2_6-.Ltmp2, $4  }
0xc7: {  	[tilespmem:s10], [sflag:$0x1] =	stream.indirect.gather [hbm4b:s4+s13], $0x80, s29, s13, $0xb8;
	[tilespmem:$0x1F800] =	vst v63  }
0xc8: {  	_ =	swait.ge [sflag:s0], $0x3E80  }
0xc9: {  	[sflag:s0] =	ssyncset.done $0x0  }
0xca: {  	s14 =	sadd.s32 $0x480, s14;
	[sflag:s0] =	ssyncadd.s32 $0xFFFFC180  }
0xcb: {  	[tilespmem:s15], [sflag:$0x2] =	stream.indirect.gather [hbm4b:s4+s13], $0x80, s14, s13, $0xb8;
	[tilespmem:$0x1F800] =	vst v63  }
0xcc: {  	_ =	swait.ge [sflag:s16], $0x3E80  }
0xcd: {  	[sflag:s16] =	ssyncset.done $0x0  }
0xce: {  	s29 =	simm.s32 $0x9E00;
	[sflag:s16] =	ssyncadd.s32 $0xFFFFC180  }
0xcf: {  	[spmem:s1] =	stream.indirect.scatter.add.f32 [tilespmem:s10], [sflag:$0x5], $0x80, s29, s13, $0xb8;
	[tilespmem:$0x1F800] =	vst v63  }
0xd0: {  	_ =	swait.ge [sflag:s17], $0x3E80  }
0xd1: {  	[sflag:s17] =	ssyncset.done $0x0  }
0xd2: {  	s26 =	simm.s32 $0x9E80;
	[sflag:s17] =	ssyncadd.s32 $0xFFFFC180  }
0xd3: {  	[spmem:s1] =	stream.indirect.scatter.add.f32 [tilespmem:s15], [sflag:$0x6], $0x80, s26, s13, $0xb8;
	[tilespmem:$0x1F800] =	vst v63  }
0xd4: {  	_ =	swait.ge [sflag:s18], $0x3E80  }
0xd5: {  	[sflag:s18] =	ssyncset.done $0x0  }
0xd6: {  	s29 =	simm.s32 $0x4F00;
	[sflag:s18] =	ssyncadd.s32 $0xFFFFC180  }
0xd7: {  	[tilespmem:s20], [sflag:$0x3] =	stream.indirect.gather [hbm4b:s4+s13], $0x80, s29, s13, $0xb8;
	[tilespmem:$0x1F800] =	vst v63  }
0xd8: {  	_ =	swait.ge [sflag:s19], $0x3E80  }
0xd9: {  	[sflag:s19] =	ssyncset.done $0x0  }
0xda: {  	[sflag:s19] =	ssyncadd.s32 $0xFFFFC180  }
0xdb: {  	[tilespmem:s24], [sflag:$0x4] =	stream.indirect.gather [hbm4b:s4+s13], $0x80, s31, s13, $0xb8;
	[tilespmem:$0x1F800] =	vst v63  }
0xdc: {  	_ =	swait.ge [sflag:s25], $0x3E80  }
0xdd: {  	[sflag:s25] =	ssyncset.done $0x0  }
0xde: {  	s26 =	simm.s32 $0x9F00;
	[sflag:s25] =	ssyncadd.s32 $0xFFFFC180  }
0xdf: {  	[spmem:s1] =	stream.indirect.scatter.add.f32 [tilespmem:s20], [sflag:$0x7], $0x80, s26, s13, $0xb8;
	[tilespmem:$0x1F800] =	vst v63  }
0xe0: {  	_ =	swait.ge [sflag:s28], $0x3E80  }
0xe1: {  	[sflag:s28] =	ssyncset.done $0x0  }
0xe2: {  	[sflag:s28] =	ssyncadd.s32 $0xFFFFC180  }
0xe3: {  	[spmem:s1] =	stream.indirect.scatter.add.f32 [tilespmem:s24], [sflag:$0x8], $0x80, s22, s13, $0xb8;
	[tilespmem:$0x1F800] =	vst v63  }
0xe4: {  	_ =	swait.ge [sflag:s30], $0x3E80  }
0xe5: {  	[sflag:s30] =	ssyncset.done $0x0  }
0xe6: {  	[sflag:s30] =	ssyncadd.s32 $0xFFFFC180  }
0xe7: {  	[tilespmem:s10], [sflag:$0x1] =	stream.indirect.gather [hbm4b:s4+s13], $0x80, s31, s13, $0xb8;
	[tilespmem:$0x1F800] =	vst v63  }
0xe8: {  	_ =	swait.ge [sflag:s0], $0x3E80  }
0xe9: {  	[sflag:s0] =	ssyncset.done $0x0  }
0xea: {  	[sflag:s0] =	ssyncadd.s32 $0xFFFFC180  }
0xeb: {  	[tilespmem:s15], [sflag:$0x2] =	stream.indirect.gather [hbm4b:s4+s13], $0x80, s31, s13, $0xb8;
	[tilespmem:$0x1F800] =	vst v63  }
0xec: {  	_ =	swait.ge [sflag:s16], $0x3E80  }
0xed: {  	[sflag:s16] =	ssyncset.done $0x0  }
0xee: {  	[sflag:s16] =	ssyncadd.s32 $0xFFFFC180  }
0xef: {  	_ =	swait.ge [sflag:s17], $0x3E80  }
0xf0: {  	[sflag:s17] =	ssyncset.done $0x0  }
0xf1: {  	[sflag:s17] =	ssyncadd.s32 $0xFFFFC180  }
0xf2: {  	_ =	swait.ge [sflag:s18], $0x3E80  }
0xf3: {  	[sflag:s18] =	ssyncset.done $0x0  }
0xf4: {  	[sflag:s18] =	ssyncadd.s32 $0xFFFFC180  }
0xf5: {  	_ =	swait.ge [sflag:s19], $0x3E80  }
0xf6: {  	s3 =	sadd.s32 $0x1, s3;
	[sflag:s19] =	ssyncset.done $0x0  }
0xf7: {  	p0 =	sne.s32 s3, s9;
	s29 =	sshll.u32 s2, $0x6;
	[sflag:s19] =	ssyncadd.s32 $0xFFFFC180  }
.Ltmp3:
0xf8: {  	s14 =	sor.u32 $0x1C09, s29;
	[bflag:$0x0] =	sbarrier.arrive $0xFFFF;
	(pc) =	sbr.rel @p0 .LBB2_1-.Ltmp3, $4  }
0xf9: {  	[hbm:s21], [sflag:s14] =	dma.local [spmem:s23], $0xA00  }
0xfa: {  	_ =	swait.ge [sflag:s11], $0xA00  }
0xfb: {  	[sflag:s11] =	ssyncset.done $0x0  }
0xfc: {  	[sflag:s11] =	ssyncadd.s32 $0xFFFFF600  }
0xfd: {  	_ =	sfence.sel $0x180000  }
0xfe: {  	[bflag:$0x0] =	sbarrier.arrive $0xFFFF  }
0xff: {  	_ =	strace $0x90000053  }
0x100: {  	[bflag:$0x2] =	sbarrier.arrive $0xFFFF  }
0x101: {  	p0 =	sne.s32 s2, $0x0;
	s0 =	rddreg [dreg:$0x4]  }
0x102: {  	s0 =	sadd.s32 @!p0 $0x100000, s0  }
0x103: {  	[sflag:s0] =	ssyncadd.tile.s32 @!p0 $0x1;
	_ =	shalt  }
.Lfunc_end2:
_tile_overlayer_lowered:
.L_overlay_start_2:
0x104: {  	(tag) =	ssettag $0x2  }
0x105: {  	s0 =	rddreg [dreg:$0x0];
	s2 =	stileid.u32  }
0x106: {  	s1 =	rddreg [dreg:$0x1];
	p0 =	sne.s32 s2, $0x0  }
0x107: {  	s3 =	rddreg [dreg:$0x2];
	[bflag:$0x3] =	sbarrier.arrive $0xFFFF;
	s2 =	simm.s32 @!p0 $0x1C09  }
0x108: {  	[timem:s3], [sflag:s2] =	dma.local @!p0 [hbm:s0], s1  }
0x109: {  	s0 =	simm.s32 @!p0 $0x9  }
0x10a: {  	_ =	swait.ge @!p0 [sflag:s0], s1  }
0x10b: {  	s1 =	ssub.s32 @!p0 $0x0, s1;
	[sflag:s0] =	ssyncset.done @!p0 $0x0  }
0x10c: {  	[sflag:s0] =	ssyncadd.s32 @!p0 s1  }
0x10d: {  	[bflag:$0x3] =	sbarrier.arrive $0xFFFF  }
0x10e: {  	_ =	shalt  }

</sc_bundles>
